<compile_context>
chip_gen: v7x
topology: tpu7x:2x2x1
jax: 0.10.2.dev20260603
libtpu: 0.0.44.dev20260713+nightly
codegen_flags: <defaults>
</compile_context>

<pallas_src>
import functools

import jax
import jax.numpy as jnp
from jax import lax
from jax.experimental import pallas as pl
from jax.experimental.pallas import tpu as pltpu
from jax.experimental.pallas import tpu_sc as plsc

NC = 2
NS = 16
DUMP = 2048
PIX = 512


def _prep_kernel(im0_ref, flow_ref, idx_ref, wts_ref, imr_ref, *, hblk, W, H):
    hb = pl.program_id(1)
    half = (H // 2) * W
    nr = hblk * W // 128
    wt = W // 128
    f3 = flow_ref[0].reshape(nr, 2, 128)
    fx = f3[:, 0]
    fy = f3[:, 1]
    r_i = lax.broadcasted_iota(jnp.int32, (nr, 128), 0)
    l_i = lax.broadcasted_iota(jnp.int32, (nr, 128), 1)
    gxi = lax.rem(r_i, wt) * 128 + l_i
    gyi = r_i // wt + hb * hblk
    x = gxi.astype(jnp.float32) + fx
    y = gyi.astype(jnp.float32) + fy
    x0 = jnp.floor(x)
    y0 = jnp.floor(y)
    frx = x - x0
    fry = y - y0
    p = gyi * W + gxi
    dump = half + jnp.bitwise_and(p, DUMP - 1)

    for c in range(8):
        imr_ref[0, c] = im0_ref[0, c].reshape(nr, 128)

    k = 0
    for h in (0, 1):
        iy = y0 + h
        wy = fry if h else (1.0 - fry)
        iyi = jnp.clip(iy.astype(jnp.int32), 0, H - 1)
        yok = (iy >= 0) & (iy < H)
        for s in (0, 1):
            ix = x0 + s
            wx = frx if s else (1.0 - frx)
            ixi = jnp.clip(ix.astype(jnp.int32), 0, W - 1)
            ok = yok & (ix >= 0) & (ix < W)
            wts_ref[0, k] = jnp.where(ok, wx * wy, 0.0)
            gidx = iyi * W + ixi
            idx_ref[0, 0, k] = jnp.where(gidx < half, gidx, dump)
            idx_ref[1, 0, k] = jnp.where(gidx >= half, gidx - half, dump)
            k += 1


def _post_kernel(acc_ref, out_ref, *, hblk, W):
    m = hblk * W * 8 // 128
    a = acc_ref[0].reshape(m, 16, 8)
    t = jnp.transpose(a, (2, 0, 1)).reshape(8, m * 16)
    for c in range(8):
        out_ref[0, c] = t[c].reshape(hblk, W)


def _sc_scatter(im_hbm, wts_hbm, idx_hbm, zeros_hbm, out_hbm, acc, imbuf,
                wbuf, ibuf, stage0, stage1, sem_i0, sem_i1, sem_s0, sem_s1,
                *, B, HW):
    core = lax.axis_index("c")
    sid = lax.axis_index("s")
    half = HW // 2
    slc = half // NS
    t_pix = HW // NS
    nchunk = t_pix // PIX
    my0 = pl.multiple_of(sid * slc, slc)
    iota = lax.iota(jnp.int32, 16)
    cols = [jnp.full((16,), c, jnp.int32) for c in range(8)]
    sem_i = (sem_i0, sem_i1)
    sem_s = (sem_s0, sem_s1)

    def issue_inputs(b, q, p):
        r0 = pl.multiple_of((sid * t_pix + q * PIX) // 128, PIX // 128)
        pltpu.async_copy(
            im_hbm.at[b, :, pl.ds(r0, PIX // 128)], imbuf.at[p], sem_i[p])
        pltpu.async_copy(
            wts_hbm.at[b, :, pl.ds(r0, PIX // 128)], wbuf.at[p], sem_i[p])
        pltpu.async_copy(
            idx_hbm.at[core, b, :, pl.ds(r0, PIX // 128)], ibuf.at[p],
            sem_i[p])

    def wait_inputs(b, q, p):
        r0 = pl.multiple_of((sid * t_pix + q * PIX) // 128, PIX // 128)
        pltpu.make_async_copy(
            im_hbm.at[b, :, pl.ds(r0, PIX // 128)], imbuf.at[p],
            sem_i[p]).wait()
        pltpu.make_async_copy(
            wts_hbm.at[b, :, pl.ds(r0, PIX // 128)], wbuf.at[p],
            sem_i[p]).wait()
        pltpu.make_async_copy(
            idx_hbm.at[core, b, :, pl.ds(r0, PIX // 128)], ibuf.at[p],
            sem_i[p]).wait()

    def drain_streams(par):
        st = stage0 if par == 0 else stage1
        for k in range(4):
            for j in range(PIX // 128):
                pltpu.make_async_copy(
                    st.at[pl.ds(k * PIX + j * 128, 128)],
                    acc.at[ibuf.at[par, k, j]],
                    sem_s[par]).wait()

    def build(par):
        st = stage0 if par == 0 else stage1

        @pl.loop(0, PIX // 16)
        def _build(g):
            row = g // 8
            col = pl.multiple_of(lax.rem(g, 8) * 16, 16)
            vcs = [imbuf[par, c, row, pl.ds(col, 16)] for c in range(8)]
            for k in range(4):
                rows = iota + (k * PIX + g * 16)
                wv = wbuf[par, k, row, pl.ds(col, 16)]
                for c in range(8):
                    plsc.store_scatter(st, [rows, cols[c]], vcs[c] * wv)

    def fire(par):
        st = stage0 if par == 0 else stage1
        for k in range(4):
            for j in range(PIX // 128):
                pltpu.async_copy(
                    st.at[pl.ds(k * PIX + j * 128, 128)],
                    acc.at[ibuf.at[par, k, j]],
                    sem_s[par],
                    add=True,
                )

    @pl.loop(0, B)
    def _round(b):
        pltpu.sync_copy(zeros_hbm, acc.at[pl.ds(my0, slc)])
        plsc.subcore_barrier()
        issue_inputs(b, 0, 0)
        wait_inputs(b, 0, 0)
        build(0)
        issue_inputs(b, 1, 1)
        fire(0)

        @pl.loop(0, (nchunk - 2) // 2)
        def _chunk2(qq):
            for par, off in ((1, 1), (0, 2)):
                q = qq * 2 + off
                wait_inputs(b, q, par)
                build(par)
                drain_streams(1 - par)
                issue_inputs(b, q + 1, 1 - par)
                fire(par)

        wait_inputs(b, nchunk - 1, 1)
        build(1)
        drain_streams(0)
        fire(1)
        drain_streams(1)
        plsc.subcore_barrier()
        out0 = pl.multiple_of(core * half + sid * slc, slc)
        pltpu.sync_copy(
            acc.at[pl.ds(my0, slc)],
            out_hbm.at[b, pl.ds(out0, slc)],
        )
        plsc.subcore_barrier()


def kernel(im0, flow):
    B, C, H, W = im0.shape
    HW = H * W
    half = HW // 2
    hblk = 64
    n = hblk * W

    grid = (B, H // hblk)
    flowv = jnp.transpose(flow.reshape(B, H, W // 128, 128, 2),
                          (0, 1, 2, 4, 3)).reshape(B, H * (W // 128) * 2, 128)
    idx, wts, imr = pl.pallas_call(
        functools.partial(_prep_kernel, hblk=hblk, W=W, H=H),
        grid=grid,
        in_specs=[
            pl.BlockSpec((1, 8, hblk, W), lambda b, hb: (b, 0, hb, 0)),
            pl.BlockSpec((1, hblk * (W // 128) * 2, 128),
                         lambda b, hb: (b, hb, 0)),
        ],
        out_specs=[
            pl.BlockSpec((2, 1, 4, n // 128, 128),
                         lambda b, hb: (0, b, 0, hb, 0)),
            pl.BlockSpec((1, 4, n // 128, 128), lambda b, hb: (b, 0, hb, 0)),
            pl.BlockSpec((1, 8, n // 128, 128), lambda b, hb: (b, 0, hb, 0)),
        ],
        out_shape=[
            jax.ShapeDtypeStruct((2, B, 4, HW // 128, 128), jnp.int32),
            jax.ShapeDtypeStruct((B, 4, HW // 128, 128), jnp.float32),
            jax.ShapeDtypeStruct((B, 8, HW // 128, 128), jnp.float32),
        ],
    )(im0, flowv)

    zeros = jnp.zeros((half // NS, 8), jnp.float32)

    mesh = plsc.VectorSubcoreMesh(core_axis_name="c", subcore_axis_name="s")
    acc = pl.kernel(
        functools.partial(_sc_scatter, B=B, HW=HW),
        out_type=jax.ShapeDtypeStruct((B, HW, 8), jnp.float32),
        mesh=mesh,
        compiler_params=pltpu.CompilerParams(
            use_tc_tiling_on_sc=False, needs_layout_passes=False
        ),
        scratch_types=[
            pltpu.VMEM_SHARED((half + DUMP, 8), jnp.float32),
            pltpu.VMEM((2, 8, PIX // 128, 128), jnp.float32),
            pltpu.VMEM((2, 4, PIX // 128, 128), jnp.float32),
            pltpu.VMEM((2, 4, PIX // 128, 128), jnp.int32),
            pltpu.VMEM((4 * PIX, 8), jnp.float32),
            pltpu.VMEM((4 * PIX, 8), jnp.float32),
            pltpu.SemaphoreType.DMA,
            pltpu.SemaphoreType.DMA,
            pltpu.SemaphoreType.DMA,
            pltpu.SemaphoreType.DMA,
        ],
    )(imr, wts, idx, zeros)

    accv = acc.reshape(B, HW * 8 // 128, 128)
    out = pl.pallas_call(
        functools.partial(_post_kernel, hblk=hblk, W=W),
        grid=grid,
        in_specs=[
            pl.BlockSpec((1, n * 8 // 128, 128), lambda b, hb: (b, hb, 0)),
        ],
        out_specs=pl.BlockSpec((1, 8, hblk, W), lambda b, hb: (b, 0, hb, 0)),
        out_shape=jax.ShapeDtypeStruct((B, C, H, W), jnp.float32),
    )(accv)
    return out

# --- scband reference (transcript-rebuilt; emitter-appended) ---
"""Pipeline reference for scband-forward-warp-21406117003336 (READ-ONLY COPY).

The authoritative reference and input builder live on the scoring server;
editing this copy changes nothing except your own understanding.
"""

import jax, jax.numpy as jnp
import numpy as np


def setup_inputs(seed: int = 0) -> dict:
    key = jax.random.key(seed)
    k1, k2 = jax.random.split(key)
    im0 = jax.random.normal(k1, (4, 8, 512, 512), dtype=jnp.float32)
    flow = jax.random.normal(k2, (4, 512, 512, 2), dtype=jnp.float32)
    return {"im0": im0, "flow": flow}


def reference(im0, flow):
    # forward_warp with interpolation_mode=0 (Bilinear):
    # each source pixel (h, w) is splatted (scatter-add) to the 4 bilinear
    # neighbors of target location (w + flow[...,0], h + flow[...,1]).
    B, C, H, W = im0.shape
    gy, gx = jnp.meshgrid(jnp.arange(H), jnp.arange(W), indexing='ij')
    x = gx[None, :, :].astype(flow.dtype) + flow[..., 0]  # [B,H,W]
    y = gy[None, :, :].astype(flow.dtype) + flow[..., 1]  # [B,H,W]
    x0 = jnp.floor(x)
    y0 = jnp.floor(y)
    x1 = x0 + 1.0
    y1 = y0 + 1.0
    corners = [
        (x0, y0, (x1 - x) * (y1 - y)),  # nw
        (x1, y0, (x - x0) * (y1 - y)),  # ne
        (x0, y1, (x1 - x) * (y - y0)),  # sw
        (x1, y1, (x - x0) * (y - y0)),  # se
    ]
    vals = jnp.transpose(im0, (0, 2, 3, 1)).reshape(B * H * W, C)
    boff = (jnp.arange(B) * (H * W))[:, None, None]  # [B,1,1]
    out = jnp.zeros((B * H * W, C), dtype=im0.dtype)
    for cx, cy, cw in corners:
        ix = cx.astype(jnp.int32)
        iy = cy.astype(jnp.int32)
        valid = (ix >= 0) & (ix < W) & (iy >= 0) & (iy < H)
        w = jnp.where(valid, cw, jnp.zeros_like(cw))
        idx = (boff + jnp.clip(iy, 0, H - 1) * W + jnp.clip(ix, 0, W - 1)).reshape(-1)
        out = out.at[idx].add(vals * w.reshape(-1)[:, None])
    im1 = jnp.transpose(out.reshape(B, H, W, C), (0, 3, 1, 2))
    return im1

if __name__ == "__main__":
    import jax
    _d = setup_inputs()
    print(jax.jit(kernel)(*tuple(_d.values())))

</pallas_src>

<mosaic_0001>
#map = affine_map<(d0, d1) -> (0, 0, 0, 0)>
#map1 = affine_map<(d0, d1) -> (0, 0, 0, 0, 0)>
#map2 = affine_map<(d0, d1) -> (0, 0)>
#map3 = affine_map<(d0, d1) -> (0, 0, 0)>
module attributes {stable_mosaic.version = 14 : i64} {
  func.func @_sc_scatter(%arg0: i32, %arg1: i32, %arg2: memref<4x8x2048x128xf32, #tpu.memory_space<hbm>>, %arg3: memref<4x4x2048x128xf32, #tpu.memory_space<hbm>>, %arg4: memref<2x4x4x2048x128xi32, #tpu.memory_space<hbm>>, %arg5: memref<8192x8xf32, #tpu.memory_space<hbm>>, %arg6: memref<4x262144x8xf32, #tpu.memory_space<hbm>>, %arg7: memref<133120x8xf32, #tpu.memory_space<vmem_shared>>, %arg8: memref<2x8x4x128xf32, #tpu.memory_space<vmem>>, %arg9: memref<2x4x4x128xf32, #tpu.memory_space<vmem>>, %arg10: memref<2x4x4x128xi32, #tpu.memory_space<vmem>>, %arg11: memref<2048x8xf32, #tpu.memory_space<vmem>>, %arg12: memref<2048x8xf32, #tpu.memory_space<vmem>>, %arg13: memref<!tpu.dma_semaphore, #tpu.memory_space<semaphore_mem>>, %arg14: memref<!tpu.dma_semaphore, #tpu.memory_space<semaphore_mem>>, %arg15: memref<!tpu.dma_semaphore, #tpu.memory_space<semaphore_mem>>, %arg16: memref<!tpu.dma_semaphore, #tpu.memory_space<semaphore_mem>>) attributes {dimension_semantics = [#tpu.dimension_semantics<core_parallel>, #tpu.dimension_semantics<subcore_parallel>], iteration_bounds = array<i64: 2, 16>, scalar_prefetch = 0 : i64, scratch_operands = 10 : i64, tpu.core_type = #tpu.core_type<sc_vector_subcore>, window_params = [{transform_indices = #map}, {transform_indices = #map}, {transform_indices = #map1}, {transform_indices = #map2}, {transform_indices = #map3}]} {
    %mul3A = arith.constant 8192 : i32
    %mul3A_0 = arith.muli %arg1, %mul3A : i32
    %multiple_of3A = tpu.assume_multiple %mul3A_0, 8192 : i32
    %iota3A = tpu.iota {dimensions = array<i32: 0>} : vector<16xi32>
    %broadcast_in_dim3A = arith.constant 0 : i32
    %broadcast_in_dim3A_1 = vector.broadcast %broadcast_in_dim3A : i32 to vector<16xi32>
    %broadcast_in_dim3A_2 = arith.constant 1 : i32
    %broadcast_in_dim3A_3 = vector.broadcast %broadcast_in_dim3A_2 : i32 to vector<16xi32>
    %broadcast_in_dim3A_4 = arith.constant 2 : i32
    %broadcast_in_dim3A_5 = vector.broadcast %broadcast_in_dim3A_4 : i32 to vector<16xi32>
    %broadcast_in_dim3A_6 = arith.constant 3 : i32
    %broadcast_in_dim3A_7 = vector.broadcast %broadcast_in_dim3A_6 : i32 to vector<16xi32>
    %broadcast_in_dim3A_8 = arith.constant 4 : i32
    %broadcast_in_dim3A_9 = vector.broadcast %broadcast_in_dim3A_8 : i32 to vector<16xi32>
    %broadcast_in_dim3A_10 = arith.constant 5 : i32
    %broadcast_in_dim3A_11 = vector.broadcast %broadcast_in_dim3A_10 : i32 to vector<16xi32>
    %broadcast_in_dim3A_12 = arith.constant 6 : i32
    %broadcast_in_dim3A_13 = vector.broadcast %broadcast_in_dim3A_12 : i32 to vector<16xi32>
    %broadcast_in_dim3A_14 = arith.constant 7 : i32
    %broadcast_in_dim3A_15 = vector.broadcast %broadcast_in_dim3A_14 : i32 to vector<16xi32>
    %scan3A = arith.constant 0 : i32
    %scan3A_16 = arith.constant 4 : i32
    %scan3A_17 = arith.addi %scan3A, %scan3A_16 : i32
    %scan3A_18 = arith.constant 1 : i32
    scf.for %scan3A_20 = %scan3A to %scan3A_17 step %scan3A_18  : i32 {
      %mul3A_21 = arith.constant 1 : i32
      %mul3A_22 = arith.muli %scan3A_20, %mul3A_21 : i32
      %add3A = arith.constant 0 : i32
      %add3A_23 = arith.addi %add3A, %mul3A_22 : i32
      "tpu.region"() ({
        %run_scoped3A = tpu.sem_alloc : memref<!tpu.dma_semaphore, #tpu.memory_space<semaphore_mem>>
        %dma_start3A_1149 = arith.constant 0 : i32
        %dma_start3A_1150 = tpu.memref_slice %arg7[%multiple_of3A, %dma_start3A_1149] : memref<133120x8xf32, #tpu.memory_space<vmem_shared>> -> memref<8192x8xf32, #tpu.memory_space<vmem_shared>>
        tpu.enqueue_dma source(%arg5 : memref<8192x8xf32, #tpu.memory_space<hbm>>) target(%dma_start3A_1150 : memref<8192x8xf32, #tpu.memory_space<vmem_shared>>) target_semaphore(%run_scoped3A : memref<!tpu.dma_semaphore, #tpu.memory_space<semaphore_mem>>)
        %dma_wait3A_1151 = arith.constant 0 : i32
        %dma_wait3A_1152 = tpu.memref_slice %arg7[%multiple_of3A, %dma_wait3A_1151] : memref<133120x8xf32, #tpu.memory_space<vmem_shared>> -> memref<8192x8xf32, #tpu.memory_space<vmem_shared>>
        tpu.wait_dma2 semaphore(%run_scoped3A : memref<!tpu.dma_semaphore, #tpu.memory_space<semaphore_mem>>) src(%arg5 : memref<8192x8xf32, #tpu.memory_space<hbm>>) dst(%dma_wait3A_1152 : memref<8192x8xf32, #tpu.memory_space<vmem_shared>>)
        tpu.yield
      }) : () -> ()
      %barrier3A = arith.constant 0 : index
      tpu.barrier barrier_id(%barrier3A)
      %mul3A_24 = arith.constant 16384 : i32
      %mul3A_25 = arith.muli %arg1, %mul3A_24 : i32
      %add3A_26 = arith.constant 0 : i32
      %add3A_27 = arith.addi %mul3A_25, %add3A_26 : i32
      %jit3A = arith.constant 128 : i32
      %div3A = arith.divsi %add3A_27, %jit3A : i32
      %sign3A = arith.constant 0 : i32
      %sign3A_28 = arith.cmpi sgt, %add3A_27, %sign3A : i32
      %sign3A_29 = arith.extui %sign3A_28 : i1 to i32
      %sign3A_30 = arith.constant 0 : i32
      %sign3A_31 = arith.cmpi slt, %add3A_27, %sign3A_30 : i32
      %sign3A_32 = arith.extui %sign3A_31 : i1 to i32
      %sign3A_33 = arith.subi %sign3A_29, %sign3A_32 : i32
      %sign3A_34 = arith.constant 0 : i32
      %sign3A_35 = arith.cmpi sgt, %jit3A, %sign3A_34 : i32
      %sign3A_36 = arith.extui %sign3A_35 : i1 to i32
      %sign3A_37 = arith.constant 0 : i32
      %sign3A_38 = arith.cmpi slt, %jit3A, %sign3A_37 : i32
      %sign3A_39 = arith.extui %sign3A_38 : i1 to i32
      %sign3A_40 = arith.subi %sign3A_36, %sign3A_39 : i32
      %ne3A = arith.cmpi ne, %sign3A_33, %sign3A_40 : i32
      %rem3A = arith.remsi %add3A_27, %jit3A : i32
      %ne3A_41 = arith.constant 0 : i32
      %ne3A_42 = arith.cmpi ne, %rem3A, %ne3A_41 : i32
      %and3A = arith.andi %ne3A, %ne3A_42 : i1
      %sub3A = arith.constant 1 : i32
      %sub3A_43 = arith.subi %div3A, %sub3A : i32
      %select_n3A = arith.select %and3A, %sub3A_43, %div3A : i32
      %multiple_of3A_44 = tpu.assume_multiple %select_n3A, 4 : i32
      %dma_start3A = arith.constant 0 : i32
      %dma_start3A_45 = arith.constant 0 : i32
      %dma_start3A_46 = arith.constant 0 : i32
      %dma_start3A_47 = arith.constant 0 : i32
      %dma_start3A_48 = tpu.memref_slice %arg8[%dma_start3A, %dma_start3A_45, %dma_start3A_46, %dma_start3A_47] : memref<2x8x4x128xf32, #tpu.memory_space<vmem>> -> memref<1x8x4x128xf32, #tpu.memory_space<vmem>>
      %dma_start3A_49 = tpu.memref_squeeze %dma_start3A_48 : memref<1x8x4x128xf32, #tpu.memory_space<vmem>> -> memref<8x4x128xf32, #tpu.memory_space<vmem>>
      %dma_start3A_50 = arith.constant 0 : i32
      %dma_start3A_51 = arith.constant 0 : i32
      %dma_start3A_52 = tpu.memref_slice %arg2[%add3A_23, %dma_start3A_50, %multiple_of3A_44, %dma_start3A_51] : memref<4x8x2048x128xf32, #tpu.memory_space<hbm>> -> memref<1x8x4x128xf32, #tpu.memory_space<hbm>>
      %dma_start3A_53 = tpu.memref_squeeze %dma_start3A_52 : memref<1x8x4x128xf32, #tpu.memory_space<hbm>> -> memref<8x4x128xf32, #tpu.memory_space<hbm>>
      %dma_start3A_54 = arith.constant 0 : i32
      %dma_start3A_55 = arith.constant 0 : i32
      %dma_start3A_56 = arith.constant 0 : i32
      %dma_start3A_57 = tpu.memref_slice %arg8[%dma_start3A, %dma_start3A_54, %dma_start3A_55, %dma_start3A_56] : memref<2x8x4x128xf32, #tpu.memory_space<vmem>> -> memref<1x8x4x128xf32, #tpu.memory_space<vmem>>
      %dma_start3A_58 = tpu.memref_squeeze %dma_start3A_57 : memref<1x8x4x128xf32, #tpu.memory_space<vmem>> -> memref<8x4x128xf32, #tpu.memory_space<vmem>>
      %dma_start3A_59 = arith.constant 0 : i32
      %dma_start3A_60 = arith.constant 0 : i32
      %dma_start3A_61 = tpu.memref_slice %arg2[%add3A_23, %dma_start3A_59, %multiple_of3A_44, %dma_start3A_60] : memref<4x8x2048x128xf32, #tpu.memory_space<hbm>> -> memref<1x8x4x128xf32, #tpu.memory_space<hbm>>
      %dma_start3A_62 = tpu.memref_squeeze %dma_start3A_61 : memref<1x8x4x128xf32, #tpu.memory_space<hbm>> -> memref<8x4x128xf32, #tpu.memory_space<hbm>>
      tpu.enqueue_dma source(%dma_start3A_62 : memref<8x4x128xf32, #tpu.memory_space<hbm>>) target(%dma_start3A_58 : memref<8x4x128xf32, #tpu.memory_space<vmem>>) target_semaphore(%arg13 : memref<!tpu.dma_semaphore, #tpu.memory_space<semaphore_mem>>)
      %dma_start3A_63 = arith.constant 0 : i32
      %dma_start3A_64 = arith.constant 0 : i32
      %dma_start3A_65 = arith.constant 0 : i32
      %dma_start3A_66 = arith.constant 0 : i32
      %dma_start3A_67 = tpu.memref_slice %arg9[%dma_start3A_63, %dma_start3A_64, %dma_start3A_65, %dma_start3A_66] : memref<2x4x4x128xf32, #tpu.memory_space<vmem>> -> memref<1x4x4x128xf32, #tpu.memory_space<vmem>>
      %dma_start3A_68 = tpu.memref_squeeze %dma_start3A_67 : memref<1x4x4x128xf32, #tpu.memory_space<vmem>> -> memref<4x4x128xf32, #tpu.memory_space<vmem>>
      %dma_start3A_69 = arith.constant 0 : i32
      %dma_start3A_70 = arith.constant 0 : i32
      %dma_start3A_71 = tpu.memref_slice %arg3[%add3A_23, %dma_start3A_69, %multiple_of3A_44, %dma_start3A_70] : memref<4x4x2048x128xf32, #tpu.memory_space<hbm>> -> memref<1x4x4x128xf32, #tpu.memory_space<hbm>>
      %dma_start3A_72 = tpu.memref_squeeze %dma_start3A_71 : memref<1x4x4x128xf32, #tpu.memory_space<hbm>> -> memref<4x4x128xf32, #tpu.memory_space<hbm>>
      %dma_start3A_73 = arith.constant 0 : i32
      %dma_start3A_74 = arith.constant 0 : i32
      %dma_start3A_75 = arith.constant 0 : i32
      %dma_start3A_76 = tpu.memref_slice %arg9[%dma_start3A_63, %dma_start3A_73, %dma_start3A_74, %dma_start3A_75] : memref<2x4x4x128xf32, #tpu.memory_space<vmem>> -> memref<1x4x4x128xf32, #tpu.memory_space<vmem>>
      %dma_start3A_77 = tpu.memref_squeeze %dma_start3A_76 : memref<1x4x4x128xf32, #tpu.memory_space<vmem>> -> memref<4x4x128xf32, #tpu.memory_space<vmem>>
      %dma_start3A_78 = arith.constant 0 : i32
      %dma_start3A_79 = arith.constant 0 : i32
      %dma_start3A_80 = tpu.memref_slice %arg3[%add3A_23, %dma_start3A_78, %multiple_of3A_44, %dma_start3A_79] : memref<4x4x2048x128xf32, #tpu.memory_space<hbm>> -> memref<1x4x4x128xf32, #tpu.memory_space<hbm>>
      %dma_start3A_81 = tpu.memref_squeeze %dma_start3A_80 : memref<1x4x4x128xf32, #tpu.memory_space<hbm>> -> memref<4x4x128xf32, #tpu.memory_space<hbm>>
      tpu.enqueue_dma source(%dma_start3A_81 : memref<4x4x128xf32, #tpu.memory_space<hbm>>) target(%dma_start3A_77 : memref<4x4x128xf32, #tpu.memory_space<vmem>>) target_semaphore(%arg13 : memref<!tpu.dma_semaphore, #tpu.memory_space<semaphore_mem>>)
      %dma_start3A_82 = arith.constant 0 : i32
      %dma_start3A_83 = arith.constant 0 : i32
      %dma_start3A_84 = arith.constant 0 : i32
      %dma_start3A_85 = arith.constant 0 : i32
      %dma_start3A_86 = tpu.memref_slice %arg10[%dma_start3A_82, %dma_start3A_83, %dma_start3A_84, %dma_start3A_85] : memref<2x4x4x128xi32, #tpu.memory_space<vmem>> -> memref<1x4x4x128xi32, #tpu.memory_space<vmem>>
      %dma_start3A_87 = tpu.memref_squeeze %dma_start3A_86 : memref<1x4x4x128xi32, #tpu.memory_space<vmem>> -> memref<4x4x128xi32, #tpu.memory_space<vmem>>
      %dma_start3A_88 = arith.constant 0 : i32
      %dma_start3A_89 = arith.constant 0 : i32
      %dma_start3A_90 = tpu.memref_slice %arg4[%arg0, %add3A_23, %dma_start3A_88, %multiple_of3A_44, %dma_start3A_89] : memref<2x4x4x2048x128xi32, #tpu.memory_space<hbm>> -> memref<1x1x4x4x128xi32, #tpu.memory_space<hbm>>
      %dma_start3A_91 = tpu.memref_squeeze %dma_start3A_90 : memref<1x1x4x4x128xi32, #tpu.memory_space<hbm>> -> memref<4x4x128xi32, #tpu.memory_space<hbm>>
      %dma_start3A_92 = arith.constant 0 : i32
      %dma_start3A_93 = arith.constant 0 : i32
      %dma_start3A_94 = arith.constant 0 : i32
      %dma_start3A_95 = tpu.memref_slice %arg10[%dma_start3A_82, %dma_start3A_92, %dma_start3A_93, %dma_start3A_94] : memref<2x4x4x128xi32, #tpu.memory_space<vmem>> -> memref<1x4x4x128xi32, #tpu.memory_space<vmem>>
      %dma_start3A_96 = tpu.memref_squeeze %dma_start3A_95 : memref<1x4x4x128xi32, #tpu.memory_space<vmem>> -> memref<4x4x128xi32, #tpu.memory_space<vmem>>
      %dma_start3A_97 = arith.constant 0 : i32
      %dma_start3A_98 = arith.constant 0 : i32
      %dma_start3A_99 = tpu.memref_slice %arg4[%arg0, %add3A_23, %dma_start3A_97, %multiple_of3A_44, %dma_start3A_98] : memref<2x4x4x2048x128xi32, #tpu.memory_space<hbm>> -> memref<1x1x4x4x128xi32, #tpu.memory_space<hbm>>
      %dma_start3A_100 = tpu.memref_squeeze %dma_start3A_99 : memref<1x1x4x4x128xi32, #tpu.memory_space<hbm>> -> memref<4x4x128xi32, #tpu.memory_space<hbm>>
      tpu.enqueue_dma source(%dma_start3A_100 : memref<4x4x128xi32, #tpu.memory_space<hbm>>) target(%dma_start3A_96 : memref<4x4x128xi32, #tpu.memory_space<vmem>>) target_semaphore(%arg13 : memref<!tpu.dma_semaphore, #tpu.memory_space<semaphore_mem>>)
      %mul3A_101 = arith.constant 16384 : i32
      %mul3A_102 = arith.muli %arg1, %mul3A_101 : i32
      %add3A_103 = arith.constant 0 : i32
      %add3A_104 = arith.addi %mul3A_102, %add3A_103 : i32
      %jit3A_105 = arith.constant 128 : i32
      %div3A_106 = arith.divsi %add3A_104, %jit3A_105 : i32
      %sign3A_107 = arith.constant 0 : i32
      %sign3A_108 = arith.cmpi sgt, %add3A_104, %sign3A_107 : i32
      %sign3A_109 = arith.extui %sign3A_108 : i1 to i32
      %sign3A_110 = arith.constant 0 : i32
      %sign3A_111 = arith.cmpi slt, %add3A_104, %sign3A_110 : i32
      %sign3A_112 = arith.extui %sign3A_111 : i1 to i32
      %sign3A_113 = arith.subi %sign3A_109, %sign3A_112 : i32
      %sign3A_114 = arith.constant 0 : i32
      %sign3A_115 = arith.cmpi sgt, %jit3A_105, %sign3A_114 : i32
      %sign3A_116 = arith.extui %sign3A_115 : i1 to i32
      %sign3A_117 = arith.constant 0 : i32
      %sign3A_118 = arith.cmpi slt, %jit3A_105, %sign3A_117 : i32
      %sign3A_119 = arith.extui %sign3A_118 : i1 to i32
      %sign3A_120 = arith.subi %sign3A_116, %sign3A_119 : i32
      %ne3A_121 = arith.cmpi ne, %sign3A_113, %sign3A_120 : i32
      %rem3A_122 = arith.remsi %add3A_104, %jit3A_105 : i32
      %ne3A_123 = arith.constant 0 : i32
      %ne3A_124 = arith.cmpi ne, %rem3A_122, %ne3A_123 : i32
      %and3A_125 = arith.andi %ne3A_121, %ne3A_124 : i1
      %sub3A_126 = arith.constant 1 : i32
      %sub3A_127 = arith.subi %div3A_106, %sub3A_126 : i32
      %select_n3A_128 = arith.select %and3A_125, %sub3A_127, %div3A_106 : i32
      %multiple_of3A_129 = tpu.assume_multiple %select_n3A_128, 4 : i32
      %dma_wait3A = arith.constant 0 : i32
      %dma_wait3A_130 = arith.constant 0 : i32
      %dma_wait3A_131 = arith.constant 0 : i32
      %dma_wait3A_132 = arith.constant 0 : i32
      %dma_wait3A_133 = tpu.memref_slice %arg8[%dma_wait3A, %dma_wait3A_130, %dma_wait3A_131, %dma_wait3A_132] : memref<2x8x4x128xf32, #tpu.memory_space<vmem>> -> memref<1x8x4x128xf32, #tpu.memory_space<vmem>>
      %dma_wait3A_134 = tpu.memref_squeeze %dma_wait3A_133 : memref<1x8x4x128xf32, #tpu.memory_space<vmem>> -> memref<8x4x128xf32, #tpu.memory_space<vmem>>
      %dma_wait3A_135 = arith.constant 0 : i32
      %dma_wait3A_136 = arith.constant 0 : i32
      %dma_wait3A_137 = tpu.memref_slice %arg2[%add3A_23, %dma_wait3A_135, %multiple_of3A_129, %dma_wait3A_136] : memref<4x8x2048x128xf32, #tpu.memory_space<hbm>> -> memref<1x8x4x128xf32, #tpu.memory_space<hbm>>
      %dma_wait3A_138 = tpu.memref_squeeze %dma_wait3A_137 : memref<1x8x4x128xf32, #tpu.memory_space<hbm>> -> memref<8x4x128xf32, #tpu.memory_space<hbm>>
      %dma_wait3A_139 = arith.constant 0 : i32
      %dma_wait3A_140 = arith.constant 0 : i32
      %dma_wait3A_141 = arith.constant 0 : i32
      %dma_wait3A_142 = tpu.memref_slice %arg8[%dma_wait3A, %dma_wait3A_139, %dma_wait3A_140, %dma_wait3A_141] : memref<2x8x4x128xf32, #tpu.memory_space<vmem>> -> memref<1x8x4x128xf32, #tpu.memory_space<vmem>>
      %dma_wait3A_143 = tpu.memref_squeeze %dma_wait3A_142 : memref<1x8x4x128xf32, #tpu.memory_space<vmem>> -> memref<8x4x128xf32, #tpu.memory_space<vmem>>
      %dma_wait3A_144 = arith.constant 0 : i32
      %dma_wait3A_145 = arith.constant 0 : i32
      %dma_wait3A_146 = tpu.memref_slice %arg2[%add3A_23, %dma_wait3A_144, %multiple_of3A_129, %dma_wait3A_145] : memref<4x8x2048x128xf32, #tpu.memory_space<hbm>> -> memref<1x8x4x128xf32, #tpu.memory_space<hbm>>
      %dma_wait3A_147 = tpu.memref_squeeze %dma_wait3A_146 : memref<1x8x4x128xf32, #tpu.memory_space<hbm>> -> memref<8x4x128xf32, #tpu.memory_space<hbm>>
      tpu.wait_dma2 semaphore(%arg13 : memref<!tpu.dma_semaphore, #tpu.memory_space<semaphore_mem>>) src(%dma_wait3A_147 : memref<8x4x128xf32, #tpu.memory_space<hbm>>) dst(%dma_wait3A_143 : memref<8x4x128xf32, #tpu.memory_space<vmem>>)
      %dma_wait3A_148 = arith.constant 0 : i32
      %dma_wait3A_149 = arith.constant 0 : i32
      %dma_wait3A_150 = arith.constant 0 : i32
      %dma_wait3A_151 = arith.constant 0 : i32
      %dma_wait3A_152 = tpu.memref_slice %arg9[%dma_wait3A_148, %dma_wait3A_149, %dma_wait3A_150, %dma_wait3A_151] : memref<2x4x4x128xf32, #tpu.memory_space<vmem>> -> memref<1x4x4x128xf32, #tpu.memory_space<vmem>>
      %dma_wait3A_153 = tpu.memref_squeeze %dma_wait3A_152 : memref<1x4x4x128xf32, #tpu.memory_space<vmem>> -> memref<4x4x128xf32, #tpu.memory_space<vmem>>
      %dma_wait3A_154 = arith.constant 0 : i32
      %dma_wait3A_155 = arith.constant 0 : i32
      %dma_wait3A_156 = tpu.memref_slice %arg3[%add3A_23, %dma_wait3A_154, %multiple_of3A_129, %dma_wait3A_155] : memref<4x4x2048x128xf32, #tpu.memory_space<hbm>> -> memref<1x4x4x128xf32, #tpu.memory_space<hbm>>
      %dma_wait3A_157 = tpu.memref_squeeze %dma_wait3A_156 : memref<1x4x4x128xf32, #tpu.memory_space<hbm>> -> memref<4x4x128xf32, #tpu.memory_space<hbm>>
      %dma_wait3A_158 = arith.constant 0 : i32
      %dma_wait3A_159 = arith.constant 0 : i32
      %dma_wait3A_160 = arith.constant 0 : i32
      %dma_wait3A_161 = tpu.memref_slice %arg9[%dma_wait3A_148, %dma_wait3A_158, %dma_wait3A_159, %dma_wait3A_160] : memref<2x4x4x128xf32, #tpu.memory_space<vmem>> -> memref<1x4x4x128xf32, #tpu.memory_space<vmem>>
      %dma_wait3A_162 = tpu.memref_squeeze %dma_wait3A_161 : memref<1x4x4x128xf32, #tpu.memory_space<vmem>> -> memref<4x4x128xf32, #tpu.memory_space<vmem>>
      %dma_wait3A_163 = arith.constant 0 : i32
      %dma_wait3A_164 = arith.constant 0 : i32
      %dma_wait3A_165 = tpu.memref_slice %arg3[%add3A_23, %dma_wait3A_163, %multiple_of3A_129, %dma_wait3A_164] : memref<4x4x2048x128xf32, #tpu.memory_space<hbm>> -> memref<1x4x4x128xf32, #tpu.memory_space<hbm>>
      %dma_wait3A_166 = tpu.memref_squeeze %dma_wait3A_165 : memref<1x4x4x128xf32, #tpu.memory_space<hbm>> -> memref<4x4x128xf32, #tpu.memory_space<hbm>>
      tpu.wait_dma2 semaphore(%arg13 : memref<!tpu.dma_semaphore, #tpu.memory_space<semaphore_mem>>) src(%dma_wait3A_166 : memref<4x4x128xf32, #tpu.memory_space<hbm>>) dst(%dma_wait3A_162 : memref<4x4x128xf32, #tpu.memory_space<vmem>>)
      %dma_wait3A_167 = arith.constant 0 : i32
      %dma_wait3A_168 = arith.constant 0 : i32
      %dma_wait3A_169 = arith.constant 0 : i32
      %dma_wait3A_170 = arith.constant 0 : i32
      %dma_wait3A_171 = tpu.memref_slice %arg10[%dma_wait3A_167, %dma_wait3A_168, %dma_wait3A_169, %dma_wait3A_170] : memref<2x4x4x128xi32, #tpu.memory_space<vmem>> -> memref<1x4x4x128xi32, #tpu.memory_space<vmem>>
      %dma_wait3A_172 = tpu.memref_squeeze %dma_wait3A_171 : memref<1x4x4x128xi32, #tpu.memory_space<vmem>> -> memref<4x4x128xi32, #tpu.memory_space<vmem>>
      %dma_wait3A_173 = arith.constant 0 : i32
      %dma_wait3A_174 = arith.constant 0 : i32
      %dma_wait3A_175 = tpu.memref_slice %arg4[%arg0, %add3A_23, %dma_wait3A_173, %multiple_of3A_129, %dma_wait3A_174] : memref<2x4x4x2048x128xi32, #tpu.memory_space<hbm>> -> memref<1x1x4x4x128xi32, #tpu.memory_space<hbm>>
      %dma_wait3A_176 = tpu.memref_squeeze %dma_wait3A_175 : memref<1x1x4x4x128xi32, #tpu.memory_space<hbm>> -> memref<4x4x128xi32, #tpu.memory_space<hbm>>
      %dma_wait3A_177 = arith.constant 0 : i32
      %dma_wait3A_178 = arith.constant 0 : i32
      %dma_wait3A_179 = arith.constant 0 : i32
      %dma_wait3A_180 = tpu.memref_slice %arg10[%dma_wait3A_167, %dma_wait3A_177, %dma_wait3A_178, %dma_wait3A_179] : memref<2x4x4x128xi32, #tpu.memory_space<vmem>> -> memref<1x4x4x128xi32, #tpu.memory_space<vmem>>
      %dma_wait3A_181 = tpu.memref_squeeze %dma_wait3A_180 : memref<1x4x4x128xi32, #tpu.memory_space<vmem>> -> memref<4x4x128xi32, #tpu.memory_space<vmem>>
      %dma_wait3A_182 = arith.constant 0 : i32
      %dma_wait3A_183 = arith.constant 0 : i32
      %dma_wait3A_184 = tpu.memref_slice %arg4[%arg0, %add3A_23, %dma_wait3A_182, %multiple_of3A_129, %dma_wait3A_183] : memref<2x4x4x2048x128xi32, #tpu.memory_space<hbm>> -> memref<1x1x4x4x128xi32, #tpu.memory_space<hbm>>
      %dma_wait3A_185 = tpu.memref_squeeze %dma_wait3A_184 : memref<1x1x4x4x128xi32, #tpu.memory_space<hbm>> -> memref<4x4x128xi32, #tpu.memory_space<hbm>>
      tpu.wait_dma2 semaphore(%arg13 : memref<!tpu.dma_semaphore, #tpu.memory_space<semaphore_mem>>) src(%dma_wait3A_185 : memref<4x4x128xi32, #tpu.memory_space<hbm>>) dst(%dma_wait3A_181 : memref<4x4x128xi32, #tpu.memory_space<vmem>>)
      %scan3A_186 = arith.constant 0 : i32
      %scan3A_187 = arith.constant 32 : i32
      %scan3A_188 = arith.addi %scan3A_186, %scan3A_187 : i32
      %scan3A_189 = arith.constant 1 : i32
      scf.for %scan3A_1149 = %scan3A_186 to %scan3A_188 step %scan3A_189  : i32 {
        %mul3A_1150 = arith.constant 1 : i32
        %mul3A_1151 = arith.muli %scan3A_1149, %mul3A_1150 : i32
        %add3A_1152 = arith.constant 0 : i32
        %add3A_1153 = arith.addi %add3A_1152, %mul3A_1151 : i32
        %jit3A_1154 = arith.constant 8 : i32
        %div3A_1155 = arith.divsi %add3A_1153, %jit3A_1154 : i32
        %sign3A_1156 = arith.constant 0 : i32
        %sign3A_1157 = arith.cmpi sgt, %add3A_1153, %sign3A_1156 : i32
        %sign3A_1158 = arith.extui %sign3A_1157 : i1 to i32
        %sign3A_1159 = arith.constant 0 : i32
        %sign3A_1160 = arith.cmpi slt, %add3A_1153, %sign3A_1159 : i32
        %sign3A_1161 = arith.extui %sign3A_1160 : i1 to i32
        %sign3A_1162 = arith.subi %sign3A_1158, %sign3A_1161 : i32
        %sign3A_1163 = arith.constant 0 : i32
        %sign3A_1164 = arith.cmpi sgt, %jit3A_1154, %sign3A_1163 : i32
        %sign3A_1165 = arith.extui %sign3A_1164 : i1 to i32
        %sign3A_1166 = arith.constant 0 : i32
        %sign3A_1167 = arith.cmpi slt, %jit3A_1154, %sign3A_1166 : i32
        %sign3A_1168 = arith.extui %sign3A_1167 : i1 to i32
        %sign3A_1169 = arith.subi %sign3A_1165, %sign3A_1168 : i32
        %ne3A_1170 = arith.cmpi ne, %sign3A_1162, %sign3A_1169 : i32
        %rem3A_1171 = arith.remsi %add3A_1153, %jit3A_1154 : i32
        %ne3A_1172 = arith.constant 0 : i32
        %ne3A_1173 = arith.cmpi ne, %rem3A_1171, %ne3A_1172 : i32
        %and3A_1174 = arith.andi %ne3A_1170, %ne3A_1173 : i1
        %sub3A_1175 = arith.constant 1 : i32
        %sub3A_1176 = arith.subi %div3A_1155, %sub3A_1175 : i32
        %select_n3A_1177 = arith.select %and3A_1174, %sub3A_1176, %div3A_1155 : i32
        %rem3A_1178 = arith.constant 8 : i32
        %rem3A_1179 = arith.remsi %add3A_1153, %rem3A_1178 : i32
        %mul3A_1180 = arith.constant 16 : i32
        %mul3A_1181 = arith.muli %rem3A_1179, %mul3A_1180 : i32
        %multiple_of3A_1182 = tpu.assume_multiple %mul3A_1181, 16 : i32
        %get3A = arith.constant 0 : i32
        %get3A_1183 = arith.constant 0 : i32
        %get3A_1184 = arith.index_cast %get3A : i32 to index
        %get3A_1185 = arith.index_cast %get3A_1183 : i32 to index
        %get3A_1186 = arith.index_cast %select_n3A_1177 : i32 to index
        %get3A_1187 = arith.index_cast %multiple_of3A_1182 : i32 to index
        %get3A_1188 = tpu.vector_load %arg8[%get3A_1184, %get3A_1185, %get3A_1186, %get3A_1187] {strides = array<i32>} : memref<2x8x4x128xf32, #tpu.memory_space<vmem>>, vector<16xf32>,
        %get3A_1189 = arith.constant 0 : i32
        %get3A_1190 = arith.constant 1 : i32
        %get3A_1191 = arith.index_cast %get3A_1189 : i32 to index
        %get3A_1192 = arith.index_cast %get3A_1190 : i32 to index
        %get3A_1193 = arith.index_cast %select_n3A_1177 : i32 to index
        %get3A_1194 = arith.index_cast %multiple_of3A_1182 : i32 to index
        %get3A_1195 = tpu.vector_load %arg8[%get3A_1191, %get3A_1192, %get3A_1193, %get3A_1194] {strides = array<i32>} : memref<2x8x4x128xf32, #tpu.memory_space<vmem>>, vector<16xf32>,
        %get3A_1196 = arith.constant 0 : i32
        %get3A_1197 = arith.constant 2 : i32
        %get3A_1198 = arith.index_cast %get3A_1196 : i32 to index
        %get3A_1199 = arith.index_cast %get3A_1197 : i32 to index
        %get3A_1200 = arith.index_cast %select_n3A_1177 : i32 to index
        %get3A_1201 = arith.index_cast %multiple_of3A_1182 : i32 to index
        %get3A_1202 = tpu.vector_load %arg8[%get3A_1198, %get3A_1199, %get3A_1200, %get3A_1201] {strides = array<i32>} : memref<2x8x4x128xf32, #tpu.memory_space<vmem>>, vector<16xf32>,
        %get3A_1203 = arith.constant 0 : i32
        %get3A_1204 = arith.constant 3 : i32
        %get3A_1205 = arith.index_cast %get3A_1203 : i32 to index
        %get3A_1206 = arith.index_cast %get3A_1204 : i32 to index
        %get3A_1207 = arith.index_cast %select_n3A_1177 : i32 to index
        %get3A_1208 = arith.index_cast %multiple_of3A_1182 : i32 to index
        %get3A_1209 = tpu.vector_load %arg8[%get3A_1205, %get3A_1206, %get3A_1207, %get3A_1208] {strides = array<i32>} : memref<2x8x4x128xf32, #tpu.memory_space<vmem>>, vector<16xf32>,
        %get3A_1210 = arith.constant 0 : i32
        %get3A_1211 = arith.constant 4 : i32
        %get3A_1212 = arith.index_cast %get3A_1210 : i32 to index
        %get3A_1213 = arith.index_cast %get3A_1211 : i32 to index
        %get3A_1214 = arith.index_cast %select_n3A_1177 : i32 to index
        %get3A_1215 = arith.index_cast %multiple_of3A_1182 : i32 to index
        %get3A_1216 = tpu.vector_load %arg8[%get3A_1212, %get3A_1213, %get3A_1214, %get3A_1215] {strides = array<i32>} : memref<2x8x4x128xf32, #tpu.memory_space<vmem>>, vector<16xf32>,
        %get3A_1217 = arith.constant 0 : i32
        %get3A_1218 = arith.constant 5 : i32
        %get3A_1219 = arith.index_cast %get3A_1217 : i32 to index
        %get3A_1220 = arith.index_cast %get3A_1218 : i32 to index
        %get3A_1221 = arith.index_cast %select_n3A_1177 : i32 to index
        %get3A_1222 = arith.index_cast %multiple_of3A_1182 : i32 to index
        %get3A_1223 = tpu.vector_load %arg8[%get3A_1219, %get3A_1220, %get3A_1221, %get3A_1222] {strides = array<i32>} : memref<2x8x4x128xf32, #tpu.memory_space<vmem>>, vector<16xf32>,
        %get3A_1224 = arith.constant 0 : i32
        %get3A_1225 = arith.constant 6 : i32
        %get3A_1226 = arith.index_cast %get3A_1224 : i32 to index
        %get3A_1227 = arith.index_cast %get3A_1225 : i32 to index
        %get3A_1228 = arith.index_cast %select_n3A_1177 : i32 to index
        %get3A_1229 = arith.index_cast %multiple_of3A_1182 : i32 to index
        %get3A_1230 = tpu.vector_load %arg8[%get3A_1226, %get3A_1227, %get3A_1228, %get3A_1229] {strides = array<i32>} : memref<2x8x4x128xf32, #tpu.memory_space<vmem>>, vector<16xf32>,
        %get3A_1231 = arith.constant 0 : i32
        %get3A_1232 = arith.constant 7 : i32
        %get3A_1233 = arith.index_cast %get3A_1231 : i32 to index
        %get3A_1234 = arith.index_cast %get3A_1232 : i32 to index
        %get3A_1235 = arith.index_cast %select_n3A_1177 : i32 to index
        %get3A_1236 = arith.index_cast %multiple_of3A_1182 : i32 to index
        %get3A_1237 = tpu.vector_load %arg8[%get3A_1233, %get3A_1234, %get3A_1235, %get3A_1236] {strides = array<i32>} : memref<2x8x4x128xf32, #tpu.memory_space<vmem>>, vector<16xf32>,
        %mul3A_1238 = arith.constant 16 : i32
        %mul3A_1239 = arith.muli %add3A_1153, %mul3A_1238 : i32
        %add3A_1240 = arith.constant 0 : i32
        %add3A_1241 = arith.addi %add3A_1240, %mul3A_1239 : i32
        %add3A_1242 = vector.broadcast %add3A_1241 : i32 to vector<16xi32>
        %add3A_1243 = arith.addi %iota3A, %add3A_1242 : vector<16xi32>
        %get3A_1244 = arith.constant 0 : i32
        %get3A_1245 = arith.constant 0 : i32
        %get3A_1246 = arith.index_cast %get3A_1244 : i32 to index
        %get3A_1247 = arith.index_cast %get3A_1245 : i32 to index
        %get3A_1248 = arith.index_cast %select_n3A_1177 : i32 to index
        %get3A_1249 = arith.index_cast %multiple_of3A_1182 : i32 to index
        %get3A_1250 = tpu.vector_load %arg9[%get3A_1246, %get3A_1247, %get3A_1248, %get3A_1249] {strides = array<i32>} : memref<2x4x4x128xf32, #tpu.memory_space<vmem>>, vector<16xf32>,
        %mul3A_1251 = arith.mulf %get3A_1188, %get3A_1250 : vector<16xf32>
        tpu.vector_store_idx %arg11[%add3A_1243, %broadcast_in_dim3A_1], %mul3A_1251 : memref<2048x8xf32, #tpu.memory_space<vmem>>[vector<16xi32>, vector<16xi32>], vector<16xf32>,
        %mul3A_1252 = arith.mulf %get3A_1195, %get3A_1250 : vector<16xf32>
        tpu.vector_store_idx %arg11[%add3A_1243, %broadcast_in_dim3A_3], %mul3A_1252 : memref<2048x8xf32, #tpu.memory_space<vmem>>[vector<16xi32>, vector<16xi32>], vector<16xf32>,
        %mul3A_1253 = arith.mulf %get3A_1202, %get3A_1250 : vector<16xf32>
        tpu.vector_store_idx %arg11[%add3A_1243, %broadcast_in_dim3A_5], %mul3A_1253 : memref<2048x8xf32, #tpu.memory_space<vmem>>[vector<16xi32>, vector<16xi32>], vector<16xf32>,
        %mul3A_1254 = arith.mulf %get3A_1209, %get3A_1250 : vector<16xf32>
        tpu.vector_store_idx %arg11[%add3A_1243, %broadcast_in_dim3A_7], %mul3A_1254 : memref<2048x8xf32, #tpu.memory_space<vmem>>[vector<16xi32>, vector<16xi32>], vector<16xf32>,
        %mul3A_1255 = arith.mulf %get3A_1216, %get3A_1250 : vector<16xf32>
        tpu.vector_store_idx %arg11[%add3A_1243, %broadcast_in_dim3A_9], %mul3A_1255 : memref<2048x8xf32, #tpu.memory_space<vmem>>[vector<16xi32>, vector<16xi32>], vector<16xf32>,
        %mul3A_1256 = arith.mulf %get3A_1223, %get3A_1250 : vector<16xf32>
        tpu.vector_store_idx %arg11[%add3A_1243, %broadcast_in_dim3A_11], %mul3A_1256 : memref<2048x8xf32, #tpu.memory_space<vmem>>[vector<16xi32>, vector<16xi32>], vector<16xf32>,
        %mul3A_1257 = arith.mulf %get3A_1230, %get3A_1250 : vector<16xf32>
        tpu.vector_store_idx %arg11[%add3A_1243, %broadcast_in_dim3A_13], %mul3A_1257 : memref<2048x8xf32, #tpu.memory_space<vmem>>[vector<16xi32>, vector<16xi32>], vector<16xf32>,
        %mul3A_1258 = arith.mulf %get3A_1237, %get3A_1250 : vector<16xf32>
        tpu.vector_store_idx %arg11[%add3A_1243, %broadcast_in_dim3A_15], %mul3A_1258 : memref<2048x8xf32, #tpu.memory_space<vmem>>[vector<16xi32>, vector<16xi32>], vector<16xf32>,
        %mul3A_1259 = arith.constant 16 : i32
        %mul3A_1260 = arith.muli %add3A_1153, %mul3A_1259 : i32
        %add3A_1261 = arith.constant 512 : i32
        %add3A_1262 = arith.addi %add3A_1261, %mul3A_1260 : i32
        %add3A_1263 = vector.broadcast %add3A_1262 : i32 to vector<16xi32>
        %add3A_1264 = arith.addi %iota3A, %add3A_1263 : vector<16xi32>
        %get3A_1265 = arith.constant 0 : i32
        %get3A_1266 = arith.constant 1 : i32
        %get3A_1267 = arith.index_cast %get3A_1265 : i32 to index
        %get3A_1268 = arith.index_cast %get3A_1266 : i32 to index
        %get3A_1269 = arith.index_cast %select_n3A_1177 : i32 to index
        %get3A_1270 = arith.index_cast %multiple_of3A_1182 : i32 to index
        %get3A_1271 = tpu.vector_load %arg9[%get3A_1267, %get3A_1268, %get3A_1269, %get3A_1270] {strides = array<i32>} : memref<2x4x4x128xf32, #tpu.memory_space<vmem>>, vector<16xf32>,
        %mul3A_1272 = arith.mulf %get3A_1188, %get3A_1271 : vector<16xf32>
        tpu.vector_store_idx %arg11[%add3A_1264, %broadcast_in_dim3A_1], %mul3A_1272 : memref<2048x8xf32, #tpu.memory_space<vmem>>[vector<16xi32>, vector<16xi32>], vector<16xf32>,
        %mul3A_1273 = arith.mulf %get3A_1195, %get3A_1271 : vector<16xf32>
        tpu.vector_store_idx %arg11[%add3A_1264, %broadcast_in_dim3A_3], %mul3A_1273 : memref<2048x8xf32, #tpu.memory_space<vmem>>[vector<16xi32>, vector<16xi32>], vector<16xf32>,
        %mul3A_1274 = arith.mulf %get3A_1202, %get3A_1271 : vector<16xf32>
        tpu.vector_store_idx %arg11[%add3A_1264, %broadcast_in_dim3A_5], %mul3A_1274 : memref<2048x8xf32, #tpu.memory_space<vmem>>[vector<16xi32>, vector<16xi32>], vector<16xf32>,
        %mul3A_1275 = arith.mulf %get3A_1209, %get3A_1271 : vector<16xf32>
        tpu.vector_store_idx %arg11[%add3A_1264, %broadcast_in_dim3A_7], %mul3A_1275 : memref<2048x8xf32, #tpu.memory_space<vmem>>[vector<16xi32>, vector<16xi32>], vector<16xf32>,
        %mul3A_1276 = arith.mulf %get3A_1216, %get3A_1271 : vector<16xf32>
        tpu.vector_store_idx %arg11[%add3A_1264, %broadcast_in_dim3A_9], %mul3A_1276 : memref<2048x8xf32, #tpu.memory_space<vmem>>[vector<16xi32>, vector<16xi32>], vector<16xf32>,
        %mul3A_1277 = arith.mulf %get3A_1223, %get3A_1271 : vector<16xf32>
        tpu.vector_store_idx %arg11[%add3A_1264, %broadcast_in_dim3A_11], %mul3A_1277 : memref<2048x8xf32, #tpu.memory_space<vmem>>[vector<16xi32>, vector<16xi32>], vector<16xf32>,
        %mul3A_1278 = arith.mulf %get3A_1230, %get3A_1271 : vector<16xf32>
        tpu.vector_store_idx %arg11[%add3A_1264, %broadcast_in_dim3A_13], %mul3A_1278 : memref<2048x8xf32, #tpu.memory_space<vmem>>[vector<16xi32>, vector<16xi32>], vector<16xf32>,
        %mul3A_1279 = arith.mulf %get3A_1237, %get3A_1271 : vector<16xf32>
        tpu.vector_store_idx %arg11[%add3A_1264, %broadcast_in_dim3A_15], %mul3A_1279 : memref<2048x8xf32, #tpu.memory_space<vmem>>[vector<16xi32>, vector<16xi32>], vector<16xf32>,
        %mul3A_1280 = arith.constant 16 : i32
        %mul3A_1281 = arith.muli %add3A_1153, %mul3A_1280 : i32
        %add3A_1282 = arith.constant 1024 : i32
        %add3A_1283 = arith.addi %add3A_1282, %mul3A_1281 : i32
        %add3A_1284 = vector.broadcast %add3A_1283 : i32 to vector<16xi32>
        %add3A_1285 = arith.addi %iota3A, %add3A_1284 : vector<16xi32>
        %get3A_1286 = arith.constant 0 : i32
        %get3A_1287 = arith.constant 2 : i32
        %get3A_1288 = arith.index_cast %get3A_1286 : i32 to index
        %get3A_1289 = arith.index_cast %get3A_1287 : i32 to index
        %get3A_1290 = arith.index_cast %select_n3A_1177 : i32 to index
        %get3A_1291 = arith.index_cast %multiple_of3A_1182 : i32 to index
        %get3A_1292 = tpu.vector_load %arg9[%get3A_1288, %get3A_1289, %get3A_1290, %get3A_1291] {strides = array<i32>} : memref<2x4x4x128xf32, #tpu.memory_space<vmem>>, vector<16xf32>,
        %mul3A_1293 = arith.mulf %get3A_1188, %get3A_1292 : vector<16xf32>
        tpu.vector_store_idx %arg11[%add3A_1285, %broadcast_in_dim3A_1], %mul3A_1293 : memref<2048x8xf32, #tpu.memory_space<vmem>>[vector<16xi32>, vector<16xi32>], vector<16xf32>,
        %mul3A_1294 = arith.mulf %get3A_1195, %get3A_1292 : vector<16xf32>
        tpu.vector_store_idx %arg11[%add3A_1285, %broadcast_in_dim3A_3], %mul3A_1294 : memref<2048x8xf32, #tpu.memory_space<vmem>>[vector<16xi32>, vector<16xi32>], vector<16xf32>,
        %mul3A_1295 = arith.mulf %get3A_1202, %get3A_1292 : vector<16xf32>
        tpu.vector_store_idx %arg11[%add3A_1285, %broadcast_in_dim3A_5], %mul3A_1295 : memref<2048x8xf32, #tpu.memory_space<vmem>>[vector<16xi32>, vector<16xi32>], vector<16xf32>,
        %mul3A_1296 = arith.mulf %get3A_1209, %get3A_1292 : vector<16xf32>
        tpu.vector_store_idx %arg11[%add3A_1285, %broadcast_in_dim3A_7], %mul3A_1296 : memref<2048x8xf32, #tpu.memory_space<vmem>>[vector<16xi32>, vector<16xi32>], vector<16xf32>,
        %mul3A_1297 = arith.mulf %get3A_1216, %get3A_1292 : vector<16xf32>
        tpu.vector_store_idx %arg11[%add3A_1285, %broadcast_in_dim3A_9], %mul3A_1297 : memref<2048x8xf32, #tpu.memory_space<vmem>>[vector<16xi32>, vector<16xi32>], vector<16xf32>,
        %mul3A_1298 = arith.mulf %get3A_1223, %get3A_1292 : vector<16xf32>
        tpu.vector_store_idx %arg11[%add3A_1285, %broadcast_in_dim3A_11], %mul3A_1298 : memref<2048x8xf32, #tpu.memory_space<vmem>>[vector<16xi32>, vector<16xi32>], vector<16xf32>,
        %mul3A_1299 = arith.mulf %get3A_1230, %get3A_1292 : vector<16xf32>
        tpu.vector_store_idx %arg11[%add3A_1285, %broadcast_in_dim3A_13], %mul3A_1299 : memref<2048x8xf32, #tpu.memory_space<vmem>>[vector<16xi32>, vector<16xi32>], vector<16xf32>,
        %mul3A_1300 = arith.mulf %get3A_1237, %get3A_1292 : vector<16xf32>
        tpu.vector_store_idx %arg11[%add3A_1285, %broadcast_in_dim3A_15], %mul3A_1300 : memref<2048x8xf32, #tpu.memory_space<vmem>>[vector<16xi32>, vector<16xi32>], vector<16xf32>,
        %mul3A_1301 = arith.constant 16 : i32
        %mul3A_1302 = arith.muli %add3A_1153, %mul3A_1301 : i32
        %add3A_1303 = arith.constant 1536 : i32
        %add3A_1304 = arith.addi %add3A_1303, %mul3A_1302 : i32
        %add3A_1305 = vector.broadcast %add3A_1304 : i32 to vector<16xi32>
        %add3A_1306 = arith.addi %iota3A, %add3A_1305 : vector<16xi32>
        %get3A_1307 = arith.constant 0 : i32
        %get3A_1308 = arith.constant 3 : i32
        %get3A_1309 = arith.index_cast %get3A_1307 : i32 to index
        %get3A_1310 = arith.index_cast %get3A_1308 : i32 to index
        %get3A_1311 = arith.index_cast %select_n3A_1177 : i32 to index
        %get3A_1312 = arith.index_cast %multiple_of3A_1182 : i32 to index
        %get3A_1313 = tpu.vector_load %arg9[%get3A_1309, %get3A_1310, %get3A_1311, %get3A_1312] {strides = array<i32>} : memref<2x4x4x128xf32, #tpu.memory_space<vmem>>, vector<16xf32>,
        %mul3A_1314 = arith.mulf %get3A_1188, %get3A_1313 : vector<16xf32>
        tpu.vector_store_idx %arg11[%add3A_1306, %broadcast_in_dim3A_1], %mul3A_1314 : memref<2048x8xf32, #tpu.memory_space<vmem>>[vector<16xi32>, vector<16xi32>], vector<16xf32>,
        %mul3A_1315 = arith.mulf %get3A_1195, %get3A_1313 : vector<16xf32>
        tpu.vector_store_idx %arg11[%add3A_1306, %broadcast_in_dim3A_3], %mul3A_1315 : memref<2048x8xf32, #tpu.memory_space<vmem>>[vector<16xi32>, vector<16xi32>], vector<16xf32>,
        %mul3A_1316 = arith.mulf %get3A_1202, %get3A_1313 : vector<16xf32>
        tpu.vector_store_idx %arg11[%add3A_1306, %broadcast_in_dim3A_5], %mul3A_1316 : memref<2048x8xf32, #tpu.memory_space<vmem>>[vector<16xi32>, vector<16xi32>], vector<16xf32>,
        %mul3A_1317 = arith.mulf %get3A_1209, %get3A_1313 : vector<16xf32>
        tpu.vector_store_idx %arg11[%add3A_1306, %broadcast_in_dim3A_7], %mul3A_1317 : memref<2048x8xf32, #tpu.memory_space<vmem>>[vector<16xi32>, vector<16xi32>], vector<16xf32>,
        %mul3A_1318 = arith.mulf %get3A_1216, %get3A_1313 : vector<16xf32>
        tpu.vector_store_idx %arg11[%add3A_1306, %broadcast_in_dim3A_9], %mul3A_1318 : memref<2048x8xf32, #tpu.memory_space<vmem>>[vector<16xi32>, vector<16xi32>], vector<16xf32>,
        %mul3A_1319 = arith.mulf %get3A_1223, %get3A_1313 : vector<16xf32>
        tpu.vector_store_idx %arg11[%add3A_1306, %broadcast_in_dim3A_11], %mul3A_1319 : memref<2048x8xf32, #tpu.memory_space<vmem>>[vector<16xi32>, vector<16xi32>], vector<16xf32>,
        %mul3A_1320 = arith.mulf %get3A_1230, %get3A_1313 : vector<16xf32>
        tpu.vector_store_idx %arg11[%add3A_1306, %broadcast_in_dim3A_13], %mul3A_1320 : memref<2048x8xf32, #tpu.memory_space<vmem>>[vector<16xi32>, vector<16xi32>], vector<16xf32>,
        %mul3A_1321 = arith.mulf %get3A_1237, %get3A_1313 : vector<16xf32>
        tpu.vector_store_idx %arg11[%add3A_1306, %broadcast_in_dim3A_15], %mul3A_1321 : memref<2048x8xf32, #tpu.memory_space<vmem>>[vector<16xi32>, vector<16xi32>], vector<16xf32>,
      }
      %scan3A_190 = arith.constant 32 : i32
      %mul3A_191 = arith.constant 16384 : i32
      %mul3A_192 = arith.muli %arg1, %mul3A_191 : i32
      %add3A_193 = arith.constant 512 : i32
      %add3A_194 = arith.addi %mul3A_192, %add3A_193 : i32
      %jit3A_195 = arith.constant 128 : i32
      %div3A_196 = arith.divsi %add3A_194, %jit3A_195 : i32
      %sign3A_197 = arith.constant 0 : i32
      %sign3A_198 = arith.cmpi sgt, %add3A_194, %sign3A_197 : i32
      %sign3A_199 = arith.extui %sign3A_198 : i1 to i32
      %sign3A_200 = arith.constant 0 : i32
      %sign3A_201 = arith.cmpi slt, %add3A_194, %sign3A_200 : i32
      %sign3A_202 = arith.extui %sign3A_201 : i1 to i32
      %sign3A_203 = arith.subi %sign3A_199, %sign3A_202 : i32
      %sign3A_204 = arith.constant 0 : i32
      %sign3A_205 = arith.cmpi sgt, %jit3A_195, %sign3A_204 : i32
      %sign3A_206 = arith.extui %sign3A_205 : i1 to i32
      %sign3A_207 = arith.constant 0 : i32
      %sign3A_208 = arith.cmpi slt, %jit3A_195, %sign3A_207 : i32
      %sign3A_209 = arith.extui %sign3A_208 : i1 to i32
      %sign3A_210 = arith.subi %sign3A_206, %sign3A_209 : i32
      %ne3A_211 = arith.cmpi ne, %sign3A_203, %sign3A_210 : i32
      %rem3A_212 = arith.remsi %add3A_194, %jit3A_195 : i32
      %ne3A_213 = arith.constant 0 : i32
      %ne3A_214 = arith.cmpi ne, %rem3A_212, %ne3A_213 : i32
      %and3A_215 = arith.andi %ne3A_211, %ne3A_214 : i1
      %sub3A_216 = arith.constant 1 : i32
      %sub3A_217 = arith.subi %div3A_196, %sub3A_216 : i32
      %select_n3A_218 = arith.select %and3A_215, %sub3A_217, %div3A_196 : i32
      %multiple_of3A_219 = tpu.assume_multiple %select_n3A_218, 4 : i32
      %dma_start3A_220 = arith.constant 1 : i32
      %dma_start3A_221 = arith.constant 0 : i32
      %dma_start3A_222 = arith.constant 0 : i32
      %dma_start3A_223 = arith.constant 0 : i32
      %dma_start3A_224 = tpu.memref_slice %arg8[%dma_start3A_220, %dma_start3A_221, %dma_start3A_222, %dma_start3A_223] : memref<2x8x4x128xf32, #tpu.memory_space<vmem>> -> memref<1x8x4x128xf32, #tpu.memory_space<vmem>>
      %dma_start3A_225 = tpu.memref_squeeze %dma_start3A_224 : memref<1x8x4x128xf32, #tpu.memory_space<vmem>> -> memref<8x4x128xf32, #tpu.memory_space<vmem>>
      %dma_start3A_226 = arith.constant 0 : i32
      %dma_start3A_227 = arith.constant 0 : i32
      %dma_start3A_228 = tpu.memref_slice %arg2[%add3A_23, %dma_start3A_226, %multiple_of3A_219, %dma_start3A_227] : memref<4x8x2048x128xf32, #tpu.memory_space<hbm>> -> memref<1x8x4x128xf32, #tpu.memory_space<hbm>>
      %dma_start3A_229 = tpu.memref_squeeze %dma_start3A_228 : memref<1x8x4x128xf32, #tpu.memory_space<hbm>> -> memref<8x4x128xf32, #tpu.memory_space<hbm>>
      %dma_start3A_230 = arith.constant 0 : i32
      %dma_start3A_231 = arith.constant 0 : i32
      %dma_start3A_232 = arith.constant 0 : i32
      %dma_start3A_233 = tpu.memref_slice %arg8[%dma_start3A_220, %dma_start3A_230, %dma_start3A_231, %dma_start3A_232] : memref<2x8x4x128xf32, #tpu.memory_space<vmem>> -> memref<1x8x4x128xf32, #tpu.memory_space<vmem>>
      %dma_start3A_234 = tpu.memref_squeeze %dma_start3A_233 : memref<1x8x4x128xf32, #tpu.memory_space<vmem>> -> memref<8x4x128xf32, #tpu.memory_space<vmem>>
      %dma_start3A_235 = arith.constant 0 : i32
      %dma_start3A_236 = arith.constant 0 : i32
      %dma_start3A_237 = tpu.memref_slice %arg2[%add3A_23, %dma_start3A_235, %multiple_of3A_219, %dma_start3A_236] : memref<4x8x2048x128xf32, #tpu.memory_space<hbm>> -> memref<1x8x4x128xf32, #tpu.memory_space<hbm>>
      %dma_start3A_238 = tpu.memref_squeeze %dma_start3A_237 : memref<1x8x4x128xf32, #tpu.memory_space<hbm>> -> memref<8x4x128xf32, #tpu.memory_space<hbm>>
      tpu.enqueue_dma source(%dma_start3A_238 : memref<8x4x128xf32, #tpu.memory_space<hbm>>) target(%dma_start3A_234 : memref<8x4x128xf32, #tpu.memory_space<vmem>>) target_semaphore(%arg14 : memref<!tpu.dma_semaphore, #tpu.memory_space<semaphore_mem>>)
      %dma_start3A_239 = arith.constant 1 : i32
      %dma_start3A_240 = arith.constant 0 : i32
      %dma_start3A_241 = arith.constant 0 : i32
      %dma_start3A_242 = arith.constant 0 : i32
      %dma_start3A_243 = tpu.memref_slice %arg9[%dma_start3A_239, %dma_start3A_240, %dma_start3A_241, %dma_start3A_242] : memref<2x4x4x128xf32, #tpu.memory_space<vmem>> -> memref<1x4x4x128xf32, #tpu.memory_space<vmem>>
      %dma_start3A_244 = tpu.memref_squeeze %dma_start3A_243 : memref<1x4x4x128xf32, #tpu.memory_space<vmem>> -> memref<4x4x128xf32, #tpu.memory_space<vmem>>
      %dma_start3A_245 = arith.constant 0 : i32
      %dma_start3A_246 = arith.constant 0 : i32
      %dma_start3A_247 = tpu.memref_slice %arg3[%add3A_23, %dma_start3A_245, %multiple_of3A_219, %dma_start3A_246] : memref<4x4x2048x128xf32, #tpu.memory_space<hbm>> -> memref<1x4x4x128xf32, #tpu.memory_space<hbm>>
      %dma_start3A_248 = tpu.memref_squeeze %dma_start3A_247 : memref<1x4x4x128xf32, #tpu.memory_space<hbm>> -> memref<4x4x128xf32, #tpu.memory_space<hbm>>
      %dma_start3A_249 = arith.constant 0 : i32
      %dma_start3A_250 = arith.constant 0 : i32
      %dma_start3A_251 = arith.constant 0 : i32
      %dma_start3A_252 = tpu.memref_slice %arg9[%dma_start3A_239, %dma_start3A_249, %dma_start3A_250, %dma_start3A_251] : memref<2x4x4x128xf32, #tpu.memory_space<vmem>> -> memref<1x4x4x128xf32, #tpu.memory_space<vmem>>
      %dma_start3A_253 = tpu.memref_squeeze %dma_start3A_252 : memref<1x4x4x128xf32, #tpu.memory_space<vmem>> -> memref<4x4x128xf32, #tpu.memory_space<vmem>>
      %dma_start3A_254 = arith.constant 0 : i32
      %dma_start3A_255 = arith.constant 0 : i32
      %dma_start3A_256 = tpu.memref_slice %arg3[%add3A_23, %dma_start3A_254, %multiple_of3A_219, %dma_start3A_255] : memref<4x4x2048x128xf32, #tpu.memory_space<hbm>> -> memref<1x4x4x128xf32, #tpu.memory_space<hbm>>
      %dma_start3A_257 = tpu.memref_squeeze %dma_start3A_256 : memref<1x4x4x128xf32, #tpu.memory_space<hbm>> -> memref<4x4x128xf32, #tpu.memory_space<hbm>>
      tpu.enqueue_dma source(%dma_start3A_257 : memref<4x4x128xf32, #tpu.memory_space<hbm>>) target(%dma_start3A_253 : memref<4x4x128xf32, #tpu.memory_space<vmem>>) target_semaphore(%arg14 : memref<!tpu.dma_semaphore, #tpu.memory_space<semaphore_mem>>)
      %dma_start3A_258 = arith.constant 1 : i32
      %dma_start3A_259 = arith.constant 0 : i32
      %dma_start3A_260 = arith.constant 0 : i32
      %dma_start3A_261 = arith.constant 0 : i32
      %dma_start3A_262 = tpu.memref_slice %arg10[%dma_start3A_258, %dma_start3A_259, %dma_start3A_260, %dma_start3A_261] : memref<2x4x4x128xi32, #tpu.memory_space<vmem>> -> memref<1x4x4x128xi32, #tpu.memory_space<vmem>>
      %dma_start3A_263 = tpu.memref_squeeze %dma_start3A_262 : memref<1x4x4x128xi32, #tpu.memory_space<vmem>> -> memref<4x4x128xi32, #tpu.memory_space<vmem>>
      %dma_start3A_264 = arith.constant 0 : i32
      %dma_start3A_265 = arith.constant 0 : i32
      %dma_start3A_266 = tpu.memref_slice %arg4[%arg0, %add3A_23, %dma_start3A_264, %multiple_of3A_219, %dma_start3A_265] : memref<2x4x4x2048x128xi32, #tpu.memory_space<hbm>> -> memref<1x1x4x4x128xi32, #tpu.memory_space<hbm>>
      %dma_start3A_267 = tpu.memref_squeeze %dma_start3A_266 : memref<1x1x4x4x128xi32, #tpu.memory_space<hbm>> -> memref<4x4x128xi32, #tpu.memory_space<hbm>>
      %dma_start3A_268 = arith.constant 0 : i32
      %dma_start3A_269 = arith.constant 0 : i32
      %dma_start3A_270 = arith.constant 0 : i32
      %dma_start3A_271 = tpu.memref_slice %arg10[%dma_start3A_258, %dma_start3A_268, %dma_start3A_269, %dma_start3A_270] : memref<2x4x4x128xi32, #tpu.memory_space<vmem>> -> memref<1x4x4x128xi32, #tpu.memory_space<vmem>>
      %dma_start3A_272 = tpu.memref_squeeze %dma_start3A_271 : memref<1x4x4x128xi32, #tpu.memory_space<vmem>> -> memref<4x4x128xi32, #tpu.memory_space<vmem>>
      %dma_start3A_273 = arith.constant 0 : i32
      %dma_start3A_274 = arith.constant 0 : i32
      %dma_start3A_275 = tpu.memref_slice %arg4[%arg0, %add3A_23, %dma_start3A_273, %multiple_of3A_219, %dma_start3A_274] : memref<2x4x4x2048x128xi32, #tpu.memory_space<hbm>> -> memref<1x1x4x4x128xi32, #tpu.memory_space<hbm>>
      %dma_start3A_276 = tpu.memref_squeeze %dma_start3A_275 : memref<1x1x4x4x128xi32, #tpu.memory_space<hbm>> -> memref<4x4x128xi32, #tpu.memory_space<hbm>>
      tpu.enqueue_dma source(%dma_start3A_276 : memref<4x4x128xi32, #tpu.memory_space<hbm>>) target(%dma_start3A_272 : memref<4x4x128xi32, #tpu.memory_space<vmem>>) target_semaphore(%arg14 : memref<!tpu.dma_semaphore, #tpu.memory_space<semaphore_mem>>)
      %dma_start3A_277 = arith.constant 0 : i32
      %dma_start3A_278 = arith.constant 0 : i32
      %dma_start3A_279 = arith.constant 0 : i32
      %dma_start3A_280 = arith.constant 0 : i32
      %dma_start3A_281 = arith.constant 0 : i32
      %dma_start3A_282 = tpu.memref_slice %arg11[%dma_start3A_280, %dma_start3A_281] : memref<2048x8xf32, #tpu.memory_space<vmem>> -> memref<128x8xf32, #tpu.memory_space<vmem>>
      %dma_start3A_283 = arith.constant 0 : i32
      %dma_start3A_284 = tpu.memref_slice %arg10[%dma_start3A_277, %dma_start3A_278, %dma_start3A_279, %dma_start3A_283] : memref<2x4x4x128xi32, #tpu.memory_space<vmem>> -> memref<1x1x1x128xi32, #tpu.memory_space<vmem>>
      %dma_start3A_285 = tpu.memref_squeeze %dma_start3A_284 : memref<1x1x1x128xi32, #tpu.memory_space<vmem>> -> memref<128xi32, #tpu.memory_space<vmem>>
      %dma_start3A_286 = arith.constant 0 : i32
      %dma_start3A_287 = arith.constant 0 : i32
      %dma_start3A_288 = tpu.memref_slice %arg7[%dma_start3A_286, %dma_start3A_287] : memref<133120x8xf32, #tpu.memory_space<vmem_shared>> -> memref<133120x8xf32, #tpu.memory_space<vmem_shared>>
      tpu.enqueue_indirect_dma source(%dma_start3A_282 : memref<128x8xf32, #tpu.memory_space<vmem>>) target(%dma_start3A_288 : memref<133120x8xf32, #tpu.memory_space<vmem_shared>>) offsets(%dma_start3A_285 : memref<128xi32, #tpu.memory_space<vmem>>) semaphore(%arg15 : memref<!tpu.dma_semaphore, #tpu.memory_space<semaphore_mem>>) {add = true}
      %dma_start3A_289 = arith.constant 0 : i32
      %dma_start3A_290 = arith.constant 0 : i32
      %dma_start3A_291 = arith.constant 1 : i32
      %dma_start3A_292 = arith.constant 128 : i32
      %dma_start3A_293 = arith.constant 0 : i32
      %dma_start3A_294 = tpu.memref_slice %arg11[%dma_start3A_292, %dma_start3A_293] : memref<2048x8xf32, #tpu.memory_space<vmem>> -> memref<128x8xf32, #tpu.memory_space<vmem>>
      %dma_start3A_295 = arith.constant 0 : i32
      %dma_start3A_296 = tpu.memref_slice %arg10[%dma_start3A_289, %dma_start3A_290, %dma_start3A_291, %dma_start3A_295] : memref<2x4x4x128xi32, #tpu.memory_space<vmem>> -> memref<1x1x1x128xi32, #tpu.memory_space<vmem>>
      %dma_start3A_297 = tpu.memref_squeeze %dma_start3A_296 : memref<1x1x1x128xi32, #tpu.memory_space<vmem>> -> memref<128xi32, #tpu.memory_space<vmem>>
      %dma_start3A_298 = arith.constant 0 : i32
      %dma_start3A_299 = arith.constant 0 : i32
      %dma_start3A_300 = tpu.memref_slice %arg7[%dma_start3A_298, %dma_start3A_299] : memref<133120x8xf32, #tpu.memory_space<vmem_shared>> -> memref<133120x8xf32, #tpu.memory_space<vmem_shared>>
      tpu.enqueue_indirect_dma source(%dma_start3A_294 : memref<128x8xf32, #tpu.memory_space<vmem>>) target(%dma_start3A_300 : memref<133120x8xf32, #tpu.memory_space<vmem_shared>>) offsets(%dma_start3A_297 : memref<128xi32, #tpu.memory_space<vmem>>) semaphore(%arg15 : memref<!tpu.dma_semaphore, #tpu.memory_space<semaphore_mem>>) {add = true}
      %dma_start3A_301 = arith.constant 0 : i32
      %dma_start3A_302 = arith.constant 0 : i32
      %dma_start3A_303 = arith.constant 2 : i32
      %dma_start3A_304 = arith.constant 256 : i32
      %dma_start3A_305 = arith.constant 0 : i32
      %dma_start3A_306 = tpu.memref_slice %arg11[%dma_start3A_304, %dma_start3A_305] : memref<2048x8xf32, #tpu.memory_space<vmem>> -> memref<128x8xf32, #tpu.memory_space<vmem>>
      %dma_start3A_307 = arith.constant 0 : i32
      %dma_start3A_308 = tpu.memref_slice %arg10[%dma_start3A_301, %dma_start3A_302, %dma_start3A_303, %dma_start3A_307] : memref<2x4x4x128xi32, #tpu.memory_space<vmem>> -> memref<1x1x1x128xi32, #tpu.memory_space<vmem>>
      %dma_start3A_309 = tpu.memref_squeeze %dma_start3A_308 : memref<1x1x1x128xi32, #tpu.memory_space<vmem>> -> memref<128xi32, #tpu.memory_space<vmem>>
      %dma_start3A_310 = arith.constant 0 : i32
      %dma_start3A_311 = arith.constant 0 : i32
      %dma_start3A_312 = tpu.memref_slice %arg7[%dma_start3A_310, %dma_start3A_311] : memref<133120x8xf32, #tpu.memory_space<vmem_shared>> -> memref<133120x8xf32, #tpu.memory_space<vmem_shared>>
      tpu.enqueue_indirect_dma source(%dma_start3A_306 : memref<128x8xf32, #tpu.memory_space<vmem>>) target(%dma_start3A_312 : memref<133120x8xf32, #tpu.memory_space<vmem_shared>>) offsets(%dma_start3A_309 : memref<128xi32, #tpu.memory_space<vmem>>) semaphore(%arg15 : memref<!tpu.dma_semaphore, #tpu.memory_space<semaphore_mem>>) {add = true}
      %dma_start3A_313 = arith.constant 0 : i32
      %dma_start3A_314 = arith.constant 0 : i32
      %dma_start3A_315 = arith.constant 3 : i32
      %dma_start3A_316 = arith.constant 384 : i32
      %dma_start3A_317 = arith.constant 0 : i32
      %dma_start3A_318 = tpu.memref_slice %arg11[%dma_start3A_316, %dma_start3A_317] : memref<2048x8xf32, #tpu.memory_space<vmem>> -> memref<128x8xf32, #tpu.memory_space<vmem>>
      %dma_start3A_319 = arith.constant 0 : i32
      %dma_start3A_320 = tpu.memref_slice %arg10[%dma_start3A_313, %dma_start3A_314, %dma_start3A_315, %dma_start3A_319] : memref<2x4x4x128xi32, #tpu.memory_space<vmem>> -> memref<1x1x1x128xi32, #tpu.memory_space<vmem>>
      %dma_start3A_321 = tpu.memref_squeeze %dma_start3A_320 : memref<1x1x1x128xi32, #tpu.memory_space<vmem>> -> memref<128xi32, #tpu.memory_space<vmem>>
      %dma_start3A_322 = arith.constant 0 : i32
      %dma_start3A_323 = arith.constant 0 : i32
      %dma_start3A_324 = tpu.memref_slice %arg7[%dma_start3A_322, %dma_start3A_323] : memref<133120x8xf32, #tpu.memory_space<vmem_shared>> -> memref<133120x8xf32, #tpu.memory_space<vmem_shared>>
      tpu.enqueue_indirect_dma source(%dma_start3A_318 : memref<128x8xf32, #tpu.memory_space<vmem>>) target(%dma_start3A_324 : memref<133120x8xf32, #tpu.memory_space<vmem_shared>>) offsets(%dma_start3A_321 : memref<128xi32, #tpu.memory_space<vmem>>) semaphore(%arg15 : memref<!tpu.dma_semaphore, #tpu.memory_space<semaphore_mem>>) {add = true}
      %dma_start3A_325 = arith.constant 0 : i32
      %dma_start3A_326 = arith.constant 1 : i32
      %dma_start3A_327 = arith.constant 0 : i32
      %dma_start3A_328 = arith.constant 512 : i32
      %dma_start3A_329 = arith.constant 0 : i32
      %dma_start3A_330 = tpu.memref_slice %arg11[%dma_start3A_328, %dma_start3A_329] : memref<2048x8xf32, #tpu.memory_space<vmem>> -> memref<128x8xf32, #tpu.memory_space<vmem>>
      %dma_start3A_331 = arith.constant 0 : i32
      %dma_start3A_332 = tpu.memref_slice %arg10[%dma_start3A_325, %dma_start3A_326, %dma_start3A_327, %dma_start3A_331] : memref<2x4x4x128xi32, #tpu.memory_space<vmem>> -> memref<1x1x1x128xi32, #tpu.memory_space<vmem>>
      %dma_start3A_333 = tpu.memref_squeeze %dma_start3A_332 : memref<1x1x1x128xi32, #tpu.memory_space<vmem>> -> memref<128xi32, #tpu.memory_space<vmem>>
      %dma_start3A_334 = arith.constant 0 : i32
      %dma_start3A_335 = arith.constant 0 : i32
      %dma_start3A_336 = tpu.memref_slice %arg7[%dma_start3A_334, %dma_start3A_335] : memref<133120x8xf32, #tpu.memory_space<vmem_shared>> -> memref<133120x8xf32, #tpu.memory_space<vmem_shared>>
      tpu.enqueue_indirect_dma source(%dma_start3A_330 : memref<128x8xf32, #tpu.memory_space<vmem>>) target(%dma_start3A_336 : memref<133120x8xf32, #tpu.memory_space<vmem_shared>>) offsets(%dma_start3A_333 : memref<128xi32, #tpu.memory_space<vmem>>) semaphore(%arg15 : memref<!tpu.dma_semaphore, #tpu.memory_space<semaphore_mem>>) {add = true}
      %dma_start3A_337 = arith.constant 0 : i32
      %dma_start3A_338 = arith.constant 1 : i32
      %dma_start3A_339 = arith.constant 1 : i32
      %dma_start3A_340 = arith.constant 640 : i32
      %dma_start3A_341 = arith.constant 0 : i32
      %dma_start3A_342 = tpu.memref_slice %arg11[%dma_start3A_340, %dma_start3A_341] : memref<2048x8xf32, #tpu.memory_space<vmem>> -> memref<128x8xf32, #tpu.memory_space<vmem>>
      %dma_start3A_343 = arith.constant 0 : i32
      %dma_start3A_344 = tpu.memref_slice %arg10[%dma_start3A_337, %dma_start3A_338, %dma_start3A_339, %dma_start3A_343] : memref<2x4x4x128xi32, #tpu.memory_space<vmem>> -> memref<1x1x1x128xi32, #tpu.memory_space<vmem>>
      %dma_start3A_345 = tpu.memref_squeeze %dma_start3A_344 : memref<1x1x1x128xi32, #tpu.memory_space<vmem>> -> memref<128xi32, #tpu.memory_space<vmem>>
      %dma_start3A_346 = arith.constant 0 : i32
      %dma_start3A_347 = arith.constant 0 : i32
      %dma_start3A_348 = tpu.memref_slice %arg7[%dma_start3A_346, %dma_start3A_347] : memref<133120x8xf32, #tpu.memory_space<vmem_shared>> -> memref<133120x8xf32, #tpu.memory_space<vmem_shared>>
      tpu.enqueue_indirect_dma source(%dma_start3A_342 : memref<128x8xf32, #tpu.memory_space<vmem>>) target(%dma_start3A_348 : memref<133120x8xf32, #tpu.memory_space<vmem_shared>>) offsets(%dma_start3A_345 : memref<128xi32, #tpu.memory_space<vmem>>) semaphore(%arg15 : memref<!tpu.dma_semaphore, #tpu.memory_space<semaphore_mem>>) {add = true}
      %dma_start3A_349 = arith.constant 0 : i32
      %dma_start3A_350 = arith.constant 1 : i32
      %dma_start3A_351 = arith.constant 2 : i32
      %dma_start3A_352 = arith.constant 768 : i32
      %dma_start3A_353 = arith.constant 0 : i32
      %dma_start3A_354 = tpu.memref_slice %arg11[%dma_start3A_352, %dma_start3A_353] : memref<2048x8xf32, #tpu.memory_space<vmem>> -> memref<128x8xf32, #tpu.memory_space<vmem>>
      %dma_start3A_355 = arith.constant 0 : i32
      %dma_start3A_356 = tpu.memref_slice %arg10[%dma_start3A_349, %dma_start3A_350, %dma_start3A_351, %dma_start3A_355] : memref<2x4x4x128xi32, #tpu.memory_space<vmem>> -> memref<1x1x1x128xi32, #tpu.memory_space<vmem>>
      %dma_start3A_357 = tpu.memref_squeeze %dma_start3A_356 : memref<1x1x1x128xi32, #tpu.memory_space<vmem>> -> memref<128xi32, #tpu.memory_space<vmem>>
      %dma_start3A_358 = arith.constant 0 : i32
      %dma_start3A_359 = arith.constant 0 : i32
      %dma_start3A_360 = tpu.memref_slice %arg7[%dma_start3A_358, %dma_start3A_359] : memref<133120x8xf32, #tpu.memory_space<vmem_shared>> -> memref<133120x8xf32, #tpu.memory_space<vmem_shared>>
      tpu.enqueue_indirect_dma source(%dma_start3A_354 : memref<128x8xf32, #tpu.memory_space<vmem>>) target(%dma_start3A_360 : memref<133120x8xf32, #tpu.memory_space<vmem_shared>>) offsets(%dma_start3A_357 : memref<128xi32, #tpu.memory_space<vmem>>) semaphore(%arg15 : memref<!tpu.dma_semaphore, #tpu.memory_space<semaphore_mem>>) {add = true}
      %dma_start3A_361 = arith.constant 0 : i32
      %dma_start3A_362 = arith.constant 1 : i32
      %dma_start3A_363 = arith.constant 3 : i32
      %dma_start3A_364 = arith.constant 896 : i32
      %dma_start3A_365 = arith.constant 0 : i32
      %dma_start3A_366 = tpu.memref_slice %arg11[%dma_start3A_364, %dma_start3A_365] : memref<2048x8xf32, #tpu.memory_space<vmem>> -> memref<128x8xf32, #tpu.memory_space<vmem>>
      %dma_start3A_367 = arith.constant 0 : i32
      %dma_start3A_368 = tpu.memref_slice %arg10[%dma_start3A_361, %dma_start3A_362, %dma_start3A_363, %dma_start3A_367] : memref<2x4x4x128xi32, #tpu.memory_space<vmem>> -> memref<1x1x1x128xi32, #tpu.memory_space<vmem>>
      %dma_start3A_369 = tpu.memref_squeeze %dma_start3A_368 : memref<1x1x1x128xi32, #tpu.memory_space<vmem>> -> memref<128xi32, #tpu.memory_space<vmem>>
      %dma_start3A_370 = arith.constant 0 : i32
      %dma_start3A_371 = arith.constant 0 : i32
      %dma_start3A_372 = tpu.memref_slice %arg7[%dma_start3A_370, %dma_start3A_371] : memref<133120x8xf32, #tpu.memory_space<vmem_shared>> -> memref<133120x8xf32, #tpu.memory_space<vmem_shared>>
      tpu.enqueue_indirect_dma source(%dma_start3A_366 : memref<128x8xf32, #tpu.memory_space<vmem>>) target(%dma_start3A_372 : memref<133120x8xf32, #tpu.memory_space<vmem_shared>>) offsets(%dma_start3A_369 : memref<128xi32, #tpu.memory_space<vmem>>) semaphore(%arg15 : memref<!tpu.dma_semaphore, #tpu.memory_space<semaphore_mem>>) {add = true}
      %dma_start3A_373 = arith.constant 0 : i32
      %dma_start3A_374 = arith.constant 2 : i32
      %dma_start3A_375 = arith.constant 0 : i32
      %dma_start3A_376 = arith.constant 1024 : i32
      %dma_start3A_377 = arith.constant 0 : i32
      %dma_start3A_378 = tpu.memref_slice %arg11[%dma_start3A_376, %dma_start3A_377] : memref<2048x8xf32, #tpu.memory_space<vmem>> -> memref<128x8xf32, #tpu.memory_space<vmem>>
      %dma_start3A_379 = arith.constant 0 : i32
      %dma_start3A_380 = tpu.memref_slice %arg10[%dma_start3A_373, %dma_start3A_374, %dma_start3A_375, %dma_start3A_379] : memref<2x4x4x128xi32, #tpu.memory_space<vmem>> -> memref<1x1x1x128xi32, #tpu.memory_space<vmem>>
      %dma_start3A_381 = tpu.memref_squeeze %dma_start3A_380 : memref<1x1x1x128xi32, #tpu.memory_space<vmem>> -> memref<128xi32, #tpu.memory_space<vmem>>
      %dma_start3A_382 = arith.constant 0 : i32
      %dma_start3A_383 = arith.constant 0 : i32
      %dma_start3A_384 = tpu.memref_slice %arg7[%dma_start3A_382, %dma_start3A_383] : memref<133120x8xf32, #tpu.memory_space<vmem_shared>> -> memref<133120x8xf32, #tpu.memory_space<vmem_shared>>
      tpu.enqueue_indirect_dma source(%dma_start3A_378 : memref<128x8xf32, #tpu.memory_space<vmem>>) target(%dma_start3A_384 : memref<133120x8xf32, #tpu.memory_space<vmem_shared>>) offsets(%dma_start3A_381 : memref<128xi32, #tpu.memory_space<vmem>>) semaphore(%arg15 : memref<!tpu.dma_semaphore, #tpu.memory_space<semaphore_mem>>) {add = true}
      %dma_start3A_385 = arith.constant 0 : i32
      %dma_start3A_386 = arith.constant 2 : i32
      %dma_start3A_387 = arith.constant 1 : i32
      %dma_start3A_388 = arith.constant 1152 : i32
      %dma_start3A_389 = arith.constant 0 : i32
      %dma_start3A_390 = tpu.memref_slice %arg11[%dma_start3A_388, %dma_start3A_389] : memref<2048x8xf32, #tpu.memory_space<vmem>> -> memref<128x8xf32, #tpu.memory_space<vmem>>
      %dma_start3A_391 = arith.constant 0 : i32
      %dma_start3A_392 = tpu.memref_slice %arg10[%dma_start3A_385, %dma_start3A_386, %dma_start3A_387, %dma_start3A_391] : memref<2x4x4x128xi32, #tpu.memory_space<vmem>> -> memref<1x1x1x128xi32, #tpu.memory_space<vmem>>
      %dma_start3A_393 = tpu.memref_squeeze %dma_start3A_392 : memref<1x1x1x128xi32, #tpu.memory_space<vmem>> -> memref<128xi32, #tpu.memory_space<vmem>>
      %dma_start3A_394 = arith.constant 0 : i32
      %dma_start3A_395 = arith.constant 0 : i32
      %dma_start3A_396 = tpu.memref_slice %arg7[%dma_start3A_394, %dma_start3A_395] : memref<133120x8xf32, #tpu.memory_space<vmem_shared>> -> memref<133120x8xf32, #tpu.memory_space<vmem_shared>>
      tpu.enqueue_indirect_dma source(%dma_start3A_390 : memref<128x8xf32, #tpu.memory_space<vmem>>) target(%dma_start3A_396 : memref<133120x8xf32, #tpu.memory_space<vmem_shared>>) offsets(%dma_start3A_393 : memref<128xi32, #tpu.memory_space<vmem>>) semaphore(%arg15 : memref<!tpu.dma_semaphore, #tpu.memory_space<semaphore_mem>>) {add = true}
      %dma_start3A_397 = arith.constant 0 : i32
      %dma_start3A_398 = arith.constant 2 : i32
      %dma_start3A_399 = arith.constant 2 : i32
      %dma_start3A_400 = arith.constant 1280 : i32
      %dma_start3A_401 = arith.constant 0 : i32
      %dma_start3A_402 = tpu.memref_slice %arg11[%dma_start3A_400, %dma_start3A_401] : memref<2048x8xf32, #tpu.memory_space<vmem>> -> memref<128x8xf32, #tpu.memory_space<vmem>>
      %dma_start3A_403 = arith.constant 0 : i32
      %dma_start3A_404 = tpu.memref_slice %arg10[%dma_start3A_397, %dma_start3A_398, %dma_start3A_399, %dma_start3A_403] : memref<2x4x4x128xi32, #tpu.memory_space<vmem>> -> memref<1x1x1x128xi32, #tpu.memory_space<vmem>>
      %dma_start3A_405 = tpu.memref_squeeze %dma_start3A_404 : memref<1x1x1x128xi32, #tpu.memory_space<vmem>> -> memref<128xi32, #tpu.memory_space<vmem>>
      %dma_start3A_406 = arith.constant 0 : i32
      %dma_start3A_407 = arith.constant 0 : i32
      %dma_start3A_408 = tpu.memref_slice %arg7[%dma_start3A_406, %dma_start3A_407] : memref<133120x8xf32, #tpu.memory_space<vmem_shared>> -> memref<133120x8xf32, #tpu.memory_space<vmem_shared>>
      tpu.enqueue_indirect_dma source(%dma_start3A_402 : memref<128x8xf32, #tpu.memory_space<vmem>>) target(%dma_start3A_408 : memref<133120x8xf32, #tpu.memory_space<vmem_shared>>) offsets(%dma_start3A_405 : memref<128xi32, #tpu.memory_space<vmem>>) semaphore(%arg15 : memref<!tpu.dma_semaphore, #tpu.memory_space<semaphore_mem>>) {add = true}
      %dma_start3A_409 = arith.constant 0 : i32
      %dma_start3A_410 = arith.constant 2 : i32
      %dma_start3A_411 = arith.constant 3 : i32
      %dma_start3A_412 = arith.constant 1408 : i32
      %dma_start3A_413 = arith.constant 0 : i32
      %dma_start3A_414 = tpu.memref_slice %arg11[%dma_start3A_412, %dma_start3A_413] : memref<2048x8xf32, #tpu.memory_space<vmem>> -> memref<128x8xf32, #tpu.memory_space<vmem>>
      %dma_start3A_415 = arith.constant 0 : i32
      %dma_start3A_416 = tpu.memref_slice %arg10[%dma_start3A_409, %dma_start3A_410, %dma_start3A_411, %dma_start3A_415] : memref<2x4x4x128xi32, #tpu.memory_space<vmem>> -> memref<1x1x1x128xi32, #tpu.memory_space<vmem>>
      %dma_start3A_417 = tpu.memref_squeeze %dma_start3A_416 : memref<1x1x1x128xi32, #tpu.memory_space<vmem>> -> memref<128xi32, #tpu.memory_space<vmem>>
      %dma_start3A_418 = arith.constant 0 : i32
      %dma_start3A_419 = arith.constant 0 : i32
      %dma_start3A_420 = tpu.memref_slice %arg7[%dma_start3A_418, %dma_start3A_419] : memref<133120x8xf32, #tpu.memory_space<vmem_shared>> -> memref<133120x8xf32, #tpu.memory_space<vmem_shared>>
      tpu.enqueue_indirect_dma source(%dma_start3A_414 : memref<128x8xf32, #tpu.memory_space<vmem>>) target(%dma_start3A_420 : memref<133120x8xf32, #tpu.memory_space<vmem_shared>>) offsets(%dma_start3A_417 : memref<128xi32, #tpu.memory_space<vmem>>) semaphore(%arg15 : memref<!tpu.dma_semaphore, #tpu.memory_space<semaphore_mem>>) {add = true}
      %dma_start3A_421 = arith.constant 0 : i32
      %dma_start3A_422 = arith.constant 3 : i32
      %dma_start3A_423 = arith.constant 0 : i32
      %dma_start3A_424 = arith.constant 1536 : i32
      %dma_start3A_425 = arith.constant 0 : i32
      %dma_start3A_426 = tpu.memref_slice %arg11[%dma_start3A_424, %dma_start3A_425] : memref<2048x8xf32, #tpu.memory_space<vmem>> -> memref<128x8xf32, #tpu.memory_space<vmem>>
      %dma_start3A_427 = arith.constant 0 : i32
      %dma_start3A_428 = tpu.memref_slice %arg10[%dma_start3A_421, %dma_start3A_422, %dma_start3A_423, %dma_start3A_427] : memref<2x4x4x128xi32, #tpu.memory_space<vmem>> -> memref<1x1x1x128xi32, #tpu.memory_space<vmem>>
      %dma_start3A_429 = tpu.memref_squeeze %dma_start3A_428 : memref<1x1x1x128xi32, #tpu.memory_space<vmem>> -> memref<128xi32, #tpu.memory_space<vmem>>
      %dma_start3A_430 = arith.constant 0 : i32
      %dma_start3A_431 = arith.constant 0 : i32
      %dma_start3A_432 = tpu.memref_slice %arg7[%dma_start3A_430, %dma_start3A_431] : memref<133120x8xf32, #tpu.memory_space<vmem_shared>> -> memref<133120x8xf32, #tpu.memory_space<vmem_shared>>
      tpu.enqueue_indirect_dma source(%dma_start3A_426 : memref<128x8xf32, #tpu.memory_space<vmem>>) target(%dma_start3A_432 : memref<133120x8xf32, #tpu.memory_space<vmem_shared>>) offsets(%dma_start3A_429 : memref<128xi32, #tpu.memory_space<vmem>>) semaphore(%arg15 : memref<!tpu.dma_semaphore, #tpu.memory_space<semaphore_mem>>) {add = true}
      %dma_start3A_433 = arith.constant 0 : i32
      %dma_start3A_434 = arith.constant 3 : i32
      %dma_start3A_435 = arith.constant 1 : i32
      %dma_start3A_436 = arith.constant 1664 : i32
      %dma_start3A_437 = arith.constant 0 : i32
      %dma_start3A_438 = tpu.memref_slice %arg11[%dma_start3A_436, %dma_start3A_437] : memref<2048x8xf32, #tpu.memory_space<vmem>> -> memref<128x8xf32, #tpu.memory_space<vmem>>
      %dma_start3A_439 = arith.constant 0 : i32
      %dma_start3A_440 = tpu.memref_slice %arg10[%dma_start3A_433, %dma_start3A_434, %dma_start3A_435, %dma_start3A_439] : memref<2x4x4x128xi32, #tpu.memory_space<vmem>> -> memref<1x1x1x128xi32, #tpu.memory_space<vmem>>
      %dma_start3A_441 = tpu.memref_squeeze %dma_start3A_440 : memref<1x1x1x128xi32, #tpu.memory_space<vmem>> -> memref<128xi32, #tpu.memory_space<vmem>>
      %dma_start3A_442 = arith.constant 0 : i32
      %dma_start3A_443 = arith.constant 0 : i32
      %dma_start3A_444 = tpu.memref_slice %arg7[%dma_start3A_442, %dma_start3A_443] : memref<133120x8xf32, #tpu.memory_space<vmem_shared>> -> memref<133120x8xf32, #tpu.memory_space<vmem_shared>>
      tpu.enqueue_indirect_dma source(%dma_start3A_438 : memref<128x8xf32, #tpu.memory_space<vmem>>) target(%dma_start3A_444 : memref<133120x8xf32, #tpu.memory_space<vmem_shared>>) offsets(%dma_start3A_441 : memref<128xi32, #tpu.memory_space<vmem>>) semaphore(%arg15 : memref<!tpu.dma_semaphore, #tpu.memory_space<semaphore_mem>>) {add = true}
      %dma_start3A_445 = arith.constant 0 : i32
      %dma_start3A_446 = arith.constant 3 : i32
      %dma_start3A_447 = arith.constant 2 : i32
      %dma_start3A_448 = arith.constant 1792 : i32
      %dma_start3A_449 = arith.constant 0 : i32
      %dma_start3A_450 = tpu.memref_slice %arg11[%dma_start3A_448, %dma_start3A_449] : memref<2048x8xf32, #tpu.memory_space<vmem>> -> memref<128x8xf32, #tpu.memory_space<vmem>>
      %dma_start3A_451 = arith.constant 0 : i32
      %dma_start3A_452 = tpu.memref_slice %arg10[%dma_start3A_445, %dma_start3A_446, %dma_start3A_447, %dma_start3A_451] : memref<2x4x4x128xi32, #tpu.memory_space<vmem>> -> memref<1x1x1x128xi32, #tpu.memory_space<vmem>>
      %dma_start3A_453 = tpu.memref_squeeze %dma_start3A_452 : memref<1x1x1x128xi32, #tpu.memory_space<vmem>> -> memref<128xi32, #tpu.memory_space<vmem>>
      %dma_start3A_454 = arith.constant 0 : i32
      %dma_start3A_455 = arith.constant 0 : i32
      %dma_start3A_456 = tpu.memref_slice %arg7[%dma_start3A_454, %dma_start3A_455] : memref<133120x8xf32, #tpu.memory_space<vmem_shared>> -> memref<133120x8xf32, #tpu.memory_space<vmem_shared>>
      tpu.enqueue_indirect_dma source(%dma_start3A_450 : memref<128x8xf32, #tpu.memory_space<vmem>>) target(%dma_start3A_456 : memref<133120x8xf32, #tpu.memory_space<vmem_shared>>) offsets(%dma_start3A_453 : memref<128xi32, #tpu.memory_space<vmem>>) semaphore(%arg15 : memref<!tpu.dma_semaphore, #tpu.memory_space<semaphore_mem>>) {add = true}
      %dma_start3A_457 = arith.constant 0 : i32
      %dma_start3A_458 = arith.constant 3 : i32
      %dma_start3A_459 = arith.constant 3 : i32
      %dma_start3A_460 = arith.constant 1920 : i32
      %dma_start3A_461 = arith.constant 0 : i32
      %dma_start3A_462 = tpu.memref_slice %arg11[%dma_start3A_460, %dma_start3A_461] : memref<2048x8xf32, #tpu.memory_space<vmem>> -> memref<128x8xf32, #tpu.memory_space<vmem>>
      %dma_start3A_463 = arith.constant 0 : i32
      %dma_start3A_464 = tpu.memref_slice %arg10[%dma_start3A_457, %dma_start3A_458, %dma_start3A_459, %dma_start3A_463] : memref<2x4x4x128xi32, #tpu.memory_space<vmem>> -> memref<1x1x1x128xi32, #tpu.memory_space<vmem>>
      %dma_start3A_465 = tpu.memref_squeeze %dma_start3A_464 : memref<1x1x1x128xi32, #tpu.memory_space<vmem>> -> memref<128xi32, #tpu.memory_space<vmem>>
      %dma_start3A_466 = arith.constant 0 : i32
      %dma_start3A_467 = arith.constant 0 : i32
      %dma_start3A_468 = tpu.memref_slice %arg7[%dma_start3A_466, %dma_start3A_467] : memref<133120x8xf32, #tpu.memory_space<vmem_shared>> -> memref<133120x8xf32, #tpu.memory_space<vmem_shared>>
      tpu.enqueue_indirect_dma source(%dma_start3A_462 : memref<128x8xf32, #tpu.memory_space<vmem>>) target(%dma_start3A_468 : memref<133120x8xf32, #tpu.memory_space<vmem_shared>>) offsets(%dma_start3A_465 : memref<128xi32, #tpu.memory_space<vmem>>) semaphore(%arg15 : memref<!tpu.dma_semaphore, #tpu.memory_space<semaphore_mem>>) {add = true}
      %scan3A_469 = arith.constant 0 : i32
      %scan3A_470 = arith.constant 15 : i32
      %scan3A_471 = arith.addi %scan3A_469, %scan3A_470 : i32
      %scan3A_472 = arith.constant 1 : i32
      scf.for %scan3A_1149 = %scan3A_469 to %scan3A_471 step %scan3A_472  : i32 {
        %mul3A_1150 = arith.constant 1 : i32
        %mul3A_1151 = arith.muli %scan3A_1149, %mul3A_1150 : i32
        %add3A_1152 = arith.constant 0 : i32
        %add3A_1153 = arith.addi %add3A_1152, %mul3A_1151 : i32
        %mul3A_1154 = arith.constant 2 : i32
        %mul3A_1155 = arith.muli %add3A_1153, %mul3A_1154 : i32
        %add3A_1156 = arith.constant 1 : i32
        %add3A_1157 = arith.addi %mul3A_1155, %add3A_1156 : i32
        %mul3A_1158 = arith.constant 16384 : i32
        %mul3A_1159 = arith.muli %arg1, %mul3A_1158 : i32
        %mul3A_1160 = arith.constant 512 : i32
        %mul3A_1161 = arith.muli %add3A_1157, %mul3A_1160 : i32
        %add3A_1162 = arith.addi %mul3A_1159, %mul3A_1161 : i32
        %jit3A_1163 = arith.constant 128 : i32
        %div3A_1164 = arith.divsi %add3A_1162, %jit3A_1163 : i32
        %sign3A_1165 = arith.constant 0 : i32
        %sign3A_1166 = arith.cmpi sgt, %add3A_1162, %sign3A_1165 : i32
        %sign3A_1167 = arith.extui %sign3A_1166 : i1 to i32
        %sign3A_1168 = arith.constant 0 : i32
        %sign3A_1169 = arith.cmpi slt, %add3A_1162, %sign3A_1168 : i32
        %sign3A_1170 = arith.extui %sign3A_1169 : i1 to i32
        %sign3A_1171 = arith.subi %sign3A_1167, %sign3A_1170 : i32
        %sign3A_1172 = arith.constant 0 : i32
        %sign3A_1173 = arith.cmpi sgt, %jit3A_1163, %sign3A_1172 : i32
        %sign3A_1174 = arith.extui %sign3A_1173 : i1 to i32
        %sign3A_1175 = arith.constant 0 : i32
        %sign3A_1176 = arith.cmpi slt, %jit3A_1163, %sign3A_1175 : i32
        %sign3A_1177 = arith.extui %sign3A_1176 : i1 to i32
        %sign3A_1178 = arith.subi %sign3A_1174, %sign3A_1177 : i32
        %ne3A_1179 = arith.cmpi ne, %sign3A_1171, %sign3A_1178 : i32
        %rem3A_1180 = arith.remsi %add3A_1162, %jit3A_1163 : i32
        %ne3A_1181 = arith.constant 0 : i32
        %ne3A_1182 = arith.cmpi ne, %rem3A_1180, %ne3A_1181 : i32
        %and3A_1183 = arith.andi %ne3A_1179, %ne3A_1182 : i1
        %sub3A_1184 = arith.constant 1 : i32
        %sub3A_1185 = arith.subi %div3A_1164, %sub3A_1184 : i32
        %select_n3A_1186 = arith.select %and3A_1183, %sub3A_1185, %div3A_1164 : i32
        %multiple_of3A_1187 = tpu.assume_multiple %select_n3A_1186, 4 : i32
        %dma_wait3A_1188 = arith.constant 1 : i32
        %dma_wait3A_1189 = arith.constant 0 : i32
        %dma_wait3A_1190 = arith.constant 0 : i32
        %dma_wait3A_1191 = arith.constant 0 : i32
        %dma_wait3A_1192 = tpu.memref_slice %arg8[%dma_wait3A_1188, %dma_wait3A_1189, %dma_wait3A_1190, %dma_wait3A_1191] : memref<2x8x4x128xf32, #tpu.memory_space<vmem>> -> memref<1x8x4x128xf32, #tpu.memory_space<vmem>>
        %dma_wait3A_1193 = tpu.memref_squeeze %dma_wait3A_1192 : memref<1x8x4x128xf32, #tpu.memory_space<vmem>> -> memref<8x4x128xf32, #tpu.memory_space<vmem>>
        %dma_wait3A_1194 = arith.constant 0 : i32
        %dma_wait3A_1195 = arith.constant 0 : i32
        %dma_wait3A_1196 = tpu.memref_slice %arg2[%add3A_23, %dma_wait3A_1194, %multiple_of3A_1187, %dma_wait3A_1195] : memref<4x8x2048x128xf32, #tpu.memory_space<hbm>> -> memref<1x8x4x128xf32, #tpu.memory_space<hbm>>
        %dma_wait3A_1197 = tpu.memref_squeeze %dma_wait3A_1196 : memref<1x8x4x128xf32, #tpu.memory_space<hbm>> -> memref<8x4x128xf32, #tpu.memory_space<hbm>>
        %dma_wait3A_1198 = arith.constant 0 : i32
        %dma_wait3A_1199 = arith.constant 0 : i32
        %dma_wait3A_1200 = arith.constant 0 : i32
        %dma_wait3A_1201 = tpu.memref_slice %arg8[%dma_wait3A_1188, %dma_wait3A_1198, %dma_wait3A_1199, %dma_wait3A_1200] : memref<2x8x4x128xf32, #tpu.memory_space<vmem>> -> memref<1x8x4x128xf32, #tpu.memory_space<vmem>>
        %dma_wait3A_1202 = tpu.memref_squeeze %dma_wait3A_1201 : memref<1x8x4x128xf32, #tpu.memory_space<vmem>> -> memref<8x4x128xf32, #tpu.memory_space<vmem>>
        %dma_wait3A_1203 = arith.constant 0 : i32
        %dma_wait3A_1204 = arith.constant 0 : i32
        %dma_wait3A_1205 = tpu.memref_slice %arg2[%add3A_23, %dma_wait3A_1203, %multiple_of3A_1187, %dma_wait3A_1204] : memref<4x8x2048x128xf32, #tpu.memory_space<hbm>> -> memref<1x8x4x128xf32, #tpu.memory_space<hbm>>
        %dma_wait3A_1206 = tpu.memref_squeeze %dma_wait3A_1205 : memref<1x8x4x128xf32, #tpu.memory_space<hbm>> -> memref<8x4x128xf32, #tpu.memory_space<hbm>>
        tpu.wait_dma2 semaphore(%arg14 : memref<!tpu.dma_semaphore, #tpu.memory_space<semaphore_mem>>) src(%dma_wait3A_1206 : memref<8x4x128xf32, #tpu.memory_space<hbm>>) dst(%dma_wait3A_1202 : memref<8x4x128xf32, #tpu.memory_space<vmem>>)
        %dma_wait3A_1207 = arith.constant 1 : i32
        %dma_wait3A_1208 = arith.constant 0 : i32
        %dma_wait3A_1209 = arith.constant 0 : i32
        %dma_wait3A_1210 = arith.constant 0 : i32
        %dma_wait3A_1211 = tpu.memref_slice %arg9[%dma_wait3A_1207, %dma_wait3A_1208, %dma_wait3A_1209, %dma_wait3A_1210] : memref<2x4x4x128xf32, #tpu.memory_space<vmem>> -> memref<1x4x4x128xf32, #tpu.memory_space<vmem>>
        %dma_wait3A_1212 = tpu.memref_squeeze %dma_wait3A_1211 : memref<1x4x4x128xf32, #tpu.memory_space<vmem>> -> memref<4x4x128xf32, #tpu.memory_space<vmem>>
        %dma_wait3A_1213 = arith.constant 0 : i32
        %dma_wait3A_1214 = arith.constant 0 : i32
        %dma_wait3A_1215 = tpu.memref_slice %arg3[%add3A_23, %dma_wait3A_1213, %multiple_of3A_1187, %dma_wait3A_1214] : memref<4x4x2048x128xf32, #tpu.memory_space<hbm>> -> memref<1x4x4x128xf32, #tpu.memory_space<hbm>>
        %dma_wait3A_1216 = tpu.memref_squeeze %dma_wait3A_1215 : memref<1x4x4x128xf32, #tpu.memory_space<hbm>> -> memref<4x4x128xf32, #tpu.memory_space<hbm>>
        %dma_wait3A_1217 = arith.constant 0 : i32
        %dma_wait3A_1218 = arith.constant 0 : i32
        %dma_wait3A_1219 = arith.constant 0 : i32
        %dma_wait3A_1220 = tpu.memref_slice %arg9[%dma_wait3A_1207, %dma_wait3A_1217, %dma_wait3A_1218, %dma_wait3A_1219] : memref<2x4x4x128xf32, #tpu.memory_space<vmem>> -> memref<1x4x4x128xf32, #tpu.memory_space<vmem>>
        %dma_wait3A_1221 = tpu.memref_squeeze %dma_wait3A_1220 : memref<1x4x4x128xf32, #tpu.memory_space<vmem>> -> memref<4x4x128xf32, #tpu.memory_space<vmem>>
        %dma_wait3A_1222 = arith.constant 0 : i32
        %dma_wait3A_1223 = arith.constant 0 : i32
        %dma_wait3A_1224 = tpu.memref_slice %arg3[%add3A_23, %dma_wait3A_1222, %multiple_of3A_1187, %dma_wait3A_1223] : memref<4x4x2048x128xf32, #tpu.memory_space<hbm>> -> memref<1x4x4x128xf32, #tpu.memory_space<hbm>>
        %dma_wait3A_1225 = tpu.memref_squeeze %dma_wait3A_1224 : memref<1x4x4x128xf32, #tpu.memory_space<hbm>> -> memref<4x4x128xf32, #tpu.memory_space<hbm>>
        tpu.wait_dma2 semaphore(%arg14 : memref<!tpu.dma_semaphore, #tpu.memory_space<semaphore_mem>>) src(%dma_wait3A_1225 : memref<4x4x128xf32, #tpu.memory_space<hbm>>) dst(%dma_wait3A_1221 : memref<4x4x128xf32, #tpu.memory_space<vmem>>)
        %dma_wait3A_1226 = arith.constant 1 : i32
        %dma_wait3A_1227 = arith.constant 0 : i32
        %dma_wait3A_1228 = arith.constant 0 : i32
        %dma_wait3A_1229 = arith.constant 0 : i32
        %dma_wait3A_1230 = tpu.memref_slice %arg10[%dma_wait3A_1226, %dma_wait3A_1227, %dma_wait3A_1228, %dma_wait3A_1229] : memref<2x4x4x128xi32, #tpu.memory_space<vmem>> -> memref<1x4x4x128xi32, #tpu.memory_space<vmem>>
        %dma_wait3A_1231 = tpu.memref_squeeze %dma_wait3A_1230 : memref<1x4x4x128xi32, #tpu.memory_space<vmem>> -> memref<4x4x128xi32, #tpu.memory_space<vmem>>
        %dma_wait3A_1232 = arith.constant 0 : i32
        %dma_wait3A_1233 = arith.constant 0 : i32
        %dma_wait3A_1234 = tpu.memref_slice %arg4[%arg0, %add3A_23, %dma_wait3A_1232, %multiple_of3A_1187, %dma_wait3A_1233] : memref<2x4x4x2048x128xi32, #tpu.memory_space<hbm>> -> memref<1x1x4x4x128xi32, #tpu.memory_space<hbm>>
        %dma_wait3A_1235 = tpu.memref_squeeze %dma_wait3A_1234 : memref<1x1x4x4x128xi32, #tpu.memory_space<hbm>> -> memref<4x4x128xi32, #tpu.memory_space<hbm>>
        %dma_wait3A_1236 = arith.constant 0 : i32
        %dma_wait3A_1237 = arith.constant 0 : i32
        %dma_wait3A_1238 = arith.constant 0 : i32
        %dma_wait3A_1239 = tpu.memref_slice %arg10[%dma_wait3A_1226, %dma_wait3A_1236, %dma_wait3A_1237, %dma_wait3A_1238] : memref<2x4x4x128xi32, #tpu.memory_space<vmem>> -> memref<1x4x4x128xi32, #tpu.memory_space<vmem>>
        %dma_wait3A_1240 = tpu.memref_squeeze %dma_wait3A_1239 : memref<1x4x4x128xi32, #tpu.memory_space<vmem>> -> memref<4x4x128xi32, #tpu.memory_space<vmem>>
        %dma_wait3A_1241 = arith.constant 0 : i32
        %dma_wait3A_1242 = arith.constant 0 : i32
        %dma_wait3A_1243 = tpu.memref_slice %arg4[%arg0, %add3A_23, %dma_wait3A_1241, %multiple_of3A_1187, %dma_wait3A_1242] : memref<2x4x4x2048x128xi32, #tpu.memory_space<hbm>> -> memref<1x1x4x4x128xi32, #tpu.memory_space<hbm>>
        %dma_wait3A_1244 = tpu.memref_squeeze %dma_wait3A_1243 : memref<1x1x4x4x128xi32, #tpu.memory_space<hbm>> -> memref<4x4x128xi32, #tpu.memory_space<hbm>>
        tpu.wait_dma2 semaphore(%arg14 : memref<!tpu.dma_semaphore, #tpu.memory_space<semaphore_mem>>) src(%dma_wait3A_1244 : memref<4x4x128xi32, #tpu.memory_space<hbm>>) dst(%dma_wait3A_1240 : memref<4x4x128xi32, #tpu.memory_space<vmem>>)
        %scan3A_1245 = arith.constant 0 : i32
        %scan3A_1246 = arith.constant 32 : i32
        %scan3A_1247 = arith.addi %scan3A_1245, %scan3A_1246 : i32
        %scan3A_1248 = arith.constant 1 : i32
        scf.for %scan3A_2292 = %scan3A_1245 to %scan3A_1247 step %scan3A_1248  : i32 {
          %mul3A_2293 = arith.constant 1 : i32
          %mul3A_2294 = arith.muli %scan3A_2292, %mul3A_2293 : i32
          %add3A_2295 = arith.constant 0 : i32
          %add3A_2296 = arith.addi %add3A_2295, %mul3A_2294 : i32
          %jit3A_2297 = arith.constant 8 : i32
          %div3A_2298 = arith.divsi %add3A_2296, %jit3A_2297 : i32
          %sign3A_2299 = arith.constant 0 : i32
          %sign3A_2300 = arith.cmpi sgt, %add3A_2296, %sign3A_2299 : i32
          %sign3A_2301 = arith.extui %sign3A_2300 : i1 to i32
          %sign3A_2302 = arith.constant 0 : i32
          %sign3A_2303 = arith.cmpi slt, %add3A_2296, %sign3A_2302 : i32
          %sign3A_2304 = arith.extui %sign3A_2303 : i1 to i32
          %sign3A_2305 = arith.subi %sign3A_2301, %sign3A_2304 : i32
          %sign3A_2306 = arith.constant 0 : i32
          %sign3A_2307 = arith.cmpi sgt, %jit3A_2297, %sign3A_2306 : i32
          %sign3A_2308 = arith.extui %sign3A_2307 : i1 to i32
          %sign3A_2309 = arith.constant 0 : i32
          %sign3A_2310 = arith.cmpi slt, %jit3A_2297, %sign3A_2309 : i32
          %sign3A_2311 = arith.extui %sign3A_2310 : i1 to i32
          %sign3A_2312 = arith.subi %sign3A_2308, %sign3A_2311 : i32
          %ne3A_2313 = arith.cmpi ne, %sign3A_2305, %sign3A_2312 : i32
          %rem3A_2314 = arith.remsi %add3A_2296, %jit3A_2297 : i32
          %ne3A_2315 = arith.constant 0 : i32
          %ne3A_2316 = arith.cmpi ne, %rem3A_2314, %ne3A_2315 : i32
          %and3A_2317 = arith.andi %ne3A_2313, %ne3A_2316 : i1
          %sub3A_2318 = arith.constant 1 : i32
          %sub3A_2319 = arith.subi %div3A_2298, %sub3A_2318 : i32
          %select_n3A_2320 = arith.select %and3A_2317, %sub3A_2319, %div3A_2298 : i32
          %rem3A_2321 = arith.constant 8 : i32
          %rem3A_2322 = arith.remsi %add3A_2296, %rem3A_2321 : i32
          %mul3A_2323 = arith.constant 16 : i32
          %mul3A_2324 = arith.muli %rem3A_2322, %mul3A_2323 : i32
          %multiple_of3A_2325 = tpu.assume_multiple %mul3A_2324, 16 : i32
          %get3A = arith.constant 1 : i32
          %get3A_2326 = arith.constant 0 : i32
          %get3A_2327 = arith.index_cast %get3A : i32 to index
          %get3A_2328 = arith.index_cast %get3A_2326 : i32 to index
          %get3A_2329 = arith.index_cast %select_n3A_2320 : i32 to index
          %get3A_2330 = arith.index_cast %multiple_of3A_2325 : i32 to index
          %get3A_2331 = tpu.vector_load %arg8[%get3A_2327, %get3A_2328, %get3A_2329, %get3A_2330] {strides = array<i32>} : memref<2x8x4x128xf32, #tpu.memory_space<vmem>>, vector<16xf32>,
          %get3A_2332 = arith.constant 1 : i32
          %get3A_2333 = arith.constant 1 : i32
          %get3A_2334 = arith.index_cast %get3A_2332 : i32 to index
          %get3A_2335 = arith.index_cast %get3A_2333 : i32 to index
          %get3A_2336 = arith.index_cast %select_n3A_2320 : i32 to index
          %get3A_2337 = arith.index_cast %multiple_of3A_2325 : i32 to index
          %get3A_2338 = tpu.vector_load %arg8[%get3A_2334, %get3A_2335, %get3A_2336, %get3A_2337] {strides = array<i32>} : memref<2x8x4x128xf32, #tpu.memory_space<vmem>>, vector<16xf32>,
          %get3A_2339 = arith.constant 1 : i32
          %get3A_2340 = arith.constant 2 : i32
          %get3A_2341 = arith.index_cast %get3A_2339 : i32 to index
          %get3A_2342 = arith.index_cast %get3A_2340 : i32 to index
          %get3A_2343 = arith.index_cast %select_n3A_2320 : i32 to index
          %get3A_2344 = arith.index_cast %multiple_of3A_2325 : i32 to index
          %get3A_2345 = tpu.vector_load %arg8[%get3A_2341, %get3A_2342, %get3A_2343, %get3A_2344] {strides = array<i32>} : memref<2x8x4x128xf32, #tpu.memory_space<vmem>>, vector<16xf32>,
          %get3A_2346 = arith.constant 1 : i32
          %get3A_2347 = arith.constant 3 : i32
          %get3A_2348 = arith.index_cast %get3A_2346 : i32 to index
          %get3A_2349 = arith.index_cast %get3A_2347 : i32 to index
          %get3A_2350 = arith.index_cast %select_n3A_2320 : i32 to index
          %get3A_2351 = arith.index_cast %multiple_of3A_2325 : i32 to index
          %get3A_2352 = tpu.vector_load %arg8[%get3A_2348, %get3A_2349, %get3A_2350, %get3A_2351] {strides = array<i32>} : memref<2x8x4x128xf32, #tpu.memory_space<vmem>>, vector<16xf32>,
          %get3A_2353 = arith.constant 1 : i32
          %get3A_2354 = arith.constant 4 : i32
          %get3A_2355 = arith.index_cast %get3A_2353 : i32 to index
          %get3A_2356 = arith.index_cast %get3A_2354 : i32 to index
          %get3A_2357 = arith.index_cast %select_n3A_2320 : i32 to index
          %get3A_2358 = arith.index_cast %multiple_of3A_2325 : i32 to index
          %get3A_2359 = tpu.vector_load %arg8[%get3A_2355, %get3A_2356, %get3A_2357, %get3A_2358] {strides = array<i32>} : memref<2x8x4x128xf32, #tpu.memory_space<vmem>>, vector<16xf32>,
          %get3A_2360 = arith.constant 1 : i32
          %get3A_2361 = arith.constant 5 : i32
          %get3A_2362 = arith.index_cast %get3A_2360 : i32 to index
          %get3A_2363 = arith.index_cast %get3A_2361 : i32 to index
          %get3A_2364 = arith.index_cast %select_n3A_2320 : i32 to index
          %get3A_2365 = arith.index_cast %multiple_of3A_2325 : i32 to index
          %get3A_2366 = tpu.vector_load %arg8[%get3A_2362, %get3A_2363, %get3A_2364, %get3A_2365] {strides = array<i32>} : memref<2x8x4x128xf32, #tpu.memory_space<vmem>>, vector<16xf32>,
          %get3A_2367 = arith.constant 1 : i32
          %get3A_2368 = arith.constant 6 : i32
          %get3A_2369 = arith.index_cast %get3A_2367 : i32 to index
          %get3A_2370 = arith.index_cast %get3A_2368 : i32 to index
          %get3A_2371 = arith.index_cast %select_n3A_2320 : i32 to index
          %get3A_2372 = arith.index_cast %multiple_of3A_2325 : i32 to index
          %get3A_2373 = tpu.vector_load %arg8[%get3A_2369, %get3A_2370, %get3A_2371, %get3A_2372] {strides = array<i32>} : memref<2x8x4x128xf32, #tpu.memory_space<vmem>>, vector<16xf32>,
          %get3A_2374 = arith.constant 1 : i32
          %get3A_2375 = arith.constant 7 : i32
          %get3A_2376 = arith.index_cast %get3A_2374 : i32 to index
          %get3A_2377 = arith.index_cast %get3A_2375 : i32 to index
          %get3A_2378 = arith.index_cast %select_n3A_2320 : i32 to index
          %get3A_2379 = arith.index_cast %multiple_of3A_2325 : i32 to index
          %get3A_2380 = tpu.vector_load %arg8[%get3A_2376, %get3A_2377, %get3A_2378, %get3A_2379] {strides = array<i32>} : memref<2x8x4x128xf32, #tpu.memory_space<vmem>>, vector<16xf32>,
          %mul3A_2381 = arith.constant 16 : i32
          %mul3A_2382 = arith.muli %add3A_2296, %mul3A_2381 : i32
          %add3A_2383 = arith.constant 0 : i32
          %add3A_2384 = arith.addi %add3A_2383, %mul3A_2382 : i32
          %add3A_2385 = vector.broadcast %add3A_2384 : i32 to vector<16xi32>
          %add3A_2386 = arith.addi %iota3A, %add3A_2385 : vector<16xi32>
          %get3A_2387 = arith.constant 1 : i32
          %get3A_2388 = arith.constant 0 : i32
          %get3A_2389 = arith.index_cast %get3A_2387 : i32 to index
          %get3A_2390 = arith.index_cast %get3A_2388 : i32 to index
          %get3A_2391 = arith.index_cast %select_n3A_2320 : i32 to index
          %get3A_2392 = arith.index_cast %multiple_of3A_2325 : i32 to index
          %get3A_2393 = tpu.vector_load %arg9[%get3A_2389, %get3A_2390, %get3A_2391, %get3A_2392] {strides = array<i32>} : memref<2x4x4x128xf32, #tpu.memory_space<vmem>>, vector<16xf32>,
          %mul3A_2394 = arith.mulf %get3A_2331, %get3A_2393 : vector<16xf32>
          tpu.vector_store_idx %arg12[%add3A_2386, %broadcast_in_dim3A_1], %mul3A_2394 : memref<2048x8xf32, #tpu.memory_space<vmem>>[vector<16xi32>, vector<16xi32>], vector<16xf32>,
          %mul3A_2395 = arith.mulf %get3A_2338, %get3A_2393 : vector<16xf32>
          tpu.vector_store_idx %arg12[%add3A_2386, %broadcast_in_dim3A_3], %mul3A_2395 : memref<2048x8xf32, #tpu.memory_space<vmem>>[vector<16xi32>, vector<16xi32>], vector<16xf32>,
          %mul3A_2396 = arith.mulf %get3A_2345, %get3A_2393 : vector<16xf32>
          tpu.vector_store_idx %arg12[%add3A_2386, %broadcast_in_dim3A_5], %mul3A_2396 : memref<2048x8xf32, #tpu.memory_space<vmem>>[vector<16xi32>, vector<16xi32>], vector<16xf32>,
          %mul3A_2397 = arith.mulf %get3A_2352, %get3A_2393 : vector<16xf32>
          tpu.vector_store_idx %arg12[%add3A_2386, %broadcast_in_dim3A_7], %mul3A_2397 : memref<2048x8xf32, #tpu.memory_space<vmem>>[vector<16xi32>, vector<16xi32>], vector<16xf32>,
          %mul3A_2398 = arith.mulf %get3A_2359, %get3A_2393 : vector<16xf32>
          tpu.vector_store_idx %arg12[%add3A_2386, %broadcast_in_dim3A_9], %mul3A_2398 : memref<2048x8xf32, #tpu.memory_space<vmem>>[vector<16xi32>, vector<16xi32>], vector<16xf32>,
          %mul3A_2399 = arith.mulf %get3A_2366, %get3A_2393 : vector<16xf32>
          tpu.vector_store_idx %arg12[%add3A_2386, %broadcast_in_dim3A_11], %mul3A_2399 : memref<2048x8xf32, #tpu.memory_space<vmem>>[vector<16xi32>, vector<16xi32>], vector<16xf32>,
          %mul3A_2400 = arith.mulf %get3A_2373, %get3A_2393 : vector<16xf32>
          tpu.vector_store_idx %arg12[%add3A_2386, %broadcast_in_dim3A_13], %mul3A_2400 : memref<2048x8xf32, #tpu.memory_space<vmem>>[vector<16xi32>, vector<16xi32>], vector<16xf32>,
          %mul3A_2401 = arith.mulf %get3A_2380, %get3A_2393 : vector<16xf32>
          tpu.vector_store_idx %arg12[%add3A_2386, %broadcast_in_dim3A_15], %mul3A_2401 : memref<2048x8xf32, #tpu.memory_space<vmem>>[vector<16xi32>, vector<16xi32>], vector<16xf32>,
          %mul3A_2402 = arith.constant 16 : i32
          %mul3A_2403 = arith.muli %add3A_2296, %mul3A_2402 : i32
          %add3A_2404 = arith.constant 512 : i32
          %add3A_2405 = arith.addi %add3A_2404, %mul3A_2403 : i32
          %add3A_2406 = vector.broadcast %add3A_2405 : i32 to vector<16xi32>
          %add3A_2407 = arith.addi %iota3A, %add3A_2406 : vector<16xi32>
          %get3A_2408 = arith.constant 1 : i32
          %get3A_2409 = arith.constant 1 : i32
          %get3A_2410 = arith.index_cast %get3A_2408 : i32 to index
          %get3A_2411 = arith.index_cast %get3A_2409 : i32 to index
          %get3A_2412 = arith.index_cast %select_n3A_2320 : i32 to index
          %get3A_2413 = arith.index_cast %multiple_of3A_2325 : i32 to index
          %get3A_2414 = tpu.vector_load %arg9[%get3A_2410, %get3A_2411, %get3A_2412, %get3A_2413] {strides = array<i32>} : memref<2x4x4x128xf32, #tpu.memory_space<vmem>>, vector<16xf32>,
          %mul3A_2415 = arith.mulf %get3A_2331, %get3A_2414 : vector<16xf32>
          tpu.vector_store_idx %arg12[%add3A_2407, %broadcast_in_dim3A_1], %mul3A_2415 : memref<2048x8xf32, #tpu.memory_space<vmem>>[vector<16xi32>, vector<16xi32>], vector<16xf32>,
          %mul3A_2416 = arith.mulf %get3A_2338, %get3A_2414 : vector<16xf32>
          tpu.vector_store_idx %arg12[%add3A_2407, %broadcast_in_dim3A_3], %mul3A_2416 : memref<2048x8xf32, #tpu.memory_space<vmem>>[vector<16xi32>, vector<16xi32>], vector<16xf32>,
          %mul3A_2417 = arith.mulf %get3A_2345, %get3A_2414 : vector<16xf32>
          tpu.vector_store_idx %arg12[%add3A_2407, %broadcast_in_dim3A_5], %mul3A_2417 : memref<2048x8xf32, #tpu.memory_space<vmem>>[vector<16xi32>, vector<16xi32>], vector<16xf32>,
          %mul3A_2418 = arith.mulf %get3A_2352, %get3A_2414 : vector<16xf32>
          tpu.vector_store_idx %arg12[%add3A_2407, %broadcast_in_dim3A_7], %mul3A_2418 : memref<2048x8xf32, #tpu.memory_space<vmem>>[vector<16xi32>, vector<16xi32>], vector<16xf32>,
          %mul3A_2419 = arith.mulf %get3A_2359, %get3A_2414 : vector<16xf32>
          tpu.vector_store_idx %arg12[%add3A_2407, %broadcast_in_dim3A_9], %mul3A_2419 : memref<2048x8xf32, #tpu.memory_space<vmem>>[vector<16xi32>, vector<16xi32>], vector<16xf32>,
          %mul3A_2420 = arith.mulf %get3A_2366, %get3A_2414 : vector<16xf32>
          tpu.vector_store_idx %arg12[%add3A_2407, %broadcast_in_dim3A_11], %mul3A_2420 : memref<2048x8xf32, #tpu.memory_space<vmem>>[vector<16xi32>, vector<16xi32>], vector<16xf32>,
          %mul3A_2421 = arith.mulf %get3A_2373, %get3A_2414 : vector<16xf32>
          tpu.vector_store_idx %arg12[%add3A_2407, %broadcast_in_dim3A_13], %mul3A_2421 : memref<2048x8xf32, #tpu.memory_space<vmem>>[vector<16xi32>, vector<16xi32>], vector<16xf32>,
          %mul3A_2422 = arith.mulf %get3A_2380, %get3A_2414 : vector<16xf32>
          tpu.vector_store_idx %arg12[%add3A_2407, %broadcast_in_dim3A_15], %mul3A_2422 : memref<2048x8xf32, #tpu.memory_space<vmem>>[vector<16xi32>, vector<16xi32>], vector<16xf32>,
          %mul3A_2423 = arith.constant 16 : i32
          %mul3A_2424 = arith.muli %add3A_2296, %mul3A_2423 : i32
          %add3A_2425 = arith.constant 1024 : i32
          %add3A_2426 = arith.addi %add3A_2425, %mul3A_2424 : i32
          %add3A_2427 = vector.broadcast %add3A_2426 : i32 to vector<16xi32>
          %add3A_2428 = arith.addi %iota3A, %add3A_2427 : vector<16xi32>
          %get3A_2429 = arith.constant 1 : i32
          %get3A_2430 = arith.constant 2 : i32
          %get3A_2431 = arith.index_cast %get3A_2429 : i32 to index
          %get3A_2432 = arith.index_cast %get3A_2430 : i32 to index
          %get3A_2433 = arith.index_cast %select_n3A_2320 : i32 to index
          %get3A_2434 = arith.index_cast %multiple_of3A_2325 : i32 to index
          %get3A_2435 = tpu.vector_load %arg9[%get3A_2431, %get3A_2432, %get3A_2433, %get3A_2434] {strides = array<i32>} : memref<2x4x4x128xf32, #tpu.memory_space<vmem>>, vector<16xf32>,
          %mul3A_2436 = arith.mulf %get3A_2331, %get3A_2435 : vector<16xf32>
          tpu.vector_store_idx %arg12[%add3A_2428, %broadcast_in_dim3A_1], %mul3A_2436 : memref<2048x8xf32, #tpu.memory_space<vmem>>[vector<16xi32>, vector<16xi32>], vector<16xf32>,
          %mul3A_2437 = arith.mulf %get3A_2338, %get3A_2435 : vector<16xf32>
          tpu.vector_store_idx %arg12[%add3A_2428, %broadcast_in_dim3A_3], %mul3A_2437 : memref<2048x8xf32, #tpu.memory_space<vmem>>[vector<16xi32>, vector<16xi32>], vector<16xf32>,
          %mul3A_2438 = arith.mulf %get3A_2345, %get3A_2435 : vector<16xf32>
          tpu.vector_store_idx %arg12[%add3A_2428, %broadcast_in_dim3A_5], %mul3A_2438 : memref<2048x8xf32, #tpu.memory_space<vmem>>[vector<16xi32>, vector<16xi32>], vector<16xf32>,
          %mul3A_2439 = arith.mulf %get3A_2352, %get3A_2435 : vector<16xf32>
          tpu.vector_store_idx %arg12[%add3A_2428, %broadcast_in_dim3A_7], %mul3A_2439 : memref<2048x8xf32, #tpu.memory_space<vmem>>[vector<16xi32>, vector<16xi32>], vector<16xf32>,
          %mul3A_2440 = arith.mulf %get3A_2359, %get3A_2435 : vector<16xf32>
          tpu.vector_store_idx %arg12[%add3A_2428, %broadcast_in_dim3A_9], %mul3A_2440 : memref<2048x8xf32, #tpu.memory_space<vmem>>[vector<16xi32>, vector<16xi32>], vector<16xf32>,
          %mul3A_2441 = arith.mulf %get3A_2366, %get3A_2435 : vector<16xf32>
          tpu.vector_store_idx %arg12[%add3A_2428, %broadcast_in_dim3A_11], %mul3A_2441 : memref<2048x8xf32, #tpu.memory_space<vmem>>[vector<16xi32>, vector<16xi32>], vector<16xf32>,
          %mul3A_2442 = arith.mulf %get3A_2373, %get3A_2435 : vector<16xf32>
          tpu.vector_store_idx %arg12[%add3A_2428, %broadcast_in_dim3A_13], %mul3A_2442 : memref<2048x8xf32, #tpu.memory_space<vmem>>[vector<16xi32>, vector<16xi32>], vector<16xf32>,
          %mul3A_2443 = arith.mulf %get3A_2380, %get3A_2435 : vector<16xf32>
          tpu.vector_store_idx %arg12[%add3A_2428, %broadcast_in_dim3A_15], %mul3A_2443 : memref<2048x8xf32, #tpu.memory_space<vmem>>[vector<16xi32>, vector<16xi32>], vector<16xf32>,
          %mul3A_2444 = arith.constant 16 : i32
          %mul3A_2445 = arith.muli %add3A_2296, %mul3A_2444 : i32
          %add3A_2446 = arith.constant 1536 : i32
          %add3A_2447 = arith.addi %add3A_2446, %mul3A_2445 : i32
          %add3A_2448 = vector.broadcast %add3A_2447 : i32 to vector<16xi32>
          %add3A_2449 = arith.addi %iota3A, %add3A_2448 : vector<16xi32>
          %get3A_2450 = arith.constant 1 : i32
          %get3A_2451 = arith.constant 3 : i32
          %get3A_2452 = arith.index_cast %get3A_2450 : i32 to index
          %get3A_2453 = arith.index_cast %get3A_2451 : i32 to index
          %get3A_2454 = arith.index_cast %select_n3A_2320 : i32 to index
          %get3A_2455 = arith.index_cast %multiple_of3A_2325 : i32 to index
          %get3A_2456 = tpu.vector_load %arg9[%get3A_2452, %get3A_2453, %get3A_2454, %get3A_2455] {strides = array<i32>} : memref<2x4x4x128xf32, #tpu.memory_space<vmem>>, vector<16xf32>,
          %mul3A_2457 = arith.mulf %get3A_2331, %get3A_2456 : vector<16xf32>
          tpu.vector_store_idx %arg12[%add3A_2449, %broadcast_in_dim3A_1], %mul3A_2457 : memref<2048x8xf32, #tpu.memory_space<vmem>>[vector<16xi32>, vector<16xi32>], vector<16xf32>,
          %mul3A_2458 = arith.mulf %get3A_2338, %get3A_2456 : vector<16xf32>
          tpu.vector_store_idx %arg12[%add3A_2449, %broadcast_in_dim3A_3], %mul3A_2458 : memref<2048x8xf32, #tpu.memory_space<vmem>>[vector<16xi32>, vector<16xi32>], vector<16xf32>,
          %mul3A_2459 = arith.mulf %get3A_2345, %get3A_2456 : vector<16xf32>
          tpu.vector_store_idx %arg12[%add3A_2449, %broadcast_in_dim3A_5], %mul3A_2459 : memref<2048x8xf32, #tpu.memory_space<vmem>>[vector<16xi32>, vector<16xi32>], vector<16xf32>,
          %mul3A_2460 = arith.mulf %get3A_2352, %get3A_2456 : vector<16xf32>
          tpu.vector_store_idx %arg12[%add3A_2449, %broadcast_in_dim3A_7], %mul3A_2460 : memref<2048x8xf32, #tpu.memory_space<vmem>>[vector<16xi32>, vector<16xi32>], vector<16xf32>,
          %mul3A_2461 = arith.mulf %get3A_2359, %get3A_2456 : vector<16xf32>
          tpu.vector_store_idx %arg12[%add3A_2449, %broadcast_in_dim3A_9], %mul3A_2461 : memref<2048x8xf32, #tpu.memory_space<vmem>>[vector<16xi32>, vector<16xi32>], vector<16xf32>,
          %mul3A_2462 = arith.mulf %get3A_2366, %get3A_2456 : vector<16xf32>
          tpu.vector_store_idx %arg12[%add3A_2449, %broadcast_in_dim3A_11], %mul3A_2462 : memref<2048x8xf32, #tpu.memory_space<vmem>>[vector<16xi32>, vector<16xi32>], vector<16xf32>,
          %mul3A_2463 = arith.mulf %get3A_2373, %get3A_2456 : vector<16xf32>
          tpu.vector_store_idx %arg12[%add3A_2449, %broadcast_in_dim3A_13], %mul3A_2463 : memref<2048x8xf32, #tpu.memory_space<vmem>>[vector<16xi32>, vector<16xi32>], vector<16xf32>,
          %mul3A_2464 = arith.mulf %get3A_2380, %get3A_2456 : vector<16xf32>
          tpu.vector_store_idx %arg12[%add3A_2449, %broadcast_in_dim3A_15], %mul3A_2464 : memref<2048x8xf32, #tpu.memory_space<vmem>>[vector<16xi32>, vector<16xi32>], vector<16xf32>,
        }
        %scan3A_1249 = arith.constant 32 : i32
        %dma_wait3A_1250 = arith.constant 0 : i32
        %dma_wait3A_1251 = arith.constant 0 : i32
        %dma_wait3A_1252 = arith.constant 0 : i32
        %dma_wait3A_1253 = arith.constant 0 : i32
        %dma_wait3A_1254 = arith.constant 0 : i32
        %dma_wait3A_1255 = tpu.memref_slice %arg11[%dma_wait3A_1253, %dma_wait3A_1254] : memref<2048x8xf32, #tpu.memory_space<vmem>> -> memref<128x8xf32, #tpu.memory_space<vmem>>
        %dma_wait3A_1256 = arith.constant 0 : i32
        %dma_wait3A_1257 = tpu.memref_slice %arg10[%dma_wait3A_1250, %dma_wait3A_1251, %dma_wait3A_1252, %dma_wait3A_1256] : memref<2x4x4x128xi32, #tpu.memory_space<vmem>> -> memref<1x1x1x128xi32, #tpu.memory_space<vmem>>
        %dma_wait3A_1258 = tpu.memref_squeeze %dma_wait3A_1257 : memref<1x1x1x128xi32, #tpu.memory_space<vmem>> -> memref<128xi32, #tpu.memory_space<vmem>>
        %dma_wait3A_1259 = arith.constant 0 : i32
        %dma_wait3A_1260 = arith.constant 0 : i32
        %dma_wait3A_1261 = tpu.memref_slice %arg7[%dma_wait3A_1259, %dma_wait3A_1260] : memref<133120x8xf32, #tpu.memory_space<vmem_shared>> -> memref<133120x8xf32, #tpu.memory_space<vmem_shared>>
        tpu.wait_indirect_dma semaphore(%arg15 : memref<!tpu.dma_semaphore, #tpu.memory_space<semaphore_mem>>) src(%dma_wait3A_1255 : memref<128x8xf32, #tpu.memory_space<vmem>>) dst(%dma_wait3A_1261 : memref<133120x8xf32, #tpu.memory_space<vmem_shared>>)
        %dma_wait3A_1262 = arith.constant 0 : i32
        %dma_wait3A_1263 = arith.constant 0 : i32
        %dma_wait3A_1264 = arith.constant 1 : i32
        %dma_wait3A_1265 = arith.constant 128 : i32
        %dma_wait3A_1266 = arith.constant 0 : i32
        %dma_wait3A_1267 = tpu.memref_slice %arg11[%dma_wait3A_1265, %dma_wait3A_1266] : memref<2048x8xf32, #tpu.memory_space<vmem>> -> memref<128x8xf32, #tpu.memory_space<vmem>>
        %dma_wait3A_1268 = arith.constant 0 : i32
        %dma_wait3A_1269 = tpu.memref_slice %arg10[%dma_wait3A_1262, %dma_wait3A_1263, %dma_wait3A_1264, %dma_wait3A_1268] : memref<2x4x4x128xi32, #tpu.memory_space<vmem>> -> memref<1x1x1x128xi32, #tpu.memory_space<vmem>>
        %dma_wait3A_1270 = tpu.memref_squeeze %dma_wait3A_1269 : memref<1x1x1x128xi32, #tpu.memory_space<vmem>> -> memref<128xi32, #tpu.memory_space<vmem>>
        %dma_wait3A_1271 = arith.constant 0 : i32
        %dma_wait3A_1272 = arith.constant 0 : i32
        %dma_wait3A_1273 = tpu.memref_slice %arg7[%dma_wait3A_1271, %dma_wait3A_1272] : memref<133120x8xf32, #tpu.memory_space<vmem_shared>> -> memref<133120x8xf32, #tpu.memory_space<vmem_shared>>
        tpu.wait_indirect_dma semaphore(%arg15 : memref<!tpu.dma_semaphore, #tpu.memory_space<semaphore_mem>>) src(%dma_wait3A_1267 : memref<128x8xf32, #tpu.memory_space<vmem>>) dst(%dma_wait3A_1273 : memref<133120x8xf32, #tpu.memory_space<vmem_shared>>)
        %dma_wait3A_1274 = arith.constant 0 : i32
        %dma_wait3A_1275 = arith.constant 0 : i32
        %dma_wait3A_1276 = arith.constant 2 : i32
        %dma_wait3A_1277 = arith.constant 256 : i32
        %dma_wait3A_1278 = arith.constant 0 : i32
        %dma_wait3A_1279 = tpu.memref_slice %arg11[%dma_wait3A_1277, %dma_wait3A_1278] : memref<2048x8xf32, #tpu.memory_space<vmem>> -> memref<128x8xf32, #tpu.memory_space<vmem>>
        %dma_wait3A_1280 = arith.constant 0 : i32
        %dma_wait3A_1281 = tpu.memref_slice %arg10[%dma_wait3A_1274, %dma_wait3A_1275, %dma_wait3A_1276, %dma_wait3A_1280] : memref<2x4x4x128xi32, #tpu.memory_space<vmem>> -> memref<1x1x1x128xi32, #tpu.memory_space<vmem>>
        %dma_wait3A_1282 = tpu.memref_squeeze %dma_wait3A_1281 : memref<1x1x1x128xi32, #tpu.memory_space<vmem>> -> memref<128xi32, #tpu.memory_space<vmem>>
        %dma_wait3A_1283 = arith.constant 0 : i32
        %dma_wait3A_1284 = arith.constant 0 : i32
        %dma_wait3A_1285 = tpu.memref_slice %arg7[%dma_wait3A_1283, %dma_wait3A_1284] : memref<133120x8xf32, #tpu.memory_space<vmem_shared>> -> memref<133120x8xf32, #tpu.memory_space<vmem_shared>>
        tpu.wait_indirect_dma semaphore(%arg15 : memref<!tpu.dma_semaphore, #tpu.memory_space<semaphore_mem>>) src(%dma_wait3A_1279 : memref<128x8xf32, #tpu.memory_space<vmem>>) dst(%dma_wait3A_1285 : memref<133120x8xf32, #tpu.memory_space<vmem_shared>>)
        %dma_wait3A_1286 = arith.constant 0 : i32
        %dma_wait3A_1287 = arith.constant 0 : i32
        %dma_wait3A_1288 = arith.constant 3 : i32
        %dma_wait3A_1289 = arith.constant 384 : i32
        %dma_wait3A_1290 = arith.constant 0 : i32
        %dma_wait3A_1291 = tpu.memref_slice %arg11[%dma_wait3A_1289, %dma_wait3A_1290] : memref<2048x8xf32, #tpu.memory_space<vmem>> -> memref<128x8xf32, #tpu.memory_space<vmem>>
        %dma_wait3A_1292 = arith.constant 0 : i32
        %dma_wait3A_1293 = tpu.memref_slice %arg10[%dma_wait3A_1286, %dma_wait3A_1287, %dma_wait3A_1288, %dma_wait3A_1292] : memref<2x4x4x128xi32, #tpu.memory_space<vmem>> -> memref<1x1x1x128xi32, #tpu.memory_space<vmem>>
        %dma_wait3A_1294 = tpu.memref_squeeze %dma_wait3A_1293 : memref<1x1x1x128xi32, #tpu.memory_space<vmem>> -> memref<128xi32, #tpu.memory_space<vmem>>
        %dma_wait3A_1295 = arith.constant 0 : i32
        %dma_wait3A_1296 = arith.constant 0 : i32
        %dma_wait3A_1297 = tpu.memref_slice %arg7[%dma_wait3A_1295, %dma_wait3A_1296] : memref<133120x8xf32, #tpu.memory_space<vmem_shared>> -> memref<133120x8xf32, #tpu.memory_space<vmem_shared>>
        tpu.wait_indirect_dma semaphore(%arg15 : memref<!tpu.dma_semaphore, #tpu.memory_space<semaphore_mem>>) src(%dma_wait3A_1291 : memref<128x8xf32, #tpu.memory_space<vmem>>) dst(%dma_wait3A_1297 : memref<133120x8xf32, #tpu.memory_space<vmem_shared>>)
        %dma_wait3A_1298 = arith.constant 0 : i32
        %dma_wait3A_1299 = arith.constant 1 : i32
        %dma_wait3A_1300 = arith.constant 0 : i32
        %dma_wait3A_1301 = arith.constant 512 : i32
        %dma_wait3A_1302 = arith.constant 0 : i32
        %dma_wait3A_1303 = tpu.memref_slice %arg11[%dma_wait3A_1301, %dma_wait3A_1302] : memref<2048x8xf32, #tpu.memory_space<vmem>> -> memref<128x8xf32, #tpu.memory_space<vmem>>
        %dma_wait3A_1304 = arith.constant 0 : i32
        %dma_wait3A_1305 = tpu.memref_slice %arg10[%dma_wait3A_1298, %dma_wait3A_1299, %dma_wait3A_1300, %dma_wait3A_1304] : memref<2x4x4x128xi32, #tpu.memory_space<vmem>> -> memref<1x1x1x128xi32, #tpu.memory_space<vmem>>
        %dma_wait3A_1306 = tpu.memref_squeeze %dma_wait3A_1305 : memref<1x1x1x128xi32, #tpu.memory_space<vmem>> -> memref<128xi32, #tpu.memory_space<vmem>>
        %dma_wait3A_1307 = arith.constant 0 : i32
        %dma_wait3A_1308 = arith.constant 0 : i32
        %dma_wait3A_1309 = tpu.memref_slice %arg7[%dma_wait3A_1307, %dma_wait3A_1308] : memref<133120x8xf32, #tpu.memory_space<vmem_shared>> -> memref<133120x8xf32, #tpu.memory_space<vmem_shared>>
        tpu.wait_indirect_dma semaphore(%arg15 : memref<!tpu.dma_semaphore, #tpu.memory_space<semaphore_mem>>) src(%dma_wait3A_1303 : memref<128x8xf32, #tpu.memory_space<vmem>>) dst(%dma_wait3A_1309 : memref<133120x8xf32, #tpu.memory_space<vmem_shared>>)
        %dma_wait3A_1310 = arith.constant 0 : i32
        %dma_wait3A_1311 = arith.constant 1 : i32
        %dma_wait3A_1312 = arith.constant 1 : i32
        %dma_wait3A_1313 = arith.constant 640 : i32
        %dma_wait3A_1314 = arith.constant 0 : i32
        %dma_wait3A_1315 = tpu.memref_slice %arg11[%dma_wait3A_1313, %dma_wait3A_1314] : memref<2048x8xf32, #tpu.memory_space<vmem>> -> memref<128x8xf32, #tpu.memory_space<vmem>>
        %dma_wait3A_1316 = arith.constant 0 : i32
        %dma_wait3A_1317 = tpu.memref_slice %arg10[%dma_wait3A_1310, %dma_wait3A_1311, %dma_wait3A_1312, %dma_wait3A_1316] : memref<2x4x4x128xi32, #tpu.memory_space<vmem>> -> memref<1x1x1x128xi32, #tpu.memory_space<vmem>>
        %dma_wait3A_1318 = tpu.memref_squeeze %dma_wait3A_1317 : memref<1x1x1x128xi32, #tpu.memory_space<vmem>> -> memref<128xi32, #tpu.memory_space<vmem>>
        %dma_wait3A_1319 = arith.constant 0 : i32
        %dma_wait3A_1320 = arith.constant 0 : i32
        %dma_wait3A_1321 = tpu.memref_slice %arg7[%dma_wait3A_1319, %dma_wait3A_1320] : memref<133120x8xf32, #tpu.memory_space<vmem_shared>> -> memref<133120x8xf32, #tpu.memory_space<vmem_shared>>
        tpu.wait_indirect_dma semaphore(%arg15 : memref<!tpu.dma_semaphore, #tpu.memory_space<semaphore_mem>>) src(%dma_wait3A_1315 : memref<128x8xf32, #tpu.memory_space<vmem>>) dst(%dma_wait3A_1321 : memref<133120x8xf32, #tpu.memory_space<vmem_shared>>)
        %dma_wait3A_1322 = arith.constant 0 : i32
        %dma_wait3A_1323 = arith.constant 1 : i32
        %dma_wait3A_1324 = arith.constant 2 : i32
        %dma_wait3A_1325 = arith.constant 768 : i32
        %dma_wait3A_1326 = arith.constant 0 : i32
        %dma_wait3A_1327 = tpu.memref_slice %arg11[%dma_wait3A_1325, %dma_wait3A_1326] : memref<2048x8xf32, #tpu.memory_space<vmem>> -> memref<128x8xf32, #tpu.memory_space<vmem>>
        %dma_wait3A_1328 = arith.constant 0 : i32
        %dma_wait3A_1329 = tpu.memref_slice %arg10[%dma_wait3A_1322, %dma_wait3A_1323, %dma_wait3A_1324, %dma_wait3A_1328] : memref<2x4x4x128xi32, #tpu.memory_space<vmem>> -> memref<1x1x1x128xi32, #tpu.memory_space<vmem>>
        %dma_wait3A_1330 = tpu.memref_squeeze %dma_wait3A_1329 : memref<1x1x1x128xi32, #tpu.memory_space<vmem>> -> memref<128xi32, #tpu.memory_space<vmem>>
        %dma_wait3A_1331 = arith.constant 0 : i32
        %dma_wait3A_1332 = arith.constant 0 : i32
        %dma_wait3A_1333 = tpu.memref_slice %arg7[%dma_wait3A_1331, %dma_wait3A_1332] : memref<133120x8xf32, #tpu.memory_space<vmem_shared>> -> memref<133120x8xf32, #tpu.memory_space<vmem_shared>>
        tpu.wait_indirect_dma semaphore(%arg15 : memref<!tpu.dma_semaphore, #tpu.memory_space<semaphore_mem>>) src(%dma_wait3A_1327 : memref<128x8xf32, #tpu.memory_space<vmem>>) dst(%dma_wait3A_1333 : memref<133120x8xf32, #tpu.memory_space<vmem_shared>>)
        %dma_wait3A_1334 = arith.constant 0 : i32
        %dma_wait3A_1335 = arith.constant 1 : i32
        %dma_wait3A_1336 = arith.constant 3 : i32
        %dma_wait3A_1337 = arith.constant 896 : i32
        %dma_wait3A_1338 = arith.constant 0 : i32
        %dma_wait3A_1339 = tpu.memref_slice %arg11[%dma_wait3A_1337, %dma_wait3A_1338] : memref<2048x8xf32, #tpu.memory_space<vmem>> -> memref<128x8xf32, #tpu.memory_space<vmem>>
        %dma_wait3A_1340 = arith.constant 0 : i32
        %dma_wait3A_1341 = tpu.memref_slice %arg10[%dma_wait3A_1334, %dma_wait3A_1335, %dma_wait3A_1336, %dma_wait3A_1340] : memref<2x4x4x128xi32, #tpu.memory_space<vmem>> -> memref<1x1x1x128xi32, #tpu.memory_space<vmem>>
        %dma_wait3A_1342 = tpu.memref_squeeze %dma_wait3A_1341 : memref<1x1x1x128xi32, #tpu.memory_space<vmem>> -> memref<128xi32, #tpu.memory_space<vmem>>
        %dma_wait3A_1343 = arith.constant 0 : i32
        %dma_wait3A_1344 = arith.constant 0 : i32
        %dma_wait3A_1345 = tpu.memref_slice %arg7[%dma_wait3A_1343, %dma_wait3A_1344] : memref<133120x8xf32, #tpu.memory_space<vmem_shared>> -> memref<133120x8xf32, #tpu.memory_space<vmem_shared>>
        tpu.wait_indirect_dma semaphore(%arg15 : memref<!tpu.dma_semaphore, #tpu.memory_space<semaphore_mem>>) src(%dma_wait3A_1339 : memref<128x8xf32, #tpu.memory_space<vmem>>) dst(%dma_wait3A_1345 : memref<133120x8xf32, #tpu.memory_space<vmem_shared>>)
        %dma_wait3A_1346 = arith.constant 0 : i32
        %dma_wait3A_1347 = arith.constant 2 : i32
        %dma_wait3A_1348 = arith.constant 0 : i32
        %dma_wait3A_1349 = arith.constant 1024 : i32
        %dma_wait3A_1350 = arith.constant 0 : i32
        %dma_wait3A_1351 = tpu.memref_slice %arg11[%dma_wait3A_1349, %dma_wait3A_1350] : memref<2048x8xf32, #tpu.memory_space<vmem>> -> memref<128x8xf32, #tpu.memory_space<vmem>>
        %dma_wait3A_1352 = arith.constant 0 : i32
        %dma_wait3A_1353 = tpu.memref_slice %arg10[%dma_wait3A_1346, %dma_wait3A_1347, %dma_wait3A_1348, %dma_wait3A_1352] : memref<2x4x4x128xi32, #tpu.memory_space<vmem>> -> memref<1x1x1x128xi32, #tpu.memory_space<vmem>>
        %dma_wait3A_1354 = tpu.memref_squeeze %dma_wait3A_1353 : memref<1x1x1x128xi32, #tpu.memory_space<vmem>> -> memref<128xi32, #tpu.memory_space<vmem>>
        %dma_wait3A_1355 = arith.constant 0 : i32
        %dma_wait3A_1356 = arith.constant 0 : i32
        %dma_wait3A_1357 = tpu.memref_slice %arg7[%dma_wait3A_1355, %dma_wait3A_1356] : memref<133120x8xf32, #tpu.memory_space<vmem_shared>> -> memref<133120x8xf32, #tpu.memory_space<vmem_shared>>
        tpu.wait_indirect_dma semaphore(%arg15 : memref<!tpu.dma_semaphore, #tpu.memory_space<semaphore_mem>>) src(%dma_wait3A_1351 : memref<128x8xf32, #tpu.memory_space<vmem>>) dst(%dma_wait3A_1357 : memref<133120x8xf32, #tpu.memory_space<vmem_shared>>)
        %dma_wait3A_1358 = arith.constant 0 : i32
        %dma_wait3A_1359 = arith.constant 2 : i32
        %dma_wait3A_1360 = arith.constant 1 : i32
        %dma_wait3A_1361 = arith.constant 1152 : i32
        %dma_wait3A_1362 = arith.constant 0 : i32
        %dma_wait3A_1363 = tpu.memref_slice %arg11[%dma_wait3A_1361, %dma_wait3A_1362] : memref<2048x8xf32, #tpu.memory_space<vmem>> -> memref<128x8xf32, #tpu.memory_space<vmem>>
        %dma_wait3A_1364 = arith.constant 0 : i32
        %dma_wait3A_1365 = tpu.memref_slice %arg10[%dma_wait3A_1358, %dma_wait3A_1359, %dma_wait3A_1360, %dma_wait3A_1364] : memref<2x4x4x128xi32, #tpu.memory_space<vmem>> -> memref<1x1x1x128xi32, #tpu.memory_space<vmem>>
        %dma_wait3A_1366 = tpu.memref_squeeze %dma_wait3A_1365 : memref<1x1x1x128xi32, #tpu.memory_space<vmem>> -> memref<128xi32, #tpu.memory_space<vmem>>
        %dma_wait3A_1367 = arith.constant 0 : i32
        %dma_wait3A_1368 = arith.constant 0 : i32
        %dma_wait3A_1369 = tpu.memref_slice %arg7[%dma_wait3A_1367, %dma_wait3A_1368] : memref<133120x8xf32, #tpu.memory_space<vmem_shared>> -> memref<133120x8xf32, #tpu.memory_space<vmem_shared>>
        tpu.wait_indirect_dma semaphore(%arg15 : memref<!tpu.dma_semaphore, #tpu.memory_space<semaphore_mem>>) src(%dma_wait3A_1363 : memref<128x8xf32, #tpu.memory_space<vmem>>) dst(%dma_wait3A_1369 : memref<133120x8xf32, #tpu.memory_space<vmem_shared>>)
        %dma_wait3A_1370 = arith.constant 0 : i32
        %dma_wait3A_1371 = arith.constant 2 : i32
        %dma_wait3A_1372 = arith.constant 2 : i32
        %dma_wait3A_1373 = arith.constant 1280 : i32
        %dma_wait3A_1374 = arith.constant 0 : i32
        %dma_wait3A_1375 = tpu.memref_slice %arg11[%dma_wait3A_1373, %dma_wait3A_1374] : memref<2048x8xf32, #tpu.memory_space<vmem>> -> memref<128x8xf32, #tpu.memory_space<vmem>>
        %dma_wait3A_1376 = arith.constant 0 : i32
        %dma_wait3A_1377 = tpu.memref_slice %arg10[%dma_wait3A_1370, %dma_wait3A_1371, %dma_wait3A_1372, %dma_wait3A_1376] : memref<2x4x4x128xi32, #tpu.memory_space<vmem>> -> memref<1x1x1x128xi32, #tpu.memory_space<vmem>>
        %dma_wait3A_1378 = tpu.memref_squeeze %dma_wait3A_1377 : memref<1x1x1x128xi32, #tpu.memory_space<vmem>> -> memref<128xi32, #tpu.memory_space<vmem>>
        %dma_wait3A_1379 = arith.constant 0 : i32
        %dma_wait3A_1380 = arith.constant 0 : i32
        %dma_wait3A_1381 = tpu.memref_slice %arg7[%dma_wait3A_1379, %dma_wait3A_1380] : memref<133120x8xf32, #tpu.memory_space<vmem_shared>> -> memref<133120x8xf32, #tpu.memory_space<vmem_shared>>
        tpu.wait_indirect_dma semaphore(%arg15 : memref<!tpu.dma_semaphore, #tpu.memory_space<semaphore_mem>>) src(%dma_wait3A_1375 : memref<128x8xf32, #tpu.memory_space<vmem>>) dst(%dma_wait3A_1381 : memref<133120x8xf32, #tpu.memory_space<vmem_shared>>)
        %dma_wait3A_1382 = arith.constant 0 : i32
        %dma_wait3A_1383 = arith.constant 2 : i32
        %dma_wait3A_1384 = arith.constant 3 : i32
        %dma_wait3A_1385 = arith.constant 1408 : i32
        %dma_wait3A_1386 = arith.constant 0 : i32
        %dma_wait3A_1387 = tpu.memref_slice %arg11[%dma_wait3A_1385, %dma_wait3A_1386] : memref<2048x8xf32, #tpu.memory_space<vmem>> -> memref<128x8xf32, #tpu.memory_space<vmem>>
        %dma_wait3A_1388 = arith.constant 0 : i32
        %dma_wait3A_1389 = tpu.memref_slice %arg10[%dma_wait3A_1382, %dma_wait3A_1383, %dma_wait3A_1384, %dma_wait3A_1388] : memref<2x4x4x128xi32, #tpu.memory_space<vmem>> -> memref<1x1x1x128xi32, #tpu.memory_space<vmem>>
        %dma_wait3A_1390 = tpu.memref_squeeze %dma_wait3A_1389 : memref<1x1x1x128xi32, #tpu.memory_space<vmem>> -> memref<128xi32, #tpu.memory_space<vmem>>
        %dma_wait3A_1391 = arith.constant 0 : i32
        %dma_wait3A_1392 = arith.constant 0 : i32
        %dma_wait3A_1393 = tpu.memref_slice %arg7[%dma_wait3A_1391, %dma_wait3A_1392] : memref<133120x8xf32, #tpu.memory_space<vmem_shared>> -> memref<133120x8xf32, #tpu.memory_space<vmem_shared>>
        tpu.wait_indirect_dma semaphore(%arg15 : memref<!tpu.dma_semaphore, #tpu.memory_space<semaphore_mem>>) src(%dma_wait3A_1387 : memref<128x8xf32, #tpu.memory_space<vmem>>) dst(%dma_wait3A_1393 : memref<133120x8xf32, #tpu.memory_space<vmem_shared>>)
        %dma_wait3A_1394 = arith.constant 0 : i32
        %dma_wait3A_1395 = arith.constant 3 : i32
        %dma_wait3A_1396 = arith.constant 0 : i32
        %dma_wait3A_1397 = arith.constant 1536 : i32
        %dma_wait3A_1398 = arith.constant 0 : i32
        %dma_wait3A_1399 = tpu.memref_slice %arg11[%dma_wait3A_1397, %dma_wait3A_1398] : memref<2048x8xf32, #tpu.memory_space<vmem>> -> memref<128x8xf32, #tpu.memory_space<vmem>>
        %dma_wait3A_1400 = arith.constant 0 : i32
        %dma_wait3A_1401 = tpu.memref_slice %arg10[%dma_wait3A_1394, %dma_wait3A_1395, %dma_wait3A_1396, %dma_wait3A_1400] : memref<2x4x4x128xi32, #tpu.memory_space<vmem>> -> memref<1x1x1x128xi32, #tpu.memory_space<vmem>>
        %dma_wait3A_1402 = tpu.memref_squeeze %dma_wait3A_1401 : memref<1x1x1x128xi32, #tpu.memory_space<vmem>> -> memref<128xi32, #tpu.memory_space<vmem>>
        %dma_wait3A_1403 = arith.constant 0 : i32
        %dma_wait3A_1404 = arith.constant 0 : i32
        %dma_wait3A_1405 = tpu.memref_slice %arg7[%dma_wait3A_1403, %dma_wait3A_1404] : memref<133120x8xf32, #tpu.memory_space<vmem_shared>> -> memref<133120x8xf32, #tpu.memory_space<vmem_shared>>
        tpu.wait_indirect_dma semaphore(%arg15 : memref<!tpu.dma_semaphore, #tpu.memory_space<semaphore_mem>>) src(%dma_wait3A_1399 : memref<128x8xf32, #tpu.memory_space<vmem>>) dst(%dma_wait3A_1405 : memref<133120x8xf32, #tpu.memory_space<vmem_shared>>)
        %dma_wait3A_1406 = arith.constant 0 : i32
        %dma_wait3A_1407 = arith.constant 3 : i32
        %dma_wait3A_1408 = arith.constant 1 : i32
        %dma_wait3A_1409 = arith.constant 1664 : i32
        %dma_wait3A_1410 = arith.constant 0 : i32
        %dma_wait3A_1411 = tpu.memref_slice %arg11[%dma_wait3A_1409, %dma_wait3A_1410] : memref<2048x8xf32, #tpu.memory_space<vmem>> -> memref<128x8xf32, #tpu.memory_space<vmem>>
        %dma_wait3A_1412 = arith.constant 0 : i32
        %dma_wait3A_1413 = tpu.memref_slice %arg10[%dma_wait3A_1406, %dma_wait3A_1407, %dma_wait3A_1408, %dma_wait3A_1412] : memref<2x4x4x128xi32, #tpu.memory_space<vmem>> -> memref<1x1x1x128xi32, #tpu.memory_space<vmem>>
        %dma_wait3A_1414 = tpu.memref_squeeze %dma_wait3A_1413 : memref<1x1x1x128xi32, #tpu.memory_space<vmem>> -> memref<128xi32, #tpu.memory_space<vmem>>
        %dma_wait3A_1415 = arith.constant 0 : i32
        %dma_wait3A_1416 = arith.constant 0 : i32
        %dma_wait3A_1417 = tpu.memref_slice %arg7[%dma_wait3A_1415, %dma_wait3A_1416] : memref<133120x8xf32, #tpu.memory_space<vmem_shared>> -> memref<133120x8xf32, #tpu.memory_space<vmem_shared>>
        tpu.wait_indirect_dma semaphore(%arg15 : memref<!tpu.dma_semaphore, #tpu.memory_space<semaphore_mem>>) src(%dma_wait3A_1411 : memref<128x8xf32, #tpu.memory_space<vmem>>) dst(%dma_wait3A_1417 : memref<133120x8xf32, #tpu.memory_space<vmem_shared>>)
        %dma_wait3A_1418 = arith.constant 0 : i32
        %dma_wait3A_1419 = arith.constant 3 : i32
        %dma_wait3A_1420 = arith.constant 2 : i32
        %dma_wait3A_1421 = arith.constant 1792 : i32
        %dma_wait3A_1422 = arith.constant 0 : i32
        %dma_wait3A_1423 = tpu.memref_slice %arg11[%dma_wait3A_1421, %dma_wait3A_1422] : memref<2048x8xf32, #tpu.memory_space<vmem>> -> memref<128x8xf32, #tpu.memory_space<vmem>>
        %dma_wait3A_1424 = arith.constant 0 : i32
        %dma_wait3A_1425 = tpu.memref_slice %arg10[%dma_wait3A_1418, %dma_wait3A_1419, %dma_wait3A_1420, %dma_wait3A_1424] : memref<2x4x4x128xi32, #tpu.memory_space<vmem>> -> memref<1x1x1x128xi32, #tpu.memory_space<vmem>>
        %dma_wait3A_1426 = tpu.memref_squeeze %dma_wait3A_1425 : memref<1x1x1x128xi32, #tpu.memory_space<vmem>> -> memref<128xi32, #tpu.memory_space<vmem>>
        %dma_wait3A_1427 = arith.constant 0 : i32
        %dma_wait3A_1428 = arith.constant 0 : i32
        %dma_wait3A_1429 = tpu.memref_slice %arg7[%dma_wait3A_1427, %dma_wait3A_1428] : memref<133120x8xf32, #tpu.memory_space<vmem_shared>> -> memref<133120x8xf32, #tpu.memory_space<vmem_shared>>
        tpu.wait_indirect_dma semaphore(%arg15 : memref<!tpu.dma_semaphore, #tpu.memory_space<semaphore_mem>>) src(%dma_wait3A_1423 : memref<128x8xf32, #tpu.memory_space<vmem>>) dst(%dma_wait3A_1429 : memref<133120x8xf32, #tpu.memory_space<vmem_shared>>)
        %dma_wait3A_1430 = arith.constant 0 : i32
        %dma_wait3A_1431 = arith.constant 3 : i32
        %dma_wait3A_1432 = arith.constant 3 : i32
        %dma_wait3A_1433 = arith.constant 1920 : i32
        %dma_wait3A_1434 = arith.constant 0 : i32
        %dma_wait3A_1435 = tpu.memref_slice %arg11[%dma_wait3A_1433, %dma_wait3A_1434] : memref<2048x8xf32, #tpu.memory_space<vmem>> -> memref<128x8xf32, #tpu.memory_space<vmem>>
        %dma_wait3A_1436 = arith.constant 0 : i32
        %dma_wait3A_1437 = tpu.memref_slice %arg10[%dma_wait3A_1430, %dma_wait3A_1431, %dma_wait3A_1432, %dma_wait3A_1436] : memref<2x4x4x128xi32, #tpu.memory_space<vmem>> -> memref<1x1x1x128xi32, #tpu.memory_space<vmem>>
        %dma_wait3A_1438 = tpu.memref_squeeze %dma_wait3A_1437 : memref<1x1x1x128xi32, #tpu.memory_space<vmem>> -> memref<128xi32, #tpu.memory_space<vmem>>
        %dma_wait3A_1439 = arith.constant 0 : i32
        %dma_wait3A_1440 = arith.constant 0 : i32
        %dma_wait3A_1441 = tpu.memref_slice %arg7[%dma_wait3A_1439, %dma_wait3A_1440] : memref<133120x8xf32, #tpu.memory_space<vmem_shared>> -> memref<133120x8xf32, #tpu.memory_space<vmem_shared>>
        tpu.wait_indirect_dma semaphore(%arg15 : memref<!tpu.dma_semaphore, #tpu.memory_space<semaphore_mem>>) src(%dma_wait3A_1435 : memref<128x8xf32, #tpu.memory_space<vmem>>) dst(%dma_wait3A_1441 : memref<133120x8xf32, #tpu.memory_space<vmem_shared>>)
        %add3A_1442 = arith.constant 1 : i32
        %add3A_1443 = arith.addi %add3A_1157, %add3A_1442 : i32
        %mul3A_1444 = arith.constant 16384 : i32
        %mul3A_1445 = arith.muli %arg1, %mul3A_1444 : i32
        %mul3A_1446 = arith.constant 512 : i32
        %mul3A_1447 = arith.muli %add3A_1443, %mul3A_1446 : i32
        %add3A_1448 = arith.addi %mul3A_1445, %mul3A_1447 : i32
        %jit3A_1449 = arith.constant 128 : i32
        %div3A_1450 = arith.divsi %add3A_1448, %jit3A_1449 : i32
        %sign3A_1451 = arith.constant 0 : i32
        %sign3A_1452 = arith.cmpi sgt, %add3A_1448, %sign3A_1451 : i32
        %sign3A_1453 = arith.extui %sign3A_1452 : i1 to i32
        %sign3A_1454 = arith.constant 0 : i32
        %sign3A_1455 = arith.cmpi slt, %add3A_1448, %sign3A_1454 : i32
        %sign3A_1456 = arith.extui %sign3A_1455 : i1 to i32
        %sign3A_1457 = arith.subi %sign3A_1453, %sign3A_1456 : i32
        %sign3A_1458 = arith.constant 0 : i32
        %sign3A_1459 = arith.cmpi sgt, %jit3A_1449, %sign3A_1458 : i32
        %sign3A_1460 = arith.extui %sign3A_1459 : i1 to i32
        %sign3A_1461 = arith.constant 0 : i32
        %sign3A_1462 = arith.cmpi slt, %jit3A_1449, %sign3A_1461 : i32
        %sign3A_1463 = arith.extui %sign3A_1462 : i1 to i32
        %sign3A_1464 = arith.subi %sign3A_1460, %sign3A_1463 : i32
        %ne3A_1465 = arith.cmpi ne, %sign3A_1457, %sign3A_1464 : i32
        %rem3A_1466 = arith.remsi %add3A_1448, %jit3A_1449 : i32
        %ne3A_1467 = arith.constant 0 : i32
        %ne3A_1468 = arith.cmpi ne, %rem3A_1466, %ne3A_1467 : i32
        %and3A_1469 = arith.andi %ne3A_1465, %ne3A_1468 : i1
        %sub3A_1470 = arith.constant 1 : i32
        %sub3A_1471 = arith.subi %div3A_1450, %sub3A_1470 : i32
        %select_n3A_1472 = arith.select %and3A_1469, %sub3A_1471, %div3A_1450 : i32
        %multiple_of3A_1473 = tpu.assume_multiple %select_n3A_1472, 4 : i32
        %dma_start3A_1474 = arith.constant 0 : i32
        %dma_start3A_1475 = arith.constant 0 : i32
        %dma_start3A_1476 = arith.constant 0 : i32
        %dma_start3A_1477 = arith.constant 0 : i32
        %dma_start3A_1478 = tpu.memref_slice %arg8[%dma_start3A_1474, %dma_start3A_1475, %dma_start3A_1476, %dma_start3A_1477] : memref<2x8x4x128xf32, #tpu.memory_space<vmem>> -> memref<1x8x4x128xf32, #tpu.memory_space<vmem>>
        %dma_start3A_1479 = tpu.memref_squeeze %dma_start3A_1478 : memref<1x8x4x128xf32, #tpu.memory_space<vmem>> -> memref<8x4x128xf32, #tpu.memory_space<vmem>>
        %dma_start3A_1480 = arith.constant 0 : i32
        %dma_start3A_1481 = arith.constant 0 : i32
        %dma_start3A_1482 = tpu.memref_slice %arg2[%add3A_23, %dma_start3A_1480, %multiple_of3A_1473, %dma_start3A_1481] : memref<4x8x2048x128xf32, #tpu.memory_space<hbm>> -> memref<1x8x4x128xf32, #tpu.memory_space<hbm>>
        %dma_start3A_1483 = tpu.memref_squeeze %dma_start3A_1482 : memref<1x8x4x128xf32, #tpu.memory_space<hbm>> -> memref<8x4x128xf32, #tpu.memory_space<hbm>>
        %dma_start3A_1484 = arith.constant 0 : i32
        %dma_start3A_1485 = arith.constant 0 : i32
        %dma_start3A_1486 = arith.constant 0 : i32
        %dma_start3A_1487 = tpu.memref_slice %arg8[%dma_start3A_1474, %dma_start3A_1484, %dma_start3A_1485, %dma_start3A_1486] : memref<2x8x4x128xf32, #tpu.memory_space<vmem>> -> memref<1x8x4x128xf32, #tpu.memory_space<vmem>>
        %dma_start3A_1488 = tpu.memref_squeeze %dma_start3A_1487 : memref<1x8x4x128xf32, #tpu.memory_space<vmem>> -> memref<8x4x128xf32, #tpu.memory_space<vmem>>
        %dma_start3A_1489 = arith.constant 0 : i32
        %dma_start3A_1490 = arith.constant 0 : i32
        %dma_start3A_1491 = tpu.memref_slice %arg2[%add3A_23, %dma_start3A_1489, %multiple_of3A_1473, %dma_start3A_1490] : memref<4x8x2048x128xf32, #tpu.memory_space<hbm>> -> memref<1x8x4x128xf32, #tpu.memory_space<hbm>>
        %dma_start3A_1492 = tpu.memref_squeeze %dma_start3A_1491 : memref<1x8x4x128xf32, #tpu.memory_space<hbm>> -> memref<8x4x128xf32, #tpu.memory_space<hbm>>
        tpu.enqueue_dma source(%dma_start3A_1492 : memref<8x4x128xf32, #tpu.memory_space<hbm>>) target(%dma_start3A_1488 : memref<8x4x128xf32, #tpu.memory_space<vmem>>) target_semaphore(%arg13 : memref<!tpu.dma_semaphore, #tpu.memory_space<semaphore_mem>>)
        %dma_start3A_1493 = arith.constant 0 : i32
        %dma_start3A_1494 = arith.constant 0 : i32
        %dma_start3A_1495 = arith.constant 0 : i32
        %dma_start3A_1496 = arith.constant 0 : i32
        %dma_start3A_1497 = tpu.memref_slice %arg9[%dma_start3A_1493, %dma_start3A_1494, %dma_start3A_1495, %dma_start3A_1496] : memref<2x4x4x128xf32, #tpu.memory_space<vmem>> -> memref<1x4x4x128xf32, #tpu.memory_space<vmem>>
        %dma_start3A_1498 = tpu.memref_squeeze %dma_start3A_1497 : memref<1x4x4x128xf32, #tpu.memory_space<vmem>> -> memref<4x4x128xf32, #tpu.memory_space<vmem>>
        %dma_start3A_1499 = arith.constant 0 : i32
        %dma_start3A_1500 = arith.constant 0 : i32
        %dma_start3A_1501 = tpu.memref_slice %arg3[%add3A_23, %dma_start3A_1499, %multiple_of3A_1473, %dma_start3A_1500] : memref<4x4x2048x128xf32, #tpu.memory_space<hbm>> -> memref<1x4x4x128xf32, #tpu.memory_space<hbm>>
        %dma_start3A_1502 = tpu.memref_squeeze %dma_start3A_1501 : memref<1x4x4x128xf32, #tpu.memory_space<hbm>> -> memref<4x4x128xf32, #tpu.memory_space<hbm>>
        %dma_start3A_1503 = arith.constant 0 : i32
        %dma_start3A_1504 = arith.constant 0 : i32
        %dma_start3A_1505 = arith.constant 0 : i32
        %dma_start3A_1506 = tpu.memref_slice %arg9[%dma_start3A_1493, %dma_start3A_1503, %dma_start3A_1504, %dma_start3A_1505] : memref<2x4x4x128xf32, #tpu.memory_space<vmem>> -> memref<1x4x4x128xf32, #tpu.memory_space<vmem>>
        %dma_start3A_1507 = tpu.memref_squeeze %dma_start3A_1506 : memref<1x4x4x128xf32, #tpu.memory_space<vmem>> -> memref<4x4x128xf32, #tpu.memory_space<vmem>>
        %dma_start3A_1508 = arith.constant 0 : i32
        %dma_start3A_1509 = arith.constant 0 : i32
        %dma_start3A_1510 = tpu.memref_slice %arg3[%add3A_23, %dma_start3A_1508, %multiple_of3A_1473, %dma_start3A_1509] : memref<4x4x2048x128xf32, #tpu.memory_space<hbm>> -> memref<1x4x4x128xf32, #tpu.memory_space<hbm>>
        %dma_start3A_1511 = tpu.memref_squeeze %dma_start3A_1510 : memref<1x4x4x128xf32, #tpu.memory_space<hbm>> -> memref<4x4x128xf32, #tpu.memory_space<hbm>>
        tpu.enqueue_dma source(%dma_start3A_1511 : memref<4x4x128xf32, #tpu.memory_space<hbm>>) target(%dma_start3A_1507 : memref<4x4x128xf32, #tpu.memory_space<vmem>>) target_semaphore(%arg13 : memref<!tpu.dma_semaphore, #tpu.memory_space<semaphore_mem>>)
        %dma_start3A_1512 = arith.constant 0 : i32
        %dma_start3A_1513 = arith.constant 0 : i32
        %dma_start3A_1514 = arith.constant 0 : i32
        %dma_start3A_1515 = arith.constant 0 : i32
        %dma_start3A_1516 = tpu.memref_slice %arg10[%dma_start3A_1512, %dma_start3A_1513, %dma_start3A_1514, %dma_start3A_1515] : memref<2x4x4x128xi32, #tpu.memory_space<vmem>> -> memref<1x4x4x128xi32, #tpu.memory_space<vmem>>
        %dma_start3A_1517 = tpu.memref_squeeze %dma_start3A_1516 : memref<1x4x4x128xi32, #tpu.memory_space<vmem>> -> memref<4x4x128xi32, #tpu.memory_space<vmem>>
        %dma_start3A_1518 = arith.constant 0 : i32
        %dma_start3A_1519 = arith.constant 0 : i32
        %dma_start3A_1520 = tpu.memref_slice %arg4[%arg0, %add3A_23, %dma_start3A_1518, %multiple_of3A_1473, %dma_start3A_1519] : memref<2x4x4x2048x128xi32, #tpu.memory_space<hbm>> -> memref<1x1x4x4x128xi32, #tpu.memory_space<hbm>>
        %dma_start3A_1521 = tpu.memref_squeeze %dma_start3A_1520 : memref<1x1x4x4x128xi32, #tpu.memory_space<hbm>> -> memref<4x4x128xi32, #tpu.memory_space<hbm>>
        %dma_start3A_1522 = arith.constant 0 : i32
        %dma_start3A_1523 = arith.constant 0 : i32
        %dma_start3A_1524 = arith.constant 0 : i32
        %dma_start3A_1525 = tpu.memref_slice %arg10[%dma_start3A_1512, %dma_start3A_1522, %dma_start3A_1523, %dma_start3A_1524] : memref<2x4x4x128xi32, #tpu.memory_space<vmem>> -> memref<1x4x4x128xi32, #tpu.memory_space<vmem>>
        %dma_start3A_1526 = tpu.memref_squeeze %dma_start3A_1525 : memref<1x4x4x128xi32, #tpu.memory_space<vmem>> -> memref<4x4x128xi32, #tpu.memory_space<vmem>>
        %dma_start3A_1527 = arith.constant 0 : i32
        %dma_start3A_1528 = arith.constant 0 : i32
        %dma_start3A_1529 = tpu.memref_slice %arg4[%arg0, %add3A_23, %dma_start3A_1527, %multiple_of3A_1473, %dma_start3A_1528] : memref<2x4x4x2048x128xi32, #tpu.memory_space<hbm>> -> memref<1x1x4x4x128xi32, #tpu.memory_space<hbm>>
        %dma_start3A_1530 = tpu.memref_squeeze %dma_start3A_1529 : memref<1x1x4x4x128xi32, #tpu.memory_space<hbm>> -> memref<4x4x128xi32, #tpu.memory_space<hbm>>
        tpu.enqueue_dma source(%dma_start3A_1530 : memref<4x4x128xi32, #tpu.memory_space<hbm>>) target(%dma_start3A_1526 : memref<4x4x128xi32, #tpu.memory_space<vmem>>) target_semaphore(%arg13 : memref<!tpu.dma_semaphore, #tpu.memory_space<semaphore_mem>>)
        %dma_start3A_1531 = arith.constant 1 : i32
        %dma_start3A_1532 = arith.constant 0 : i32
        %dma_start3A_1533 = arith.constant 0 : i32
        %dma_start3A_1534 = arith.constant 0 : i32
        %dma_start3A_1535 = arith.constant 0 : i32
        %dma_start3A_1536 = tpu.memref_slice %arg12[%dma_start3A_1534, %dma_start3A_1535] : memref<2048x8xf32, #tpu.memory_space<vmem>> -> memref<128x8xf32, #tpu.memory_space<vmem>>
        %dma_start3A_1537 = arith.constant 0 : i32
        %dma_start3A_1538 = tpu.memref_slice %arg10[%dma_start3A_1531, %dma_start3A_1532, %dma_start3A_1533, %dma_start3A_1537] : memref<2x4x4x128xi32, #tpu.memory_space<vmem>> -> memref<1x1x1x128xi32, #tpu.memory_space<vmem>>
        %dma_start3A_1539 = tpu.memref_squeeze %dma_start3A_1538 : memref<1x1x1x128xi32, #tpu.memory_space<vmem>> -> memref<128xi32, #tpu.memory_space<vmem>>
        %dma_start3A_1540 = arith.constant 0 : i32
        %dma_start3A_1541 = arith.constant 0 : i32
        %dma_start3A_1542 = tpu.memref_slice %arg7[%dma_start3A_1540, %dma_start3A_1541] : memref<133120x8xf32, #tpu.memory_space<vmem_shared>> -> memref<133120x8xf32, #tpu.memory_space<vmem_shared>>
        tpu.enqueue_indirect_dma source(%dma_start3A_1536 : memref<128x8xf32, #tpu.memory_space<vmem>>) target(%dma_start3A_1542 : memref<133120x8xf32, #tpu.memory_space<vmem_shared>>) offsets(%dma_start3A_1539 : memref<128xi32, #tpu.memory_space<vmem>>) semaphore(%arg16 : memref<!tpu.dma_semaphore, #tpu.memory_space<semaphore_mem>>) {add = true}
        %dma_start3A_1543 = arith.constant 1 : i32
        %dma_start3A_1544 = arith.constant 0 : i32
        %dma_start3A_1545 = arith.constant 1 : i32
        %dma_start3A_1546 = arith.constant 128 : i32
        %dma_start3A_1547 = arith.constant 0 : i32
        %dma_start3A_1548 = tpu.memref_slice %arg12[%dma_start3A_1546, %dma_start3A_1547] : memref<2048x8xf32, #tpu.memory_space<vmem>> -> memref<128x8xf32, #tpu.memory_space<vmem>>
        %dma_start3A_1549 = arith.constant 0 : i32
        %dma_start3A_1550 = tpu.memref_slice %arg10[%dma_start3A_1543, %dma_start3A_1544, %dma_start3A_1545, %dma_start3A_1549] : memref<2x4x4x128xi32, #tpu.memory_space<vmem>> -> memref<1x1x1x128xi32, #tpu.memory_space<vmem>>
        %dma_start3A_1551 = tpu.memref_squeeze %dma_start3A_1550 : memref<1x1x1x128xi32, #tpu.memory_space<vmem>> -> memref<128xi32, #tpu.memory_space<vmem>>
        %dma_start3A_1552 = arith.constant 0 : i32
        %dma_start3A_1553 = arith.constant 0 : i32
        %dma_start3A_1554 = tpu.memref_slice %arg7[%dma_start3A_1552, %dma_start3A_1553] : memref<133120x8xf32, #tpu.memory_space<vmem_shared>> -> memref<133120x8xf32, #tpu.memory_space<vmem_shared>>
        tpu.enqueue_indirect_dma source(%dma_start3A_1548 : memref<128x8xf32, #tpu.memory_space<vmem>>) target(%dma_start3A_1554 : memref<133120x8xf32, #tpu.memory_space<vmem_shared>>) offsets(%dma_start3A_1551 : memref<128xi32, #tpu.memory_space<vmem>>) semaphore(%arg16 : memref<!tpu.dma_semaphore, #tpu.memory_space<semaphore_mem>>) {add = true}
        %dma_start3A_1555 = arith.constant 1 : i32
        %dma_start3A_1556 = arith.constant 0 : i32
        %dma_start3A_1557 = arith.constant 2 : i32
        %dma_start3A_1558 = arith.constant 256 : i32
        %dma_start3A_1559 = arith.constant 0 : i32
        %dma_start3A_1560 = tpu.memref_slice %arg12[%dma_start3A_1558, %dma_start3A_1559] : memref<2048x8xf32, #tpu.memory_space<vmem>> -> memref<128x8xf32, #tpu.memory_space<vmem>>
        %dma_start3A_1561 = arith.constant 0 : i32
        %dma_start3A_1562 = tpu.memref_slice %arg10[%dma_start3A_1555, %dma_start3A_1556, %dma_start3A_1557, %dma_start3A_1561] : memref<2x4x4x128xi32, #tpu.memory_space<vmem>> -> memref<1x1x1x128xi32, #tpu.memory_space<vmem>>
        %dma_start3A_1563 = tpu.memref_squeeze %dma_start3A_1562 : memref<1x1x1x128xi32, #tpu.memory_space<vmem>> -> memref<128xi32, #tpu.memory_space<vmem>>
        %dma_start3A_1564 = arith.constant 0 : i32
        %dma_start3A_1565 = arith.constant 0 : i32
        %dma_start3A_1566 = tpu.memref_slice %arg7[%dma_start3A_1564, %dma_start3A_1565] : memref<133120x8xf32, #tpu.memory_space<vmem_shared>> -> memref<133120x8xf32, #tpu.memory_space<vmem_shared>>
        tpu.enqueue_indirect_dma source(%dma_start3A_1560 : memref<128x8xf32, #tpu.memory_space<vmem>>) target(%dma_start3A_1566 : memref<133120x8xf32, #tpu.memory_space<vmem_shared>>) offsets(%dma_start3A_1563 : memref<128xi32, #tpu.memory_space<vmem>>) semaphore(%arg16 : memref<!tpu.dma_semaphore, #tpu.memory_space<semaphore_mem>>) {add = true}
        %dma_start3A_1567 = arith.constant 1 : i32
        %dma_start3A_1568 = arith.constant 0 : i32
        %dma_start3A_1569 = arith.constant 3 : i32
        %dma_start3A_1570 = arith.constant 384 : i32
        %dma_start3A_1571 = arith.constant 0 : i32
        %dma_start3A_1572 = tpu.memref_slice %arg12[%dma_start3A_1570, %dma_start3A_1571] : memref<2048x8xf32, #tpu.memory_space<vmem>> -> memref<128x8xf32, #tpu.memory_space<vmem>>
        %dma_start3A_1573 = arith.constant 0 : i32
        %dma_start3A_1574 = tpu.memref_slice %arg10[%dma_start3A_1567, %dma_start3A_1568, %dma_start3A_1569, %dma_start3A_1573] : memref<2x4x4x128xi32, #tpu.memory_space<vmem>> -> memref<1x1x1x128xi32, #tpu.memory_space<vmem>>
        %dma_start3A_1575 = tpu.memref_squeeze %dma_start3A_1574 : memref<1x1x1x128xi32, #tpu.memory_space<vmem>> -> memref<128xi32, #tpu.memory_space<vmem>>
        %dma_start3A_1576 = arith.constant 0 : i32
        %dma_start3A_1577 = arith.constant 0 : i32
        %dma_start3A_1578 = tpu.memref_slice %arg7[%dma_start3A_1576, %dma_start3A_1577] : memref<133120x8xf32, #tpu.memory_space<vmem_shared>> -> memref<133120x8xf32, #tpu.memory_space<vmem_shared>>
        tpu.enqueue_indirect_dma source(%dma_start3A_1572 : memref<128x8xf32, #tpu.memory_space<vmem>>) target(%dma_start3A_1578 : memref<133120x8xf32, #tpu.memory_space<vmem_shared>>) offsets(%dma_start3A_1575 : memref<128xi32, #tpu.memory_space<vmem>>) semaphore(%arg16 : memref<!tpu.dma_semaphore, #tpu.memory_space<semaphore_mem>>) {add = true}
        %dma_start3A_1579 = arith.constant 1 : i32
        %dma_start3A_1580 = arith.constant 1 : i32
        %dma_start3A_1581 = arith.constant 0 : i32
        %dma_start3A_1582 = arith.constant 512 : i32
        %dma_start3A_1583 = arith.constant 0 : i32
        %dma_start3A_1584 = tpu.memref_slice %arg12[%dma_start3A_1582, %dma_start3A_1583] : memref<2048x8xf32, #tpu.memory_space<vmem>> -> memref<128x8xf32, #tpu.memory_space<vmem>>
        %dma_start3A_1585 = arith.constant 0 : i32
        %dma_start3A_1586 = tpu.memref_slice %arg10[%dma_start3A_1579, %dma_start3A_1580, %dma_start3A_1581, %dma_start3A_1585] : memref<2x4x4x128xi32, #tpu.memory_space<vmem>> -> memref<1x1x1x128xi32, #tpu.memory_space<vmem>>
        %dma_start3A_1587 = tpu.memref_squeeze %dma_start3A_1586 : memref<1x1x1x128xi32, #tpu.memory_space<vmem>> -> memref<128xi32, #tpu.memory_space<vmem>>
        %dma_start3A_1588 = arith.constant 0 : i32
        %dma_start3A_1589 = arith.constant 0 : i32
        %dma_start3A_1590 = tpu.memref_slice %arg7[%dma_start3A_1588, %dma_start3A_1589] : memref<133120x8xf32, #tpu.memory_space<vmem_shared>> -> memref<133120x8xf32, #tpu.memory_space<vmem_shared>>
        tpu.enqueue_indirect_dma source(%dma_start3A_1584 : memref<128x8xf32, #tpu.memory_space<vmem>>) target(%dma_start3A_1590 : memref<133120x8xf32, #tpu.memory_space<vmem_shared>>) offsets(%dma_start3A_1587 : memref<128xi32, #tpu.memory_space<vmem>>) semaphore(%arg16 : memref<!tpu.dma_semaphore, #tpu.memory_space<semaphore_mem>>) {add = true}
        %dma_start3A_1591 = arith.constant 1 : i32
        %dma_start3A_1592 = arith.constant 1 : i32
        %dma_start3A_1593 = arith.constant 1 : i32
        %dma_start3A_1594 = arith.constant 640 : i32
        %dma_start3A_1595 = arith.constant 0 : i32
        %dma_start3A_1596 = tpu.memref_slice %arg12[%dma_start3A_1594, %dma_start3A_1595] : memref<2048x8xf32, #tpu.memory_space<vmem>> -> memref<128x8xf32, #tpu.memory_space<vmem>>
        %dma_start3A_1597 = arith.constant 0 : i32
        %dma_start3A_1598 = tpu.memref_slice %arg10[%dma_start3A_1591, %dma_start3A_1592, %dma_start3A_1593, %dma_start3A_1597] : memref<2x4x4x128xi32, #tpu.memory_space<vmem>> -> memref<1x1x1x128xi32, #tpu.memory_space<vmem>>
        %dma_start3A_1599 = tpu.memref_squeeze %dma_start3A_1598 : memref<1x1x1x128xi32, #tpu.memory_space<vmem>> -> memref<128xi32, #tpu.memory_space<vmem>>
        %dma_start3A_1600 = arith.constant 0 : i32
        %dma_start3A_1601 = arith.constant 0 : i32
        %dma_start3A_1602 = tpu.memref_slice %arg7[%dma_start3A_1600, %dma_start3A_1601] : memref<133120x8xf32, #tpu.memory_space<vmem_shared>> -> memref<133120x8xf32, #tpu.memory_space<vmem_shared>>
        tpu.enqueue_indirect_dma source(%dma_start3A_1596 : memref<128x8xf32, #tpu.memory_space<vmem>>) target(%dma_start3A_1602 : memref<133120x8xf32, #tpu.memory_space<vmem_shared>>) offsets(%dma_start3A_1599 : memref<128xi32, #tpu.memory_space<vmem>>) semaphore(%arg16 : memref<!tpu.dma_semaphore, #tpu.memory_space<semaphore_mem>>) {add = true}
        %dma_start3A_1603 = arith.constant 1 : i32
        %dma_start3A_1604 = arith.constant 1 : i32
        %dma_start3A_1605 = arith.constant 2 : i32
        %dma_start3A_1606 = arith.constant 768 : i32
        %dma_start3A_1607 = arith.constant 0 : i32
        %dma_start3A_1608 = tpu.memref_slice %arg12[%dma_start3A_1606, %dma_start3A_1607] : memref<2048x8xf32, #tpu.memory_space<vmem>> -> memref<128x8xf32, #tpu.memory_space<vmem>>
        %dma_start3A_1609 = arith.constant 0 : i32
        %dma_start3A_1610 = tpu.memref_slice %arg10[%dma_start3A_1603, %dma_start3A_1604, %dma_start3A_1605, %dma_start3A_1609] : memref<2x4x4x128xi32, #tpu.memory_space<vmem>> -> memref<1x1x1x128xi32, #tpu.memory_space<vmem>>
        %dma_start3A_1611 = tpu.memref_squeeze %dma_start3A_1610 : memref<1x1x1x128xi32, #tpu.memory_space<vmem>> -> memref<128xi32, #tpu.memory_space<vmem>>
        %dma_start3A_1612 = arith.constant 0 : i32
        %dma_start3A_1613 = arith.constant 0 : i32
        %dma_start3A_1614 = tpu.memref_slice %arg7[%dma_start3A_1612, %dma_start3A_1613] : memref<133120x8xf32, #tpu.memory_space<vmem_shared>> -> memref<133120x8xf32, #tpu.memory_space<vmem_shared>>
        tpu.enqueue_indirect_dma source(%dma_start3A_1608 : memref<128x8xf32, #tpu.memory_space<vmem>>) target(%dma_start3A_1614 : memref<133120x8xf32, #tpu.memory_space<vmem_shared>>) offsets(%dma_start3A_1611 : memref<128xi32, #tpu.memory_space<vmem>>) semaphore(%arg16 : memref<!tpu.dma_semaphore, #tpu.memory_space<semaphore_mem>>) {add = true}
        %dma_start3A_1615 = arith.constant 1 : i32
        %dma_start3A_1616 = arith.constant 1 : i32
        %dma_start3A_1617 = arith.constant 3 : i32
        %dma_start3A_1618 = arith.constant 896 : i32
        %dma_start3A_1619 = arith.constant 0 : i32
        %dma_start3A_1620 = tpu.memref_slice %arg12[%dma_start3A_1618, %dma_start3A_1619] : memref<2048x8xf32, #tpu.memory_space<vmem>> -> memref<128x8xf32, #tpu.memory_space<vmem>>
        %dma_start3A_1621 = arith.constant 0 : i32
        %dma_start3A_1622 = tpu.memref_slice %arg10[%dma_start3A_1615, %dma_start3A_1616, %dma_start3A_1617, %dma_start3A_1621] : memref<2x4x4x128xi32, #tpu.memory_space<vmem>> -> memref<1x1x1x128xi32, #tpu.memory_space<vmem>>
        %dma_start3A_1623 = tpu.memref_squeeze %dma_start3A_1622 : memref<1x1x1x128xi32, #tpu.memory_space<vmem>> -> memref<128xi32, #tpu.memory_space<vmem>>
        %dma_start3A_1624 = arith.constant 0 : i32
        %dma_start3A_1625 = arith.constant 0 : i32
        %dma_start3A_1626 = tpu.memref_slice %arg7[%dma_start3A_1624, %dma_start3A_1625] : memref<133120x8xf32, #tpu.memory_space<vmem_shared>> -> memref<133120x8xf32, #tpu.memory_space<vmem_shared>>
        tpu.enqueue_indirect_dma source(%dma_start3A_1620 : memref<128x8xf32, #tpu.memory_space<vmem>>) target(%dma_start3A_1626 : memref<133120x8xf32, #tpu.memory_space<vmem_shared>>) offsets(%dma_start3A_1623 : memref<128xi32, #tpu.memory_space<vmem>>) semaphore(%arg16 : memref<!tpu.dma_semaphore, #tpu.memory_space<semaphore_mem>>) {add = true}
        %dma_start3A_1627 = arith.constant 1 : i32
        %dma_start3A_1628 = arith.constant 2 : i32
        %dma_start3A_1629 = arith.constant 0 : i32
        %dma_start3A_1630 = arith.constant 1024 : i32
        %dma_start3A_1631 = arith.constant 0 : i32
        %dma_start3A_1632 = tpu.memref_slice %arg12[%dma_start3A_1630, %dma_start3A_1631] : memref<2048x8xf32, #tpu.memory_space<vmem>> -> memref<128x8xf32, #tpu.memory_space<vmem>>
        %dma_start3A_1633 = arith.constant 0 : i32
        %dma_start3A_1634 = tpu.memref_slice %arg10[%dma_start3A_1627, %dma_start3A_1628, %dma_start3A_1629, %dma_start3A_1633] : memref<2x4x4x128xi32, #tpu.memory_space<vmem>> -> memref<1x1x1x128xi32, #tpu.memory_space<vmem>>
        %dma_start3A_1635 = tpu.memref_squeeze %dma_start3A_1634 : memref<1x1x1x128xi32, #tpu.memory_space<vmem>> -> memref<128xi32, #tpu.memory_space<vmem>>
        %dma_start3A_1636 = arith.constant 0 : i32
        %dma_start3A_1637 = arith.constant 0 : i32
        %dma_start3A_1638 = tpu.memref_slice %arg7[%dma_start3A_1636, %dma_start3A_1637] : memref<133120x8xf32, #tpu.memory_space<vmem_shared>> -> memref<133120x8xf32, #tpu.memory_space<vmem_shared>>
        tpu.enqueue_indirect_dma source(%dma_start3A_1632 : memref<128x8xf32, #tpu.memory_space<vmem>>) target(%dma_start3A_1638 : memref<133120x8xf32, #tpu.memory_space<vmem_shared>>) offsets(%dma_start3A_1635 : memref<128xi32, #tpu.memory_space<vmem>>) semaphore(%arg16 : memref<!tpu.dma_semaphore, #tpu.memory_space<semaphore_mem>>) {add = true}
        %dma_start3A_1639 = arith.constant 1 : i32
        %dma_start3A_1640 = arith.constant 2 : i32
        %dma_start3A_1641 = arith.constant 1 : i32
        %dma_start3A_1642 = arith.constant 1152 : i32
        %dma_start3A_1643 = arith.constant 0 : i32
        %dma_start3A_1644 = tpu.memref_slice %arg12[%dma_start3A_1642, %dma_start3A_1643] : memref<2048x8xf32, #tpu.memory_space<vmem>> -> memref<128x8xf32, #tpu.memory_space<vmem>>
        %dma_start3A_1645 = arith.constant 0 : i32
        %dma_start3A_1646 = tpu.memref_slice %arg10[%dma_start3A_1639, %dma_start3A_1640, %dma_start3A_1641, %dma_start3A_1645] : memref<2x4x4x128xi32, #tpu.memory_space<vmem>> -> memref<1x1x1x128xi32, #tpu.memory_space<vmem>>
        %dma_start3A_1647 = tpu.memref_squeeze %dma_start3A_1646 : memref<1x1x1x128xi32, #tpu.memory_space<vmem>> -> memref<128xi32, #tpu.memory_space<vmem>>
        %dma_start3A_1648 = arith.constant 0 : i32
        %dma_start3A_1649 = arith.constant 0 : i32
        %dma_start3A_1650 = tpu.memref_slice %arg7[%dma_start3A_1648, %dma_start3A_1649] : memref<133120x8xf32, #tpu.memory_space<vmem_shared>> -> memref<133120x8xf32, #tpu.memory_space<vmem_shared>>
        tpu.enqueue_indirect_dma source(%dma_start3A_1644 : memref<128x8xf32, #tpu.memory_space<vmem>>) target(%dma_start3A_1650 : memref<133120x8xf32, #tpu.memory_space<vmem_shared>>) offsets(%dma_start3A_1647 : memref<128xi32, #tpu.memory_space<vmem>>) semaphore(%arg16 : memref<!tpu.dma_semaphore, #tpu.memory_space<semaphore_mem>>) {add = true}
        %dma_start3A_1651 = arith.constant 1 : i32
        %dma_start3A_1652 = arith.constant 2 : i32
        %dma_start3A_1653 = arith.constant 2 : i32
        %dma_start3A_1654 = arith.constant 1280 : i32
        %dma_start3A_1655 = arith.constant 0 : i32
        %dma_start3A_1656 = tpu.memref_slice %arg12[%dma_start3A_1654, %dma_start3A_1655] : memref<2048x8xf32, #tpu.memory_space<vmem>> -> memref<128x8xf32, #tpu.memory_space<vmem>>
        %dma_start3A_1657 = arith.constant 0 : i32
        %dma_start3A_1658 = tpu.memref_slice %arg10[%dma_start3A_1651, %dma_start3A_1652, %dma_start3A_1653, %dma_start3A_1657] : memref<2x4x4x128xi32, #tpu.memory_space<vmem>> -> memref<1x1x1x128xi32, #tpu.memory_space<vmem>>
        %dma_start3A_1659 = tpu.memref_squeeze %dma_start3A_1658 : memref<1x1x1x128xi32, #tpu.memory_space<vmem>> -> memref<128xi32, #tpu.memory_space<vmem>>
        %dma_start3A_1660 = arith.constant 0 : i32
        %dma_start3A_1661 = arith.constant 0 : i32
        %dma_start3A_1662 = tpu.memref_slice %arg7[%dma_start3A_1660, %dma_start3A_1661] : memref<133120x8xf32, #tpu.memory_space<vmem_shared>> -> memref<133120x8xf32, #tpu.memory_space<vmem_shared>>
        tpu.enqueue_indirect_dma source(%dma_start3A_1656 : memref<128x8xf32, #tpu.memory_space<vmem>>) target(%dma_start3A_1662 : memref<133120x8xf32, #tpu.memory_space<vmem_shared>>) offsets(%dma_start3A_1659 : memref<128xi32, #tpu.memory_space<vmem>>) semaphore(%arg16 : memref<!tpu.dma_semaphore, #tpu.memory_space<semaphore_mem>>) {add = true}
        %dma_start3A_1663 = arith.constant 1 : i32
        %dma_start3A_1664 = arith.constant 2 : i32
        %dma_start3A_1665 = arith.constant 3 : i32
        %dma_start3A_1666 = arith.constant 1408 : i32
        %dma_start3A_1667 = arith.constant 0 : i32
        %dma_start3A_1668 = tpu.memref_slice %arg12[%dma_start3A_1666, %dma_start3A_1667] : memref<2048x8xf32, #tpu.memory_space<vmem>> -> memref<128x8xf32, #tpu.memory_space<vmem>>
        %dma_start3A_1669 = arith.constant 0 : i32
        %dma_start3A_1670 = tpu.memref_slice %arg10[%dma_start3A_1663, %dma_start3A_1664, %dma_start3A_1665, %dma_start3A_1669] : memref<2x4x4x128xi32, #tpu.memory_space<vmem>> -> memref<1x1x1x128xi32, #tpu.memory_space<vmem>>
        %dma_start3A_1671 = tpu.memref_squeeze %dma_start3A_1670 : memref<1x1x1x128xi32, #tpu.memory_space<vmem>> -> memref<128xi32, #tpu.memory_space<vmem>>
        %dma_start3A_1672 = arith.constant 0 : i32
        %dma_start3A_1673 = arith.constant 0 : i32
        %dma_start3A_1674 = tpu.memref_slice %arg7[%dma_start3A_1672, %dma_start3A_1673] : memref<133120x8xf32, #tpu.memory_space<vmem_shared>> -> memref<133120x8xf32, #tpu.memory_space<vmem_shared>>
        tpu.enqueue_indirect_dma source(%dma_start3A_1668 : memref<128x8xf32, #tpu.memory_space<vmem>>) target(%dma_start3A_1674 : memref<133120x8xf32, #tpu.memory_space<vmem_shared>>) offsets(%dma_start3A_1671 : memref<128xi32, #tpu.memory_space<vmem>>) semaphore(%arg16 : memref<!tpu.dma_semaphore, #tpu.memory_space<semaphore_mem>>) {add = true}
        %dma_start3A_1675 = arith.constant 1 : i32
        %dma_start3A_1676 = arith.constant 3 : i32
        %dma_start3A_1677 = arith.constant 0 : i32
        %dma_start3A_1678 = arith.constant 1536 : i32
        %dma_start3A_1679 = arith.constant 0 : i32
        %dma_start3A_1680 = tpu.memref_slice %arg12[%dma_start3A_1678, %dma_start3A_1679] : memref<2048x8xf32, #tpu.memory_space<vmem>> -> memref<128x8xf32, #tpu.memory_space<vmem>>
        %dma_start3A_1681 = arith.constant 0 : i32
        %dma_start3A_1682 = tpu.memref_slice %arg10[%dma_start3A_1675, %dma_start3A_1676, %dma_start3A_1677, %dma_start3A_1681] : memref<2x4x4x128xi32, #tpu.memory_space<vmem>> -> memref<1x1x1x128xi32, #tpu.memory_space<vmem>>
        %dma_start3A_1683 = tpu.memref_squeeze %dma_start3A_1682 : memref<1x1x1x128xi32, #tpu.memory_space<vmem>> -> memref<128xi32, #tpu.memory_space<vmem>>
        %dma_start3A_1684 = arith.constant 0 : i32
        %dma_start3A_1685 = arith.constant 0 : i32
        %dma_start3A_1686 = tpu.memref_slice %arg7[%dma_start3A_1684, %dma_start3A_1685] : memref<133120x8xf32, #tpu.memory_space<vmem_shared>> -> memref<133120x8xf32, #tpu.memory_space<vmem_shared>>
        tpu.enqueue_indirect_dma source(%dma_start3A_1680 : memref<128x8xf32, #tpu.memory_space<vmem>>) target(%dma_start3A_1686 : memref<133120x8xf32, #tpu.memory_space<vmem_shared>>) offsets(%dma_start3A_1683 : memref<128xi32, #tpu.memory_space<vmem>>) semaphore(%arg16 : memref<!tpu.dma_semaphore, #tpu.memory_space<semaphore_mem>>) {add = true}
        %dma_start3A_1687 = arith.constant 1 : i32
        %dma_start3A_1688 = arith.constant 3 : i32
        %dma_start3A_1689 = arith.constant 1 : i32
        %dma_start3A_1690 = arith.constant 1664 : i32
        %dma_start3A_1691 = arith.constant 0 : i32
        %dma_start3A_1692 = tpu.memref_slice %arg12[%dma_start3A_1690, %dma_start3A_1691] : memref<2048x8xf32, #tpu.memory_space<vmem>> -> memref<128x8xf32, #tpu.memory_space<vmem>>
        %dma_start3A_1693 = arith.constant 0 : i32
        %dma_start3A_1694 = tpu.memref_slice %arg10[%dma_start3A_1687, %dma_start3A_1688, %dma_start3A_1689, %dma_start3A_1693] : memref<2x4x4x128xi32, #tpu.memory_space<vmem>> -> memref<1x1x1x128xi32, #tpu.memory_space<vmem>>
        %dma_start3A_1695 = tpu.memref_squeeze %dma_start3A_1694 : memref<1x1x1x128xi32, #tpu.memory_space<vmem>> -> memref<128xi32, #tpu.memory_space<vmem>>
        %dma_start3A_1696 = arith.constant 0 : i32
        %dma_start3A_1697 = arith.constant 0 : i32
        %dma_start3A_1698 = tpu.memref_slice %arg7[%dma_start3A_1696, %dma_start3A_1697] : memref<133120x8xf32, #tpu.memory_space<vmem_shared>> -> memref<133120x8xf32, #tpu.memory_space<vmem_shared>>
        tpu.enqueue_indirect_dma source(%dma_start3A_1692 : memref<128x8xf32, #tpu.memory_space<vmem>>) target(%dma_start3A_1698 : memref<133120x8xf32, #tpu.memory_space<vmem_shared>>) offsets(%dma_start3A_1695 : memref<128xi32, #tpu.memory_space<vmem>>) semaphore(%arg16 : memref<!tpu.dma_semaphore, #tpu.memory_space<semaphore_mem>>) {add = true}
        %dma_start3A_1699 = arith.constant 1 : i32
        %dma_start3A_1700 = arith.constant 3 : i32
        %dma_start3A_1701 = arith.constant 2 : i32
        %dma_start3A_1702 = arith.constant 1792 : i32
        %dma_start3A_1703 = arith.constant 0 : i32
        %dma_start3A_1704 = tpu.memref_slice %arg12[%dma_start3A_1702, %dma_start3A_1703] : memref<2048x8xf32, #tpu.memory_space<vmem>> -> memref<128x8xf32, #tpu.memory_space<vmem>>
        %dma_start3A_1705 = arith.constant 0 : i32
        %dma_start3A_1706 = tpu.memref_slice %arg10[%dma_start3A_1699, %dma_start3A_1700, %dma_start3A_1701, %dma_start3A_1705] : memref<2x4x4x128xi32, #tpu.memory_space<vmem>> -> memref<1x1x1x128xi32, #tpu.memory_space<vmem>>
        %dma_start3A_1707 = tpu.memref_squeeze %dma_start3A_1706 : memref<1x1x1x128xi32, #tpu.memory_space<vmem>> -> memref<128xi32, #tpu.memory_space<vmem>>
        %dma_start3A_1708 = arith.constant 0 : i32
        %dma_start3A_1709 = arith.constant 0 : i32
        %dma_start3A_1710 = tpu.memref_slice %arg7[%dma_start3A_1708, %dma_start3A_1709] : memref<133120x8xf32, #tpu.memory_space<vmem_shared>> -> memref<133120x8xf32, #tpu.memory_space<vmem_shared>>
        tpu.enqueue_indirect_dma source(%dma_start3A_1704 : memref<128x8xf32, #tpu.memory_space<vmem>>) target(%dma_start3A_1710 : memref<133120x8xf32, #tpu.memory_space<vmem_shared>>) offsets(%dma_start3A_1707 : memref<128xi32, #tpu.memory_space<vmem>>) semaphore(%arg16 : memref<!tpu.dma_semaphore, #tpu.memory_space<semaphore_mem>>) {add = true}
        %dma_start3A_1711 = arith.constant 1 : i32
        %dma_start3A_1712 = arith.constant 3 : i32
        %dma_start3A_1713 = arith.constant 3 : i32
        %dma_start3A_1714 = arith.constant 1920 : i32
        %dma_start3A_1715 = arith.constant 0 : i32
        %dma_start3A_1716 = tpu.memref_slice %arg12[%dma_start3A_1714, %dma_start3A_1715] : memref<2048x8xf32, #tpu.memory_space<vmem>> -> memref<128x8xf32, #tpu.memory_space<vmem>>
        %dma_start3A_1717 = arith.constant 0 : i32
        %dma_start3A_1718 = tpu.memref_slice %arg10[%dma_start3A_1711, %dma_start3A_1712, %dma_start3A_1713, %dma_start3A_1717] : memref<2x4x4x128xi32, #tpu.memory_space<vmem>> -> memref<1x1x1x128xi32, #tpu.memory_space<vmem>>
        %dma_start3A_1719 = tpu.memref_squeeze %dma_start3A_1718 : memref<1x1x1x128xi32, #tpu.memory_space<vmem>> -> memref<128xi32, #tpu.memory_space<vmem>>
        %dma_start3A_1720 = arith.constant 0 : i32
        %dma_start3A_1721 = arith.constant 0 : i32
        %dma_start3A_1722 = tpu.memref_slice %arg7[%dma_start3A_1720, %dma_start3A_1721] : memref<133120x8xf32, #tpu.memory_space<vmem_shared>> -> memref<133120x8xf32, #tpu.memory_space<vmem_shared>>
        tpu.enqueue_indirect_dma source(%dma_start3A_1716 : memref<128x8xf32, #tpu.memory_space<vmem>>) target(%dma_start3A_1722 : memref<133120x8xf32, #tpu.memory_space<vmem_shared>>) offsets(%dma_start3A_1719 : memref<128xi32, #tpu.memory_space<vmem>>) semaphore(%arg16 : memref<!tpu.dma_semaphore, #tpu.memory_space<semaphore_mem>>) {add = true}
        %mul3A_1723 = arith.constant 2 : i32
        %mul3A_1724 = arith.muli %add3A_1153, %mul3A_1723 : i32
        %add3A_1725 = arith.constant 2 : i32
        %add3A_1726 = arith.addi %mul3A_1724, %add3A_1725 : i32
        %mul3A_1727 = arith.constant 16384 : i32
        %mul3A_1728 = arith.muli %arg1, %mul3A_1727 : i32
        %mul3A_1729 = arith.constant 512 : i32
        %mul3A_1730 = arith.muli %add3A_1726, %mul3A_1729 : i32
        %add3A_1731 = arith.addi %mul3A_1728, %mul3A_1730 : i32
        %jit3A_1732 = arith.constant 128 : i32
        %div3A_1733 = arith.divsi %add3A_1731, %jit3A_1732 : i32
        %sign3A_1734 = arith.constant 0 : i32
        %sign3A_1735 = arith.cmpi sgt, %add3A_1731, %sign3A_1734 : i32
        %sign3A_1736 = arith.extui %sign3A_1735 : i1 to i32
        %sign3A_1737 = arith.constant 0 : i32
        %sign3A_1738 = arith.cmpi slt, %add3A_1731, %sign3A_1737 : i32
        %sign3A_1739 = arith.extui %sign3A_1738 : i1 to i32
        %sign3A_1740 = arith.subi %sign3A_1736, %sign3A_1739 : i32
        %sign3A_1741 = arith.constant 0 : i32
        %sign3A_1742 = arith.cmpi sgt, %jit3A_1732, %sign3A_1741 : i32
        %sign3A_1743 = arith.extui %sign3A_1742 : i1 to i32
        %sign3A_1744 = arith.constant 0 : i32
        %sign3A_1745 = arith.cmpi slt, %jit3A_1732, %sign3A_1744 : i32
        %sign3A_1746 = arith.extui %sign3A_1745 : i1 to i32
        %sign3A_1747 = arith.subi %sign3A_1743, %sign3A_1746 : i32
        %ne3A_1748 = arith.cmpi ne, %sign3A_1740, %sign3A_1747 : i32
        %rem3A_1749 = arith.remsi %add3A_1731, %jit3A_1732 : i32
        %ne3A_1750 = arith.constant 0 : i32
        %ne3A_1751 = arith.cmpi ne, %rem3A_1749, %ne3A_1750 : i32
        %and3A_1752 = arith.andi %ne3A_1748, %ne3A_1751 : i1
        %sub3A_1753 = arith.constant 1 : i32
        %sub3A_1754 = arith.subi %div3A_1733, %sub3A_1753 : i32
        %select_n3A_1755 = arith.select %and3A_1752, %sub3A_1754, %div3A_1733 : i32
        %multiple_of3A_1756 = tpu.assume_multiple %select_n3A_1755, 4 : i32
        %dma_wait3A_1757 = arith.constant 0 : i32
        %dma_wait3A_1758 = arith.constant 0 : i32
        %dma_wait3A_1759 = arith.constant 0 : i32
        %dma_wait3A_1760 = arith.constant 0 : i32
        %dma_wait3A_1761 = tpu.memref_slice %arg8[%dma_wait3A_1757, %dma_wait3A_1758, %dma_wait3A_1759, %dma_wait3A_1760] : memref<2x8x4x128xf32, #tpu.memory_space<vmem>> -> memref<1x8x4x128xf32, #tpu.memory_space<vmem>>
        %dma_wait3A_1762 = tpu.memref_squeeze %dma_wait3A_1761 : memref<1x8x4x128xf32, #tpu.memory_space<vmem>> -> memref<8x4x128xf32, #tpu.memory_space<vmem>>
        %dma_wait3A_1763 = arith.constant 0 : i32
        %dma_wait3A_1764 = arith.constant 0 : i32
        %dma_wait3A_1765 = tpu.memref_slice %arg2[%add3A_23, %dma_wait3A_1763, %multiple_of3A_1756, %dma_wait3A_1764] : memref<4x8x2048x128xf32, #tpu.memory_space<hbm>> -> memref<1x8x4x128xf32, #tpu.memory_space<hbm>>
        %dma_wait3A_1766 = tpu.memref_squeeze %dma_wait3A_1765 : memref<1x8x4x128xf32, #tpu.memory_space<hbm>> -> memref<8x4x128xf32, #tpu.memory_space<hbm>>
        %dma_wait3A_1767 = arith.constant 0 : i32
        %dma_wait3A_1768 = arith.constant 0 : i32
        %dma_wait3A_1769 = arith.constant 0 : i32
        %dma_wait3A_1770 = tpu.memref_slice %arg8[%dma_wait3A_1757, %dma_wait3A_1767, %dma_wait3A_1768, %dma_wait3A_1769] : memref<2x8x4x128xf32, #tpu.memory_space<vmem>> -> memref<1x8x4x128xf32, #tpu.memory_space<vmem>>
        %dma_wait3A_1771 = tpu.memref_squeeze %dma_wait3A_1770 : memref<1x8x4x128xf32, #tpu.memory_space<vmem>> -> memref<8x4x128xf32, #tpu.memory_space<vmem>>
        %dma_wait3A_1772 = arith.constant 0 : i32
        %dma_wait3A_1773 = arith.constant 0 : i32
        %dma_wait3A_1774 = tpu.memref_slice %arg2[%add3A_23, %dma_wait3A_1772, %multiple_of3A_1756, %dma_wait3A_1773] : memref<4x8x2048x128xf32, #tpu.memory_space<hbm>> -> memref<1x8x4x128xf32, #tpu.memory_space<hbm>>
        %dma_wait3A_1775 = tpu.memref_squeeze %dma_wait3A_1774 : memref<1x8x4x128xf32, #tpu.memory_space<hbm>> -> memref<8x4x128xf32, #tpu.memory_space<hbm>>
        tpu.wait_dma2 semaphore(%arg13 : memref<!tpu.dma_semaphore, #tpu.memory_space<semaphore_mem>>) src(%dma_wait3A_1775 : memref<8x4x128xf32, #tpu.memory_space<hbm>>) dst(%dma_wait3A_1771 : memref<8x4x128xf32, #tpu.memory_space<vmem>>)
        %dma_wait3A_1776 = arith.constant 0 : i32
        %dma_wait3A_1777 = arith.constant 0 : i32
        %dma_wait3A_1778 = arith.constant 0 : i32
        %dma_wait3A_1779 = arith.constant 0 : i32
        %dma_wait3A_1780 = tpu.memref_slice %arg9[%dma_wait3A_1776, %dma_wait3A_1777, %dma_wait3A_1778, %dma_wait3A_1779] : memref<2x4x4x128xf32, #tpu.memory_space<vmem>> -> memref<1x4x4x128xf32, #tpu.memory_space<vmem>>
        %dma_wait3A_1781 = tpu.memref_squeeze %dma_wait3A_1780 : memref<1x4x4x128xf32, #tpu.memory_space<vmem>> -> memref<4x4x128xf32, #tpu.memory_space<vmem>>
        %dma_wait3A_1782 = arith.constant 0 : i32
        %dma_wait3A_1783 = arith.constant 0 : i32
        %dma_wait3A_1784 = tpu.memref_slice %arg3[%add3A_23, %dma_wait3A_1782, %multiple_of3A_1756, %dma_wait3A_1783] : memref<4x4x2048x128xf32, #tpu.memory_space<hbm>> -> memref<1x4x4x128xf32, #tpu.memory_space<hbm>>
        %dma_wait3A_1785 = tpu.memref_squeeze %dma_wait3A_1784 : memref<1x4x4x128xf32, #tpu.memory_space<hbm>> -> memref<4x4x128xf32, #tpu.memory_space<hbm>>
        %dma_wait3A_1786 = arith.constant 0 : i32
        %dma_wait3A_1787 = arith.constant 0 : i32
        %dma_wait3A_1788 = arith.constant 0 : i32
        %dma_wait3A_1789 = tpu.memref_slice %arg9[%dma_wait3A_1776, %dma_wait3A_1786, %dma_wait3A_1787, %dma_wait3A_1788] : memref<2x4x4x128xf32, #tpu.memory_space<vmem>> -> memref<1x4x4x128xf32, #tpu.memory_space<vmem>>
        %dma_wait3A_1790 = tpu.memref_squeeze %dma_wait3A_1789 : memref<1x4x4x128xf32, #tpu.memory_space<vmem>> -> memref<4x4x128xf32, #tpu.memory_space<vmem>>
        %dma_wait3A_1791 = arith.constant 0 : i32
        %dma_wait3A_1792 = arith.constant 0 : i32
        %dma_wait3A_1793 = tpu.memref_slice %arg3[%add3A_23, %dma_wait3A_1791, %multiple_of3A_1756, %dma_wait3A_1792] : memref<4x4x2048x128xf32, #tpu.memory_space<hbm>> -> memref<1x4x4x128xf32, #tpu.memory_space<hbm>>
        %dma_wait3A_1794 = tpu.memref_squeeze %dma_wait3A_1793 : memref<1x4x4x128xf32, #tpu.memory_space<hbm>> -> memref<4x4x128xf32, #tpu.memory_space<hbm>>
        tpu.wait_dma2 semaphore(%arg13 : memref<!tpu.dma_semaphore, #tpu.memory_space<semaphore_mem>>) src(%dma_wait3A_1794 : memref<4x4x128xf32, #tpu.memory_space<hbm>>) dst(%dma_wait3A_1790 : memref<4x4x128xf32, #tpu.memory_space<vmem>>)
        %dma_wait3A_1795 = arith.constant 0 : i32
        %dma_wait3A_1796 = arith.constant 0 : i32
        %dma_wait3A_1797 = arith.constant 0 : i32
        %dma_wait3A_1798 = arith.constant 0 : i32
        %dma_wait3A_1799 = tpu.memref_slice %arg10[%dma_wait3A_1795, %dma_wait3A_1796, %dma_wait3A_1797, %dma_wait3A_1798] : memref<2x4x4x128xi32, #tpu.memory_space<vmem>> -> memref<1x4x4x128xi32, #tpu.memory_space<vmem>>
        %dma_wait3A_1800 = tpu.memref_squeeze %dma_wait3A_1799 : memref<1x4x4x128xi32, #tpu.memory_space<vmem>> -> memref<4x4x128xi32, #tpu.memory_space<vmem>>
        %dma_wait3A_1801 = arith.constant 0 : i32
        %dma_wait3A_1802 = arith.constant 0 : i32
        %dma_wait3A_1803 = tpu.memref_slice %arg4[%arg0, %add3A_23, %dma_wait3A_1801, %multiple_of3A_1756, %dma_wait3A_1802] : memref<2x4x4x2048x128xi32, #tpu.memory_space<hbm>> -> memref<1x1x4x4x128xi32, #tpu.memory_space<hbm>>
        %dma_wait3A_1804 = tpu.memref_squeeze %dma_wait3A_1803 : memref<1x1x4x4x128xi32, #tpu.memory_space<hbm>> -> memref<4x4x128xi32, #tpu.memory_space<hbm>>
        %dma_wait3A_1805 = arith.constant 0 : i32
        %dma_wait3A_1806 = arith.constant 0 : i32
        %dma_wait3A_1807 = arith.constant 0 : i32
        %dma_wait3A_1808 = tpu.memref_slice %arg10[%dma_wait3A_1795, %dma_wait3A_1805, %dma_wait3A_1806, %dma_wait3A_1807] : memref<2x4x4x128xi32, #tpu.memory_space<vmem>> -> memref<1x4x4x128xi32, #tpu.memory_space<vmem>>
        %dma_wait3A_1809 = tpu.memref_squeeze %dma_wait3A_1808 : memref<1x4x4x128xi32, #tpu.memory_space<vmem>> -> memref<4x4x128xi32, #tpu.memory_space<vmem>>
        %dma_wait3A_1810 = arith.constant 0 : i32
        %dma_wait3A_1811 = arith.constant 0 : i32
        %dma_wait3A_1812 = tpu.memref_slice %arg4[%arg0, %add3A_23, %dma_wait3A_1810, %multiple_of3A_1756, %dma_wait3A_1811] : memref<2x4x4x2048x128xi32, #tpu.memory_space<hbm>> -> memref<1x1x4x4x128xi32, #tpu.memory_space<hbm>>
        %dma_wait3A_1813 = tpu.memref_squeeze %dma_wait3A_1812 : memref<1x1x4x4x128xi32, #tpu.memory_space<hbm>> -> memref<4x4x128xi32, #tpu.memory_space<hbm>>
        tpu.wait_dma2 semaphore(%arg13 : memref<!tpu.dma_semaphore, #tpu.memory_space<semaphore_mem>>) src(%dma_wait3A_1813 : memref<4x4x128xi32, #tpu.memory_space<hbm>>) dst(%dma_wait3A_1809 : memref<4x4x128xi32, #tpu.memory_space<vmem>>)
        %scan3A_1814 = arith.constant 0 : i32
        %scan3A_1815 = arith.constant 32 : i32
        %scan3A_1816 = arith.addi %scan3A_1814, %scan3A_1815 : i32
        %scan3A_1817 = arith.constant 1 : i32
        scf.for %scan3A_2292 = %scan3A_1814 to %scan3A_1816 step %scan3A_1817  : i32 {
          %mul3A_2293 = arith.constant 1 : i32
          %mul3A_2294 = arith.muli %scan3A_2292, %mul3A_2293 : i32
          %add3A_2295 = arith.constant 0 : i32
          %add3A_2296 = arith.addi %add3A_2295, %mul3A_2294 : i32
          %jit3A_2297 = arith.constant 8 : i32
          %div3A_2298 = arith.divsi %add3A_2296, %jit3A_2297 : i32
          %sign3A_2299 = arith.constant 0 : i32
          %sign3A_2300 = arith.cmpi sgt, %add3A_2296, %sign3A_2299 : i32
          %sign3A_2301 = arith.extui %sign3A_2300 : i1 to i32
          %sign3A_2302 = arith.constant 0 : i32
          %sign3A_2303 = arith.cmpi slt, %add3A_2296, %sign3A_2302 : i32
          %sign3A_2304 = arith.extui %sign3A_2303 : i1 to i32
          %sign3A_2305 = arith.subi %sign3A_2301, %sign3A_2304 : i32
          %sign3A_2306 = arith.constant 0 : i32
          %sign3A_2307 = arith.cmpi sgt, %jit3A_2297, %sign3A_2306 : i32
          %sign3A_2308 = arith.extui %sign3A_2307 : i1 to i32
          %sign3A_2309 = arith.constant 0 : i32
          %sign3A_2310 = arith.cmpi slt, %jit3A_2297, %sign3A_2309 : i32
          %sign3A_2311 = arith.extui %sign3A_2310 : i1 to i32
          %sign3A_2312 = arith.subi %sign3A_2308, %sign3A_2311 : i32
          %ne3A_2313 = arith.cmpi ne, %sign3A_2305, %sign3A_2312 : i32
          %rem3A_2314 = arith.remsi %add3A_2296, %jit3A_2297 : i32
          %ne3A_2315 = arith.constant 0 : i32
          %ne3A_2316 = arith.cmpi ne, %rem3A_2314, %ne3A_2315 : i32
          %and3A_2317 = arith.andi %ne3A_2313, %ne3A_2316 : i1
          %sub3A_2318 = arith.constant 1 : i32
          %sub3A_2319 = arith.subi %div3A_2298, %sub3A_2318 : i32
          %select_n3A_2320 = arith.select %and3A_2317, %sub3A_2319, %div3A_2298 : i32
          %rem3A_2321 = arith.constant 8 : i32
          %rem3A_2322 = arith.remsi %add3A_2296, %rem3A_2321 : i32
          %mul3A_2323 = arith.constant 16 : i32
          %mul3A_2324 = arith.muli %rem3A_2322, %mul3A_2323 : i32
          %multiple_of3A_2325 = tpu.assume_multiple %mul3A_2324, 16 : i32
          %get3A = arith.constant 0 : i32
          %get3A_2326 = arith.constant 0 : i32
          %get3A_2327 = arith.index_cast %get3A : i32 to index
          %get3A_2328 = arith.index_cast %get3A_2326 : i32 to index
          %get3A_2329 = arith.index_cast %select_n3A_2320 : i32 to index
          %get3A_2330 = arith.index_cast %multiple_of3A_2325 : i32 to index
          %get3A_2331 = tpu.vector_load %arg8[%get3A_2327, %get3A_2328, %get3A_2329, %get3A_2330] {strides = array<i32>} : memref<2x8x4x128xf32, #tpu.memory_space<vmem>>, vector<16xf32>,
          %get3A_2332 = arith.constant 0 : i32
          %get3A_2333 = arith.constant 1 : i32
          %get3A_2334 = arith.index_cast %get3A_2332 : i32 to index
          %get3A_2335 = arith.index_cast %get3A_2333 : i32 to index
          %get3A_2336 = arith.index_cast %select_n3A_2320 : i32 to index
          %get3A_2337 = arith.index_cast %multiple_of3A_2325 : i32 to index
          %get3A_2338 = tpu.vector_load %arg8[%get3A_2334, %get3A_2335, %get3A_2336, %get3A_2337] {strides = array<i32>} : memref<2x8x4x128xf32, #tpu.memory_space<vmem>>, vector<16xf32>,
          %get3A_2339 = arith.constant 0 : i32
          %get3A_2340 = arith.constant 2 : i32
          %get3A_2341 = arith.index_cast %get3A_2339 : i32 to index
          %get3A_2342 = arith.index_cast %get3A_2340 : i32 to index
          %get3A_2343 = arith.index_cast %select_n3A_2320 : i32 to index
          %get3A_2344 = arith.index_cast %multiple_of3A_2325 : i32 to index
          %get3A_2345 = tpu.vector_load %arg8[%get3A_2341, %get3A_2342, %get3A_2343, %get3A_2344] {strides = array<i32>} : memref<2x8x4x128xf32, #tpu.memory_space<vmem>>, vector<16xf32>,
          %get3A_2346 = arith.constant 0 : i32
          %get3A_2347 = arith.constant 3 : i32
          %get3A_2348 = arith.index_cast %get3A_2346 : i32 to index
          %get3A_2349 = arith.index_cast %get3A_2347 : i32 to index
          %get3A_2350 = arith.index_cast %select_n3A_2320 : i32 to index
          %get3A_2351 = arith.index_cast %multiple_of3A_2325 : i32 to index
          %get3A_2352 = tpu.vector_load %arg8[%get3A_2348, %get3A_2349, %get3A_2350, %get3A_2351] {strides = array<i32>} : memref<2x8x4x128xf32, #tpu.memory_space<vmem>>, vector<16xf32>,
          %get3A_2353 = arith.constant 0 : i32
          %get3A_2354 = arith.constant 4 : i32
          %get3A_2355 = arith.index_cast %get3A_2353 : i32 to index
          %get3A_2356 = arith.index_cast %get3A_2354 : i32 to index
          %get3A_2357 = arith.index_cast %select_n3A_2320 : i32 to index
          %get3A_2358 = arith.index_cast %multiple_of3A_2325 : i32 to index
          %get3A_2359 = tpu.vector_load %arg8[%get3A_2355, %get3A_2356, %get3A_2357, %get3A_2358] {strides = array<i32>} : memref<2x8x4x128xf32, #tpu.memory_space<vmem>>, vector<16xf32>,
          %get3A_2360 = arith.constant 0 : i32
          %get3A_2361 = arith.constant 5 : i32
          %get3A_2362 = arith.index_cast %get3A_2360 : i32 to index
          %get3A_2363 = arith.index_cast %get3A_2361 : i32 to index
          %get3A_2364 = arith.index_cast %select_n3A_2320 : i32 to index
          %get3A_2365 = arith.index_cast %multiple_of3A_2325 : i32 to index
          %get3A_2366 = tpu.vector_load %arg8[%get3A_2362, %get3A_2363, %get3A_2364, %get3A_2365] {strides = array<i32>} : memref<2x8x4x128xf32, #tpu.memory_space<vmem>>, vector<16xf32>,
          %get3A_2367 = arith.constant 0 : i32
          %get3A_2368 = arith.constant 6 : i32
          %get3A_2369 = arith.index_cast %get3A_2367 : i32 to index
          %get3A_2370 = arith.index_cast %get3A_2368 : i32 to index
          %get3A_2371 = arith.index_cast %select_n3A_2320 : i32 to index
          %get3A_2372 = arith.index_cast %multiple_of3A_2325 : i32 to index
          %get3A_2373 = tpu.vector_load %arg8[%get3A_2369, %get3A_2370, %get3A_2371, %get3A_2372] {strides = array<i32>} : memref<2x8x4x128xf32, #tpu.memory_space<vmem>>, vector<16xf32>,
          %get3A_2374 = arith.constant 0 : i32
          %get3A_2375 = arith.constant 7 : i32
          %get3A_2376 = arith.index_cast %get3A_2374 : i32 to index
          %get3A_2377 = arith.index_cast %get3A_2375 : i32 to index
          %get3A_2378 = arith.index_cast %select_n3A_2320 : i32 to index
          %get3A_2379 = arith.index_cast %multiple_of3A_2325 : i32 to index
          %get3A_2380 = tpu.vector_load %arg8[%get3A_2376, %get3A_2377, %get3A_2378, %get3A_2379] {strides = array<i32>} : memref<2x8x4x128xf32, #tpu.memory_space<vmem>>, vector<16xf32>,
          %mul3A_2381 = arith.constant 16 : i32
          %mul3A_2382 = arith.muli %add3A_2296, %mul3A_2381 : i32
          %add3A_2383 = arith.constant 0 : i32
          %add3A_2384 = arith.addi %add3A_2383, %mul3A_2382 : i32
          %add3A_2385 = vector.broadcast %add3A_2384 : i32 to vector<16xi32>
          %add3A_2386 = arith.addi %iota3A, %add3A_2385 : vector<16xi32>
          %get3A_2387 = arith.constant 0 : i32
          %get3A_2388 = arith.constant 0 : i32
          %get3A_2389 = arith.index_cast %get3A_2387 : i32 to index
          %get3A_2390 = arith.index_cast %get3A_2388 : i32 to index
          %get3A_2391 = arith.index_cast %select_n3A_2320 : i32 to index
          %get3A_2392 = arith.index_cast %multiple_of3A_2325 : i32 to index
          %get3A_2393 = tpu.vector_load %arg9[%get3A_2389, %get3A_2390, %get3A_2391, %get3A_2392] {strides = array<i32>} : memref<2x4x4x128xf32, #tpu.memory_space<vmem>>, vector<16xf32>,
          %mul3A_2394 = arith.mulf %get3A_2331, %get3A_2393 : vector<16xf32>
          tpu.vector_store_idx %arg11[%add3A_2386, %broadcast_in_dim3A_1], %mul3A_2394 : memref<2048x8xf32, #tpu.memory_space<vmem>>[vector<16xi32>, vector<16xi32>], vector<16xf32>,
          %mul3A_2395 = arith.mulf %get3A_2338, %get3A_2393 : vector<16xf32>
          tpu.vector_store_idx %arg11[%add3A_2386, %broadcast_in_dim3A_3], %mul3A_2395 : memref<2048x8xf32, #tpu.memory_space<vmem>>[vector<16xi32>, vector<16xi32>], vector<16xf32>,
          %mul3A_2396 = arith.mulf %get3A_2345, %get3A_2393 : vector<16xf32>
          tpu.vector_store_idx %arg11[%add3A_2386, %broadcast_in_dim3A_5], %mul3A_2396 : memref<2048x8xf32, #tpu.memory_space<vmem>>[vector<16xi32>, vector<16xi32>], vector<16xf32>,
          %mul3A_2397 = arith.mulf %get3A_2352, %get3A_2393 : vector<16xf32>
          tpu.vector_store_idx %arg11[%add3A_2386, %broadcast_in_dim3A_7], %mul3A_2397 : memref<2048x8xf32, #tpu.memory_space<vmem>>[vector<16xi32>, vector<16xi32>], vector<16xf32>,
          %mul3A_2398 = arith.mulf %get3A_2359, %get3A_2393 : vector<16xf32>
          tpu.vector_store_idx %arg11[%add3A_2386, %broadcast_in_dim3A_9], %mul3A_2398 : memref<2048x8xf32, #tpu.memory_space<vmem>>[vector<16xi32>, vector<16xi32>], vector<16xf32>,
          %mul3A_2399 = arith.mulf %get3A_2366, %get3A_2393 : vector<16xf32>
          tpu.vector_store_idx %arg11[%add3A_2386, %broadcast_in_dim3A_11], %mul3A_2399 : memref<2048x8xf32, #tpu.memory_space<vmem>>[vector<16xi32>, vector<16xi32>], vector<16xf32>,
          %mul3A_2400 = arith.mulf %get3A_2373, %get3A_2393 : vector<16xf32>
          tpu.vector_store_idx %arg11[%add3A_2386, %broadcast_in_dim3A_13], %mul3A_2400 : memref<2048x8xf32, #tpu.memory_space<vmem>>[vector<16xi32>, vector<16xi32>], vector<16xf32>,
          %mul3A_2401 = arith.mulf %get3A_2380, %get3A_2393 : vector<16xf32>
          tpu.vector_store_idx %arg11[%add3A_2386, %broadcast_in_dim3A_15], %mul3A_2401 : memref<2048x8xf32, #tpu.memory_space<vmem>>[vector<16xi32>, vector<16xi32>], vector<16xf32>,
          %mul3A_2402 = arith.constant 16 : i32
          %mul3A_2403 = arith.muli %add3A_2296, %mul3A_2402 : i32
          %add3A_2404 = arith.constant 512 : i32
          %add3A_2405 = arith.addi %add3A_2404, %mul3A_2403 : i32
          %add3A_2406 = vector.broadcast %add3A_2405 : i32 to vector<16xi32>
          %add3A_2407 = arith.addi %iota3A, %add3A_2406 : vector<16xi32>
          %get3A_2408 = arith.constant 0 : i32
          %get3A_2409 = arith.constant 1 : i32
          %get3A_2410 = arith.index_cast %get3A_2408 : i32 to index
          %get3A_2411 = arith.index_cast %get3A_2409 : i32 to index
          %get3A_2412 = arith.index_cast %select_n3A_2320 : i32 to index
          %get3A_2413 = arith.index_cast %multiple_of3A_2325 : i32 to index
          %get3A_2414 = tpu.vector_load %arg9[%get3A_2410, %get3A_2411, %get3A_2412, %get3A_2413] {strides = array<i32>} : memref<2x4x4x128xf32, #tpu.memory_space<vmem>>, vector<16xf32>,
          %mul3A_2415 = arith.mulf %get3A_2331, %get3A_2414 : vector<16xf32>
          tpu.vector_store_idx %arg11[%add3A_2407, %broadcast_in_dim3A_1], %mul3A_2415 : memref<2048x8xf32, #tpu.memory_space<vmem>>[vector<16xi32>, vector<16xi32>], vector<16xf32>,
          %mul3A_2416 = arith.mulf %get3A_2338, %get3A_2414 : vector<16xf32>
          tpu.vector_store_idx %arg11[%add3A_2407, %broadcast_in_dim3A_3], %mul3A_2416 : memref<2048x8xf32, #tpu.memory_space<vmem>>[vector<16xi32>, vector<16xi32>], vector<16xf32>,
          %mul3A_2417 = arith.mulf %get3A_2345, %get3A_2414 : vector<16xf32>
          tpu.vector_store_idx %arg11[%add3A_2407, %broadcast_in_dim3A_5], %mul3A_2417 : memref<2048x8xf32, #tpu.memory_space<vmem>>[vector<16xi32>, vector<16xi32>], vector<16xf32>,
          %mul3A_2418 = arith.mulf %get3A_2352, %get3A_2414 : vector<16xf32>
          tpu.vector_store_idx %arg11[%add3A_2407, %broadcast_in_dim3A_7], %mul3A_2418 : memref<2048x8xf32, #tpu.memory_space<vmem>>[vector<16xi32>, vector<16xi32>], vector<16xf32>,
          %mul3A_2419 = arith.mulf %get3A_2359, %get3A_2414 : vector<16xf32>
          tpu.vector_store_idx %arg11[%add3A_2407, %broadcast_in_dim3A_9], %mul3A_2419 : memref<2048x8xf32, #tpu.memory_space<vmem>>[vector<16xi32>, vector<16xi32>], vector<16xf32>,
          %mul3A_2420 = arith.mulf %get3A_2366, %get3A_2414 : vector<16xf32>
          tpu.vector_store_idx %arg11[%add3A_2407, %broadcast_in_dim3A_11], %mul3A_2420 : memref<2048x8xf32, #tpu.memory_space<vmem>>[vector<16xi32>, vector<16xi32>], vector<16xf32>,
          %mul3A_2421 = arith.mulf %get3A_2373, %get3A_2414 : vector<16xf32>
          tpu.vector_store_idx %arg11[%add3A_2407, %broadcast_in_dim3A_13], %mul3A_2421 : memref<2048x8xf32, #tpu.memory_space<vmem>>[vector<16xi32>, vector<16xi32>], vector<16xf32>,
          %mul3A_2422 = arith.mulf %get3A_2380, %get3A_2414 : vector<16xf32>
          tpu.vector_store_idx %arg11[%add3A_2407, %broadcast_in_dim3A_15], %mul3A_2422 : memref<2048x8xf32, #tpu.memory_space<vmem>>[vector<16xi32>, vector<16xi32>], vector<16xf32>,
          %mul3A_2423 = arith.constant 16 : i32
          %mul3A_2424 = arith.muli %add3A_2296, %mul3A_2423 : i32
          %add3A_2425 = arith.constant 1024 : i32
          %add3A_2426 = arith.addi %add3A_2425, %mul3A_2424 : i32
          %add3A_2427 = vector.broadcast %add3A_2426 : i32 to vector<16xi32>
          %add3A_2428 = arith.addi %iota3A, %add3A_2427 : vector<16xi32>
          %get3A_2429 = arith.constant 0 : i32
          %get3A_2430 = arith.constant 2 : i32
          %get3A_2431 = arith.index_cast %get3A_2429 : i32 to index
          %get3A_2432 = arith.index_cast %get3A_2430 : i32 to index
          %get3A_2433 = arith.index_cast %select_n3A_2320 : i32 to index
          %get3A_2434 = arith.index_cast %multiple_of3A_2325 : i32 to index
          %get3A_2435 = tpu.vector_load %arg9[%get3A_2431, %get3A_2432, %get3A_2433, %get3A_2434] {strides = array<i32>} : memref<2x4x4x128xf32, #tpu.memory_space<vmem>>, vector<16xf32>,
          %mul3A_2436 = arith.mulf %get3A_2331, %get3A_2435 : vector<16xf32>
          tpu.vector_store_idx %arg11[%add3A_2428, %broadcast_in_dim3A_1], %mul3A_2436 : memref<2048x8xf32, #tpu.memory_space<vmem>>[vector<16xi32>, vector<16xi32>], vector<16xf32>,
          %mul3A_2437 = arith.mulf %get3A_2338, %get3A_2435 : vector<16xf32>
          tpu.vector_store_idx %arg11[%add3A_2428, %broadcast_in_dim3A_3], %mul3A_2437 : memref<2048x8xf32, #tpu.memory_space<vmem>>[vector<16xi32>, vector<16xi32>], vector<16xf32>,
          %mul3A_2438 = arith.mulf %get3A_2345, %get3A_2435 : vector<16xf32>
          tpu.vector_store_idx %arg11[%add3A_2428, %broadcast_in_dim3A_5], %mul3A_2438 : memref<2048x8xf32, #tpu.memory_space<vmem>>[vector<16xi32>, vector<16xi32>], vector<16xf32>,
          %mul3A_2439 = arith.mulf %get3A_2352, %get3A_2435 : vector<16xf32>
          tpu.vector_store_idx %arg11[%add3A_2428, %broadcast_in_dim3A_7], %mul3A_2439 : memref<2048x8xf32, #tpu.memory_space<vmem>>[vector<16xi32>, vector<16xi32>], vector<16xf32>,
          %mul3A_2440 = arith.mulf %get3A_2359, %get3A_2435 : vector<16xf32>
          tpu.vector_store_idx %arg11[%add3A_2428, %broadcast_in_dim3A_9], %mul3A_2440 : memref<2048x8xf32, #tpu.memory_space<vmem>>[vector<16xi32>, vector<16xi32>], vector<16xf32>,
          %mul3A_2441 = arith.mulf %get3A_2366, %get3A_2435 : vector<16xf32>
          tpu.vector_store_idx %arg11[%add3A_2428, %broadcast_in_dim3A_11], %mul3A_2441 : memref<2048x8xf32, #tpu.memory_space<vmem>>[vector<16xi32>, vector<16xi32>], vector<16xf32>,
          %mul3A_2442 = arith.mulf %get3A_2373, %get3A_2435 : vector<16xf32>
          tpu.vector_store_idx %arg11[%add3A_2428, %broadcast_in_dim3A_13], %mul3A_2442 : memref<2048x8xf32, #tpu.memory_space<vmem>>[vector<16xi32>, vector<16xi32>], vector<16xf32>,
          %mul3A_2443 = arith.mulf %get3A_2380, %get3A_2435 : vector<16xf32>
          tpu.vector_store_idx %arg11[%add3A_2428, %broadcast_in_dim3A_15], %mul3A_2443 : memref<2048x8xf32, #tpu.memory_space<vmem>>[vector<16xi32>, vector<16xi32>], vector<16xf32>,
          %mul3A_2444 = arith.constant 16 : i32
          %mul3A_2445 = arith.muli %add3A_2296, %mul3A_2444 : i32
          %add3A_2446 = arith.constant 1536 : i32
          %add3A_2447 = arith.addi %add3A_2446, %mul3A_2445 : i32
          %add3A_2448 = vector.broadcast %add3A_2447 : i32 to vector<16xi32>
          %add3A_2449 = arith.addi %iota3A, %add3A_2448 : vector<16xi32>
          %get3A_2450 = arith.constant 0 : i32
          %get3A_2451 = arith.constant 3 : i32
          %get3A_2452 = arith.index_cast %get3A_2450 : i32 to index
          %get3A_2453 = arith.index_cast %get3A_2451 : i32 to index
          %get3A_2454 = arith.index_cast %select_n3A_2320 : i32 to index
          %get3A_2455 = arith.index_cast %multiple_of3A_2325 : i32 to index
          %get3A_2456 = tpu.vector_load %arg9[%get3A_2452, %get3A_2453, %get3A_2454, %get3A_2455] {strides = array<i32>} : memref<2x4x4x128xf32, #tpu.memory_space<vmem>>, vector<16xf32>,
          %mul3A_2457 = arith.mulf %get3A_2331, %get3A_2456 : vector<16xf32>
          tpu.vector_store_idx %arg11[%add3A_2449, %broadcast_in_dim3A_1], %mul3A_2457 : memref<2048x8xf32, #tpu.memory_space<vmem>>[vector<16xi32>, vector<16xi32>], vector<16xf32>,
          %mul3A_2458 = arith.mulf %get3A_2338, %get3A_2456 : vector<16xf32>
          tpu.vector_store_idx %arg11[%add3A_2449, %broadcast_in_dim3A_3], %mul3A_2458 : memref<2048x8xf32, #tpu.memory_space<vmem>>[vector<16xi32>, vector<16xi32>], vector<16xf32>,
          %mul3A_2459 = arith.mulf %get3A_2345, %get3A_2456 : vector<16xf32>
          tpu.vector_store_idx %arg11[%add3A_2449, %broadcast_in_dim3A_5], %mul3A_2459 : memref<2048x8xf32, #tpu.memory_space<vmem>>[vector<16xi32>, vector<16xi32>], vector<16xf32>,
          %mul3A_2460 = arith.mulf %get3A_2352, %get3A_2456 : vector<16xf32>
          tpu.vector_store_idx %arg11[%add3A_2449, %broadcast_in_dim3A_7], %mul3A_2460 : memref<2048x8xf32, #tpu.memory_space<vmem>>[vector<16xi32>, vector<16xi32>], vector<16xf32>,
          %mul3A_2461 = arith.mulf %get3A_2359, %get3A_2456 : vector<16xf32>
          tpu.vector_store_idx %arg11[%add3A_2449, %broadcast_in_dim3A_9], %mul3A_2461 : memref<2048x8xf32, #tpu.memory_space<vmem>>[vector<16xi32>, vector<16xi32>], vector<16xf32>,
          %mul3A_2462 = arith.mulf %get3A_2366, %get3A_2456 : vector<16xf32>
          tpu.vector_store_idx %arg11[%add3A_2449, %broadcast_in_dim3A_11], %mul3A_2462 : memref<2048x8xf32, #tpu.memory_space<vmem>>[vector<16xi32>, vector<16xi32>], vector<16xf32>,
          %mul3A_2463 = arith.mulf %get3A_2373, %get3A_2456 : vector<16xf32>
          tpu.vector_store_idx %arg11[%add3A_2449, %broadcast_in_dim3A_13], %mul3A_2463 : memref<2048x8xf32, #tpu.memory_space<vmem>>[vector<16xi32>, vector<16xi32>], vector<16xf32>,
          %mul3A_2464 = arith.mulf %get3A_2380, %get3A_2456 : vector<16xf32>
          tpu.vector_store_idx %arg11[%add3A_2449, %broadcast_in_dim3A_15], %mul3A_2464 : memref<2048x8xf32, #tpu.memory_space<vmem>>[vector<16xi32>, vector<16xi32>], vector<16xf32>,
        }
        %scan3A_1818 = arith.constant 32 : i32
        %dma_wait3A_1819 = arith.constant 1 : i32
        %dma_wait3A_1820 = arith.constant 0 : i32
        %dma_wait3A_1821 = arith.constant 0 : i32
        %dma_wait3A_1822 = arith.constant 0 : i32
        %dma_wait3A_1823 = arith.constant 0 : i32
        %dma_wait3A_1824 = tpu.memref_slice %arg12[%dma_wait3A_1822, %dma_wait3A_1823] : memref<2048x8xf32, #tpu.memory_space<vmem>> -> memref<128x8xf32, #tpu.memory_space<vmem>>
        %dma_wait3A_1825 = arith.constant 0 : i32
        %dma_wait3A_1826 = tpu.memref_slice %arg10[%dma_wait3A_1819, %dma_wait3A_1820, %dma_wait3A_1821, %dma_wait3A_1825] : memref<2x4x4x128xi32, #tpu.memory_space<vmem>> -> memref<1x1x1x128xi32, #tpu.memory_space<vmem>>
        %dma_wait3A_1827 = tpu.memref_squeeze %dma_wait3A_1826 : memref<1x1x1x128xi32, #tpu.memory_space<vmem>> -> memref<128xi32, #tpu.memory_space<vmem>>
        %dma_wait3A_1828 = arith.constant 0 : i32
        %dma_wait3A_1829 = arith.constant 0 : i32
        %dma_wait3A_1830 = tpu.memref_slice %arg7[%dma_wait3A_1828, %dma_wait3A_1829] : memref<133120x8xf32, #tpu.memory_space<vmem_shared>> -> memref<133120x8xf32, #tpu.memory_space<vmem_shared>>
        tpu.wait_indirect_dma semaphore(%arg16 : memref<!tpu.dma_semaphore, #tpu.memory_space<semaphore_mem>>) src(%dma_wait3A_1824 : memref<128x8xf32, #tpu.memory_space<vmem>>) dst(%dma_wait3A_1830 : memref<133120x8xf32, #tpu.memory_space<vmem_shared>>)
        %dma_wait3A_1831 = arith.constant 1 : i32
        %dma_wait3A_1832 = arith.constant 0 : i32
        %dma_wait3A_1833 = arith.constant 1 : i32
        %dma_wait3A_1834 = arith.constant 128 : i32
        %dma_wait3A_1835 = arith.constant 0 : i32
        %dma_wait3A_1836 = tpu.memref_slice %arg12[%dma_wait3A_1834, %dma_wait3A_1835] : memref<2048x8xf32, #tpu.memory_space<vmem>> -> memref<128x8xf32, #tpu.memory_space<vmem>>
        %dma_wait3A_1837 = arith.constant 0 : i32
        %dma_wait3A_1838 = tpu.memref_slice %arg10[%dma_wait3A_1831, %dma_wait3A_1832, %dma_wait3A_1833, %dma_wait3A_1837] : memref<2x4x4x128xi32, #tpu.memory_space<vmem>> -> memref<1x1x1x128xi32, #tpu.memory_space<vmem>>
        %dma_wait3A_1839 = tpu.memref_squeeze %dma_wait3A_1838 : memref<1x1x1x128xi32, #tpu.memory_space<vmem>> -> memref<128xi32, #tpu.memory_space<vmem>>
        %dma_wait3A_1840 = arith.constant 0 : i32
        %dma_wait3A_1841 = arith.constant 0 : i32
        %dma_wait3A_1842 = tpu.memref_slice %arg7[%dma_wait3A_1840, %dma_wait3A_1841] : memref<133120x8xf32, #tpu.memory_space<vmem_shared>> -> memref<133120x8xf32, #tpu.memory_space<vmem_shared>>
        tpu.wait_indirect_dma semaphore(%arg16 : memref<!tpu.dma_semaphore, #tpu.memory_space<semaphore_mem>>) src(%dma_wait3A_1836 : memref<128x8xf32, #tpu.memory_space<vmem>>) dst(%dma_wait3A_1842 : memref<133120x8xf32, #tpu.memory_space<vmem_shared>>)
        %dma_wait3A_1843 = arith.constant 1 : i32
        %dma_wait3A_1844 = arith.constant 0 : i32
        %dma_wait3A_1845 = arith.constant 2 : i32
        %dma_wait3A_1846 = arith.constant 256 : i32
        %dma_wait3A_1847 = arith.constant 0 : i32
        %dma_wait3A_1848 = tpu.memref_slice %arg12[%dma_wait3A_1846, %dma_wait3A_1847] : memref<2048x8xf32, #tpu.memory_space<vmem>> -> memref<128x8xf32, #tpu.memory_space<vmem>>
        %dma_wait3A_1849 = arith.constant 0 : i32
        %dma_wait3A_1850 = tpu.memref_slice %arg10[%dma_wait3A_1843, %dma_wait3A_1844, %dma_wait3A_1845, %dma_wait3A_1849] : memref<2x4x4x128xi32, #tpu.memory_space<vmem>> -> memref<1x1x1x128xi32, #tpu.memory_space<vmem>>
        %dma_wait3A_1851 = tpu.memref_squeeze %dma_wait3A_1850 : memref<1x1x1x128xi32, #tpu.memory_space<vmem>> -> memref<128xi32, #tpu.memory_space<vmem>>
        %dma_wait3A_1852 = arith.constant 0 : i32
        %dma_wait3A_1853 = arith.constant 0 : i32
        %dma_wait3A_1854 = tpu.memref_slice %arg7[%dma_wait3A_1852, %dma_wait3A_1853] : memref<133120x8xf32, #tpu.memory_space<vmem_shared>> -> memref<133120x8xf32, #tpu.memory_space<vmem_shared>>
        tpu.wait_indirect_dma semaphore(%arg16 : memref<!tpu.dma_semaphore, #tpu.memory_space<semaphore_mem>>) src(%dma_wait3A_1848 : memref<128x8xf32, #tpu.memory_space<vmem>>) dst(%dma_wait3A_1854 : memref<133120x8xf32, #tpu.memory_space<vmem_shared>>)
        %dma_wait3A_1855 = arith.constant 1 : i32
        %dma_wait3A_1856 = arith.constant 0 : i32
        %dma_wait3A_1857 = arith.constant 3 : i32
        %dma_wait3A_1858 = arith.constant 384 : i32
        %dma_wait3A_1859 = arith.constant 0 : i32
        %dma_wait3A_1860 = tpu.memref_slice %arg12[%dma_wait3A_1858, %dma_wait3A_1859] : memref<2048x8xf32, #tpu.memory_space<vmem>> -> memref<128x8xf32, #tpu.memory_space<vmem>>
        %dma_wait3A_1861 = arith.constant 0 : i32
        %dma_wait3A_1862 = tpu.memref_slice %arg10[%dma_wait3A_1855, %dma_wait3A_1856, %dma_wait3A_1857, %dma_wait3A_1861] : memref<2x4x4x128xi32, #tpu.memory_space<vmem>> -> memref<1x1x1x128xi32, #tpu.memory_space<vmem>>
        %dma_wait3A_1863 = tpu.memref_squeeze %dma_wait3A_1862 : memref<1x1x1x128xi32, #tpu.memory_space<vmem>> -> memref<128xi32, #tpu.memory_space<vmem>>
        %dma_wait3A_1864 = arith.constant 0 : i32
        %dma_wait3A_1865 = arith.constant 0 : i32
        %dma_wait3A_1866 = tpu.memref_slice %arg7[%dma_wait3A_1864, %dma_wait3A_1865] : memref<133120x8xf32, #tpu.memory_space<vmem_shared>> -> memref<133120x8xf32, #tpu.memory_space<vmem_shared>>
        tpu.wait_indirect_dma semaphore(%arg16 : memref<!tpu.dma_semaphore, #tpu.memory_space<semaphore_mem>>) src(%dma_wait3A_1860 : memref<128x8xf32, #tpu.memory_space<vmem>>) dst(%dma_wait3A_1866 : memref<133120x8xf32, #tpu.memory_space<vmem_shared>>)
        %dma_wait3A_1867 = arith.constant 1 : i32
        %dma_wait3A_1868 = arith.constant 1 : i32
        %dma_wait3A_1869 = arith.constant 0 : i32
        %dma_wait3A_1870 = arith.constant 512 : i32
        %dma_wait3A_1871 = arith.constant 0 : i32
        %dma_wait3A_1872 = tpu.memref_slice %arg12[%dma_wait3A_1870, %dma_wait3A_1871] : memref<2048x8xf32, #tpu.memory_space<vmem>> -> memref<128x8xf32, #tpu.memory_space<vmem>>
        %dma_wait3A_1873 = arith.constant 0 : i32
        %dma_wait3A_1874 = tpu.memref_slice %arg10[%dma_wait3A_1867, %dma_wait3A_1868, %dma_wait3A_1869, %dma_wait3A_1873] : memref<2x4x4x128xi32, #tpu.memory_space<vmem>> -> memref<1x1x1x128xi32, #tpu.memory_space<vmem>>
        %dma_wait3A_1875 = tpu.memref_squeeze %dma_wait3A_1874 : memref<1x1x1x128xi32, #tpu.memory_space<vmem>> -> memref<128xi32, #tpu.memory_space<vmem>>
        %dma_wait3A_1876 = arith.constant 0 : i32
        %dma_wait3A_1877 = arith.constant 0 : i32
        %dma_wait3A_1878 = tpu.memref_slice %arg7[%dma_wait3A_1876, %dma_wait3A_1877] : memref<133120x8xf32, #tpu.memory_space<vmem_shared>> -> memref<133120x8xf32, #tpu.memory_space<vmem_shared>>
        tpu.wait_indirect_dma semaphore(%arg16 : memref<!tpu.dma_semaphore, #tpu.memory_space<semaphore_mem>>) src(%dma_wait3A_1872 : memref<128x8xf32, #tpu.memory_space<vmem>>) dst(%dma_wait3A_1878 : memref<133120x8xf32, #tpu.memory_space<vmem_shared>>)
        %dma_wait3A_1879 = arith.constant 1 : i32
        %dma_wait3A_1880 = arith.constant 1 : i32
        %dma_wait3A_1881 = arith.constant 1 : i32
        %dma_wait3A_1882 = arith.constant 640 : i32
        %dma_wait3A_1883 = arith.constant 0 : i32
        %dma_wait3A_1884 = tpu.memref_slice %arg12[%dma_wait3A_1882, %dma_wait3A_1883] : memref<2048x8xf32, #tpu.memory_space<vmem>> -> memref<128x8xf32, #tpu.memory_space<vmem>>
        %dma_wait3A_1885 = arith.constant 0 : i32
        %dma_wait3A_1886 = tpu.memref_slice %arg10[%dma_wait3A_1879, %dma_wait3A_1880, %dma_wait3A_1881, %dma_wait3A_1885] : memref<2x4x4x128xi32, #tpu.memory_space<vmem>> -> memref<1x1x1x128xi32, #tpu.memory_space<vmem>>
        %dma_wait3A_1887 = tpu.memref_squeeze %dma_wait3A_1886 : memref<1x1x1x128xi32, #tpu.memory_space<vmem>> -> memref<128xi32, #tpu.memory_space<vmem>>
        %dma_wait3A_1888 = arith.constant 0 : i32
        %dma_wait3A_1889 = arith.constant 0 : i32
        %dma_wait3A_1890 = tpu.memref_slice %arg7[%dma_wait3A_1888, %dma_wait3A_1889] : memref<133120x8xf32, #tpu.memory_space<vmem_shared>> -> memref<133120x8xf32, #tpu.memory_space<vmem_shared>>
        tpu.wait_indirect_dma semaphore(%arg16 : memref<!tpu.dma_semaphore, #tpu.memory_space<semaphore_mem>>) src(%dma_wait3A_1884 : memref<128x8xf32, #tpu.memory_space<vmem>>) dst(%dma_wait3A_1890 : memref<133120x8xf32, #tpu.memory_space<vmem_shared>>)
        %dma_wait3A_1891 = arith.constant 1 : i32
        %dma_wait3A_1892 = arith.constant 1 : i32
        %dma_wait3A_1893 = arith.constant 2 : i32
        %dma_wait3A_1894 = arith.constant 768 : i32
        %dma_wait3A_1895 = arith.constant 0 : i32
        %dma_wait3A_1896 = tpu.memref_slice %arg12[%dma_wait3A_1894, %dma_wait3A_1895] : memref<2048x8xf32, #tpu.memory_space<vmem>> -> memref<128x8xf32, #tpu.memory_space<vmem>>
        %dma_wait3A_1897 = arith.constant 0 : i32
        %dma_wait3A_1898 = tpu.memref_slice %arg10[%dma_wait3A_1891, %dma_wait3A_1892, %dma_wait3A_1893, %dma_wait3A_1897] : memref<2x4x4x128xi32, #tpu.memory_space<vmem>> -> memref<1x1x1x128xi32, #tpu.memory_space<vmem>>
        %dma_wait3A_1899 = tpu.memref_squeeze %dma_wait3A_1898 : memref<1x1x1x128xi32, #tpu.memory_space<vmem>> -> memref<128xi32, #tpu.memory_space<vmem>>
        %dma_wait3A_1900 = arith.constant 0 : i32
        %dma_wait3A_1901 = arith.constant 0 : i32
        %dma_wait3A_1902 = tpu.memref_slice %arg7[%dma_wait3A_1900, %dma_wait3A_1901] : memref<133120x8xf32, #tpu.memory_space<vmem_shared>> -> memref<133120x8xf32, #tpu.memory_space<vmem_shared>>
        tpu.wait_indirect_dma semaphore(%arg16 : memref<!tpu.dma_semaphore, #tpu.memory_space<semaphore_mem>>) src(%dma_wait3A_1896 : memref<128x8xf32, #tpu.memory_space<vmem>>) dst(%dma_wait3A_1902 : memref<133120x8xf32, #tpu.memory_space<vmem_shared>>)
        %dma_wait3A_1903 = arith.constant 1 : i32
        %dma_wait3A_1904 = arith.constant 1 : i32
        %dma_wait3A_1905 = arith.constant 3 : i32
        %dma_wait3A_1906 = arith.constant 896 : i32
        %dma_wait3A_1907 = arith.constant 0 : i32
        %dma_wait3A_1908 = tpu.memref_slice %arg12[%dma_wait3A_1906, %dma_wait3A_1907] : memref<2048x8xf32, #tpu.memory_space<vmem>> -> memref<128x8xf32, #tpu.memory_space<vmem>>
        %dma_wait3A_1909 = arith.constant 0 : i32
        %dma_wait3A_1910 = tpu.memref_slice %arg10[%dma_wait3A_1903, %dma_wait3A_1904, %dma_wait3A_1905, %dma_wait3A_1909] : memref<2x4x4x128xi32, #tpu.memory_space<vmem>> -> memref<1x1x1x128xi32, #tpu.memory_space<vmem>>
        %dma_wait3A_1911 = tpu.memref_squeeze %dma_wait3A_1910 : memref<1x1x1x128xi32, #tpu.memory_space<vmem>> -> memref<128xi32, #tpu.memory_space<vmem>>
        %dma_wait3A_1912 = arith.constant 0 : i32
        %dma_wait3A_1913 = arith.constant 0 : i32
        %dma_wait3A_1914 = tpu.memref_slice %arg7[%dma_wait3A_1912, %dma_wait3A_1913] : memref<133120x8xf32, #tpu.memory_space<vmem_shared>> -> memref<133120x8xf32, #tpu.memory_space<vmem_shared>>
        tpu.wait_indirect_dma semaphore(%arg16 : memref<!tpu.dma_semaphore, #tpu.memory_space<semaphore_mem>>) src(%dma_wait3A_1908 : memref<128x8xf32, #tpu.memory_space<vmem>>) dst(%dma_wait3A_1914 : memref<133120x8xf32, #tpu.memory_space<vmem_shared>>)
        %dma_wait3A_1915 = arith.constant 1 : i32
        %dma_wait3A_1916 = arith.constant 2 : i32
        %dma_wait3A_1917 = arith.constant 0 : i32
        %dma_wait3A_1918 = arith.constant 1024 : i32
        %dma_wait3A_1919 = arith.constant 0 : i32
        %dma_wait3A_1920 = tpu.memref_slice %arg12[%dma_wait3A_1918, %dma_wait3A_1919] : memref<2048x8xf32, #tpu.memory_space<vmem>> -> memref<128x8xf32, #tpu.memory_space<vmem>>
        %dma_wait3A_1921 = arith.constant 0 : i32
        %dma_wait3A_1922 = tpu.memref_slice %arg10[%dma_wait3A_1915, %dma_wait3A_1916, %dma_wait3A_1917, %dma_wait3A_1921] : memref<2x4x4x128xi32, #tpu.memory_space<vmem>> -> memref<1x1x1x128xi32, #tpu.memory_space<vmem>>
        %dma_wait3A_1923 = tpu.memref_squeeze %dma_wait3A_1922 : memref<1x1x1x128xi32, #tpu.memory_space<vmem>> -> memref<128xi32, #tpu.memory_space<vmem>>
        %dma_wait3A_1924 = arith.constant 0 : i32
        %dma_wait3A_1925 = arith.constant 0 : i32
        %dma_wait3A_1926 = tpu.memref_slice %arg7[%dma_wait3A_1924, %dma_wait3A_1925] : memref<133120x8xf32, #tpu.memory_space<vmem_shared>> -> memref<133120x8xf32, #tpu.memory_space<vmem_shared>>
        tpu.wait_indirect_dma semaphore(%arg16 : memref<!tpu.dma_semaphore, #tpu.memory_space<semaphore_mem>>) src(%dma_wait3A_1920 : memref<128x8xf32, #tpu.memory_space<vmem>>) dst(%dma_wait3A_1926 : memref<133120x8xf32, #tpu.memory_space<vmem_shared>>)
        %dma_wait3A_1927 = arith.constant 1 : i32
        %dma_wait3A_1928 = arith.constant 2 : i32
        %dma_wait3A_1929 = arith.constant 1 : i32
        %dma_wait3A_1930 = arith.constant 1152 : i32
        %dma_wait3A_1931 = arith.constant 0 : i32
        %dma_wait3A_1932 = tpu.memref_slice %arg12[%dma_wait3A_1930, %dma_wait3A_1931] : memref<2048x8xf32, #tpu.memory_space<vmem>> -> memref<128x8xf32, #tpu.memory_space<vmem>>
        %dma_wait3A_1933 = arith.constant 0 : i32
        %dma_wait3A_1934 = tpu.memref_slice %arg10[%dma_wait3A_1927, %dma_wait3A_1928, %dma_wait3A_1929, %dma_wait3A_1933] : memref<2x4x4x128xi32, #tpu.memory_space<vmem>> -> memref<1x1x1x128xi32, #tpu.memory_space<vmem>>
        %dma_wait3A_1935 = tpu.memref_squeeze %dma_wait3A_1934 : memref<1x1x1x128xi32, #tpu.memory_space<vmem>> -> memref<128xi32, #tpu.memory_space<vmem>>
        %dma_wait3A_1936 = arith.constant 0 : i32
        %dma_wait3A_1937 = arith.constant 0 : i32
        %dma_wait3A_1938 = tpu.memref_slice %arg7[%dma_wait3A_1936, %dma_wait3A_1937] : memref<133120x8xf32, #tpu.memory_space<vmem_shared>> -> memref<133120x8xf32, #tpu.memory_space<vmem_shared>>
        tpu.wait_indirect_dma semaphore(%arg16 : memref<!tpu.dma_semaphore, #tpu.memory_space<semaphore_mem>>) src(%dma_wait3A_1932 : memref<128x8xf32, #tpu.memory_space<vmem>>) dst(%dma_wait3A_1938 : memref<133120x8xf32, #tpu.memory_space<vmem_shared>>)
        %dma_wait3A_1939 = arith.constant 1 : i32
        %dma_wait3A_1940 = arith.constant 2 : i32
        %dma_wait3A_1941 = arith.constant 2 : i32
        %dma_wait3A_1942 = arith.constant 1280 : i32
        %dma_wait3A_1943 = arith.constant 0 : i32
        %dma_wait3A_1944 = tpu.memref_slice %arg12[%dma_wait3A_1942, %dma_wait3A_1943] : memref<2048x8xf32, #tpu.memory_space<vmem>> -> memref<128x8xf32, #tpu.memory_space<vmem>>
        %dma_wait3A_1945 = arith.constant 0 : i32
        %dma_wait3A_1946 = tpu.memref_slice %arg10[%dma_wait3A_1939, %dma_wait3A_1940, %dma_wait3A_1941, %dma_wait3A_1945] : memref<2x4x4x128xi32, #tpu.memory_space<vmem>> -> memref<1x1x1x128xi32, #tpu.memory_space<vmem>>
        %dma_wait3A_1947 = tpu.memref_squeeze %dma_wait3A_1946 : memref<1x1x1x128xi32, #tpu.memory_space<vmem>> -> memref<128xi32, #tpu.memory_space<vmem>>
        %dma_wait3A_1948 = arith.constant 0 : i32
        %dma_wait3A_1949 = arith.constant 0 : i32
        %dma_wait3A_1950 = tpu.memref_slice %arg7[%dma_wait3A_1948, %dma_wait3A_1949] : memref<133120x8xf32, #tpu.memory_space<vmem_shared>> -> memref<133120x8xf32, #tpu.memory_space<vmem_shared>>
        tpu.wait_indirect_dma semaphore(%arg16 : memref<!tpu.dma_semaphore, #tpu.memory_space<semaphore_mem>>) src(%dma_wait3A_1944 : memref<128x8xf32, #tpu.memory_space<vmem>>) dst(%dma_wait3A_1950 : memref<133120x8xf32, #tpu.memory_space<vmem_shared>>)
        %dma_wait3A_1951 = arith.constant 1 : i32
        %dma_wait3A_1952 = arith.constant 2 : i32
        %dma_wait3A_1953 = arith.constant 3 : i32
        %dma_wait3A_1954 = arith.constant 1408 : i32
        %dma_wait3A_1955 = arith.constant 0 : i32
        %dma_wait3A_1956 = tpu.memref_slice %arg12[%dma_wait3A_1954, %dma_wait3A_1955] : memref<2048x8xf32, #tpu.memory_space<vmem>> -> memref<128x8xf32, #tpu.memory_space<vmem>>
        %dma_wait3A_1957 = arith.constant 0 : i32
        %dma_wait3A_1958 = tpu.memref_slice %arg10[%dma_wait3A_1951, %dma_wait3A_1952, %dma_wait3A_1953, %dma_wait3A_1957] : memref<2x4x4x128xi32, #tpu.memory_space<vmem>> -> memref<1x1x1x128xi32, #tpu.memory_space<vmem>>
        %dma_wait3A_1959 = tpu.memref_squeeze %dma_wait3A_1958 : memref<1x1x1x128xi32, #tpu.memory_space<vmem>> -> memref<128xi32, #tpu.memory_space<vmem>>
        %dma_wait3A_1960 = arith.constant 0 : i32
        %dma_wait3A_1961 = arith.constant 0 : i32
        %dma_wait3A_1962 = tpu.memref_slice %arg7[%dma_wait3A_1960, %dma_wait3A_1961] : memref<133120x8xf32, #tpu.memory_space<vmem_shared>> -> memref<133120x8xf32, #tpu.memory_space<vmem_shared>>
        tpu.wait_indirect_dma semaphore(%arg16 : memref<!tpu.dma_semaphore, #tpu.memory_space<semaphore_mem>>) src(%dma_wait3A_1956 : memref<128x8xf32, #tpu.memory_space<vmem>>) dst(%dma_wait3A_1962 : memref<133120x8xf32, #tpu.memory_space<vmem_shared>>)
        %dma_wait3A_1963 = arith.constant 1 : i32
        %dma_wait3A_1964 = arith.constant 3 : i32
        %dma_wait3A_1965 = arith.constant 0 : i32
        %dma_wait3A_1966 = arith.constant 1536 : i32
        %dma_wait3A_1967 = arith.constant 0 : i32
        %dma_wait3A_1968 = tpu.memref_slice %arg12[%dma_wait3A_1966, %dma_wait3A_1967] : memref<2048x8xf32, #tpu.memory_space<vmem>> -> memref<128x8xf32, #tpu.memory_space<vmem>>
        %dma_wait3A_1969 = arith.constant 0 : i32
        %dma_wait3A_1970 = tpu.memref_slice %arg10[%dma_wait3A_1963, %dma_wait3A_1964, %dma_wait3A_1965, %dma_wait3A_1969] : memref<2x4x4x128xi32, #tpu.memory_space<vmem>> -> memref<1x1x1x128xi32, #tpu.memory_space<vmem>>
        %dma_wait3A_1971 = tpu.memref_squeeze %dma_wait3A_1970 : memref<1x1x1x128xi32, #tpu.memory_space<vmem>> -> memref<128xi32, #tpu.memory_space<vmem>>
        %dma_wait3A_1972 = arith.constant 0 : i32
        %dma_wait3A_1973 = arith.constant 0 : i32
        %dma_wait3A_1974 = tpu.memref_slice %arg7[%dma_wait3A_1972, %dma_wait3A_1973] : memref<133120x8xf32, #tpu.memory_space<vmem_shared>> -> memref<133120x8xf32, #tpu.memory_space<vmem_shared>>
        tpu.wait_indirect_dma semaphore(%arg16 : memref<!tpu.dma_semaphore, #tpu.memory_space<semaphore_mem>>) src(%dma_wait3A_1968 : memref<128x8xf32, #tpu.memory_space<vmem>>) dst(%dma_wait3A_1974 : memref<133120x8xf32, #tpu.memory_space<vmem_shared>>)
        %dma_wait3A_1975 = arith.constant 1 : i32
        %dma_wait3A_1976 = arith.constant 3 : i32
        %dma_wait3A_1977 = arith.constant 1 : i32
        %dma_wait3A_1978 = arith.constant 1664 : i32
        %dma_wait3A_1979 = arith.constant 0 : i32
        %dma_wait3A_1980 = tpu.memref_slice %arg12[%dma_wait3A_1978, %dma_wait3A_1979] : memref<2048x8xf32, #tpu.memory_space<vmem>> -> memref<128x8xf32, #tpu.memory_space<vmem>>
        %dma_wait3A_1981 = arith.constant 0 : i32
        %dma_wait3A_1982 = tpu.memref_slice %arg10[%dma_wait3A_1975, %dma_wait3A_1976, %dma_wait3A_1977, %dma_wait3A_1981] : memref<2x4x4x128xi32, #tpu.memory_space<vmem>> -> memref<1x1x1x128xi32, #tpu.memory_space<vmem>>
        %dma_wait3A_1983 = tpu.memref_squeeze %dma_wait3A_1982 : memref<1x1x1x128xi32, #tpu.memory_space<vmem>> -> memref<128xi32, #tpu.memory_space<vmem>>
        %dma_wait3A_1984 = arith.constant 0 : i32
        %dma_wait3A_1985 = arith.constant 0 : i32
        %dma_wait3A_1986 = tpu.memref_slice %arg7[%dma_wait3A_1984, %dma_wait3A_1985] : memref<133120x8xf32, #tpu.memory_space<vmem_shared>> -> memref<133120x8xf32, #tpu.memory_space<vmem_shared>>
        tpu.wait_indirect_dma semaphore(%arg16 : memref<!tpu.dma_semaphore, #tpu.memory_space<semaphore_mem>>) src(%dma_wait3A_1980 : memref<128x8xf32, #tpu.memory_space<vmem>>) dst(%dma_wait3A_1986 : memref<133120x8xf32, #tpu.memory_space<vmem_shared>>)
        %dma_wait3A_1987 = arith.constant 1 : i32
        %dma_wait3A_1988 = arith.constant 3 : i32
        %dma_wait3A_1989 = arith.constant 2 : i32
        %dma_wait3A_1990 = arith.constant 1792 : i32
        %dma_wait3A_1991 = arith.constant 0 : i32
        %dma_wait3A_1992 = tpu.memref_slice %arg12[%dma_wait3A_1990, %dma_wait3A_1991] : memref<2048x8xf32, #tpu.memory_space<vmem>> -> memref<128x8xf32, #tpu.memory_space<vmem>>
        %dma_wait3A_1993 = arith.constant 0 : i32
        %dma_wait3A_1994 = tpu.memref_slice %arg10[%dma_wait3A_1987, %dma_wait3A_1988, %dma_wait3A_1989, %dma_wait3A_1993] : memref<2x4x4x128xi32, #tpu.memory_space<vmem>> -> memref<1x1x1x128xi32, #tpu.memory_space<vmem>>
        %dma_wait3A_1995 = tpu.memref_squeeze %dma_wait3A_1994 : memref<1x1x1x128xi32, #tpu.memory_space<vmem>> -> memref<128xi32, #tpu.memory_space<vmem>>
        %dma_wait3A_1996 = arith.constant 0 : i32
        %dma_wait3A_1997 = arith.constant 0 : i32
        %dma_wait3A_1998 = tpu.memref_slice %arg7[%dma_wait3A_1996, %dma_wait3A_1997] : memref<133120x8xf32, #tpu.memory_space<vmem_shared>> -> memref<133120x8xf32, #tpu.memory_space<vmem_shared>>
        tpu.wait_indirect_dma semaphore(%arg16 : memref<!tpu.dma_semaphore, #tpu.memory_space<semaphore_mem>>) src(%dma_wait3A_1992 : memref<128x8xf32, #tpu.memory_space<vmem>>) dst(%dma_wait3A_1998 : memref<133120x8xf32, #tpu.memory_space<vmem_shared>>)
        %dma_wait3A_1999 = arith.constant 1 : i32
        %dma_wait3A_2000 = arith.constant 3 : i32
        %dma_wait3A_2001 = arith.constant 3 : i32
        %dma_wait3A_2002 = arith.constant 1920 : i32
        %dma_wait3A_2003 = arith.constant 0 : i32
        %dma_wait3A_2004 = tpu.memref_slice %arg12[%dma_wait3A_2002, %dma_wait3A_2003] : memref<2048x8xf32, #tpu.memory_space<vmem>> -> memref<128x8xf32, #tpu.memory_space<vmem>>
        %dma_wait3A_2005 = arith.constant 0 : i32
        %dma_wait3A_2006 = tpu.memref_slice %arg10[%dma_wait3A_1999, %dma_wait3A_2000, %dma_wait3A_2001, %dma_wait3A_2005] : memref<2x4x4x128xi32, #tpu.memory_space<vmem>> -> memref<1x1x1x128xi32, #tpu.memory_space<vmem>>
        %dma_wait3A_2007 = tpu.memref_squeeze %dma_wait3A_2006 : memref<1x1x1x128xi32, #tpu.memory_space<vmem>> -> memref<128xi32, #tpu.memory_space<vmem>>
        %dma_wait3A_2008 = arith.constant 0 : i32
        %dma_wait3A_2009 = arith.constant 0 : i32
        %dma_wait3A_2010 = tpu.memref_slice %arg7[%dma_wait3A_2008, %dma_wait3A_2009] : memref<133120x8xf32, #tpu.memory_space<vmem_shared>> -> memref<133120x8xf32, #tpu.memory_space<vmem_shared>>
        tpu.wait_indirect_dma semaphore(%arg16 : memref<!tpu.dma_semaphore, #tpu.memory_space<semaphore_mem>>) src(%dma_wait3A_2004 : memref<128x8xf32, #tpu.memory_space<vmem>>) dst(%dma_wait3A_2010 : memref<133120x8xf32, #tpu.memory_space<vmem_shared>>)
        %add3A_2011 = arith.constant 1 : i32
        %add3A_2012 = arith.addi %add3A_1726, %add3A_2011 : i32
        %mul3A_2013 = arith.constant 16384 : i32
        %mul3A_2014 = arith.muli %arg1, %mul3A_2013 : i32
        %mul3A_2015 = arith.constant 512 : i32
        %mul3A_2016 = arith.muli %add3A_2012, %mul3A_2015 : i32
        %add3A_2017 = arith.addi %mul3A_2014, %mul3A_2016 : i32
        %jit3A_2018 = arith.constant 128 : i32
        %div3A_2019 = arith.divsi %add3A_2017, %jit3A_2018 : i32
        %sign3A_2020 = arith.constant 0 : i32
        %sign3A_2021 = arith.cmpi sgt, %add3A_2017, %sign3A_2020 : i32
        %sign3A_2022 = arith.extui %sign3A_2021 : i1 to i32
        %sign3A_2023 = arith.constant 0 : i32
        %sign3A_2024 = arith.cmpi slt, %add3A_2017, %sign3A_2023 : i32
        %sign3A_2025 = arith.extui %sign3A_2024 : i1 to i32
        %sign3A_2026 = arith.subi %sign3A_2022, %sign3A_2025 : i32
        %sign3A_2027 = arith.constant 0 : i32
        %sign3A_2028 = arith.cmpi sgt, %jit3A_2018, %sign3A_2027 : i32
        %sign3A_2029 = arith.extui %sign3A_2028 : i1 to i32
        %sign3A_2030 = arith.constant 0 : i32
        %sign3A_2031 = arith.cmpi slt, %jit3A_2018, %sign3A_2030 : i32
        %sign3A_2032 = arith.extui %sign3A_2031 : i1 to i32
        %sign3A_2033 = arith.subi %sign3A_2029, %sign3A_2032 : i32
        %ne3A_2034 = arith.cmpi ne, %sign3A_2026, %sign3A_2033 : i32
        %rem3A_2035 = arith.remsi %add3A_2017, %jit3A_2018 : i32
        %ne3A_2036 = arith.constant 0 : i32
        %ne3A_2037 = arith.cmpi ne, %rem3A_2035, %ne3A_2036 : i32
        %and3A_2038 = arith.andi %ne3A_2034, %ne3A_2037 : i1
        %sub3A_2039 = arith.constant 1 : i32
        %sub3A_2040 = arith.subi %div3A_2019, %sub3A_2039 : i32
        %select_n3A_2041 = arith.select %and3A_2038, %sub3A_2040, %div3A_2019 : i32
        %multiple_of3A_2042 = tpu.assume_multiple %select_n3A_2041, 4 : i32
        %dma_start3A_2043 = arith.constant 1 : i32
        %dma_start3A_2044 = arith.constant 0 : i32
        %dma_start3A_2045 = arith.constant 0 : i32
        %dma_start3A_2046 = arith.constant 0 : i32
        %dma_start3A_2047 = tpu.memref_slice %arg8[%dma_start3A_2043, %dma_start3A_2044, %dma_start3A_2045, %dma_start3A_2046] : memref<2x8x4x128xf32, #tpu.memory_space<vmem>> -> memref<1x8x4x128xf32, #tpu.memory_space<vmem>>
        %dma_start3A_2048 = tpu.memref_squeeze %dma_start3A_2047 : memref<1x8x4x128xf32, #tpu.memory_space<vmem>> -> memref<8x4x128xf32, #tpu.memory_space<vmem>>
        %dma_start3A_2049 = arith.constant 0 : i32
        %dma_start3A_2050 = arith.constant 0 : i32
        %dma_start3A_2051 = tpu.memref_slice %arg2[%add3A_23, %dma_start3A_2049, %multiple_of3A_2042, %dma_start3A_2050] : memref<4x8x2048x128xf32, #tpu.memory_space<hbm>> -> memref<1x8x4x128xf32, #tpu.memory_space<hbm>>
        %dma_start3A_2052 = tpu.memref_squeeze %dma_start3A_2051 : memref<1x8x4x128xf32, #tpu.memory_space<hbm>> -> memref<8x4x128xf32, #tpu.memory_space<hbm>>
        %dma_start3A_2053 = arith.constant 0 : i32
        %dma_start3A_2054 = arith.constant 0 : i32
        %dma_start3A_2055 = arith.constant 0 : i32
        %dma_start3A_2056 = tpu.memref_slice %arg8[%dma_start3A_2043, %dma_start3A_2053, %dma_start3A_2054, %dma_start3A_2055] : memref<2x8x4x128xf32, #tpu.memory_space<vmem>> -> memref<1x8x4x128xf32, #tpu.memory_space<vmem>>
        %dma_start3A_2057 = tpu.memref_squeeze %dma_start3A_2056 : memref<1x8x4x128xf32, #tpu.memory_space<vmem>> -> memref<8x4x128xf32, #tpu.memory_space<vmem>>
        %dma_start3A_2058 = arith.constant 0 : i32
        %dma_start3A_2059 = arith.constant 0 : i32
        %dma_start3A_2060 = tpu.memref_slice %arg2[%add3A_23, %dma_start3A_2058, %multiple_of3A_2042, %dma_start3A_2059] : memref<4x8x2048x128xf32, #tpu.memory_space<hbm>> -> memref<1x8x4x128xf32, #tpu.memory_space<hbm>>
        %dma_start3A_2061 = tpu.memref_squeeze %dma_start3A_2060 : memref<1x8x4x128xf32, #tpu.memory_space<hbm>> -> memref<8x4x128xf32, #tpu.memory_space<hbm>>
        tpu.enqueue_dma source(%dma_start3A_2061 : memref<8x4x128xf32, #tpu.memory_space<hbm>>) target(%dma_start3A_2057 : memref<8x4x128xf32, #tpu.memory_space<vmem>>) target_semaphore(%arg14 : memref<!tpu.dma_semaphore, #tpu.memory_space<semaphore_mem>>)
        %dma_start3A_2062 = arith.constant 1 : i32
        %dma_start3A_2063 = arith.constant 0 : i32
        %dma_start3A_2064 = arith.constant 0 : i32
        %dma_start3A_2065 = arith.constant 0 : i32
        %dma_start3A_2066 = tpu.memref_slice %arg9[%dma_start3A_2062, %dma_start3A_2063, %dma_start3A_2064, %dma_start3A_2065] : memref<2x4x4x128xf32, #tpu.memory_space<vmem>> -> memref<1x4x4x128xf32, #tpu.memory_space<vmem>>
        %dma_start3A_2067 = tpu.memref_squeeze %dma_start3A_2066 : memref<1x4x4x128xf32, #tpu.memory_space<vmem>> -> memref<4x4x128xf32, #tpu.memory_space<vmem>>
        %dma_start3A_2068 = arith.constant 0 : i32
        %dma_start3A_2069 = arith.constant 0 : i32
        %dma_start3A_2070 = tpu.memref_slice %arg3[%add3A_23, %dma_start3A_2068, %multiple_of3A_2042, %dma_start3A_2069] : memref<4x4x2048x128xf32, #tpu.memory_space<hbm>> -> memref<1x4x4x128xf32, #tpu.memory_space<hbm>>
        %dma_start3A_2071 = tpu.memref_squeeze %dma_start3A_2070 : memref<1x4x4x128xf32, #tpu.memory_space<hbm>> -> memref<4x4x128xf32, #tpu.memory_space<hbm>>
        %dma_start3A_2072 = arith.constant 0 : i32
        %dma_start3A_2073 = arith.constant 0 : i32
        %dma_start3A_2074 = arith.constant 0 : i32
        %dma_start3A_2075 = tpu.memref_slice %arg9[%dma_start3A_2062, %dma_start3A_2072, %dma_start3A_2073, %dma_start3A_2074] : memref<2x4x4x128xf32, #tpu.memory_space<vmem>> -> memref<1x4x4x128xf32, #tpu.memory_space<vmem>>
        %dma_start3A_2076 = tpu.memref_squeeze %dma_start3A_2075 : memref<1x4x4x128xf32, #tpu.memory_space<vmem>> -> memref<4x4x128xf32, #tpu.memory_space<vmem>>
        %dma_start3A_2077 = arith.constant 0 : i32
        %dma_start3A_2078 = arith.constant 0 : i32
        %dma_start3A_2079 = tpu.memref_slice %arg3[%add3A_23, %dma_start3A_2077, %multiple_of3A_2042, %dma_start3A_2078] : memref<4x4x2048x128xf32, #tpu.memory_space<hbm>> -> memref<1x4x4x128xf32, #tpu.memory_space<hbm>>
        %dma_start3A_2080 = tpu.memref_squeeze %dma_start3A_2079 : memref<1x4x4x128xf32, #tpu.memory_space<hbm>> -> memref<4x4x128xf32, #tpu.memory_space<hbm>>
        tpu.enqueue_dma source(%dma_start3A_2080 : memref<4x4x128xf32, #tpu.memory_space<hbm>>) target(%dma_start3A_2076 : memref<4x4x128xf32, #tpu.memory_space<vmem>>) target_semaphore(%arg14 : memref<!tpu.dma_semaphore, #tpu.memory_space<semaphore_mem>>)
        %dma_start3A_2081 = arith.constant 1 : i32
        %dma_start3A_2082 = arith.constant 0 : i32
        %dma_start3A_2083 = arith.constant 0 : i32
        %dma_start3A_2084 = arith.constant 0 : i32
        %dma_start3A_2085 = tpu.memref_slice %arg10[%dma_start3A_2081, %dma_start3A_2082, %dma_start3A_2083, %dma_start3A_2084] : memref<2x4x4x128xi32, #tpu.memory_space<vmem>> -> memref<1x4x4x128xi32, #tpu.memory_space<vmem>>
        %dma_start3A_2086 = tpu.memref_squeeze %dma_start3A_2085 : memref<1x4x4x128xi32, #tpu.memory_space<vmem>> -> memref<4x4x128xi32, #tpu.memory_space<vmem>>
        %dma_start3A_2087 = arith.constant 0 : i32
        %dma_start3A_2088 = arith.constant 0 : i32
        %dma_start3A_2089 = tpu.memref_slice %arg4[%arg0, %add3A_23, %dma_start3A_2087, %multiple_of3A_2042, %dma_start3A_2088] : memref<2x4x4x2048x128xi32, #tpu.memory_space<hbm>> -> memref<1x1x4x4x128xi32, #tpu.memory_space<hbm>>
        %dma_start3A_2090 = tpu.memref_squeeze %dma_start3A_2089 : memref<1x1x4x4x128xi32, #tpu.memory_space<hbm>> -> memref<4x4x128xi32, #tpu.memory_space<hbm>>
        %dma_start3A_2091 = arith.constant 0 : i32
        %dma_start3A_2092 = arith.constant 0 : i32
        %dma_start3A_2093 = arith.constant 0 : i32
        %dma_start3A_2094 = tpu.memref_slice %arg10[%dma_start3A_2081, %dma_start3A_2091, %dma_start3A_2092, %dma_start3A_2093] : memref<2x4x4x128xi32, #tpu.memory_space<vmem>> -> memref<1x4x4x128xi32, #tpu.memory_space<vmem>>
        %dma_start3A_2095 = tpu.memref_squeeze %dma_start3A_2094 : memref<1x4x4x128xi32, #tpu.memory_space<vmem>> -> memref<4x4x128xi32, #tpu.memory_space<vmem>>
        %dma_start3A_2096 = arith.constant 0 : i32
        %dma_start3A_2097 = arith.constant 0 : i32
        %dma_start3A_2098 = tpu.memref_slice %arg4[%arg0, %add3A_23, %dma_start3A_2096, %multiple_of3A_2042, %dma_start3A_2097] : memref<2x4x4x2048x128xi32, #tpu.memory_space<hbm>> -> memref<1x1x4x4x128xi32, #tpu.memory_space<hbm>>
        %dma_start3A_2099 = tpu.memref_squeeze %dma_start3A_2098 : memref<1x1x4x4x128xi32, #tpu.memory_space<hbm>> -> memref<4x4x128xi32, #tpu.memory_space<hbm>>
        tpu.enqueue_dma source(%dma_start3A_2099 : memref<4x4x128xi32, #tpu.memory_space<hbm>>) target(%dma_start3A_2095 : memref<4x4x128xi32, #tpu.memory_space<vmem>>) target_semaphore(%arg14 : memref<!tpu.dma_semaphore, #tpu.memory_space<semaphore_mem>>)
        %dma_start3A_2100 = arith.constant 0 : i32
        %dma_start3A_2101 = arith.constant 0 : i32
        %dma_start3A_2102 = arith.constant 0 : i32
        %dma_start3A_2103 = arith.constant 0 : i32
        %dma_start3A_2104 = arith.constant 0 : i32
        %dma_start3A_2105 = tpu.memref_slice %arg11[%dma_start3A_2103, %dma_start3A_2104] : memref<2048x8xf32, #tpu.memory_space<vmem>> -> memref<128x8xf32, #tpu.memory_space<vmem>>
        %dma_start3A_2106 = arith.constant 0 : i32
        %dma_start3A_2107 = tpu.memref_slice %arg10[%dma_start3A_2100, %dma_start3A_2101, %dma_start3A_2102, %dma_start3A_2106] : memref<2x4x4x128xi32, #tpu.memory_space<vmem>> -> memref<1x1x1x128xi32, #tpu.memory_space<vmem>>
        %dma_start3A_2108 = tpu.memref_squeeze %dma_start3A_2107 : memref<1x1x1x128xi32, #tpu.memory_space<vmem>> -> memref<128xi32, #tpu.memory_space<vmem>>
        %dma_start3A_2109 = arith.constant 0 : i32
        %dma_start3A_2110 = arith.constant 0 : i32
        %dma_start3A_2111 = tpu.memref_slice %arg7[%dma_start3A_2109, %dma_start3A_2110] : memref<133120x8xf32, #tpu.memory_space<vmem_shared>> -> memref<133120x8xf32, #tpu.memory_space<vmem_shared>>
        tpu.enqueue_indirect_dma source(%dma_start3A_2105 : memref<128x8xf32, #tpu.memory_space<vmem>>) target(%dma_start3A_2111 : memref<133120x8xf32, #tpu.memory_space<vmem_shared>>) offsets(%dma_start3A_2108 : memref<128xi32, #tpu.memory_space<vmem>>) semaphore(%arg15 : memref<!tpu.dma_semaphore, #tpu.memory_space<semaphore_mem>>) {add = true}
        %dma_start3A_2112 = arith.constant 0 : i32
        %dma_start3A_2113 = arith.constant 0 : i32
        %dma_start3A_2114 = arith.constant 1 : i32
        %dma_start3A_2115 = arith.constant 128 : i32
        %dma_start3A_2116 = arith.constant 0 : i32
        %dma_start3A_2117 = tpu.memref_slice %arg11[%dma_start3A_2115, %dma_start3A_2116] : memref<2048x8xf32, #tpu.memory_space<vmem>> -> memref<128x8xf32, #tpu.memory_space<vmem>>
        %dma_start3A_2118 = arith.constant 0 : i32
        %dma_start3A_2119 = tpu.memref_slice %arg10[%dma_start3A_2112, %dma_start3A_2113, %dma_start3A_2114, %dma_start3A_2118] : memref<2x4x4x128xi32, #tpu.memory_space<vmem>> -> memref<1x1x1x128xi32, #tpu.memory_space<vmem>>
        %dma_start3A_2120 = tpu.memref_squeeze %dma_start3A_2119 : memref<1x1x1x128xi32, #tpu.memory_space<vmem>> -> memref<128xi32, #tpu.memory_space<vmem>>
        %dma_start3A_2121 = arith.constant 0 : i32
        %dma_start3A_2122 = arith.constant 0 : i32
        %dma_start3A_2123 = tpu.memref_slice %arg7[%dma_start3A_2121, %dma_start3A_2122] : memref<133120x8xf32, #tpu.memory_space<vmem_shared>> -> memref<133120x8xf32, #tpu.memory_space<vmem_shared>>
        tpu.enqueue_indirect_dma source(%dma_start3A_2117 : memref<128x8xf32, #tpu.memory_space<vmem>>) target(%dma_start3A_2123 : memref<133120x8xf32, #tpu.memory_space<vmem_shared>>) offsets(%dma_start3A_2120 : memref<128xi32, #tpu.memory_space<vmem>>) semaphore(%arg15 : memref<!tpu.dma_semaphore, #tpu.memory_space<semaphore_mem>>) {add = true}
        %dma_start3A_2124 = arith.constant 0 : i32
        %dma_start3A_2125 = arith.constant 0 : i32
        %dma_start3A_2126 = arith.constant 2 : i32
        %dma_start3A_2127 = arith.constant 256 : i32
        %dma_start3A_2128 = arith.constant 0 : i32
        %dma_start3A_2129 = tpu.memref_slice %arg11[%dma_start3A_2127, %dma_start3A_2128] : memref<2048x8xf32, #tpu.memory_space<vmem>> -> memref<128x8xf32, #tpu.memory_space<vmem>>
        %dma_start3A_2130 = arith.constant 0 : i32
        %dma_start3A_2131 = tpu.memref_slice %arg10[%dma_start3A_2124, %dma_start3A_2125, %dma_start3A_2126, %dma_start3A_2130] : memref<2x4x4x128xi32, #tpu.memory_space<vmem>> -> memref<1x1x1x128xi32, #tpu.memory_space<vmem>>
        %dma_start3A_2132 = tpu.memref_squeeze %dma_start3A_2131 : memref<1x1x1x128xi32, #tpu.memory_space<vmem>> -> memref<128xi32, #tpu.memory_space<vmem>>
        %dma_start3A_2133 = arith.constant 0 : i32
        %dma_start3A_2134 = arith.constant 0 : i32
        %dma_start3A_2135 = tpu.memref_slice %arg7[%dma_start3A_2133, %dma_start3A_2134] : memref<133120x8xf32, #tpu.memory_space<vmem_shared>> -> memref<133120x8xf32, #tpu.memory_space<vmem_shared>>
        tpu.enqueue_indirect_dma source(%dma_start3A_2129 : memref<128x8xf32, #tpu.memory_space<vmem>>) target(%dma_start3A_2135 : memref<133120x8xf32, #tpu.memory_space<vmem_shared>>) offsets(%dma_start3A_2132 : memref<128xi32, #tpu.memory_space<vmem>>) semaphore(%arg15 : memref<!tpu.dma_semaphore, #tpu.memory_space<semaphore_mem>>) {add = true}
        %dma_start3A_2136 = arith.constant 0 : i32
        %dma_start3A_2137 = arith.constant 0 : i32
        %dma_start3A_2138 = arith.constant 3 : i32
        %dma_start3A_2139 = arith.constant 384 : i32
        %dma_start3A_2140 = arith.constant 0 : i32
        %dma_start3A_2141 = tpu.memref_slice %arg11[%dma_start3A_2139, %dma_start3A_2140] : memref<2048x8xf32, #tpu.memory_space<vmem>> -> memref<128x8xf32, #tpu.memory_space<vmem>>
        %dma_start3A_2142 = arith.constant 0 : i32
        %dma_start3A_2143 = tpu.memref_slice %arg10[%dma_start3A_2136, %dma_start3A_2137, %dma_start3A_2138, %dma_start3A_2142] : memref<2x4x4x128xi32, #tpu.memory_space<vmem>> -> memref<1x1x1x128xi32, #tpu.memory_space<vmem>>
        %dma_start3A_2144 = tpu.memref_squeeze %dma_start3A_2143 : memref<1x1x1x128xi32, #tpu.memory_space<vmem>> -> memref<128xi32, #tpu.memory_space<vmem>>
        %dma_start3A_2145 = arith.constant 0 : i32
        %dma_start3A_2146 = arith.constant 0 : i32
        %dma_start3A_2147 = tpu.memref_slice %arg7[%dma_start3A_2145, %dma_start3A_2146] : memref<133120x8xf32, #tpu.memory_space<vmem_shared>> -> memref<133120x8xf32, #tpu.memory_space<vmem_shared>>
        tpu.enqueue_indirect_dma source(%dma_start3A_2141 : memref<128x8xf32, #tpu.memory_space<vmem>>) target(%dma_start3A_2147 : memref<133120x8xf32, #tpu.memory_space<vmem_shared>>) offsets(%dma_start3A_2144 : memref<128xi32, #tpu.memory_space<vmem>>) semaphore(%arg15 : memref<!tpu.dma_semaphore, #tpu.memory_space<semaphore_mem>>) {add = true}
        %dma_start3A_2148 = arith.constant 0 : i32
        %dma_start3A_2149 = arith.constant 1 : i32
        %dma_start3A_2150 = arith.constant 0 : i32
        %dma_start3A_2151 = arith.constant 512 : i32
        %dma_start3A_2152 = arith.constant 0 : i32
        %dma_start3A_2153 = tpu.memref_slice %arg11[%dma_start3A_2151, %dma_start3A_2152] : memref<2048x8xf32, #tpu.memory_space<vmem>> -> memref<128x8xf32, #tpu.memory_space<vmem>>
        %dma_start3A_2154 = arith.constant 0 : i32
        %dma_start3A_2155 = tpu.memref_slice %arg10[%dma_start3A_2148, %dma_start3A_2149, %dma_start3A_2150, %dma_start3A_2154] : memref<2x4x4x128xi32, #tpu.memory_space<vmem>> -> memref<1x1x1x128xi32, #tpu.memory_space<vmem>>
        %dma_start3A_2156 = tpu.memref_squeeze %dma_start3A_2155 : memref<1x1x1x128xi32, #tpu.memory_space<vmem>> -> memref<128xi32, #tpu.memory_space<vmem>>
        %dma_start3A_2157 = arith.constant 0 : i32
        %dma_start3A_2158 = arith.constant 0 : i32
        %dma_start3A_2159 = tpu.memref_slice %arg7[%dma_start3A_2157, %dma_start3A_2158] : memref<133120x8xf32, #tpu.memory_space<vmem_shared>> -> memref<133120x8xf32, #tpu.memory_space<vmem_shared>>
        tpu.enqueue_indirect_dma source(%dma_start3A_2153 : memref<128x8xf32, #tpu.memory_space<vmem>>) target(%dma_start3A_2159 : memref<133120x8xf32, #tpu.memory_space<vmem_shared>>) offsets(%dma_start3A_2156 : memref<128xi32, #tpu.memory_space<vmem>>) semaphore(%arg15 : memref<!tpu.dma_semaphore, #tpu.memory_space<semaphore_mem>>) {add = true}
        %dma_start3A_2160 = arith.constant 0 : i32
        %dma_start3A_2161 = arith.constant 1 : i32
        %dma_start3A_2162 = arith.constant 1 : i32
        %dma_start3A_2163 = arith.constant 640 : i32
        %dma_start3A_2164 = arith.constant 0 : i32
        %dma_start3A_2165 = tpu.memref_slice %arg11[%dma_start3A_2163, %dma_start3A_2164] : memref<2048x8xf32, #tpu.memory_space<vmem>> -> memref<128x8xf32, #tpu.memory_space<vmem>>
        %dma_start3A_2166 = arith.constant 0 : i32
        %dma_start3A_2167 = tpu.memref_slice %arg10[%dma_start3A_2160, %dma_start3A_2161, %dma_start3A_2162, %dma_start3A_2166] : memref<2x4x4x128xi32, #tpu.memory_space<vmem>> -> memref<1x1x1x128xi32, #tpu.memory_space<vmem>>
        %dma_start3A_2168 = tpu.memref_squeeze %dma_start3A_2167 : memref<1x1x1x128xi32, #tpu.memory_space<vmem>> -> memref<128xi32, #tpu.memory_space<vmem>>
        %dma_start3A_2169 = arith.constant 0 : i32
        %dma_start3A_2170 = arith.constant 0 : i32
        %dma_start3A_2171 = tpu.memref_slice %arg7[%dma_start3A_2169, %dma_start3A_2170] : memref<133120x8xf32, #tpu.memory_space<vmem_shared>> -> memref<133120x8xf32, #tpu.memory_space<vmem_shared>>
        tpu.enqueue_indirect_dma source(%dma_start3A_2165 : memref<128x8xf32, #tpu.memory_space<vmem>>) target(%dma_start3A_2171 : memref<133120x8xf32, #tpu.memory_space<vmem_shared>>) offsets(%dma_start3A_2168 : memref<128xi32, #tpu.memory_space<vmem>>) semaphore(%arg15 : memref<!tpu.dma_semaphore, #tpu.memory_space<semaphore_mem>>) {add = true}
        %dma_start3A_2172 = arith.constant 0 : i32
        %dma_start3A_2173 = arith.constant 1 : i32
        %dma_start3A_2174 = arith.constant 2 : i32
        %dma_start3A_2175 = arith.constant 768 : i32
        %dma_start3A_2176 = arith.constant 0 : i32
        %dma_start3A_2177 = tpu.memref_slice %arg11[%dma_start3A_2175, %dma_start3A_2176] : memref<2048x8xf32, #tpu.memory_space<vmem>> -> memref<128x8xf32, #tpu.memory_space<vmem>>
        %dma_start3A_2178 = arith.constant 0 : i32
        %dma_start3A_2179 = tpu.memref_slice %arg10[%dma_start3A_2172, %dma_start3A_2173, %dma_start3A_2174, %dma_start3A_2178] : memref<2x4x4x128xi32, #tpu.memory_space<vmem>> -> memref<1x1x1x128xi32, #tpu.memory_space<vmem>>
        %dma_start3A_2180 = tpu.memref_squeeze %dma_start3A_2179 : memref<1x1x1x128xi32, #tpu.memory_space<vmem>> -> memref<128xi32, #tpu.memory_space<vmem>>
        %dma_start3A_2181 = arith.constant 0 : i32
        %dma_start3A_2182 = arith.constant 0 : i32
        %dma_start3A_2183 = tpu.memref_slice %arg7[%dma_start3A_2181, %dma_start3A_2182] : memref<133120x8xf32, #tpu.memory_space<vmem_shared>> -> memref<133120x8xf32, #tpu.memory_space<vmem_shared>>
        tpu.enqueue_indirect_dma source(%dma_start3A_2177 : memref<128x8xf32, #tpu.memory_space<vmem>>) target(%dma_start3A_2183 : memref<133120x8xf32, #tpu.memory_space<vmem_shared>>) offsets(%dma_start3A_2180 : memref<128xi32, #tpu.memory_space<vmem>>) semaphore(%arg15 : memref<!tpu.dma_semaphore, #tpu.memory_space<semaphore_mem>>) {add = true}
        %dma_start3A_2184 = arith.constant 0 : i32
        %dma_start3A_2185 = arith.constant 1 : i32
        %dma_start3A_2186 = arith.constant 3 : i32
        %dma_start3A_2187 = arith.constant 896 : i32
        %dma_start3A_2188 = arith.constant 0 : i32
        %dma_start3A_2189 = tpu.memref_slice %arg11[%dma_start3A_2187, %dma_start3A_2188] : memref<2048x8xf32, #tpu.memory_space<vmem>> -> memref<128x8xf32, #tpu.memory_space<vmem>>
        %dma_start3A_2190 = arith.constant 0 : i32
        %dma_start3A_2191 = tpu.memref_slice %arg10[%dma_start3A_2184, %dma_start3A_2185, %dma_start3A_2186, %dma_start3A_2190] : memref<2x4x4x128xi32, #tpu.memory_space<vmem>> -> memref<1x1x1x128xi32, #tpu.memory_space<vmem>>
        %dma_start3A_2192 = tpu.memref_squeeze %dma_start3A_2191 : memref<1x1x1x128xi32, #tpu.memory_space<vmem>> -> memref<128xi32, #tpu.memory_space<vmem>>
        %dma_start3A_2193 = arith.constant 0 : i32
        %dma_start3A_2194 = arith.constant 0 : i32
        %dma_start3A_2195 = tpu.memref_slice %arg7[%dma_start3A_2193, %dma_start3A_2194] : memref<133120x8xf32, #tpu.memory_space<vmem_shared>> -> memref<133120x8xf32, #tpu.memory_space<vmem_shared>>
        tpu.enqueue_indirect_dma source(%dma_start3A_2189 : memref<128x8xf32, #tpu.memory_space<vmem>>) target(%dma_start3A_2195 : memref<133120x8xf32, #tpu.memory_space<vmem_shared>>) offsets(%dma_start3A_2192 : memref<128xi32, #tpu.memory_space<vmem>>) semaphore(%arg15 : memref<!tpu.dma_semaphore, #tpu.memory_space<semaphore_mem>>) {add = true}
        %dma_start3A_2196 = arith.constant 0 : i32
        %dma_start3A_2197 = arith.constant 2 : i32
        %dma_start3A_2198 = arith.constant 0 : i32
        %dma_start3A_2199 = arith.constant 1024 : i32
        %dma_start3A_2200 = arith.constant 0 : i32
        %dma_start3A_2201 = tpu.memref_slice %arg11[%dma_start3A_2199, %dma_start3A_2200] : memref<2048x8xf32, #tpu.memory_space<vmem>> -> memref<128x8xf32, #tpu.memory_space<vmem>>
        %dma_start3A_2202 = arith.constant 0 : i32
        %dma_start3A_2203 = tpu.memref_slice %arg10[%dma_start3A_2196, %dma_start3A_2197, %dma_start3A_2198, %dma_start3A_2202] : memref<2x4x4x128xi32, #tpu.memory_space<vmem>> -> memref<1x1x1x128xi32, #tpu.memory_space<vmem>>
        %dma_start3A_2204 = tpu.memref_squeeze %dma_start3A_2203 : memref<1x1x1x128xi32, #tpu.memory_space<vmem>> -> memref<128xi32, #tpu.memory_space<vmem>>
        %dma_start3A_2205 = arith.constant 0 : i32
        %dma_start3A_2206 = arith.constant 0 : i32
        %dma_start3A_2207 = tpu.memref_slice %arg7[%dma_start3A_2205, %dma_start3A_2206] : memref<133120x8xf32, #tpu.memory_space<vmem_shared>> -> memref<133120x8xf32, #tpu.memory_space<vmem_shared>>
        tpu.enqueue_indirect_dma source(%dma_start3A_2201 : memref<128x8xf32, #tpu.memory_space<vmem>>) target(%dma_start3A_2207 : memref<133120x8xf32, #tpu.memory_space<vmem_shared>>) offsets(%dma_start3A_2204 : memref<128xi32, #tpu.memory_space<vmem>>) semaphore(%arg15 : memref<!tpu.dma_semaphore, #tpu.memory_space<semaphore_mem>>) {add = true}
        %dma_start3A_2208 = arith.constant 0 : i32
        %dma_start3A_2209 = arith.constant 2 : i32
        %dma_start3A_2210 = arith.constant 1 : i32
        %dma_start3A_2211 = arith.constant 1152 : i32
        %dma_start3A_2212 = arith.constant 0 : i32
        %dma_start3A_2213 = tpu.memref_slice %arg11[%dma_start3A_2211, %dma_start3A_2212] : memref<2048x8xf32, #tpu.memory_space<vmem>> -> memref<128x8xf32, #tpu.memory_space<vmem>>
        %dma_start3A_2214 = arith.constant 0 : i32
        %dma_start3A_2215 = tpu.memref_slice %arg10[%dma_start3A_2208, %dma_start3A_2209, %dma_start3A_2210, %dma_start3A_2214] : memref<2x4x4x128xi32, #tpu.memory_space<vmem>> -> memref<1x1x1x128xi32, #tpu.memory_space<vmem>>
        %dma_start3A_2216 = tpu.memref_squeeze %dma_start3A_2215 : memref<1x1x1x128xi32, #tpu.memory_space<vmem>> -> memref<128xi32, #tpu.memory_space<vmem>>
        %dma_start3A_2217 = arith.constant 0 : i32
        %dma_start3A_2218 = arith.constant 0 : i32
        %dma_start3A_2219 = tpu.memref_slice %arg7[%dma_start3A_2217, %dma_start3A_2218] : memref<133120x8xf32, #tpu.memory_space<vmem_shared>> -> memref<133120x8xf32, #tpu.memory_space<vmem_shared>>
        tpu.enqueue_indirect_dma source(%dma_start3A_2213 : memref<128x8xf32, #tpu.memory_space<vmem>>) target(%dma_start3A_2219 : memref<133120x8xf32, #tpu.memory_space<vmem_shared>>) offsets(%dma_start3A_2216 : memref<128xi32, #tpu.memory_space<vmem>>) semaphore(%arg15 : memref<!tpu.dma_semaphore, #tpu.memory_space<semaphore_mem>>) {add = true}
        %dma_start3A_2220 = arith.constant 0 : i32
        %dma_start3A_2221 = arith.constant 2 : i32
        %dma_start3A_2222 = arith.constant 2 : i32
        %dma_start3A_2223 = arith.constant 1280 : i32
        %dma_start3A_2224 = arith.constant 0 : i32
        %dma_start3A_2225 = tpu.memref_slice %arg11[%dma_start3A_2223, %dma_start3A_2224] : memref<2048x8xf32, #tpu.memory_space<vmem>> -> memref<128x8xf32, #tpu.memory_space<vmem>>
        %dma_start3A_2226 = arith.constant 0 : i32
        %dma_start3A_2227 = tpu.memref_slice %arg10[%dma_start3A_2220, %dma_start3A_2221, %dma_start3A_2222, %dma_start3A_2226] : memref<2x4x4x128xi32, #tpu.memory_space<vmem>> -> memref<1x1x1x128xi32, #tpu.memory_space<vmem>>
        %dma_start3A_2228 = tpu.memref_squeeze %dma_start3A_2227 : memref<1x1x1x128xi32, #tpu.memory_space<vmem>> -> memref<128xi32, #tpu.memory_space<vmem>>
        %dma_start3A_2229 = arith.constant 0 : i32
        %dma_start3A_2230 = arith.constant 0 : i32
        %dma_start3A_2231 = tpu.memref_slice %arg7[%dma_start3A_2229, %dma_start3A_2230] : memref<133120x8xf32, #tpu.memory_space<vmem_shared>> -> memref<133120x8xf32, #tpu.memory_space<vmem_shared>>
        tpu.enqueue_indirect_dma source(%dma_start3A_2225 : memref<128x8xf32, #tpu.memory_space<vmem>>) target(%dma_start3A_2231 : memref<133120x8xf32, #tpu.memory_space<vmem_shared>>) offsets(%dma_start3A_2228 : memref<128xi32, #tpu.memory_space<vmem>>) semaphore(%arg15 : memref<!tpu.dma_semaphore, #tpu.memory_space<semaphore_mem>>) {add = true}
        %dma_start3A_2232 = arith.constant 0 : i32
        %dma_start3A_2233 = arith.constant 2 : i32
        %dma_start3A_2234 = arith.constant 3 : i32
        %dma_start3A_2235 = arith.constant 1408 : i32
        %dma_start3A_2236 = arith.constant 0 : i32
        %dma_start3A_2237 = tpu.memref_slice %arg11[%dma_start3A_2235, %dma_start3A_2236] : memref<2048x8xf32, #tpu.memory_space<vmem>> -> memref<128x8xf32, #tpu.memory_space<vmem>>
        %dma_start3A_2238 = arith.constant 0 : i32
        %dma_start3A_2239 = tpu.memref_slice %arg10[%dma_start3A_2232, %dma_start3A_2233, %dma_start3A_2234, %dma_start3A_2238] : memref<2x4x4x128xi32, #tpu.memory_space<vmem>> -> memref<1x1x1x128xi32, #tpu.memory_space<vmem>>
        %dma_start3A_2240 = tpu.memref_squeeze %dma_start3A_2239 : memref<1x1x1x128xi32, #tpu.memory_space<vmem>> -> memref<128xi32, #tpu.memory_space<vmem>>
        %dma_start3A_2241 = arith.constant 0 : i32
        %dma_start3A_2242 = arith.constant 0 : i32
        %dma_start3A_2243 = tpu.memref_slice %arg7[%dma_start3A_2241, %dma_start3A_2242] : memref<133120x8xf32, #tpu.memory_space<vmem_shared>> -> memref<133120x8xf32, #tpu.memory_space<vmem_shared>>
        tpu.enqueue_indirect_dma source(%dma_start3A_2237 : memref<128x8xf32, #tpu.memory_space<vmem>>) target(%dma_start3A_2243 : memref<133120x8xf32, #tpu.memory_space<vmem_shared>>) offsets(%dma_start3A_2240 : memref<128xi32, #tpu.memory_space<vmem>>) semaphore(%arg15 : memref<!tpu.dma_semaphore, #tpu.memory_space<semaphore_mem>>) {add = true}
        %dma_start3A_2244 = arith.constant 0 : i32
        %dma_start3A_2245 = arith.constant 3 : i32
        %dma_start3A_2246 = arith.constant 0 : i32
        %dma_start3A_2247 = arith.constant 1536 : i32
        %dma_start3A_2248 = arith.constant 0 : i32
        %dma_start3A_2249 = tpu.memref_slice %arg11[%dma_start3A_2247, %dma_start3A_2248] : memref<2048x8xf32, #tpu.memory_space<vmem>> -> memref<128x8xf32, #tpu.memory_space<vmem>>
        %dma_start3A_2250 = arith.constant 0 : i32
        %dma_start3A_2251 = tpu.memref_slice %arg10[%dma_start3A_2244, %dma_start3A_2245, %dma_start3A_2246, %dma_start3A_2250] : memref<2x4x4x128xi32, #tpu.memory_space<vmem>> -> memref<1x1x1x128xi32, #tpu.memory_space<vmem>>
        %dma_start3A_2252 = tpu.memref_squeeze %dma_start3A_2251 : memref<1x1x1x128xi32, #tpu.memory_space<vmem>> -> memref<128xi32, #tpu.memory_space<vmem>>
        %dma_start3A_2253 = arith.constant 0 : i32
        %dma_start3A_2254 = arith.constant 0 : i32
        %dma_start3A_2255 = tpu.memref_slice %arg7[%dma_start3A_2253, %dma_start3A_2254] : memref<133120x8xf32, #tpu.memory_space<vmem_shared>> -> memref<133120x8xf32, #tpu.memory_space<vmem_shared>>
        tpu.enqueue_indirect_dma source(%dma_start3A_2249 : memref<128x8xf32, #tpu.memory_space<vmem>>) target(%dma_start3A_2255 : memref<133120x8xf32, #tpu.memory_space<vmem_shared>>) offsets(%dma_start3A_2252 : memref<128xi32, #tpu.memory_space<vmem>>) semaphore(%arg15 : memref<!tpu.dma_semaphore, #tpu.memory_space<semaphore_mem>>) {add = true}
        %dma_start3A_2256 = arith.constant 0 : i32
        %dma_start3A_2257 = arith.constant 3 : i32
        %dma_start3A_2258 = arith.constant 1 : i32
        %dma_start3A_2259 = arith.constant 1664 : i32
        %dma_start3A_2260 = arith.constant 0 : i32
        %dma_start3A_2261 = tpu.memref_slice %arg11[%dma_start3A_2259, %dma_start3A_2260] : memref<2048x8xf32, #tpu.memory_space<vmem>> -> memref<128x8xf32, #tpu.memory_space<vmem>>
        %dma_start3A_2262 = arith.constant 0 : i32
        %dma_start3A_2263 = tpu.memref_slice %arg10[%dma_start3A_2256, %dma_start3A_2257, %dma_start3A_2258, %dma_start3A_2262] : memref<2x4x4x128xi32, #tpu.memory_space<vmem>> -> memref<1x1x1x128xi32, #tpu.memory_space<vmem>>
        %dma_start3A_2264 = tpu.memref_squeeze %dma_start3A_2263 : memref<1x1x1x128xi32, #tpu.memory_space<vmem>> -> memref<128xi32, #tpu.memory_space<vmem>>
        %dma_start3A_2265 = arith.constant 0 : i32
        %dma_start3A_2266 = arith.constant 0 : i32
        %dma_start3A_2267 = tpu.memref_slice %arg7[%dma_start3A_2265, %dma_start3A_2266] : memref<133120x8xf32, #tpu.memory_space<vmem_shared>> -> memref<133120x8xf32, #tpu.memory_space<vmem_shared>>
        tpu.enqueue_indirect_dma source(%dma_start3A_2261 : memref<128x8xf32, #tpu.memory_space<vmem>>) target(%dma_start3A_2267 : memref<133120x8xf32, #tpu.memory_space<vmem_shared>>) offsets(%dma_start3A_2264 : memref<128xi32, #tpu.memory_space<vmem>>) semaphore(%arg15 : memref<!tpu.dma_semaphore, #tpu.memory_space<semaphore_mem>>) {add = true}
        %dma_start3A_2268 = arith.constant 0 : i32
        %dma_start3A_2269 = arith.constant 3 : i32
        %dma_start3A_2270 = arith.constant 2 : i32
        %dma_start3A_2271 = arith.constant 1792 : i32
        %dma_start3A_2272 = arith.constant 0 : i32
        %dma_start3A_2273 = tpu.memref_slice %arg11[%dma_start3A_2271, %dma_start3A_2272] : memref<2048x8xf32, #tpu.memory_space<vmem>> -> memref<128x8xf32, #tpu.memory_space<vmem>>
        %dma_start3A_2274 = arith.constant 0 : i32
        %dma_start3A_2275 = tpu.memref_slice %arg10[%dma_start3A_2268, %dma_start3A_2269, %dma_start3A_2270, %dma_start3A_2274] : memref<2x4x4x128xi32, #tpu.memory_space<vmem>> -> memref<1x1x1x128xi32, #tpu.memory_space<vmem>>
        %dma_start3A_2276 = tpu.memref_squeeze %dma_start3A_2275 : memref<1x1x1x128xi32, #tpu.memory_space<vmem>> -> memref<128xi32, #tpu.memory_space<vmem>>
        %dma_start3A_2277 = arith.constant 0 : i32
        %dma_start3A_2278 = arith.constant 0 : i32
        %dma_start3A_2279 = tpu.memref_slice %arg7[%dma_start3A_2277, %dma_start3A_2278] : memref<133120x8xf32, #tpu.memory_space<vmem_shared>> -> memref<133120x8xf32, #tpu.memory_space<vmem_shared>>
        tpu.enqueue_indirect_dma source(%dma_start3A_2273 : memref<128x8xf32, #tpu.memory_space<vmem>>) target(%dma_start3A_2279 : memref<133120x8xf32, #tpu.memory_space<vmem_shared>>) offsets(%dma_start3A_2276 : memref<128xi32, #tpu.memory_space<vmem>>) semaphore(%arg15 : memref<!tpu.dma_semaphore, #tpu.memory_space<semaphore_mem>>) {add = true}
        %dma_start3A_2280 = arith.constant 0 : i32
        %dma_start3A_2281 = arith.constant 3 : i32
        %dma_start3A_2282 = arith.constant 3 : i32
        %dma_start3A_2283 = arith.constant 1920 : i32
        %dma_start3A_2284 = arith.constant 0 : i32
        %dma_start3A_2285 = tpu.memref_slice %arg11[%dma_start3A_2283, %dma_start3A_2284] : memref<2048x8xf32, #tpu.memory_space<vmem>> -> memref<128x8xf32, #tpu.memory_space<vmem>>
        %dma_start3A_2286 = arith.constant 0 : i32
        %dma_start3A_2287 = tpu.memref_slice %arg10[%dma_start3A_2280, %dma_start3A_2281, %dma_start3A_2282, %dma_start3A_2286] : memref<2x4x4x128xi32, #tpu.memory_space<vmem>> -> memref<1x1x1x128xi32, #tpu.memory_space<vmem>>
        %dma_start3A_2288 = tpu.memref_squeeze %dma_start3A_2287 : memref<1x1x1x128xi32, #tpu.memory_space<vmem>> -> memref<128xi32, #tpu.memory_space<vmem>>
        %dma_start3A_2289 = arith.constant 0 : i32
        %dma_start3A_2290 = arith.constant 0 : i32
        %dma_start3A_2291 = tpu.memref_slice %arg7[%dma_start3A_2289, %dma_start3A_2290] : memref<133120x8xf32, #tpu.memory_space<vmem_shared>> -> memref<133120x8xf32, #tpu.memory_space<vmem_shared>>
        tpu.enqueue_indirect_dma source(%dma_start3A_2285 : memref<128x8xf32, #tpu.memory_space<vmem>>) target(%dma_start3A_2291 : memref<133120x8xf32, #tpu.memory_space<vmem_shared>>) offsets(%dma_start3A_2288 : memref<128xi32, #tpu.memory_space<vmem>>) semaphore(%arg15 : memref<!tpu.dma_semaphore, #tpu.memory_space<semaphore_mem>>) {add = true}
      }
      %scan3A_473 = arith.constant 15 : i32
      %mul3A_474 = arith.constant 16384 : i32
      %mul3A_475 = arith.muli %arg1, %mul3A_474 : i32
      %add3A_476 = arith.constant 15872 : i32
      %add3A_477 = arith.addi %mul3A_475, %add3A_476 : i32
      %jit3A_478 = arith.constant 128 : i32
      %div3A_479 = arith.divsi %add3A_477, %jit3A_478 : i32
      %sign3A_480 = arith.constant 0 : i32
      %sign3A_481 = arith.cmpi sgt, %add3A_477, %sign3A_480 : i32
      %sign3A_482 = arith.extui %sign3A_481 : i1 to i32
      %sign3A_483 = arith.constant 0 : i32
      %sign3A_484 = arith.cmpi slt, %add3A_477, %sign3A_483 : i32
      %sign3A_485 = arith.extui %sign3A_484 : i1 to i32
      %sign3A_486 = arith.subi %sign3A_482, %sign3A_485 : i32
      %sign3A_487 = arith.constant 0 : i32
      %sign3A_488 = arith.cmpi sgt, %jit3A_478, %sign3A_487 : i32
      %sign3A_489 = arith.extui %sign3A_488 : i1 to i32
      %sign3A_490 = arith.constant 0 : i32
      %sign3A_491 = arith.cmpi slt, %jit3A_478, %sign3A_490 : i32
      %sign3A_492 = arith.extui %sign3A_491 : i1 to i32
      %sign3A_493 = arith.subi %sign3A_489, %sign3A_492 : i32
      %ne3A_494 = arith.cmpi ne, %sign3A_486, %sign3A_493 : i32
      %rem3A_495 = arith.remsi %add3A_477, %jit3A_478 : i32
      %ne3A_496 = arith.constant 0 : i32
      %ne3A_497 = arith.cmpi ne, %rem3A_495, %ne3A_496 : i32
      %and3A_498 = arith.andi %ne3A_494, %ne3A_497 : i1
      %sub3A_499 = arith.constant 1 : i32
      %sub3A_500 = arith.subi %div3A_479, %sub3A_499 : i32
      %select_n3A_501 = arith.select %and3A_498, %sub3A_500, %div3A_479 : i32
      %multiple_of3A_502 = tpu.assume_multiple %select_n3A_501, 4 : i32
      %dma_wait3A_503 = arith.constant 1 : i32
      %dma_wait3A_504 = arith.constant 0 : i32
      %dma_wait3A_505 = arith.constant 0 : i32
      %dma_wait3A_506 = arith.constant 0 : i32
      %dma_wait3A_507 = tpu.memref_slice %arg8[%dma_wait3A_503, %dma_wait3A_504, %dma_wait3A_505, %dma_wait3A_506] : memref<2x8x4x128xf32, #tpu.memory_space<vmem>> -> memref<1x8x4x128xf32, #tpu.memory_space<vmem>>
      %dma_wait3A_508 = tpu.memref_squeeze %dma_wait3A_507 : memref<1x8x4x128xf32, #tpu.memory_space<vmem>> -> memref<8x4x128xf32, #tpu.memory_space<vmem>>
      %dma_wait3A_509 = arith.constant 0 : i32
      %dma_wait3A_510 = arith.constant 0 : i32
      %dma_wait3A_511 = tpu.memref_slice %arg2[%add3A_23, %dma_wait3A_509, %multiple_of3A_502, %dma_wait3A_510] : memref<4x8x2048x128xf32, #tpu.memory_space<hbm>> -> memref<1x8x4x128xf32, #tpu.memory_space<hbm>>
      %dma_wait3A_512 = tpu.memref_squeeze %dma_wait3A_511 : memref<1x8x4x128xf32, #tpu.memory_space<hbm>> -> memref<8x4x128xf32, #tpu.memory_space<hbm>>
      %dma_wait3A_513 = arith.constant 0 : i32
      %dma_wait3A_514 = arith.constant 0 : i32
      %dma_wait3A_515 = arith.constant 0 : i32
      %dma_wait3A_516 = tpu.memref_slice %arg8[%dma_wait3A_503, %dma_wait3A_513, %dma_wait3A_514, %dma_wait3A_515] : memref<2x8x4x128xf32, #tpu.memory_space<vmem>> -> memref<1x8x4x128xf32, #tpu.memory_space<vmem>>
      %dma_wait3A_517 = tpu.memref_squeeze %dma_wait3A_516 : memref<1x8x4x128xf32, #tpu.memory_space<vmem>> -> memref<8x4x128xf32, #tpu.memory_space<vmem>>
      %dma_wait3A_518 = arith.constant 0 : i32
      %dma_wait3A_519 = arith.constant 0 : i32
      %dma_wait3A_520 = tpu.memref_slice %arg2[%add3A_23, %dma_wait3A_518, %multiple_of3A_502, %dma_wait3A_519] : memref<4x8x2048x128xf32, #tpu.memory_space<hbm>> -> memref<1x8x4x128xf32, #tpu.memory_space<hbm>>
      %dma_wait3A_521 = tpu.memref_squeeze %dma_wait3A_520 : memref<1x8x4x128xf32, #tpu.memory_space<hbm>> -> memref<8x4x128xf32, #tpu.memory_space<hbm>>
      tpu.wait_dma2 semaphore(%arg14 : memref<!tpu.dma_semaphore, #tpu.memory_space<semaphore_mem>>) src(%dma_wait3A_521 : memref<8x4x128xf32, #tpu.memory_space<hbm>>) dst(%dma_wait3A_517 : memref<8x4x128xf32, #tpu.memory_space<vmem>>)
      %dma_wait3A_522 = arith.constant 1 : i32
      %dma_wait3A_523 = arith.constant 0 : i32
      %dma_wait3A_524 = arith.constant 0 : i32
      %dma_wait3A_525 = arith.constant 0 : i32
      %dma_wait3A_526 = tpu.memref_slice %arg9[%dma_wait3A_522, %dma_wait3A_523, %dma_wait3A_524, %dma_wait3A_525] : memref<2x4x4x128xf32, #tpu.memory_space<vmem>> -> memref<1x4x4x128xf32, #tpu.memory_space<vmem>>
      %dma_wait3A_527 = tpu.memref_squeeze %dma_wait3A_526 : memref<1x4x4x128xf32, #tpu.memory_space<vmem>> -> memref<4x4x128xf32, #tpu.memory_space<vmem>>
      %dma_wait3A_528 = arith.constant 0 : i32
      %dma_wait3A_529 = arith.constant 0 : i32
      %dma_wait3A_530 = tpu.memref_slice %arg3[%add3A_23, %dma_wait3A_528, %multiple_of3A_502, %dma_wait3A_529] : memref<4x4x2048x128xf32, #tpu.memory_space<hbm>> -> memref<1x4x4x128xf32, #tpu.memory_space<hbm>>
      %dma_wait3A_531 = tpu.memref_squeeze %dma_wait3A_530 : memref<1x4x4x128xf32, #tpu.memory_space<hbm>> -> memref<4x4x128xf32, #tpu.memory_space<hbm>>
      %dma_wait3A_532 = arith.constant 0 : i32
      %dma_wait3A_533 = arith.constant 0 : i32
      %dma_wait3A_534 = arith.constant 0 : i32
      %dma_wait3A_535 = tpu.memref_slice %arg9[%dma_wait3A_522, %dma_wait3A_532, %dma_wait3A_533, %dma_wait3A_534] : memref<2x4x4x128xf32, #tpu.memory_space<vmem>> -> memref<1x4x4x128xf32, #tpu.memory_space<vmem>>
      %dma_wait3A_536 = tpu.memref_squeeze %dma_wait3A_535 : memref<1x4x4x128xf32, #tpu.memory_space<vmem>> -> memref<4x4x128xf32, #tpu.memory_space<vmem>>
      %dma_wait3A_537 = arith.constant 0 : i32
      %dma_wait3A_538 = arith.constant 0 : i32
      %dma_wait3A_539 = tpu.memref_slice %arg3[%add3A_23, %dma_wait3A_537, %multiple_of3A_502, %dma_wait3A_538] : memref<4x4x2048x128xf32, #tpu.memory_space<hbm>> -> memref<1x4x4x128xf32, #tpu.memory_space<hbm>>
      %dma_wait3A_540 = tpu.memref_squeeze %dma_wait3A_539 : memref<1x4x4x128xf32, #tpu.memory_space<hbm>> -> memref<4x4x128xf32, #tpu.memory_space<hbm>>
      tpu.wait_dma2 semaphore(%arg14 : memref<!tpu.dma_semaphore, #tpu.memory_space<semaphore_mem>>) src(%dma_wait3A_540 : memref<4x4x128xf32, #tpu.memory_space<hbm>>) dst(%dma_wait3A_536 : memref<4x4x128xf32, #tpu.memory_space<vmem>>)
      %dma_wait3A_541 = arith.constant 1 : i32
      %dma_wait3A_542 = arith.constant 0 : i32
      %dma_wait3A_543 = arith.constant 0 : i32
      %dma_wait3A_544 = arith.constant 0 : i32
      %dma_wait3A_545 = tpu.memref_slice %arg10[%dma_wait3A_541, %dma_wait3A_542, %dma_wait3A_543, %dma_wait3A_544] : memref<2x4x4x128xi32, #tpu.memory_space<vmem>> -> memref<1x4x4x128xi32, #tpu.memory_space<vmem>>
      %dma_wait3A_546 = tpu.memref_squeeze %dma_wait3A_545 : memref<1x4x4x128xi32, #tpu.memory_space<vmem>> -> memref<4x4x128xi32, #tpu.memory_space<vmem>>
      %dma_wait3A_547 = arith.constant 0 : i32
      %dma_wait3A_548 = arith.constant 0 : i32
      %dma_wait3A_549 = tpu.memref_slice %arg4[%arg0, %add3A_23, %dma_wait3A_547, %multiple_of3A_502, %dma_wait3A_548] : memref<2x4x4x2048x128xi32, #tpu.memory_space<hbm>> -> memref<1x1x4x4x128xi32, #tpu.memory_space<hbm>>
      %dma_wait3A_550 = tpu.memref_squeeze %dma_wait3A_549 : memref<1x1x4x4x128xi32, #tpu.memory_space<hbm>> -> memref<4x4x128xi32, #tpu.memory_space<hbm>>
      %dma_wait3A_551 = arith.constant 0 : i32
      %dma_wait3A_552 = arith.constant 0 : i32
      %dma_wait3A_553 = arith.constant 0 : i32
      %dma_wait3A_554 = tpu.memref_slice %arg10[%dma_wait3A_541, %dma_wait3A_551, %dma_wait3A_552, %dma_wait3A_553] : memref<2x4x4x128xi32, #tpu.memory_space<vmem>> -> memref<1x4x4x128xi32, #tpu.memory_space<vmem>>
      %dma_wait3A_555 = tpu.memref_squeeze %dma_wait3A_554 : memref<1x4x4x128xi32, #tpu.memory_space<vmem>> -> memref<4x4x128xi32, #tpu.memory_space<vmem>>
      %dma_wait3A_556 = arith.constant 0 : i32
      %dma_wait3A_557 = arith.constant 0 : i32
      %dma_wait3A_558 = tpu.memref_slice %arg4[%arg0, %add3A_23, %dma_wait3A_556, %multiple_of3A_502, %dma_wait3A_557] : memref<2x4x4x2048x128xi32, #tpu.memory_space<hbm>> -> memref<1x1x4x4x128xi32, #tpu.memory_space<hbm>>
      %dma_wait3A_559 = tpu.memref_squeeze %dma_wait3A_558 : memref<1x1x4x4x128xi32, #tpu.memory_space<hbm>> -> memref<4x4x128xi32, #tpu.memory_space<hbm>>
      tpu.wait_dma2 semaphore(%arg14 : memref<!tpu.dma_semaphore, #tpu.memory_space<semaphore_mem>>) src(%dma_wait3A_559 : memref<4x4x128xi32, #tpu.memory_space<hbm>>) dst(%dma_wait3A_555 : memref<4x4x128xi32, #tpu.memory_space<vmem>>)
      %scan3A_560 = arith.constant 0 : i32
      %scan3A_561 = arith.constant 32 : i32
      %scan3A_562 = arith.addi %scan3A_560, %scan3A_561 : i32
      %scan3A_563 = arith.constant 1 : i32
      scf.for %scan3A_1149 = %scan3A_560 to %scan3A_562 step %scan3A_563  : i32 {
        %mul3A_1150 = arith.constant 1 : i32
        %mul3A_1151 = arith.muli %scan3A_1149, %mul3A_1150 : i32
        %add3A_1152 = arith.constant 0 : i32
        %add3A_1153 = arith.addi %add3A_1152, %mul3A_1151 : i32
        %jit3A_1154 = arith.constant 8 : i32
        %div3A_1155 = arith.divsi %add3A_1153, %jit3A_1154 : i32
        %sign3A_1156 = arith.constant 0 : i32
        %sign3A_1157 = arith.cmpi sgt, %add3A_1153, %sign3A_1156 : i32
        %sign3A_1158 = arith.extui %sign3A_1157 : i1 to i32
        %sign3A_1159 = arith.constant 0 : i32
        %sign3A_1160 = arith.cmpi slt, %add3A_1153, %sign3A_1159 : i32
        %sign3A_1161 = arith.extui %sign3A_1160 : i1 to i32
        %sign3A_1162 = arith.subi %sign3A_1158, %sign3A_1161 : i32
        %sign3A_1163 = arith.constant 0 : i32
        %sign3A_1164 = arith.cmpi sgt, %jit3A_1154, %sign3A_1163 : i32
        %sign3A_1165 = arith.extui %sign3A_1164 : i1 to i32
        %sign3A_1166 = arith.constant 0 : i32
        %sign3A_1167 = arith.cmpi slt, %jit3A_1154, %sign3A_1166 : i32
        %sign3A_1168 = arith.extui %sign3A_1167 : i1 to i32
        %sign3A_1169 = arith.subi %sign3A_1165, %sign3A_1168 : i32
        %ne3A_1170 = arith.cmpi ne, %sign3A_1162, %sign3A_1169 : i32
        %rem3A_1171 = arith.remsi %add3A_1153, %jit3A_1154 : i32
        %ne3A_1172 = arith.constant 0 : i32
        %ne3A_1173 = arith.cmpi ne, %rem3A_1171, %ne3A_1172 : i32
        %and3A_1174 = arith.andi %ne3A_1170, %ne3A_1173 : i1
        %sub3A_1175 = arith.constant 1 : i32
        %sub3A_1176 = arith.subi %div3A_1155, %sub3A_1175 : i32
        %select_n3A_1177 = arith.select %and3A_1174, %sub3A_1176, %div3A_1155 : i32
        %rem3A_1178 = arith.constant 8 : i32
        %rem3A_1179 = arith.remsi %add3A_1153, %rem3A_1178 : i32
        %mul3A_1180 = arith.constant 16 : i32
        %mul3A_1181 = arith.muli %rem3A_1179, %mul3A_1180 : i32
        %multiple_of3A_1182 = tpu.assume_multiple %mul3A_1181, 16 : i32
        %get3A = arith.constant 1 : i32
        %get3A_1183 = arith.constant 0 : i32
        %get3A_1184 = arith.index_cast %get3A : i32 to index
        %get3A_1185 = arith.index_cast %get3A_1183 : i32 to index
        %get3A_1186 = arith.index_cast %select_n3A_1177 : i32 to index
        %get3A_1187 = arith.index_cast %multiple_of3A_1182 : i32 to index
        %get3A_1188 = tpu.vector_load %arg8[%get3A_1184, %get3A_1185, %get3A_1186, %get3A_1187] {strides = array<i32>} : memref<2x8x4x128xf32, #tpu.memory_space<vmem>>, vector<16xf32>,
        %get3A_1189 = arith.constant 1 : i32
        %get3A_1190 = arith.constant 1 : i32
        %get3A_1191 = arith.index_cast %get3A_1189 : i32 to index
        %get3A_1192 = arith.index_cast %get3A_1190 : i32 to index
        %get3A_1193 = arith.index_cast %select_n3A_1177 : i32 to index
        %get3A_1194 = arith.index_cast %multiple_of3A_1182 : i32 to index
        %get3A_1195 = tpu.vector_load %arg8[%get3A_1191, %get3A_1192, %get3A_1193, %get3A_1194] {strides = array<i32>} : memref<2x8x4x128xf32, #tpu.memory_space<vmem>>, vector<16xf32>,
        %get3A_1196 = arith.constant 1 : i32
        %get3A_1197 = arith.constant 2 : i32
        %get3A_1198 = arith.index_cast %get3A_1196 : i32 to index
        %get3A_1199 = arith.index_cast %get3A_1197 : i32 to index
        %get3A_1200 = arith.index_cast %select_n3A_1177 : i32 to index
        %get3A_1201 = arith.index_cast %multiple_of3A_1182 : i32 to index
        %get3A_1202 = tpu.vector_load %arg8[%get3A_1198, %get3A_1199, %get3A_1200, %get3A_1201] {strides = array<i32>} : memref<2x8x4x128xf32, #tpu.memory_space<vmem>>, vector<16xf32>,
        %get3A_1203 = arith.constant 1 : i32
        %get3A_1204 = arith.constant 3 : i32
        %get3A_1205 = arith.index_cast %get3A_1203 : i32 to index
        %get3A_1206 = arith.index_cast %get3A_1204 : i32 to index
        %get3A_1207 = arith.index_cast %select_n3A_1177 : i32 to index
        %get3A_1208 = arith.index_cast %multiple_of3A_1182 : i32 to index
        %get3A_1209 = tpu.vector_load %arg8[%get3A_1205, %get3A_1206, %get3A_1207, %get3A_1208] {strides = array<i32>} : memref<2x8x4x128xf32, #tpu.memory_space<vmem>>, vector<16xf32>,
        %get3A_1210 = arith.constant 1 : i32
        %get3A_1211 = arith.constant 4 : i32
        %get3A_1212 = arith.index_cast %get3A_1210 : i32 to index
        %get3A_1213 = arith.index_cast %get3A_1211 : i32 to index
        %get3A_1214 = arith.index_cast %select_n3A_1177 : i32 to index
        %get3A_1215 = arith.index_cast %multiple_of3A_1182 : i32 to index
        %get3A_1216 = tpu.vector_load %arg8[%get3A_1212, %get3A_1213, %get3A_1214, %get3A_1215] {strides = array<i32>} : memref<2x8x4x128xf32, #tpu.memory_space<vmem>>, vector<16xf32>,
        %get3A_1217 = arith.constant 1 : i32
        %get3A_1218 = arith.constant 5 : i32
        %get3A_1219 = arith.index_cast %get3A_1217 : i32 to index
        %get3A_1220 = arith.index_cast %get3A_1218 : i32 to index
        %get3A_1221 = arith.index_cast %select_n3A_1177 : i32 to index
        %get3A_1222 = arith.index_cast %multiple_of3A_1182 : i32 to index
        %get3A_1223 = tpu.vector_load %arg8[%get3A_1219, %get3A_1220, %get3A_1221, %get3A_1222] {strides = array<i32>} : memref<2x8x4x128xf32, #tpu.memory_space<vmem>>, vector<16xf32>,
        %get3A_1224 = arith.constant 1 : i32
        %get3A_1225 = arith.constant 6 : i32
        %get3A_1226 = arith.index_cast %get3A_1224 : i32 to index
        %get3A_1227 = arith.index_cast %get3A_1225 : i32 to index
        %get3A_1228 = arith.index_cast %select_n3A_1177 : i32 to index
        %get3A_1229 = arith.index_cast %multiple_of3A_1182 : i32 to index
        %get3A_1230 = tpu.vector_load %arg8[%get3A_1226, %get3A_1227, %get3A_1228, %get3A_1229] {strides = array<i32>} : memref<2x8x4x128xf32, #tpu.memory_space<vmem>>, vector<16xf32>,
        %get3A_1231 = arith.constant 1 : i32
        %get3A_1232 = arith.constant 7 : i32
        %get3A_1233 = arith.index_cast %get3A_1231 : i32 to index
        %get3A_1234 = arith.index_cast %get3A_1232 : i32 to index
        %get3A_1235 = arith.index_cast %select_n3A_1177 : i32 to index
        %get3A_1236 = arith.index_cast %multiple_of3A_1182 : i32 to index
        %get3A_1237 = tpu.vector_load %arg8[%get3A_1233, %get3A_1234, %get3A_1235, %get3A_1236] {strides = array<i32>} : memref<2x8x4x128xf32, #tpu.memory_space<vmem>>, vector<16xf32>,
        %mul3A_1238 = arith.constant 16 : i32
        %mul3A_1239 = arith.muli %add3A_1153, %mul3A_1238 : i32
        %add3A_1240 = arith.constant 0 : i32
        %add3A_1241 = arith.addi %add3A_1240, %mul3A_1239 : i32
        %add3A_1242 = vector.broadcast %add3A_1241 : i32 to vector<16xi32>
        %add3A_1243 = arith.addi %iota3A, %add3A_1242 : vector<16xi32>
        %get3A_1244 = arith.constant 1 : i32
        %get3A_1245 = arith.constant 0 : i32
        %get3A_1246 = arith.index_cast %get3A_1244 : i32 to index
        %get3A_1247 = arith.index_cast %get3A_1245 : i32 to index
        %get3A_1248 = arith.index_cast %select_n3A_1177 : i32 to index
        %get3A_1249 = arith.index_cast %multiple_of3A_1182 : i32 to index
        %get3A_1250 = tpu.vector_load %arg9[%get3A_1246, %get3A_1247, %get3A_1248, %get3A_1249] {strides = array<i32>} : memref<2x4x4x128xf32, #tpu.memory_space<vmem>>, vector<16xf32>,
        %mul3A_1251 = arith.mulf %get3A_1188, %get3A_1250 : vector<16xf32>
        tpu.vector_store_idx %arg12[%add3A_1243, %broadcast_in_dim3A_1], %mul3A_1251 : memref<2048x8xf32, #tpu.memory_space<vmem>>[vector<16xi32>, vector<16xi32>], vector<16xf32>,
        %mul3A_1252 = arith.mulf %get3A_1195, %get3A_1250 : vector<16xf32>
        tpu.vector_store_idx %arg12[%add3A_1243, %broadcast_in_dim3A_3], %mul3A_1252 : memref<2048x8xf32, #tpu.memory_space<vmem>>[vector<16xi32>, vector<16xi32>], vector<16xf32>,
        %mul3A_1253 = arith.mulf %get3A_1202, %get3A_1250 : vector<16xf32>
        tpu.vector_store_idx %arg12[%add3A_1243, %broadcast_in_dim3A_5], %mul3A_1253 : memref<2048x8xf32, #tpu.memory_space<vmem>>[vector<16xi32>, vector<16xi32>], vector<16xf32>,
        %mul3A_1254 = arith.mulf %get3A_1209, %get3A_1250 : vector<16xf32>
        tpu.vector_store_idx %arg12[%add3A_1243, %broadcast_in_dim3A_7], %mul3A_1254 : memref<2048x8xf32, #tpu.memory_space<vmem>>[vector<16xi32>, vector<16xi32>], vector<16xf32>,
        %mul3A_1255 = arith.mulf %get3A_1216, %get3A_1250 : vector<16xf32>
        tpu.vector_store_idx %arg12[%add3A_1243, %broadcast_in_dim3A_9], %mul3A_1255 : memref<2048x8xf32, #tpu.memory_space<vmem>>[vector<16xi32>, vector<16xi32>], vector<16xf32>,
        %mul3A_1256 = arith.mulf %get3A_1223, %get3A_1250 : vector<16xf32>
        tpu.vector_store_idx %arg12[%add3A_1243, %broadcast_in_dim3A_11], %mul3A_1256 : memref<2048x8xf32, #tpu.memory_space<vmem>>[vector<16xi32>, vector<16xi32>], vector<16xf32>,
        %mul3A_1257 = arith.mulf %get3A_1230, %get3A_1250 : vector<16xf32>
        tpu.vector_store_idx %arg12[%add3A_1243, %broadcast_in_dim3A_13], %mul3A_1257 : memref<2048x8xf32, #tpu.memory_space<vmem>>[vector<16xi32>, vector<16xi32>], vector<16xf32>,
        %mul3A_1258 = arith.mulf %get3A_1237, %get3A_1250 : vector<16xf32>
        tpu.vector_store_idx %arg12[%add3A_1243, %broadcast_in_dim3A_15], %mul3A_1258 : memref<2048x8xf32, #tpu.memory_space<vmem>>[vector<16xi32>, vector<16xi32>], vector<16xf32>,
        %mul3A_1259 = arith.constant 16 : i32
        %mul3A_1260 = arith.muli %add3A_1153, %mul3A_1259 : i32
        %add3A_1261 = arith.constant 512 : i32
        %add3A_1262 = arith.addi %add3A_1261, %mul3A_1260 : i32
        %add3A_1263 = vector.broadcast %add3A_1262 : i32 to vector<16xi32>
        %add3A_1264 = arith.addi %iota3A, %add3A_1263 : vector<16xi32>
        %get3A_1265 = arith.constant 1 : i32
        %get3A_1266 = arith.constant 1 : i32
        %get3A_1267 = arith.index_cast %get3A_1265 : i32 to index
        %get3A_1268 = arith.index_cast %get3A_1266 : i32 to index
        %get3A_1269 = arith.index_cast %select_n3A_1177 : i32 to index
        %get3A_1270 = arith.index_cast %multiple_of3A_1182 : i32 to index
        %get3A_1271 = tpu.vector_load %arg9[%get3A_1267, %get3A_1268, %get3A_1269, %get3A_1270] {strides = array<i32>} : memref<2x4x4x128xf32, #tpu.memory_space<vmem>>, vector<16xf32>,
        %mul3A_1272 = arith.mulf %get3A_1188, %get3A_1271 : vector<16xf32>
        tpu.vector_store_idx %arg12[%add3A_1264, %broadcast_in_dim3A_1], %mul3A_1272 : memref<2048x8xf32, #tpu.memory_space<vmem>>[vector<16xi32>, vector<16xi32>], vector<16xf32>,
        %mul3A_1273 = arith.mulf %get3A_1195, %get3A_1271 : vector<16xf32>
        tpu.vector_store_idx %arg12[%add3A_1264, %broadcast_in_dim3A_3], %mul3A_1273 : memref<2048x8xf32, #tpu.memory_space<vmem>>[vector<16xi32>, vector<16xi32>], vector<16xf32>,
        %mul3A_1274 = arith.mulf %get3A_1202, %get3A_1271 : vector<16xf32>
        tpu.vector_store_idx %arg12[%add3A_1264, %broadcast_in_dim3A_5], %mul3A_1274 : memref<2048x8xf32, #tpu.memory_space<vmem>>[vector<16xi32>, vector<16xi32>], vector<16xf32>,
        %mul3A_1275 = arith.mulf %get3A_1209, %get3A_1271 : vector<16xf32>
        tpu.vector_store_idx %arg12[%add3A_1264, %broadcast_in_dim3A_7], %mul3A_1275 : memref<2048x8xf32, #tpu.memory_space<vmem>>[vector<16xi32>, vector<16xi32>], vector<16xf32>,
        %mul3A_1276 = arith.mulf %get3A_1216, %get3A_1271 : vector<16xf32>
        tpu.vector_store_idx %arg12[%add3A_1264, %broadcast_in_dim3A_9], %mul3A_1276 : memref<2048x8xf32, #tpu.memory_space<vmem>>[vector<16xi32>, vector<16xi32>], vector<16xf32>,
        %mul3A_1277 = arith.mulf %get3A_1223, %get3A_1271 : vector<16xf32>
        tpu.vector_store_idx %arg12[%add3A_1264, %broadcast_in_dim3A_11], %mul3A_1277 : memref<2048x8xf32, #tpu.memory_space<vmem>>[vector<16xi32>, vector<16xi32>], vector<16xf32>,
        %mul3A_1278 = arith.mulf %get3A_1230, %get3A_1271 : vector<16xf32>
        tpu.vector_store_idx %arg12[%add3A_1264, %broadcast_in_dim3A_13], %mul3A_1278 : memref<2048x8xf32, #tpu.memory_space<vmem>>[vector<16xi32>, vector<16xi32>], vector<16xf32>,
        %mul3A_1279 = arith.mulf %get3A_1237, %get3A_1271 : vector<16xf32>
        tpu.vector_store_idx %arg12[%add3A_1264, %broadcast_in_dim3A_15], %mul3A_1279 : memref<2048x8xf32, #tpu.memory_space<vmem>>[vector<16xi32>, vector<16xi32>], vector<16xf32>,
        %mul3A_1280 = arith.constant 16 : i32
        %mul3A_1281 = arith.muli %add3A_1153, %mul3A_1280 : i32
        %add3A_1282 = arith.constant 1024 : i32
        %add3A_1283 = arith.addi %add3A_1282, %mul3A_1281 : i32
        %add3A_1284 = vector.broadcast %add3A_1283 : i32 to vector<16xi32>
        %add3A_1285 = arith.addi %iota3A, %add3A_1284 : vector<16xi32>
        %get3A_1286 = arith.constant 1 : i32
        %get3A_1287 = arith.constant 2 : i32
        %get3A_1288 = arith.index_cast %get3A_1286 : i32 to index
        %get3A_1289 = arith.index_cast %get3A_1287 : i32 to index
        %get3A_1290 = arith.index_cast %select_n3A_1177 : i32 to index
        %get3A_1291 = arith.index_cast %multiple_of3A_1182 : i32 to index
        %get3A_1292 = tpu.vector_load %arg9[%get3A_1288, %get3A_1289, %get3A_1290, %get3A_1291] {strides = array<i32>} : memref<2x4x4x128xf32, #tpu.memory_space<vmem>>, vector<16xf32>,
        %mul3A_1293 = arith.mulf %get3A_1188, %get3A_1292 : vector<16xf32>
        tpu.vector_store_idx %arg12[%add3A_1285, %broadcast_in_dim3A_1], %mul3A_1293 : memref<2048x8xf32, #tpu.memory_space<vmem>>[vector<16xi32>, vector<16xi32>], vector<16xf32>,
        %mul3A_1294 = arith.mulf %get3A_1195, %get3A_1292 : vector<16xf32>
        tpu.vector_store_idx %arg12[%add3A_1285, %broadcast_in_dim3A_3], %mul3A_1294 : memref<2048x8xf32, #tpu.memory_space<vmem>>[vector<16xi32>, vector<16xi32>], vector<16xf32>,
        %mul3A_1295 = arith.mulf %get3A_1202, %get3A_1292 : vector<16xf32>
        tpu.vector_store_idx %arg12[%add3A_1285, %broadcast_in_dim3A_5], %mul3A_1295 : memref<2048x8xf32, #tpu.memory_space<vmem>>[vector<16xi32>, vector<16xi32>], vector<16xf32>,
        %mul3A_1296 = arith.mulf %get3A_1209, %get3A_1292 : vector<16xf32>
        tpu.vector_store_idx %arg12[%add3A_1285, %broadcast_in_dim3A_7], %mul3A_1296 : memref<2048x8xf32, #tpu.memory_space<vmem>>[vector<16xi32>, vector<16xi32>], vector<16xf32>,
        %mul3A_1297 = arith.mulf %get3A_1216, %get3A_1292 : vector<16xf32>
        tpu.vector_store_idx %arg12[%add3A_1285, %broadcast_in_dim3A_9], %mul3A_1297 : memref<2048x8xf32, #tpu.memory_space<vmem>>[vector<16xi32>, vector<16xi32>], vector<16xf32>,
        %mul3A_1298 = arith.mulf %get3A_1223, %get3A_1292 : vector<16xf32>
        tpu.vector_store_idx %arg12[%add3A_1285, %broadcast_in_dim3A_11], %mul3A_1298 : memref<2048x8xf32, #tpu.memory_space<vmem>>[vector<16xi32>, vector<16xi32>], vector<16xf32>,
        %mul3A_1299 = arith.mulf %get3A_1230, %get3A_1292 : vector<16xf32>
        tpu.vector_store_idx %arg12[%add3A_1285, %broadcast_in_dim3A_13], %mul3A_1299 : memref<2048x8xf32, #tpu.memory_space<vmem>>[vector<16xi32>, vector<16xi32>], vector<16xf32>,
        %mul3A_1300 = arith.mulf %get3A_1237, %get3A_1292 : vector<16xf32>
        tpu.vector_store_idx %arg12[%add3A_1285, %broadcast_in_dim3A_15], %mul3A_1300 : memref<2048x8xf32, #tpu.memory_space<vmem>>[vector<16xi32>, vector<16xi32>], vector<16xf32>,
        %mul3A_1301 = arith.constant 16 : i32
        %mul3A_1302 = arith.muli %add3A_1153, %mul3A_1301 : i32
        %add3A_1303 = arith.constant 1536 : i32
        %add3A_1304 = arith.addi %add3A_1303, %mul3A_1302 : i32
        %add3A_1305 = vector.broadcast %add3A_1304 : i32 to vector<16xi32>
        %add3A_1306 = arith.addi %iota3A, %add3A_1305 : vector<16xi32>
        %get3A_1307 = arith.constant 1 : i32
        %get3A_1308 = arith.constant 3 : i32
        %get3A_1309 = arith.index_cast %get3A_1307 : i32 to index
        %get3A_1310 = arith.index_cast %get3A_1308 : i32 to index
        %get3A_1311 = arith.index_cast %select_n3A_1177 : i32 to index
        %get3A_1312 = arith.index_cast %multiple_of3A_1182 : i32 to index
        %get3A_1313 = tpu.vector_load %arg9[%get3A_1309, %get3A_1310, %get3A_1311, %get3A_1312] {strides = array<i32>} : memref<2x4x4x128xf32, #tpu.memory_space<vmem>>, vector<16xf32>,
        %mul3A_1314 = arith.mulf %get3A_1188, %get3A_1313 : vector<16xf32>
        tpu.vector_store_idx %arg12[%add3A_1306, %broadcast_in_dim3A_1], %mul3A_1314 : memref<2048x8xf32, #tpu.memory_space<vmem>>[vector<16xi32>, vector<16xi32>], vector<16xf32>,
        %mul3A_1315 = arith.mulf %get3A_1195, %get3A_1313 : vector<16xf32>
        tpu.vector_store_idx %arg12[%add3A_1306, %broadcast_in_dim3A_3], %mul3A_1315 : memref<2048x8xf32, #tpu.memory_space<vmem>>[vector<16xi32>, vector<16xi32>], vector<16xf32>,
        %mul3A_1316 = arith.mulf %get3A_1202, %get3A_1313 : vector<16xf32>
        tpu.vector_store_idx %arg12[%add3A_1306, %broadcast_in_dim3A_5], %mul3A_1316 : memref<2048x8xf32, #tpu.memory_space<vmem>>[vector<16xi32>, vector<16xi32>], vector<16xf32>,
        %mul3A_1317 = arith.mulf %get3A_1209, %get3A_1313 : vector<16xf32>
        tpu.vector_store_idx %arg12[%add3A_1306, %broadcast_in_dim3A_7], %mul3A_1317 : memref<2048x8xf32, #tpu.memory_space<vmem>>[vector<16xi32>, vector<16xi32>], vector<16xf32>,
        %mul3A_1318 = arith.mulf %get3A_1216, %get3A_1313 : vector<16xf32>
        tpu.vector_store_idx %arg12[%add3A_1306, %broadcast_in_dim3A_9], %mul3A_1318 : memref<2048x8xf32, #tpu.memory_space<vmem>>[vector<16xi32>, vector<16xi32>], vector<16xf32>,
        %mul3A_1319 = arith.mulf %get3A_1223, %get3A_1313 : vector<16xf32>
        tpu.vector_store_idx %arg12[%add3A_1306, %broadcast_in_dim3A_11], %mul3A_1319 : memref<2048x8xf32, #tpu.memory_space<vmem>>[vector<16xi32>, vector<16xi32>], vector<16xf32>,
        %mul3A_1320 = arith.mulf %get3A_1230, %get3A_1313 : vector<16xf32>
        tpu.vector_store_idx %arg12[%add3A_1306, %broadcast_in_dim3A_13], %mul3A_1320 : memref<2048x8xf32, #tpu.memory_space<vmem>>[vector<16xi32>, vector<16xi32>], vector<16xf32>,
        %mul3A_1321 = arith.mulf %get3A_1237, %get3A_1313 : vector<16xf32>
        tpu.vector_store_idx %arg12[%add3A_1306, %broadcast_in_dim3A_15], %mul3A_1321 : memref<2048x8xf32, #tpu.memory_space<vmem>>[vector<16xi32>, vector<16xi32>], vector<16xf32>,
      }
      %scan3A_564 = arith.constant 32 : i32
      %dma_wait3A_565 = arith.constant 0 : i32
      %dma_wait3A_566 = arith.constant 0 : i32
      %dma_wait3A_567 = arith.constant 0 : i32
      %dma_wait3A_568 = arith.constant 0 : i32
      %dma_wait3A_569 = arith.constant 0 : i32
      %dma_wait3A_570 = tpu.memref_slice %arg11[%dma_wait3A_568, %dma_wait3A_569] : memref<2048x8xf32, #tpu.memory_space<vmem>> -> memref<128x8xf32, #tpu.memory_space<vmem>>
      %dma_wait3A_571 = arith.constant 0 : i32
      %dma_wait3A_572 = tpu.memref_slice %arg10[%dma_wait3A_565, %dma_wait3A_566, %dma_wait3A_567, %dma_wait3A_571] : memref<2x4x4x128xi32, #tpu.memory_space<vmem>> -> memref<1x1x1x128xi32, #tpu.memory_space<vmem>>
      %dma_wait3A_573 = tpu.memref_squeeze %dma_wait3A_572 : memref<1x1x1x128xi32, #tpu.memory_space<vmem>> -> memref<128xi32, #tpu.memory_space<vmem>>
      %dma_wait3A_574 = arith.constant 0 : i32
      %dma_wait3A_575 = arith.constant 0 : i32
      %dma_wait3A_576 = tpu.memref_slice %arg7[%dma_wait3A_574, %dma_wait3A_575] : memref<133120x8xf32, #tpu.memory_space<vmem_shared>> -> memref<133120x8xf32, #tpu.memory_space<vmem_shared>>
      tpu.wait_indirect_dma semaphore(%arg15 : memref<!tpu.dma_semaphore, #tpu.memory_space<semaphore_mem>>) src(%dma_wait3A_570 : memref<128x8xf32, #tpu.memory_space<vmem>>) dst(%dma_wait3A_576 : memref<133120x8xf32, #tpu.memory_space<vmem_shared>>)
      %dma_wait3A_577 = arith.constant 0 : i32
      %dma_wait3A_578 = arith.constant 0 : i32
      %dma_wait3A_579 = arith.constant 1 : i32
      %dma_wait3A_580 = arith.constant 128 : i32
      %dma_wait3A_581 = arith.constant 0 : i32
      %dma_wait3A_582 = tpu.memref_slice %arg11[%dma_wait3A_580, %dma_wait3A_581] : memref<2048x8xf32, #tpu.memory_space<vmem>> -> memref<128x8xf32, #tpu.memory_space<vmem>>
      %dma_wait3A_583 = arith.constant 0 : i32
      %dma_wait3A_584 = tpu.memref_slice %arg10[%dma_wait3A_577, %dma_wait3A_578, %dma_wait3A_579, %dma_wait3A_583] : memref<2x4x4x128xi32, #tpu.memory_space<vmem>> -> memref<1x1x1x128xi32, #tpu.memory_space<vmem>>
      %dma_wait3A_585 = tpu.memref_squeeze %dma_wait3A_584 : memref<1x1x1x128xi32, #tpu.memory_space<vmem>> -> memref<128xi32, #tpu.memory_space<vmem>>
      %dma_wait3A_586 = arith.constant 0 : i32
      %dma_wait3A_587 = arith.constant 0 : i32
      %dma_wait3A_588 = tpu.memref_slice %arg7[%dma_wait3A_586, %dma_wait3A_587] : memref<133120x8xf32, #tpu.memory_space<vmem_shared>> -> memref<133120x8xf32, #tpu.memory_space<vmem_shared>>
      tpu.wait_indirect_dma semaphore(%arg15 : memref<!tpu.dma_semaphore, #tpu.memory_space<semaphore_mem>>) src(%dma_wait3A_582 : memref<128x8xf32, #tpu.memory_space<vmem>>) dst(%dma_wait3A_588 : memref<133120x8xf32, #tpu.memory_space<vmem_shared>>)
      %dma_wait3A_589 = arith.constant 0 : i32
      %dma_wait3A_590 = arith.constant 0 : i32
      %dma_wait3A_591 = arith.constant 2 : i32
      %dma_wait3A_592 = arith.constant 256 : i32
      %dma_wait3A_593 = arith.constant 0 : i32
      %dma_wait3A_594 = tpu.memref_slice %arg11[%dma_wait3A_592, %dma_wait3A_593] : memref<2048x8xf32, #tpu.memory_space<vmem>> -> memref<128x8xf32, #tpu.memory_space<vmem>>
      %dma_wait3A_595 = arith.constant 0 : i32
      %dma_wait3A_596 = tpu.memref_slice %arg10[%dma_wait3A_589, %dma_wait3A_590, %dma_wait3A_591, %dma_wait3A_595] : memref<2x4x4x128xi32, #tpu.memory_space<vmem>> -> memref<1x1x1x128xi32, #tpu.memory_space<vmem>>
      %dma_wait3A_597 = tpu.memref_squeeze %dma_wait3A_596 : memref<1x1x1x128xi32, #tpu.memory_space<vmem>> -> memref<128xi32, #tpu.memory_space<vmem>>
      %dma_wait3A_598 = arith.constant 0 : i32
      %dma_wait3A_599 = arith.constant 0 : i32
      %dma_wait3A_600 = tpu.memref_slice %arg7[%dma_wait3A_598, %dma_wait3A_599] : memref<133120x8xf32, #tpu.memory_space<vmem_shared>> -> memref<133120x8xf32, #tpu.memory_space<vmem_shared>>
      tpu.wait_indirect_dma semaphore(%arg15 : memref<!tpu.dma_semaphore, #tpu.memory_space<semaphore_mem>>) src(%dma_wait3A_594 : memref<128x8xf32, #tpu.memory_space<vmem>>) dst(%dma_wait3A_600 : memref<133120x8xf32, #tpu.memory_space<vmem_shared>>)
      %dma_wait3A_601 = arith.constant 0 : i32
      %dma_wait3A_602 = arith.constant 0 : i32
      %dma_wait3A_603 = arith.constant 3 : i32
      %dma_wait3A_604 = arith.constant 384 : i32
      %dma_wait3A_605 = arith.constant 0 : i32
      %dma_wait3A_606 = tpu.memref_slice %arg11[%dma_wait3A_604, %dma_wait3A_605] : memref<2048x8xf32, #tpu.memory_space<vmem>> -> memref<128x8xf32, #tpu.memory_space<vmem>>
      %dma_wait3A_607 = arith.constant 0 : i32
      %dma_wait3A_608 = tpu.memref_slice %arg10[%dma_wait3A_601, %dma_wait3A_602, %dma_wait3A_603, %dma_wait3A_607] : memref<2x4x4x128xi32, #tpu.memory_space<vmem>> -> memref<1x1x1x128xi32, #tpu.memory_space<vmem>>
      %dma_wait3A_609 = tpu.memref_squeeze %dma_wait3A_608 : memref<1x1x1x128xi32, #tpu.memory_space<vmem>> -> memref<128xi32, #tpu.memory_space<vmem>>
      %dma_wait3A_610 = arith.constant 0 : i32
      %dma_wait3A_611 = arith.constant 0 : i32
      %dma_wait3A_612 = tpu.memref_slice %arg7[%dma_wait3A_610, %dma_wait3A_611] : memref<133120x8xf32, #tpu.memory_space<vmem_shared>> -> memref<133120x8xf32, #tpu.memory_space<vmem_shared>>
      tpu.wait_indirect_dma semaphore(%arg15 : memref<!tpu.dma_semaphore, #tpu.memory_space<semaphore_mem>>) src(%dma_wait3A_606 : memref<128x8xf32, #tpu.memory_space<vmem>>) dst(%dma_wait3A_612 : memref<133120x8xf32, #tpu.memory_space<vmem_shared>>)
      %dma_wait3A_613 = arith.constant 0 : i32
      %dma_wait3A_614 = arith.constant 1 : i32
      %dma_wait3A_615 = arith.constant 0 : i32
      %dma_wait3A_616 = arith.constant 512 : i32
      %dma_wait3A_617 = arith.constant 0 : i32
      %dma_wait3A_618 = tpu.memref_slice %arg11[%dma_wait3A_616, %dma_wait3A_617] : memref<2048x8xf32, #tpu.memory_space<vmem>> -> memref<128x8xf32, #tpu.memory_space<vmem>>
      %dma_wait3A_619 = arith.constant 0 : i32
      %dma_wait3A_620 = tpu.memref_slice %arg10[%dma_wait3A_613, %dma_wait3A_614, %dma_wait3A_615, %dma_wait3A_619] : memref<2x4x4x128xi32, #tpu.memory_space<vmem>> -> memref<1x1x1x128xi32, #tpu.memory_space<vmem>>
      %dma_wait3A_621 = tpu.memref_squeeze %dma_wait3A_620 : memref<1x1x1x128xi32, #tpu.memory_space<vmem>> -> memref<128xi32, #tpu.memory_space<vmem>>
      %dma_wait3A_622 = arith.constant 0 : i32
      %dma_wait3A_623 = arith.constant 0 : i32
      %dma_wait3A_624 = tpu.memref_slice %arg7[%dma_wait3A_622, %dma_wait3A_623] : memref<133120x8xf32, #tpu.memory_space<vmem_shared>> -> memref<133120x8xf32, #tpu.memory_space<vmem_shared>>
      tpu.wait_indirect_dma semaphore(%arg15 : memref<!tpu.dma_semaphore, #tpu.memory_space<semaphore_mem>>) src(%dma_wait3A_618 : memref<128x8xf32, #tpu.memory_space<vmem>>) dst(%dma_wait3A_624 : memref<133120x8xf32, #tpu.memory_space<vmem_shared>>)
      %dma_wait3A_625 = arith.constant 0 : i32
      %dma_wait3A_626 = arith.constant 1 : i32
      %dma_wait3A_627 = arith.constant 1 : i32
      %dma_wait3A_628 = arith.constant 640 : i32
      %dma_wait3A_629 = arith.constant 0 : i32
      %dma_wait3A_630 = tpu.memref_slice %arg11[%dma_wait3A_628, %dma_wait3A_629] : memref<2048x8xf32, #tpu.memory_space<vmem>> -> memref<128x8xf32, #tpu.memory_space<vmem>>
      %dma_wait3A_631 = arith.constant 0 : i32
      %dma_wait3A_632 = tpu.memref_slice %arg10[%dma_wait3A_625, %dma_wait3A_626, %dma_wait3A_627, %dma_wait3A_631] : memref<2x4x4x128xi32, #tpu.memory_space<vmem>> -> memref<1x1x1x128xi32, #tpu.memory_space<vmem>>
      %dma_wait3A_633 = tpu.memref_squeeze %dma_wait3A_632 : memref<1x1x1x128xi32, #tpu.memory_space<vmem>> -> memref<128xi32, #tpu.memory_space<vmem>>
      %dma_wait3A_634 = arith.constant 0 : i32
      %dma_wait3A_635 = arith.constant 0 : i32
      %dma_wait3A_636 = tpu.memref_slice %arg7[%dma_wait3A_634, %dma_wait3A_635] : memref<133120x8xf32, #tpu.memory_space<vmem_shared>> -> memref<133120x8xf32, #tpu.memory_space<vmem_shared>>
      tpu.wait_indirect_dma semaphore(%arg15 : memref<!tpu.dma_semaphore, #tpu.memory_space<semaphore_mem>>) src(%dma_wait3A_630 : memref<128x8xf32, #tpu.memory_space<vmem>>) dst(%dma_wait3A_636 : memref<133120x8xf32, #tpu.memory_space<vmem_shared>>)
      %dma_wait3A_637 = arith.constant 0 : i32
      %dma_wait3A_638 = arith.constant 1 : i32
      %dma_wait3A_639 = arith.constant 2 : i32
      %dma_wait3A_640 = arith.constant 768 : i32
      %dma_wait3A_641 = arith.constant 0 : i32
      %dma_wait3A_642 = tpu.memref_slice %arg11[%dma_wait3A_640, %dma_wait3A_641] : memref<2048x8xf32, #tpu.memory_space<vmem>> -> memref<128x8xf32, #tpu.memory_space<vmem>>
      %dma_wait3A_643 = arith.constant 0 : i32
      %dma_wait3A_644 = tpu.memref_slice %arg10[%dma_wait3A_637, %dma_wait3A_638, %dma_wait3A_639, %dma_wait3A_643] : memref<2x4x4x128xi32, #tpu.memory_space<vmem>> -> memref<1x1x1x128xi32, #tpu.memory_space<vmem>>
      %dma_wait3A_645 = tpu.memref_squeeze %dma_wait3A_644 : memref<1x1x1x128xi32, #tpu.memory_space<vmem>> -> memref<128xi32, #tpu.memory_space<vmem>>
      %dma_wait3A_646 = arith.constant 0 : i32
      %dma_wait3A_647 = arith.constant 0 : i32
      %dma_wait3A_648 = tpu.memref_slice %arg7[%dma_wait3A_646, %dma_wait3A_647] : memref<133120x8xf32, #tpu.memory_space<vmem_shared>> -> memref<133120x8xf32, #tpu.memory_space<vmem_shared>>
      tpu.wait_indirect_dma semaphore(%arg15 : memref<!tpu.dma_semaphore, #tpu.memory_space<semaphore_mem>>) src(%dma_wait3A_642 : memref<128x8xf32, #tpu.memory_space<vmem>>) dst(%dma_wait3A_648 : memref<133120x8xf32, #tpu.memory_space<vmem_shared>>)
      %dma_wait3A_649 = arith.constant 0 : i32
      %dma_wait3A_650 = arith.constant 1 : i32
      %dma_wait3A_651 = arith.constant 3 : i32
      %dma_wait3A_652 = arith.constant 896 : i32
      %dma_wait3A_653 = arith.constant 0 : i32
      %dma_wait3A_654 = tpu.memref_slice %arg11[%dma_wait3A_652, %dma_wait3A_653] : memref<2048x8xf32, #tpu.memory_space<vmem>> -> memref<128x8xf32, #tpu.memory_space<vmem>>
      %dma_wait3A_655 = arith.constant 0 : i32
      %dma_wait3A_656 = tpu.memref_slice %arg10[%dma_wait3A_649, %dma_wait3A_650, %dma_wait3A_651, %dma_wait3A_655] : memref<2x4x4x128xi32, #tpu.memory_space<vmem>> -> memref<1x1x1x128xi32, #tpu.memory_space<vmem>>
      %dma_wait3A_657 = tpu.memref_squeeze %dma_wait3A_656 : memref<1x1x1x128xi32, #tpu.memory_space<vmem>> -> memref<128xi32, #tpu.memory_space<vmem>>
      %dma_wait3A_658 = arith.constant 0 : i32
      %dma_wait3A_659 = arith.constant 0 : i32
      %dma_wait3A_660 = tpu.memref_slice %arg7[%dma_wait3A_658, %dma_wait3A_659] : memref<133120x8xf32, #tpu.memory_space<vmem_shared>> -> memref<133120x8xf32, #tpu.memory_space<vmem_shared>>
      tpu.wait_indirect_dma semaphore(%arg15 : memref<!tpu.dma_semaphore, #tpu.memory_space<semaphore_mem>>) src(%dma_wait3A_654 : memref<128x8xf32, #tpu.memory_space<vmem>>) dst(%dma_wait3A_660 : memref<133120x8xf32, #tpu.memory_space<vmem_shared>>)
      %dma_wait3A_661 = arith.constant 0 : i32
      %dma_wait3A_662 = arith.constant 2 : i32
      %dma_wait3A_663 = arith.constant 0 : i32
      %dma_wait3A_664 = arith.constant 1024 : i32
      %dma_wait3A_665 = arith.constant 0 : i32
      %dma_wait3A_666 = tpu.memref_slice %arg11[%dma_wait3A_664, %dma_wait3A_665] : memref<2048x8xf32, #tpu.memory_space<vmem>> -> memref<128x8xf32, #tpu.memory_space<vmem>>
      %dma_wait3A_667 = arith.constant 0 : i32
      %dma_wait3A_668 = tpu.memref_slice %arg10[%dma_wait3A_661, %dma_wait3A_662, %dma_wait3A_663, %dma_wait3A_667] : memref<2x4x4x128xi32, #tpu.memory_space<vmem>> -> memref<1x1x1x128xi32, #tpu.memory_space<vmem>>
      %dma_wait3A_669 = tpu.memref_squeeze %dma_wait3A_668 : memref<1x1x1x128xi32, #tpu.memory_space<vmem>> -> memref<128xi32, #tpu.memory_space<vmem>>
      %dma_wait3A_670 = arith.constant 0 : i32
      %dma_wait3A_671 = arith.constant 0 : i32
      %dma_wait3A_672 = tpu.memref_slice %arg7[%dma_wait3A_670, %dma_wait3A_671] : memref<133120x8xf32, #tpu.memory_space<vmem_shared>> -> memref<133120x8xf32, #tpu.memory_space<vmem_shared>>
      tpu.wait_indirect_dma semaphore(%arg15 : memref<!tpu.dma_semaphore, #tpu.memory_space<semaphore_mem>>) src(%dma_wait3A_666 : memref<128x8xf32, #tpu.memory_space<vmem>>) dst(%dma_wait3A_672 : memref<133120x8xf32, #tpu.memory_space<vmem_shared>>)
      %dma_wait3A_673 = arith.constant 0 : i32
      %dma_wait3A_674 = arith.constant 2 : i32
      %dma_wait3A_675 = arith.constant 1 : i32
      %dma_wait3A_676 = arith.constant 1152 : i32
      %dma_wait3A_677 = arith.constant 0 : i32
      %dma_wait3A_678 = tpu.memref_slice %arg11[%dma_wait3A_676, %dma_wait3A_677] : memref<2048x8xf32, #tpu.memory_space<vmem>> -> memref<128x8xf32, #tpu.memory_space<vmem>>
      %dma_wait3A_679 = arith.constant 0 : i32
      %dma_wait3A_680 = tpu.memref_slice %arg10[%dma_wait3A_673, %dma_wait3A_674, %dma_wait3A_675, %dma_wait3A_679] : memref<2x4x4x128xi32, #tpu.memory_space<vmem>> -> memref<1x1x1x128xi32, #tpu.memory_space<vmem>>
      %dma_wait3A_681 = tpu.memref_squeeze %dma_wait3A_680 : memref<1x1x1x128xi32, #tpu.memory_space<vmem>> -> memref<128xi32, #tpu.memory_space<vmem>>
      %dma_wait3A_682 = arith.constant 0 : i32
      %dma_wait3A_683 = arith.constant 0 : i32
      %dma_wait3A_684 = tpu.memref_slice %arg7[%dma_wait3A_682, %dma_wait3A_683] : memref<133120x8xf32, #tpu.memory_space<vmem_shared>> -> memref<133120x8xf32, #tpu.memory_space<vmem_shared>>
      tpu.wait_indirect_dma semaphore(%arg15 : memref<!tpu.dma_semaphore, #tpu.memory_space<semaphore_mem>>) src(%dma_wait3A_678 : memref<128x8xf32, #tpu.memory_space<vmem>>) dst(%dma_wait3A_684 : memref<133120x8xf32, #tpu.memory_space<vmem_shared>>)
      %dma_wait3A_685 = arith.constant 0 : i32
      %dma_wait3A_686 = arith.constant 2 : i32
      %dma_wait3A_687 = arith.constant 2 : i32
      %dma_wait3A_688 = arith.constant 1280 : i32
      %dma_wait3A_689 = arith.constant 0 : i32
      %dma_wait3A_690 = tpu.memref_slice %arg11[%dma_wait3A_688, %dma_wait3A_689] : memref<2048x8xf32, #tpu.memory_space<vmem>> -> memref<128x8xf32, #tpu.memory_space<vmem>>
      %dma_wait3A_691 = arith.constant 0 : i32
      %dma_wait3A_692 = tpu.memref_slice %arg10[%dma_wait3A_685, %dma_wait3A_686, %dma_wait3A_687, %dma_wait3A_691] : memref<2x4x4x128xi32, #tpu.memory_space<vmem>> -> memref<1x1x1x128xi32, #tpu.memory_space<vmem>>
      %dma_wait3A_693 = tpu.memref_squeeze %dma_wait3A_692 : memref<1x1x1x128xi32, #tpu.memory_space<vmem>> -> memref<128xi32, #tpu.memory_space<vmem>>
      %dma_wait3A_694 = arith.constant 0 : i32
      %dma_wait3A_695 = arith.constant 0 : i32
      %dma_wait3A_696 = tpu.memref_slice %arg7[%dma_wait3A_694, %dma_wait3A_695] : memref<133120x8xf32, #tpu.memory_space<vmem_shared>> -> memref<133120x8xf32, #tpu.memory_space<vmem_shared>>
      tpu.wait_indirect_dma semaphore(%arg15 : memref<!tpu.dma_semaphore, #tpu.memory_space<semaphore_mem>>) src(%dma_wait3A_690 : memref<128x8xf32, #tpu.memory_space<vmem>>) dst(%dma_wait3A_696 : memref<133120x8xf32, #tpu.memory_space<vmem_shared>>)
      %dma_wait3A_697 = arith.constant 0 : i32
      %dma_wait3A_698 = arith.constant 2 : i32
      %dma_wait3A_699 = arith.constant 3 : i32
      %dma_wait3A_700 = arith.constant 1408 : i32
      %dma_wait3A_701 = arith.constant 0 : i32
      %dma_wait3A_702 = tpu.memref_slice %arg11[%dma_wait3A_700, %dma_wait3A_701] : memref<2048x8xf32, #tpu.memory_space<vmem>> -> memref<128x8xf32, #tpu.memory_space<vmem>>
      %dma_wait3A_703 = arith.constant 0 : i32
      %dma_wait3A_704 = tpu.memref_slice %arg10[%dma_wait3A_697, %dma_wait3A_698, %dma_wait3A_699, %dma_wait3A_703] : memref<2x4x4x128xi32, #tpu.memory_space<vmem>> -> memref<1x1x1x128xi32, #tpu.memory_space<vmem>>
      %dma_wait3A_705 = tpu.memref_squeeze %dma_wait3A_704 : memref<1x1x1x128xi32, #tpu.memory_space<vmem>> -> memref<128xi32, #tpu.memory_space<vmem>>
      %dma_wait3A_706 = arith.constant 0 : i32
      %dma_wait3A_707 = arith.constant 0 : i32
      %dma_wait3A_708 = tpu.memref_slice %arg7[%dma_wait3A_706, %dma_wait3A_707] : memref<133120x8xf32, #tpu.memory_space<vmem_shared>> -> memref<133120x8xf32, #tpu.memory_space<vmem_shared>>
      tpu.wait_indirect_dma semaphore(%arg15 : memref<!tpu.dma_semaphore, #tpu.memory_space<semaphore_mem>>) src(%dma_wait3A_702 : memref<128x8xf32, #tpu.memory_space<vmem>>) dst(%dma_wait3A_708 : memref<133120x8xf32, #tpu.memory_space<vmem_shared>>)
      %dma_wait3A_709 = arith.constant 0 : i32
      %dma_wait3A_710 = arith.constant 3 : i32
      %dma_wait3A_711 = arith.constant 0 : i32
      %dma_wait3A_712 = arith.constant 1536 : i32
      %dma_wait3A_713 = arith.constant 0 : i32
      %dma_wait3A_714 = tpu.memref_slice %arg11[%dma_wait3A_712, %dma_wait3A_713] : memref<2048x8xf32, #tpu.memory_space<vmem>> -> memref<128x8xf32, #tpu.memory_space<vmem>>
      %dma_wait3A_715 = arith.constant 0 : i32
      %dma_wait3A_716 = tpu.memref_slice %arg10[%dma_wait3A_709, %dma_wait3A_710, %dma_wait3A_711, %dma_wait3A_715] : memref<2x4x4x128xi32, #tpu.memory_space<vmem>> -> memref<1x1x1x128xi32, #tpu.memory_space<vmem>>
      %dma_wait3A_717 = tpu.memref_squeeze %dma_wait3A_716 : memref<1x1x1x128xi32, #tpu.memory_space<vmem>> -> memref<128xi32, #tpu.memory_space<vmem>>
      %dma_wait3A_718 = arith.constant 0 : i32
      %dma_wait3A_719 = arith.constant 0 : i32
      %dma_wait3A_720 = tpu.memref_slice %arg7[%dma_wait3A_718, %dma_wait3A_719] : memref<133120x8xf32, #tpu.memory_space<vmem_shared>> -> memref<133120x8xf32, #tpu.memory_space<vmem_shared>>
      tpu.wait_indirect_dma semaphore(%arg15 : memref<!tpu.dma_semaphore, #tpu.memory_space<semaphore_mem>>) src(%dma_wait3A_714 : memref<128x8xf32, #tpu.memory_space<vmem>>) dst(%dma_wait3A_720 : memref<133120x8xf32, #tpu.memory_space<vmem_shared>>)
      %dma_wait3A_721 = arith.constant 0 : i32
      %dma_wait3A_722 = arith.constant 3 : i32
      %dma_wait3A_723 = arith.constant 1 : i32
      %dma_wait3A_724 = arith.constant 1664 : i32
      %dma_wait3A_725 = arith.constant 0 : i32
      %dma_wait3A_726 = tpu.memref_slice %arg11[%dma_wait3A_724, %dma_wait3A_725] : memref<2048x8xf32, #tpu.memory_space<vmem>> -> memref<128x8xf32, #tpu.memory_space<vmem>>
      %dma_wait3A_727 = arith.constant 0 : i32
      %dma_wait3A_728 = tpu.memref_slice %arg10[%dma_wait3A_721, %dma_wait3A_722, %dma_wait3A_723, %dma_wait3A_727] : memref<2x4x4x128xi32, #tpu.memory_space<vmem>> -> memref<1x1x1x128xi32, #tpu.memory_space<vmem>>
      %dma_wait3A_729 = tpu.memref_squeeze %dma_wait3A_728 : memref<1x1x1x128xi32, #tpu.memory_space<vmem>> -> memref<128xi32, #tpu.memory_space<vmem>>
      %dma_wait3A_730 = arith.constant 0 : i32
      %dma_wait3A_731 = arith.constant 0 : i32
      %dma_wait3A_732 = tpu.memref_slice %arg7[%dma_wait3A_730, %dma_wait3A_731] : memref<133120x8xf32, #tpu.memory_space<vmem_shared>> -> memref<133120x8xf32, #tpu.memory_space<vmem_shared>>
      tpu.wait_indirect_dma semaphore(%arg15 : memref<!tpu.dma_semaphore, #tpu.memory_space<semaphore_mem>>) src(%dma_wait3A_726 : memref<128x8xf32, #tpu.memory_space<vmem>>) dst(%dma_wait3A_732 : memref<133120x8xf32, #tpu.memory_space<vmem_shared>>)
      %dma_wait3A_733 = arith.constant 0 : i32
      %dma_wait3A_734 = arith.constant 3 : i32
      %dma_wait3A_735 = arith.constant 2 : i32
      %dma_wait3A_736 = arith.constant 1792 : i32
      %dma_wait3A_737 = arith.constant 0 : i32
      %dma_wait3A_738 = tpu.memref_slice %arg11[%dma_wait3A_736, %dma_wait3A_737] : memref<2048x8xf32, #tpu.memory_space<vmem>> -> memref<128x8xf32, #tpu.memory_space<vmem>>
      %dma_wait3A_739 = arith.constant 0 : i32
      %dma_wait3A_740 = tpu.memref_slice %arg10[%dma_wait3A_733, %dma_wait3A_734, %dma_wait3A_735, %dma_wait3A_739] : memref<2x4x4x128xi32, #tpu.memory_space<vmem>> -> memref<1x1x1x128xi32, #tpu.memory_space<vmem>>
      %dma_wait3A_741 = tpu.memref_squeeze %dma_wait3A_740 : memref<1x1x1x128xi32, #tpu.memory_space<vmem>> -> memref<128xi32, #tpu.memory_space<vmem>>
      %dma_wait3A_742 = arith.constant 0 : i32
      %dma_wait3A_743 = arith.constant 0 : i32
      %dma_wait3A_744 = tpu.memref_slice %arg7[%dma_wait3A_742, %dma_wait3A_743] : memref<133120x8xf32, #tpu.memory_space<vmem_shared>> -> memref<133120x8xf32, #tpu.memory_space<vmem_shared>>
      tpu.wait_indirect_dma semaphore(%arg15 : memref<!tpu.dma_semaphore, #tpu.memory_space<semaphore_mem>>) src(%dma_wait3A_738 : memref<128x8xf32, #tpu.memory_space<vmem>>) dst(%dma_wait3A_744 : memref<133120x8xf32, #tpu.memory_space<vmem_shared>>)
      %dma_wait3A_745 = arith.constant 0 : i32
      %dma_wait3A_746 = arith.constant 3 : i32
      %dma_wait3A_747 = arith.constant 3 : i32
      %dma_wait3A_748 = arith.constant 1920 : i32
      %dma_wait3A_749 = arith.constant 0 : i32
      %dma_wait3A_750 = tpu.memref_slice %arg11[%dma_wait3A_748, %dma_wait3A_749] : memref<2048x8xf32, #tpu.memory_space<vmem>> -> memref<128x8xf32, #tpu.memory_space<vmem>>
      %dma_wait3A_751 = arith.constant 0 : i32
      %dma_wait3A_752 = tpu.memref_slice %arg10[%dma_wait3A_745, %dma_wait3A_746, %dma_wait3A_747, %dma_wait3A_751] : memref<2x4x4x128xi32, #tpu.memory_space<vmem>> -> memref<1x1x1x128xi32, #tpu.memory_space<vmem>>
      %dma_wait3A_753 = tpu.memref_squeeze %dma_wait3A_752 : memref<1x1x1x128xi32, #tpu.memory_space<vmem>> -> memref<128xi32, #tpu.memory_space<vmem>>
      %dma_wait3A_754 = arith.constant 0 : i32
      %dma_wait3A_755 = arith.constant 0 : i32
      %dma_wait3A_756 = tpu.memref_slice %arg7[%dma_wait3A_754, %dma_wait3A_755] : memref<133120x8xf32, #tpu.memory_space<vmem_shared>> -> memref<133120x8xf32, #tpu.memory_space<vmem_shared>>
      tpu.wait_indirect_dma semaphore(%arg15 : memref<!tpu.dma_semaphore, #tpu.memory_space<semaphore_mem>>) src(%dma_wait3A_750 : memref<128x8xf32, #tpu.memory_space<vmem>>) dst(%dma_wait3A_756 : memref<133120x8xf32, #tpu.memory_space<vmem_shared>>)
      %dma_start3A_757 = arith.constant 1 : i32
      %dma_start3A_758 = arith.constant 0 : i32
      %dma_start3A_759 = arith.constant 0 : i32
      %dma_start3A_760 = arith.constant 0 : i32
      %dma_start3A_761 = arith.constant 0 : i32
      %dma_start3A_762 = tpu.memref_slice %arg12[%dma_start3A_760, %dma_start3A_761] : memref<2048x8xf32, #tpu.memory_space<vmem>> -> memref<128x8xf32, #tpu.memory_space<vmem>>
      %dma_start3A_763 = arith.constant 0 : i32
      %dma_start3A_764 = tpu.memref_slice %arg10[%dma_start3A_757, %dma_start3A_758, %dma_start3A_759, %dma_start3A_763] : memref<2x4x4x128xi32, #tpu.memory_space<vmem>> -> memref<1x1x1x128xi32, #tpu.memory_space<vmem>>
      %dma_start3A_765 = tpu.memref_squeeze %dma_start3A_764 : memref<1x1x1x128xi32, #tpu.memory_space<vmem>> -> memref<128xi32, #tpu.memory_space<vmem>>
      %dma_start3A_766 = arith.constant 0 : i32
      %dma_start3A_767 = arith.constant 0 : i32
      %dma_start3A_768 = tpu.memref_slice %arg7[%dma_start3A_766, %dma_start3A_767] : memref<133120x8xf32, #tpu.memory_space<vmem_shared>> -> memref<133120x8xf32, #tpu.memory_space<vmem_shared>>
      tpu.enqueue_indirect_dma source(%dma_start3A_762 : memref<128x8xf32, #tpu.memory_space<vmem>>) target(%dma_start3A_768 : memref<133120x8xf32, #tpu.memory_space<vmem_shared>>) offsets(%dma_start3A_765 : memref<128xi32, #tpu.memory_space<vmem>>) semaphore(%arg16 : memref<!tpu.dma_semaphore, #tpu.memory_space<semaphore_mem>>) {add = true}
      %dma_start3A_769 = arith.constant 1 : i32
      %dma_start3A_770 = arith.constant 0 : i32
      %dma_start3A_771 = arith.constant 1 : i32
      %dma_start3A_772 = arith.constant 128 : i32
      %dma_start3A_773 = arith.constant 0 : i32
      %dma_start3A_774 = tpu.memref_slice %arg12[%dma_start3A_772, %dma_start3A_773] : memref<2048x8xf32, #tpu.memory_space<vmem>> -> memref<128x8xf32, #tpu.memory_space<vmem>>
      %dma_start3A_775 = arith.constant 0 : i32
      %dma_start3A_776 = tpu.memref_slice %arg10[%dma_start3A_769, %dma_start3A_770, %dma_start3A_771, %dma_start3A_775] : memref<2x4x4x128xi32, #tpu.memory_space<vmem>> -> memref<1x1x1x128xi32, #tpu.memory_space<vmem>>
      %dma_start3A_777 = tpu.memref_squeeze %dma_start3A_776 : memref<1x1x1x128xi32, #tpu.memory_space<vmem>> -> memref<128xi32, #tpu.memory_space<vmem>>
      %dma_start3A_778 = arith.constant 0 : i32
      %dma_start3A_779 = arith.constant 0 : i32
      %dma_start3A_780 = tpu.memref_slice %arg7[%dma_start3A_778, %dma_start3A_779] : memref<133120x8xf32, #tpu.memory_space<vmem_shared>> -> memref<133120x8xf32, #tpu.memory_space<vmem_shared>>
      tpu.enqueue_indirect_dma source(%dma_start3A_774 : memref<128x8xf32, #tpu.memory_space<vmem>>) target(%dma_start3A_780 : memref<133120x8xf32, #tpu.memory_space<vmem_shared>>) offsets(%dma_start3A_777 : memref<128xi32, #tpu.memory_space<vmem>>) semaphore(%arg16 : memref<!tpu.dma_semaphore, #tpu.memory_space<semaphore_mem>>) {add = true}
      %dma_start3A_781 = arith.constant 1 : i32
      %dma_start3A_782 = arith.constant 0 : i32
      %dma_start3A_783 = arith.constant 2 : i32
      %dma_start3A_784 = arith.constant 256 : i32
      %dma_start3A_785 = arith.constant 0 : i32
      %dma_start3A_786 = tpu.memref_slice %arg12[%dma_start3A_784, %dma_start3A_785] : memref<2048x8xf32, #tpu.memory_space<vmem>> -> memref<128x8xf32, #tpu.memory_space<vmem>>
      %dma_start3A_787 = arith.constant 0 : i32
      %dma_start3A_788 = tpu.memref_slice %arg10[%dma_start3A_781, %dma_start3A_782, %dma_start3A_783, %dma_start3A_787] : memref<2x4x4x128xi32, #tpu.memory_space<vmem>> -> memref<1x1x1x128xi32, #tpu.memory_space<vmem>>
      %dma_start3A_789 = tpu.memref_squeeze %dma_start3A_788 : memref<1x1x1x128xi32, #tpu.memory_space<vmem>> -> memref<128xi32, #tpu.memory_space<vmem>>
      %dma_start3A_790 = arith.constant 0 : i32
      %dma_start3A_791 = arith.constant 0 : i32
      %dma_start3A_792 = tpu.memref_slice %arg7[%dma_start3A_790, %dma_start3A_791] : memref<133120x8xf32, #tpu.memory_space<vmem_shared>> -> memref<133120x8xf32, #tpu.memory_space<vmem_shared>>
      tpu.enqueue_indirect_dma source(%dma_start3A_786 : memref<128x8xf32, #tpu.memory_space<vmem>>) target(%dma_start3A_792 : memref<133120x8xf32, #tpu.memory_space<vmem_shared>>) offsets(%dma_start3A_789 : memref<128xi32, #tpu.memory_space<vmem>>) semaphore(%arg16 : memref<!tpu.dma_semaphore, #tpu.memory_space<semaphore_mem>>) {add = true}
      %dma_start3A_793 = arith.constant 1 : i32
      %dma_start3A_794 = arith.constant 0 : i32
      %dma_start3A_795 = arith.constant 3 : i32
      %dma_start3A_796 = arith.constant 384 : i32
      %dma_start3A_797 = arith.constant 0 : i32
      %dma_start3A_798 = tpu.memref_slice %arg12[%dma_start3A_796, %dma_start3A_797] : memref<2048x8xf32, #tpu.memory_space<vmem>> -> memref<128x8xf32, #tpu.memory_space<vmem>>
      %dma_start3A_799 = arith.constant 0 : i32
      %dma_start3A_800 = tpu.memref_slice %arg10[%dma_start3A_793, %dma_start3A_794, %dma_start3A_795, %dma_start3A_799] : memref<2x4x4x128xi32, #tpu.memory_space<vmem>> -> memref<1x1x1x128xi32, #tpu.memory_space<vmem>>
      %dma_start3A_801 = tpu.memref_squeeze %dma_start3A_800 : memref<1x1x1x128xi32, #tpu.memory_space<vmem>> -> memref<128xi32, #tpu.memory_space<vmem>>
      %dma_start3A_802 = arith.constant 0 : i32
      %dma_start3A_803 = arith.constant 0 : i32
      %dma_start3A_804 = tpu.memref_slice %arg7[%dma_start3A_802, %dma_start3A_803] : memref<133120x8xf32, #tpu.memory_space<vmem_shared>> -> memref<133120x8xf32, #tpu.memory_space<vmem_shared>>
      tpu.enqueue_indirect_dma source(%dma_start3A_798 : memref<128x8xf32, #tpu.memory_space<vmem>>) target(%dma_start3A_804 : memref<133120x8xf32, #tpu.memory_space<vmem_shared>>) offsets(%dma_start3A_801 : memref<128xi32, #tpu.memory_space<vmem>>) semaphore(%arg16 : memref<!tpu.dma_semaphore, #tpu.memory_space<semaphore_mem>>) {add = true}
      %dma_start3A_805 = arith.constant 1 : i32
      %dma_start3A_806 = arith.constant 1 : i32
      %dma_start3A_807 = arith.constant 0 : i32
      %dma_start3A_808 = arith.constant 512 : i32
      %dma_start3A_809 = arith.constant 0 : i32
      %dma_start3A_810 = tpu.memref_slice %arg12[%dma_start3A_808, %dma_start3A_809] : memref<2048x8xf32, #tpu.memory_space<vmem>> -> memref<128x8xf32, #tpu.memory_space<vmem>>
      %dma_start3A_811 = arith.constant 0 : i32
      %dma_start3A_812 = tpu.memref_slice %arg10[%dma_start3A_805, %dma_start3A_806, %dma_start3A_807, %dma_start3A_811] : memref<2x4x4x128xi32, #tpu.memory_space<vmem>> -> memref<1x1x1x128xi32, #tpu.memory_space<vmem>>
      %dma_start3A_813 = tpu.memref_squeeze %dma_start3A_812 : memref<1x1x1x128xi32, #tpu.memory_space<vmem>> -> memref<128xi32, #tpu.memory_space<vmem>>
      %dma_start3A_814 = arith.constant 0 : i32
      %dma_start3A_815 = arith.constant 0 : i32
      %dma_start3A_816 = tpu.memref_slice %arg7[%dma_start3A_814, %dma_start3A_815] : memref<133120x8xf32, #tpu.memory_space<vmem_shared>> -> memref<133120x8xf32, #tpu.memory_space<vmem_shared>>
      tpu.enqueue_indirect_dma source(%dma_start3A_810 : memref<128x8xf32, #tpu.memory_space<vmem>>) target(%dma_start3A_816 : memref<133120x8xf32, #tpu.memory_space<vmem_shared>>) offsets(%dma_start3A_813 : memref<128xi32, #tpu.memory_space<vmem>>) semaphore(%arg16 : memref<!tpu.dma_semaphore, #tpu.memory_space<semaphore_mem>>) {add = true}
      %dma_start3A_817 = arith.constant 1 : i32
      %dma_start3A_818 = arith.constant 1 : i32
      %dma_start3A_819 = arith.constant 1 : i32
      %dma_start3A_820 = arith.constant 640 : i32
      %dma_start3A_821 = arith.constant 0 : i32
      %dma_start3A_822 = tpu.memref_slice %arg12[%dma_start3A_820, %dma_start3A_821] : memref<2048x8xf32, #tpu.memory_space<vmem>> -> memref<128x8xf32, #tpu.memory_space<vmem>>
      %dma_start3A_823 = arith.constant 0 : i32
      %dma_start3A_824 = tpu.memref_slice %arg10[%dma_start3A_817, %dma_start3A_818, %dma_start3A_819, %dma_start3A_823] : memref<2x4x4x128xi32, #tpu.memory_space<vmem>> -> memref<1x1x1x128xi32, #tpu.memory_space<vmem>>
      %dma_start3A_825 = tpu.memref_squeeze %dma_start3A_824 : memref<1x1x1x128xi32, #tpu.memory_space<vmem>> -> memref<128xi32, #tpu.memory_space<vmem>>
      %dma_start3A_826 = arith.constant 0 : i32
      %dma_start3A_827 = arith.constant 0 : i32
      %dma_start3A_828 = tpu.memref_slice %arg7[%dma_start3A_826, %dma_start3A_827] : memref<133120x8xf32, #tpu.memory_space<vmem_shared>> -> memref<133120x8xf32, #tpu.memory_space<vmem_shared>>
      tpu.enqueue_indirect_dma source(%dma_start3A_822 : memref<128x8xf32, #tpu.memory_space<vmem>>) target(%dma_start3A_828 : memref<133120x8xf32, #tpu.memory_space<vmem_shared>>) offsets(%dma_start3A_825 : memref<128xi32, #tpu.memory_space<vmem>>) semaphore(%arg16 : memref<!tpu.dma_semaphore, #tpu.memory_space<semaphore_mem>>) {add = true}
      %dma_start3A_829 = arith.constant 1 : i32
      %dma_start3A_830 = arith.constant 1 : i32
      %dma_start3A_831 = arith.constant 2 : i32
      %dma_start3A_832 = arith.constant 768 : i32
      %dma_start3A_833 = arith.constant 0 : i32
      %dma_start3A_834 = tpu.memref_slice %arg12[%dma_start3A_832, %dma_start3A_833] : memref<2048x8xf32, #tpu.memory_space<vmem>> -> memref<128x8xf32, #tpu.memory_space<vmem>>
      %dma_start3A_835 = arith.constant 0 : i32
      %dma_start3A_836 = tpu.memref_slice %arg10[%dma_start3A_829, %dma_start3A_830, %dma_start3A_831, %dma_start3A_835] : memref<2x4x4x128xi32, #tpu.memory_space<vmem>> -> memref<1x1x1x128xi32, #tpu.memory_space<vmem>>
      %dma_start3A_837 = tpu.memref_squeeze %dma_start3A_836 : memref<1x1x1x128xi32, #tpu.memory_space<vmem>> -> memref<128xi32, #tpu.memory_space<vmem>>
      %dma_start3A_838 = arith.constant 0 : i32
      %dma_start3A_839 = arith.constant 0 : i32
      %dma_start3A_840 = tpu.memref_slice %arg7[%dma_start3A_838, %dma_start3A_839] : memref<133120x8xf32, #tpu.memory_space<vmem_shared>> -> memref<133120x8xf32, #tpu.memory_space<vmem_shared>>
      tpu.enqueue_indirect_dma source(%dma_start3A_834 : memref<128x8xf32, #tpu.memory_space<vmem>>) target(%dma_start3A_840 : memref<133120x8xf32, #tpu.memory_space<vmem_shared>>) offsets(%dma_start3A_837 : memref<128xi32, #tpu.memory_space<vmem>>) semaphore(%arg16 : memref<!tpu.dma_semaphore, #tpu.memory_space<semaphore_mem>>) {add = true}
      %dma_start3A_841 = arith.constant 1 : i32
      %dma_start3A_842 = arith.constant 1 : i32
      %dma_start3A_843 = arith.constant 3 : i32
      %dma_start3A_844 = arith.constant 896 : i32
      %dma_start3A_845 = arith.constant 0 : i32
      %dma_start3A_846 = tpu.memref_slice %arg12[%dma_start3A_844, %dma_start3A_845] : memref<2048x8xf32, #tpu.memory_space<vmem>> -> memref<128x8xf32, #tpu.memory_space<vmem>>
      %dma_start3A_847 = arith.constant 0 : i32
      %dma_start3A_848 = tpu.memref_slice %arg10[%dma_start3A_841, %dma_start3A_842, %dma_start3A_843, %dma_start3A_847] : memref<2x4x4x128xi32, #tpu.memory_space<vmem>> -> memref<1x1x1x128xi32, #tpu.memory_space<vmem>>
      %dma_start3A_849 = tpu.memref_squeeze %dma_start3A_848 : memref<1x1x1x128xi32, #tpu.memory_space<vmem>> -> memref<128xi32, #tpu.memory_space<vmem>>
      %dma_start3A_850 = arith.constant 0 : i32
      %dma_start3A_851 = arith.constant 0 : i32
      %dma_start3A_852 = tpu.memref_slice %arg7[%dma_start3A_850, %dma_start3A_851] : memref<133120x8xf32, #tpu.memory_space<vmem_shared>> -> memref<133120x8xf32, #tpu.memory_space<vmem_shared>>
      tpu.enqueue_indirect_dma source(%dma_start3A_846 : memref<128x8xf32, #tpu.memory_space<vmem>>) target(%dma_start3A_852 : memref<133120x8xf32, #tpu.memory_space<vmem_shared>>) offsets(%dma_start3A_849 : memref<128xi32, #tpu.memory_space<vmem>>) semaphore(%arg16 : memref<!tpu.dma_semaphore, #tpu.memory_space<semaphore_mem>>) {add = true}
      %dma_start3A_853 = arith.constant 1 : i32
      %dma_start3A_854 = arith.constant 2 : i32
      %dma_start3A_855 = arith.constant 0 : i32
      %dma_start3A_856 = arith.constant 1024 : i32
      %dma_start3A_857 = arith.constant 0 : i32
      %dma_start3A_858 = tpu.memref_slice %arg12[%dma_start3A_856, %dma_start3A_857] : memref<2048x8xf32, #tpu.memory_space<vmem>> -> memref<128x8xf32, #tpu.memory_space<vmem>>
      %dma_start3A_859 = arith.constant 0 : i32
      %dma_start3A_860 = tpu.memref_slice %arg10[%dma_start3A_853, %dma_start3A_854, %dma_start3A_855, %dma_start3A_859] : memref<2x4x4x128xi32, #tpu.memory_space<vmem>> -> memref<1x1x1x128xi32, #tpu.memory_space<vmem>>
      %dma_start3A_861 = tpu.memref_squeeze %dma_start3A_860 : memref<1x1x1x128xi32, #tpu.memory_space<vmem>> -> memref<128xi32, #tpu.memory_space<vmem>>
      %dma_start3A_862 = arith.constant 0 : i32
      %dma_start3A_863 = arith.constant 0 : i32
      %dma_start3A_864 = tpu.memref_slice %arg7[%dma_start3A_862, %dma_start3A_863] : memref<133120x8xf32, #tpu.memory_space<vmem_shared>> -> memref<133120x8xf32, #tpu.memory_space<vmem_shared>>
      tpu.enqueue_indirect_dma source(%dma_start3A_858 : memref<128x8xf32, #tpu.memory_space<vmem>>) target(%dma_start3A_864 : memref<133120x8xf32, #tpu.memory_space<vmem_shared>>) offsets(%dma_start3A_861 : memref<128xi32, #tpu.memory_space<vmem>>) semaphore(%arg16 : memref<!tpu.dma_semaphore, #tpu.memory_space<semaphore_mem>>) {add = true}
      %dma_start3A_865 = arith.constant 1 : i32
      %dma_start3A_866 = arith.constant 2 : i32
      %dma_start3A_867 = arith.constant 1 : i32
      %dma_start3A_868 = arith.constant 1152 : i32
      %dma_start3A_869 = arith.constant 0 : i32
      %dma_start3A_870 = tpu.memref_slice %arg12[%dma_start3A_868, %dma_start3A_869] : memref<2048x8xf32, #tpu.memory_space<vmem>> -> memref<128x8xf32, #tpu.memory_space<vmem>>
      %dma_start3A_871 = arith.constant 0 : i32
      %dma_start3A_872 = tpu.memref_slice %arg10[%dma_start3A_865, %dma_start3A_866, %dma_start3A_867, %dma_start3A_871] : memref<2x4x4x128xi32, #tpu.memory_space<vmem>> -> memref<1x1x1x128xi32, #tpu.memory_space<vmem>>
      %dma_start3A_873 = tpu.memref_squeeze %dma_start3A_872 : memref<1x1x1x128xi32, #tpu.memory_space<vmem>> -> memref<128xi32, #tpu.memory_space<vmem>>
      %dma_start3A_874 = arith.constant 0 : i32
      %dma_start3A_875 = arith.constant 0 : i32
      %dma_start3A_876 = tpu.memref_slice %arg7[%dma_start3A_874, %dma_start3A_875] : memref<133120x8xf32, #tpu.memory_space<vmem_shared>> -> memref<133120x8xf32, #tpu.memory_space<vmem_shared>>
      tpu.enqueue_indirect_dma source(%dma_start3A_870 : memref<128x8xf32, #tpu.memory_space<vmem>>) target(%dma_start3A_876 : memref<133120x8xf32, #tpu.memory_space<vmem_shared>>) offsets(%dma_start3A_873 : memref<128xi32, #tpu.memory_space<vmem>>) semaphore(%arg16 : memref<!tpu.dma_semaphore, #tpu.memory_space<semaphore_mem>>) {add = true}
      %dma_start3A_877 = arith.constant 1 : i32
      %dma_start3A_878 = arith.constant 2 : i32
      %dma_start3A_879 = arith.constant 2 : i32
      %dma_start3A_880 = arith.constant 1280 : i32
      %dma_start3A_881 = arith.constant 0 : i32
      %dma_start3A_882 = tpu.memref_slice %arg12[%dma_start3A_880, %dma_start3A_881] : memref<2048x8xf32, #tpu.memory_space<vmem>> -> memref<128x8xf32, #tpu.memory_space<vmem>>
      %dma_start3A_883 = arith.constant 0 : i32
      %dma_start3A_884 = tpu.memref_slice %arg10[%dma_start3A_877, %dma_start3A_878, %dma_start3A_879, %dma_start3A_883] : memref<2x4x4x128xi32, #tpu.memory_space<vmem>> -> memref<1x1x1x128xi32, #tpu.memory_space<vmem>>
      %dma_start3A_885 = tpu.memref_squeeze %dma_start3A_884 : memref<1x1x1x128xi32, #tpu.memory_space<vmem>> -> memref<128xi32, #tpu.memory_space<vmem>>
      %dma_start3A_886 = arith.constant 0 : i32
      %dma_start3A_887 = arith.constant 0 : i32
      %dma_start3A_888 = tpu.memref_slice %arg7[%dma_start3A_886, %dma_start3A_887] : memref<133120x8xf32, #tpu.memory_space<vmem_shared>> -> memref<133120x8xf32, #tpu.memory_space<vmem_shared>>
      tpu.enqueue_indirect_dma source(%dma_start3A_882 : memref<128x8xf32, #tpu.memory_space<vmem>>) target(%dma_start3A_888 : memref<133120x8xf32, #tpu.memory_space<vmem_shared>>) offsets(%dma_start3A_885 : memref<128xi32, #tpu.memory_space<vmem>>) semaphore(%arg16 : memref<!tpu.dma_semaphore, #tpu.memory_space<semaphore_mem>>) {add = true}
      %dma_start3A_889 = arith.constant 1 : i32
      %dma_start3A_890 = arith.constant 2 : i32
      %dma_start3A_891 = arith.constant 3 : i32
      %dma_start3A_892 = arith.constant 1408 : i32
      %dma_start3A_893 = arith.constant 0 : i32
      %dma_start3A_894 = tpu.memref_slice %arg12[%dma_start3A_892, %dma_start3A_893] : memref<2048x8xf32, #tpu.memory_space<vmem>> -> memref<128x8xf32, #tpu.memory_space<vmem>>
      %dma_start3A_895 = arith.constant 0 : i32
      %dma_start3A_896 = tpu.memref_slice %arg10[%dma_start3A_889, %dma_start3A_890, %dma_start3A_891, %dma_start3A_895] : memref<2x4x4x128xi32, #tpu.memory_space<vmem>> -> memref<1x1x1x128xi32, #tpu.memory_space<vmem>>
      %dma_start3A_897 = tpu.memref_squeeze %dma_start3A_896 : memref<1x1x1x128xi32, #tpu.memory_space<vmem>> -> memref<128xi32, #tpu.memory_space<vmem>>
      %dma_start3A_898 = arith.constant 0 : i32
      %dma_start3A_899 = arith.constant 0 : i32
      %dma_start3A_900 = tpu.memref_slice %arg7[%dma_start3A_898, %dma_start3A_899] : memref<133120x8xf32, #tpu.memory_space<vmem_shared>> -> memref<133120x8xf32, #tpu.memory_space<vmem_shared>>
      tpu.enqueue_indirect_dma source(%dma_start3A_894 : memref<128x8xf32, #tpu.memory_space<vmem>>) target(%dma_start3A_900 : memref<133120x8xf32, #tpu.memory_space<vmem_shared>>) offsets(%dma_start3A_897 : memref<128xi32, #tpu.memory_space<vmem>>) semaphore(%arg16 : memref<!tpu.dma_semaphore, #tpu.memory_space<semaphore_mem>>) {add = true}
      %dma_start3A_901 = arith.constant 1 : i32
      %dma_start3A_902 = arith.constant 3 : i32
      %dma_start3A_903 = arith.constant 0 : i32
      %dma_start3A_904 = arith.constant 1536 : i32
      %dma_start3A_905 = arith.constant 0 : i32
      %dma_start3A_906 = tpu.memref_slice %arg12[%dma_start3A_904, %dma_start3A_905] : memref<2048x8xf32, #tpu.memory_space<vmem>> -> memref<128x8xf32, #tpu.memory_space<vmem>>
      %dma_start3A_907 = arith.constant 0 : i32
      %dma_start3A_908 = tpu.memref_slice %arg10[%dma_start3A_901, %dma_start3A_902, %dma_start3A_903, %dma_start3A_907] : memref<2x4x4x128xi32, #tpu.memory_space<vmem>> -> memref<1x1x1x128xi32, #tpu.memory_space<vmem>>
      %dma_start3A_909 = tpu.memref_squeeze %dma_start3A_908 : memref<1x1x1x128xi32, #tpu.memory_space<vmem>> -> memref<128xi32, #tpu.memory_space<vmem>>
      %dma_start3A_910 = arith.constant 0 : i32
      %dma_start3A_911 = arith.constant 0 : i32
      %dma_start3A_912 = tpu.memref_slice %arg7[%dma_start3A_910, %dma_start3A_911] : memref<133120x8xf32, #tpu.memory_space<vmem_shared>> -> memref<133120x8xf32, #tpu.memory_space<vmem_shared>>
      tpu.enqueue_indirect_dma source(%dma_start3A_906 : memref<128x8xf32, #tpu.memory_space<vmem>>) target(%dma_start3A_912 : memref<133120x8xf32, #tpu.memory_space<vmem_shared>>) offsets(%dma_start3A_909 : memref<128xi32, #tpu.memory_space<vmem>>) semaphore(%arg16 : memref<!tpu.dma_semaphore, #tpu.memory_space<semaphore_mem>>) {add = true}
      %dma_start3A_913 = arith.constant 1 : i32
      %dma_start3A_914 = arith.constant 3 : i32
      %dma_start3A_915 = arith.constant 1 : i32
      %dma_start3A_916 = arith.constant 1664 : i32
      %dma_start3A_917 = arith.constant 0 : i32
      %dma_start3A_918 = tpu.memref_slice %arg12[%dma_start3A_916, %dma_start3A_917] : memref<2048x8xf32, #tpu.memory_space<vmem>> -> memref<128x8xf32, #tpu.memory_space<vmem>>
      %dma_start3A_919 = arith.constant 0 : i32
      %dma_start3A_920 = tpu.memref_slice %arg10[%dma_start3A_913, %dma_start3A_914, %dma_start3A_915, %dma_start3A_919] : memref<2x4x4x128xi32, #tpu.memory_space<vmem>> -> memref<1x1x1x128xi32, #tpu.memory_space<vmem>>
      %dma_start3A_921 = tpu.memref_squeeze %dma_start3A_920 : memref<1x1x1x128xi32, #tpu.memory_space<vmem>> -> memref<128xi32, #tpu.memory_space<vmem>>
      %dma_start3A_922 = arith.constant 0 : i32
      %dma_start3A_923 = arith.constant 0 : i32
      %dma_start3A_924 = tpu.memref_slice %arg7[%dma_start3A_922, %dma_start3A_923] : memref<133120x8xf32, #tpu.memory_space<vmem_shared>> -> memref<133120x8xf32, #tpu.memory_space<vmem_shared>>
      tpu.enqueue_indirect_dma source(%dma_start3A_918 : memref<128x8xf32, #tpu.memory_space<vmem>>) target(%dma_start3A_924 : memref<133120x8xf32, #tpu.memory_space<vmem_shared>>) offsets(%dma_start3A_921 : memref<128xi32, #tpu.memory_space<vmem>>) semaphore(%arg16 : memref<!tpu.dma_semaphore, #tpu.memory_space<semaphore_mem>>) {add = true}
      %dma_start3A_925 = arith.constant 1 : i32
      %dma_start3A_926 = arith.constant 3 : i32
      %dma_start3A_927 = arith.constant 2 : i32
      %dma_start3A_928 = arith.constant 1792 : i32
      %dma_start3A_929 = arith.constant 0 : i32
      %dma_start3A_930 = tpu.memref_slice %arg12[%dma_start3A_928, %dma_start3A_929] : memref<2048x8xf32, #tpu.memory_space<vmem>> -> memref<128x8xf32, #tpu.memory_space<vmem>>
      %dma_start3A_931 = arith.constant 0 : i32
      %dma_start3A_932 = tpu.memref_slice %arg10[%dma_start3A_925, %dma_start3A_926, %dma_start3A_927, %dma_start3A_931] : memref<2x4x4x128xi32, #tpu.memory_space<vmem>> -> memref<1x1x1x128xi32, #tpu.memory_space<vmem>>
      %dma_start3A_933 = tpu.memref_squeeze %dma_start3A_932 : memref<1x1x1x128xi32, #tpu.memory_space<vmem>> -> memref<128xi32, #tpu.memory_space<vmem>>
      %dma_start3A_934 = arith.constant 0 : i32
      %dma_start3A_935 = arith.constant 0 : i32
      %dma_start3A_936 = tpu.memref_slice %arg7[%dma_start3A_934, %dma_start3A_935] : memref<133120x8xf32, #tpu.memory_space<vmem_shared>> -> memref<133120x8xf32, #tpu.memory_space<vmem_shared>>
      tpu.enqueue_indirect_dma source(%dma_start3A_930 : memref<128x8xf32, #tpu.memory_space<vmem>>) target(%dma_start3A_936 : memref<133120x8xf32, #tpu.memory_space<vmem_shared>>) offsets(%dma_start3A_933 : memref<128xi32, #tpu.memory_space<vmem>>) semaphore(%arg16 : memref<!tpu.dma_semaphore, #tpu.memory_space<semaphore_mem>>) {add = true}
      %dma_start3A_937 = arith.constant 1 : i32
      %dma_start3A_938 = arith.constant 3 : i32
      %dma_start3A_939 = arith.constant 3 : i32
      %dma_start3A_940 = arith.constant 1920 : i32
      %dma_start3A_941 = arith.constant 0 : i32
      %dma_start3A_942 = tpu.memref_slice %arg12[%dma_start3A_940, %dma_start3A_941] : memref<2048x8xf32, #tpu.memory_space<vmem>> -> memref<128x8xf32, #tpu.memory_space<vmem>>
      %dma_start3A_943 = arith.constant 0 : i32
      %dma_start3A_944 = tpu.memref_slice %arg10[%dma_start3A_937, %dma_start3A_938, %dma_start3A_939, %dma_start3A_943] : memref<2x4x4x128xi32, #tpu.memory_space<vmem>> -> memref<1x1x1x128xi32, #tpu.memory_space<vmem>>
      %dma_start3A_945 = tpu.memref_squeeze %dma_start3A_944 : memref<1x1x1x128xi32, #tpu.memory_space<vmem>> -> memref<128xi32, #tpu.memory_space<vmem>>
      %dma_start3A_946 = arith.constant 0 : i32
      %dma_start3A_947 = arith.constant 0 : i32
      %dma_start3A_948 = tpu.memref_slice %arg7[%dma_start3A_946, %dma_start3A_947] : memref<133120x8xf32, #tpu.memory_space<vmem_shared>> -> memref<133120x8xf32, #tpu.memory_space<vmem_shared>>
      tpu.enqueue_indirect_dma source(%dma_start3A_942 : memref<128x8xf32, #tpu.memory_space<vmem>>) target(%dma_start3A_948 : memref<133120x8xf32, #tpu.memory_space<vmem_shared>>) offsets(%dma_start3A_945 : memref<128xi32, #tpu.memory_space<vmem>>) semaphore(%arg16 : memref<!tpu.dma_semaphore, #tpu.memory_space<semaphore_mem>>) {add = true}
      %dma_wait3A_949 = arith.constant 1 : i32
      %dma_wait3A_950 = arith.constant 0 : i32
      %dma_wait3A_951 = arith.constant 0 : i32
      %dma_wait3A_952 = arith.constant 0 : i32
      %dma_wait3A_953 = arith.constant 0 : i32
      %dma_wait3A_954 = tpu.memref_slice %arg12[%dma_wait3A_952, %dma_wait3A_953] : memref<2048x8xf32, #tpu.memory_space<vmem>> -> memref<128x8xf32, #tpu.memory_space<vmem>>
      %dma_wait3A_955 = arith.constant 0 : i32
      %dma_wait3A_956 = tpu.memref_slice %arg10[%dma_wait3A_949, %dma_wait3A_950, %dma_wait3A_951, %dma_wait3A_955] : memref<2x4x4x128xi32, #tpu.memory_space<vmem>> -> memref<1x1x1x128xi32, #tpu.memory_space<vmem>>
      %dma_wait3A_957 = tpu.memref_squeeze %dma_wait3A_956 : memref<1x1x1x128xi32, #tpu.memory_space<vmem>> -> memref<128xi32, #tpu.memory_space<vmem>>
      %dma_wait3A_958 = arith.constant 0 : i32
      %dma_wait3A_959 = arith.constant 0 : i32
      %dma_wait3A_960 = tpu.memref_slice %arg7[%dma_wait3A_958, %dma_wait3A_959] : memref<133120x8xf32, #tpu.memory_space<vmem_shared>> -> memref<133120x8xf32, #tpu.memory_space<vmem_shared>>
      tpu.wait_indirect_dma semaphore(%arg16 : memref<!tpu.dma_semaphore, #tpu.memory_space<semaphore_mem>>) src(%dma_wait3A_954 : memref<128x8xf32, #tpu.memory_space<vmem>>) dst(%dma_wait3A_960 : memref<133120x8xf32, #tpu.memory_space<vmem_shared>>)
      %dma_wait3A_961 = arith.constant 1 : i32
      %dma_wait3A_962 = arith.constant 0 : i32
      %dma_wait3A_963 = arith.constant 1 : i32
      %dma_wait3A_964 = arith.constant 128 : i32
      %dma_wait3A_965 = arith.constant 0 : i32
      %dma_wait3A_966 = tpu.memref_slice %arg12[%dma_wait3A_964, %dma_wait3A_965] : memref<2048x8xf32, #tpu.memory_space<vmem>> -> memref<128x8xf32, #tpu.memory_space<vmem>>
      %dma_wait3A_967 = arith.constant 0 : i32
      %dma_wait3A_968 = tpu.memref_slice %arg10[%dma_wait3A_961, %dma_wait3A_962, %dma_wait3A_963, %dma_wait3A_967] : memref<2x4x4x128xi32, #tpu.memory_space<vmem>> -> memref<1x1x1x128xi32, #tpu.memory_space<vmem>>
      %dma_wait3A_969 = tpu.memref_squeeze %dma_wait3A_968 : memref<1x1x1x128xi32, #tpu.memory_space<vmem>> -> memref<128xi32, #tpu.memory_space<vmem>>
      %dma_wait3A_970 = arith.constant 0 : i32
      %dma_wait3A_971 = arith.constant 0 : i32
      %dma_wait3A_972 = tpu.memref_slice %arg7[%dma_wait3A_970, %dma_wait3A_971] : memref<133120x8xf32, #tpu.memory_space<vmem_shared>> -> memref<133120x8xf32, #tpu.memory_space<vmem_shared>>
      tpu.wait_indirect_dma semaphore(%arg16 : memref<!tpu.dma_semaphore, #tpu.memory_space<semaphore_mem>>) src(%dma_wait3A_966 : memref<128x8xf32, #tpu.memory_space<vmem>>) dst(%dma_wait3A_972 : memref<133120x8xf32, #tpu.memory_space<vmem_shared>>)
      %dma_wait3A_973 = arith.constant 1 : i32
      %dma_wait3A_974 = arith.constant 0 : i32
      %dma_wait3A_975 = arith.constant 2 : i32
      %dma_wait3A_976 = arith.constant 256 : i32
      %dma_wait3A_977 = arith.constant 0 : i32
      %dma_wait3A_978 = tpu.memref_slice %arg12[%dma_wait3A_976, %dma_wait3A_977] : memref<2048x8xf32, #tpu.memory_space<vmem>> -> memref<128x8xf32, #tpu.memory_space<vmem>>
      %dma_wait3A_979 = arith.constant 0 : i32
      %dma_wait3A_980 = tpu.memref_slice %arg10[%dma_wait3A_973, %dma_wait3A_974, %dma_wait3A_975, %dma_wait3A_979] : memref<2x4x4x128xi32, #tpu.memory_space<vmem>> -> memref<1x1x1x128xi32, #tpu.memory_space<vmem>>
      %dma_wait3A_981 = tpu.memref_squeeze %dma_wait3A_980 : memref<1x1x1x128xi32, #tpu.memory_space<vmem>> -> memref<128xi32, #tpu.memory_space<vmem>>
      %dma_wait3A_982 = arith.constant 0 : i32
      %dma_wait3A_983 = arith.constant 0 : i32
      %dma_wait3A_984 = tpu.memref_slice %arg7[%dma_wait3A_982, %dma_wait3A_983] : memref<133120x8xf32, #tpu.memory_space<vmem_shared>> -> memref<133120x8xf32, #tpu.memory_space<vmem_shared>>
      tpu.wait_indirect_dma semaphore(%arg16 : memref<!tpu.dma_semaphore, #tpu.memory_space<semaphore_mem>>) src(%dma_wait3A_978 : memref<128x8xf32, #tpu.memory_space<vmem>>) dst(%dma_wait3A_984 : memref<133120x8xf32, #tpu.memory_space<vmem_shared>>)
      %dma_wait3A_985 = arith.constant 1 : i32
      %dma_wait3A_986 = arith.constant 0 : i32
      %dma_wait3A_987 = arith.constant 3 : i32
      %dma_wait3A_988 = arith.constant 384 : i32
      %dma_wait3A_989 = arith.constant 0 : i32
      %dma_wait3A_990 = tpu.memref_slice %arg12[%dma_wait3A_988, %dma_wait3A_989] : memref<2048x8xf32, #tpu.memory_space<vmem>> -> memref<128x8xf32, #tpu.memory_space<vmem>>
      %dma_wait3A_991 = arith.constant 0 : i32
      %dma_wait3A_992 = tpu.memref_slice %arg10[%dma_wait3A_985, %dma_wait3A_986, %dma_wait3A_987, %dma_wait3A_991] : memref<2x4x4x128xi32, #tpu.memory_space<vmem>> -> memref<1x1x1x128xi32, #tpu.memory_space<vmem>>
      %dma_wait3A_993 = tpu.memref_squeeze %dma_wait3A_992 : memref<1x1x1x128xi32, #tpu.memory_space<vmem>> -> memref<128xi32, #tpu.memory_space<vmem>>
      %dma_wait3A_994 = arith.constant 0 : i32
      %dma_wait3A_995 = arith.constant 0 : i32
      %dma_wait3A_996 = tpu.memref_slice %arg7[%dma_wait3A_994, %dma_wait3A_995] : memref<133120x8xf32, #tpu.memory_space<vmem_shared>> -> memref<133120x8xf32, #tpu.memory_space<vmem_shared>>
      tpu.wait_indirect_dma semaphore(%arg16 : memref<!tpu.dma_semaphore, #tpu.memory_space<semaphore_mem>>) src(%dma_wait3A_990 : memref<128x8xf32, #tpu.memory_space<vmem>>) dst(%dma_wait3A_996 : memref<133120x8xf32, #tpu.memory_space<vmem_shared>>)
      %dma_wait3A_997 = arith.constant 1 : i32
      %dma_wait3A_998 = arith.constant 1 : i32
      %dma_wait3A_999 = arith.constant 0 : i32
      %dma_wait3A_1000 = arith.constant 512 : i32
      %dma_wait3A_1001 = arith.constant 0 : i32
      %dma_wait3A_1002 = tpu.memref_slice %arg12[%dma_wait3A_1000, %dma_wait3A_1001] : memref<2048x8xf32, #tpu.memory_space<vmem>> -> memref<128x8xf32, #tpu.memory_space<vmem>>
      %dma_wait3A_1003 = arith.constant 0 : i32
      %dma_wait3A_1004 = tpu.memref_slice %arg10[%dma_wait3A_997, %dma_wait3A_998, %dma_wait3A_999, %dma_wait3A_1003] : memref<2x4x4x128xi32, #tpu.memory_space<vmem>> -> memref<1x1x1x128xi32, #tpu.memory_space<vmem>>
      %dma_wait3A_1005 = tpu.memref_squeeze %dma_wait3A_1004 : memref<1x1x1x128xi32, #tpu.memory_space<vmem>> -> memref<128xi32, #tpu.memory_space<vmem>>
      %dma_wait3A_1006 = arith.constant 0 : i32
      %dma_wait3A_1007 = arith.constant 0 : i32
      %dma_wait3A_1008 = tpu.memref_slice %arg7[%dma_wait3A_1006, %dma_wait3A_1007] : memref<133120x8xf32, #tpu.memory_space<vmem_shared>> -> memref<133120x8xf32, #tpu.memory_space<vmem_shared>>
      tpu.wait_indirect_dma semaphore(%arg16 : memref<!tpu.dma_semaphore, #tpu.memory_space<semaphore_mem>>) src(%dma_wait3A_1002 : memref<128x8xf32, #tpu.memory_space<vmem>>) dst(%dma_wait3A_1008 : memref<133120x8xf32, #tpu.memory_space<vmem_shared>>)
      %dma_wait3A_1009 = arith.constant 1 : i32
      %dma_wait3A_1010 = arith.constant 1 : i32
      %dma_wait3A_1011 = arith.constant 1 : i32
      %dma_wait3A_1012 = arith.constant 640 : i32
      %dma_wait3A_1013 = arith.constant 0 : i32
      %dma_wait3A_1014 = tpu.memref_slice %arg12[%dma_wait3A_1012, %dma_wait3A_1013] : memref<2048x8xf32, #tpu.memory_space<vmem>> -> memref<128x8xf32, #tpu.memory_space<vmem>>
      %dma_wait3A_1015 = arith.constant 0 : i32
      %dma_wait3A_1016 = tpu.memref_slice %arg10[%dma_wait3A_1009, %dma_wait3A_1010, %dma_wait3A_1011, %dma_wait3A_1015] : memref<2x4x4x128xi32, #tpu.memory_space<vmem>> -> memref<1x1x1x128xi32, #tpu.memory_space<vmem>>
      %dma_wait3A_1017 = tpu.memref_squeeze %dma_wait3A_1016 : memref<1x1x1x128xi32, #tpu.memory_space<vmem>> -> memref<128xi32, #tpu.memory_space<vmem>>
      %dma_wait3A_1018 = arith.constant 0 : i32
      %dma_wait3A_1019 = arith.constant 0 : i32
      %dma_wait3A_1020 = tpu.memref_slice %arg7[%dma_wait3A_1018, %dma_wait3A_1019] : memref<133120x8xf32, #tpu.memory_space<vmem_shared>> -> memref<133120x8xf32, #tpu.memory_space<vmem_shared>>
      tpu.wait_indirect_dma semaphore(%arg16 : memref<!tpu.dma_semaphore, #tpu.memory_space<semaphore_mem>>) src(%dma_wait3A_1014 : memref<128x8xf32, #tpu.memory_space<vmem>>) dst(%dma_wait3A_1020 : memref<133120x8xf32, #tpu.memory_space<vmem_shared>>)
      %dma_wait3A_1021 = arith.constant 1 : i32
      %dma_wait3A_1022 = arith.constant 1 : i32
      %dma_wait3A_1023 = arith.constant 2 : i32
      %dma_wait3A_1024 = arith.constant 768 : i32
      %dma_wait3A_1025 = arith.constant 0 : i32
      %dma_wait3A_1026 = tpu.memref_slice %arg12[%dma_wait3A_1024, %dma_wait3A_1025] : memref<2048x8xf32, #tpu.memory_space<vmem>> -> memref<128x8xf32, #tpu.memory_space<vmem>>
      %dma_wait3A_1027 = arith.constant 0 : i32
      %dma_wait3A_1028 = tpu.memref_slice %arg10[%dma_wait3A_1021, %dma_wait3A_1022, %dma_wait3A_1023, %dma_wait3A_1027] : memref<2x4x4x128xi32, #tpu.memory_space<vmem>> -> memref<1x1x1x128xi32, #tpu.memory_space<vmem>>
      %dma_wait3A_1029 = tpu.memref_squeeze %dma_wait3A_1028 : memref<1x1x1x128xi32, #tpu.memory_space<vmem>> -> memref<128xi32, #tpu.memory_space<vmem>>
      %dma_wait3A_1030 = arith.constant 0 : i32
      %dma_wait3A_1031 = arith.constant 0 : i32
      %dma_wait3A_1032 = tpu.memref_slice %arg7[%dma_wait3A_1030, %dma_wait3A_1031] : memref<133120x8xf32, #tpu.memory_space<vmem_shared>> -> memref<133120x8xf32, #tpu.memory_space<vmem_shared>>
      tpu.wait_indirect_dma semaphore(%arg16 : memref<!tpu.dma_semaphore, #tpu.memory_space<semaphore_mem>>) src(%dma_wait3A_1026 : memref<128x8xf32, #tpu.memory_space<vmem>>) dst(%dma_wait3A_1032 : memref<133120x8xf32, #tpu.memory_space<vmem_shared>>)
      %dma_wait3A_1033 = arith.constant 1 : i32
      %dma_wait3A_1034 = arith.constant 1 : i32
      %dma_wait3A_1035 = arith.constant 3 : i32
      %dma_wait3A_1036 = arith.constant 896 : i32
      %dma_wait3A_1037 = arith.constant 0 : i32
      %dma_wait3A_1038 = tpu.memref_slice %arg12[%dma_wait3A_1036, %dma_wait3A_1037] : memref<2048x8xf32, #tpu.memory_space<vmem>> -> memref<128x8xf32, #tpu.memory_space<vmem>>
      %dma_wait3A_1039 = arith.constant 0 : i32
      %dma_wait3A_1040 = tpu.memref_slice %arg10[%dma_wait3A_1033, %dma_wait3A_1034, %dma_wait3A_1035, %dma_wait3A_1039] : memref<2x4x4x128xi32, #tpu.memory_space<vmem>> -> memref<1x1x1x128xi32, #tpu.memory_space<vmem>>
      %dma_wait3A_1041 = tpu.memref_squeeze %dma_wait3A_1040 : memref<1x1x1x128xi32, #tpu.memory_space<vmem>> -> memref<128xi32, #tpu.memory_space<vmem>>
      %dma_wait3A_1042 = arith.constant 0 : i32
      %dma_wait3A_1043 = arith.constant 0 : i32
      %dma_wait3A_1044 = tpu.memref_slice %arg7[%dma_wait3A_1042, %dma_wait3A_1043] : memref<133120x8xf32, #tpu.memory_space<vmem_shared>> -> memref<133120x8xf32, #tpu.memory_space<vmem_shared>>
      tpu.wait_indirect_dma semaphore(%arg16 : memref<!tpu.dma_semaphore, #tpu.memory_space<semaphore_mem>>) src(%dma_wait3A_1038 : memref<128x8xf32, #tpu.memory_space<vmem>>) dst(%dma_wait3A_1044 : memref<133120x8xf32, #tpu.memory_space<vmem_shared>>)
      %dma_wait3A_1045 = arith.constant 1 : i32
      %dma_wait3A_1046 = arith.constant 2 : i32
      %dma_wait3A_1047 = arith.constant 0 : i32
      %dma_wait3A_1048 = arith.constant 1024 : i32
      %dma_wait3A_1049 = arith.constant 0 : i32
      %dma_wait3A_1050 = tpu.memref_slice %arg12[%dma_wait3A_1048, %dma_wait3A_1049] : memref<2048x8xf32, #tpu.memory_space<vmem>> -> memref<128x8xf32, #tpu.memory_space<vmem>>
      %dma_wait3A_1051 = arith.constant 0 : i32
      %dma_wait3A_1052 = tpu.memref_slice %arg10[%dma_wait3A_1045, %dma_wait3A_1046, %dma_wait3A_1047, %dma_wait3A_1051] : memref<2x4x4x128xi32, #tpu.memory_space<vmem>> -> memref<1x1x1x128xi32, #tpu.memory_space<vmem>>
      %dma_wait3A_1053 = tpu.memref_squeeze %dma_wait3A_1052 : memref<1x1x1x128xi32, #tpu.memory_space<vmem>> -> memref<128xi32, #tpu.memory_space<vmem>>
      %dma_wait3A_1054 = arith.constant 0 : i32
      %dma_wait3A_1055 = arith.constant 0 : i32
      %dma_wait3A_1056 = tpu.memref_slice %arg7[%dma_wait3A_1054, %dma_wait3A_1055] : memref<133120x8xf32, #tpu.memory_space<vmem_shared>> -> memref<133120x8xf32, #tpu.memory_space<vmem_shared>>
      tpu.wait_indirect_dma semaphore(%arg16 : memref<!tpu.dma_semaphore, #tpu.memory_space<semaphore_mem>>) src(%dma_wait3A_1050 : memref<128x8xf32, #tpu.memory_space<vmem>>) dst(%dma_wait3A_1056 : memref<133120x8xf32, #tpu.memory_space<vmem_shared>>)
      %dma_wait3A_1057 = arith.constant 1 : i32
      %dma_wait3A_1058 = arith.constant 2 : i32
      %dma_wait3A_1059 = arith.constant 1 : i32
      %dma_wait3A_1060 = arith.constant 1152 : i32
      %dma_wait3A_1061 = arith.constant 0 : i32
      %dma_wait3A_1062 = tpu.memref_slice %arg12[%dma_wait3A_1060, %dma_wait3A_1061] : memref<2048x8xf32, #tpu.memory_space<vmem>> -> memref<128x8xf32, #tpu.memory_space<vmem>>
      %dma_wait3A_1063 = arith.constant 0 : i32
      %dma_wait3A_1064 = tpu.memref_slice %arg10[%dma_wait3A_1057, %dma_wait3A_1058, %dma_wait3A_1059, %dma_wait3A_1063] : memref<2x4x4x128xi32, #tpu.memory_space<vmem>> -> memref<1x1x1x128xi32, #tpu.memory_space<vmem>>
      %dma_wait3A_1065 = tpu.memref_squeeze %dma_wait3A_1064 : memref<1x1x1x128xi32, #tpu.memory_space<vmem>> -> memref<128xi32, #tpu.memory_space<vmem>>
      %dma_wait3A_1066 = arith.constant 0 : i32
      %dma_wait3A_1067 = arith.constant 0 : i32
      %dma_wait3A_1068 = tpu.memref_slice %arg7[%dma_wait3A_1066, %dma_wait3A_1067] : memref<133120x8xf32, #tpu.memory_space<vmem_shared>> -> memref<133120x8xf32, #tpu.memory_space<vmem_shared>>
      tpu.wait_indirect_dma semaphore(%arg16 : memref<!tpu.dma_semaphore, #tpu.memory_space<semaphore_mem>>) src(%dma_wait3A_1062 : memref<128x8xf32, #tpu.memory_space<vmem>>) dst(%dma_wait3A_1068 : memref<133120x8xf32, #tpu.memory_space<vmem_shared>>)
      %dma_wait3A_1069 = arith.constant 1 : i32
      %dma_wait3A_1070 = arith.constant 2 : i32
      %dma_wait3A_1071 = arith.constant 2 : i32
      %dma_wait3A_1072 = arith.constant 1280 : i32
      %dma_wait3A_1073 = arith.constant 0 : i32
      %dma_wait3A_1074 = tpu.memref_slice %arg12[%dma_wait3A_1072, %dma_wait3A_1073] : memref<2048x8xf32, #tpu.memory_space<vmem>> -> memref<128x8xf32, #tpu.memory_space<vmem>>
      %dma_wait3A_1075 = arith.constant 0 : i32
      %dma_wait3A_1076 = tpu.memref_slice %arg10[%dma_wait3A_1069, %dma_wait3A_1070, %dma_wait3A_1071, %dma_wait3A_1075] : memref<2x4x4x128xi32, #tpu.memory_space<vmem>> -> memref<1x1x1x128xi32, #tpu.memory_space<vmem>>
      %dma_wait3A_1077 = tpu.memref_squeeze %dma_wait3A_1076 : memref<1x1x1x128xi32, #tpu.memory_space<vmem>> -> memref<128xi32, #tpu.memory_space<vmem>>
      %dma_wait3A_1078 = arith.constant 0 : i32
      %dma_wait3A_1079 = arith.constant 0 : i32
      %dma_wait3A_1080 = tpu.memref_slice %arg7[%dma_wait3A_1078, %dma_wait3A_1079] : memref<133120x8xf32, #tpu.memory_space<vmem_shared>> -> memref<133120x8xf32, #tpu.memory_space<vmem_shared>>
      tpu.wait_indirect_dma semaphore(%arg16 : memref<!tpu.dma_semaphore, #tpu.memory_space<semaphore_mem>>) src(%dma_wait3A_1074 : memref<128x8xf32, #tpu.memory_space<vmem>>) dst(%dma_wait3A_1080 : memref<133120x8xf32, #tpu.memory_space<vmem_shared>>)
      %dma_wait3A_1081 = arith.constant 1 : i32
      %dma_wait3A_1082 = arith.constant 2 : i32
      %dma_wait3A_1083 = arith.constant 3 : i32
      %dma_wait3A_1084 = arith.constant 1408 : i32
      %dma_wait3A_1085 = arith.constant 0 : i32
      %dma_wait3A_1086 = tpu.memref_slice %arg12[%dma_wait3A_1084, %dma_wait3A_1085] : memref<2048x8xf32, #tpu.memory_space<vmem>> -> memref<128x8xf32, #tpu.memory_space<vmem>>
      %dma_wait3A_1087 = arith.constant 0 : i32
      %dma_wait3A_1088 = tpu.memref_slice %arg10[%dma_wait3A_1081, %dma_wait3A_1082, %dma_wait3A_1083, %dma_wait3A_1087] : memref<2x4x4x128xi32, #tpu.memory_space<vmem>> -> memref<1x1x1x128xi32, #tpu.memory_space<vmem>>
      %dma_wait3A_1089 = tpu.memref_squeeze %dma_wait3A_1088 : memref<1x1x1x128xi32, #tpu.memory_space<vmem>> -> memref<128xi32, #tpu.memory_space<vmem>>
      %dma_wait3A_1090 = arith.constant 0 : i32
      %dma_wait3A_1091 = arith.constant 0 : i32
      %dma_wait3A_1092 = tpu.memref_slice %arg7[%dma_wait3A_1090, %dma_wait3A_1091] : memref<133120x8xf32, #tpu.memory_space<vmem_shared>> -> memref<133120x8xf32, #tpu.memory_space<vmem_shared>>
      tpu.wait_indirect_dma semaphore(%arg16 : memref<!tpu.dma_semaphore, #tpu.memory_space<semaphore_mem>>) src(%dma_wait3A_1086 : memref<128x8xf32, #tpu.memory_space<vmem>>) dst(%dma_wait3A_1092 : memref<133120x8xf32, #tpu.memory_space<vmem_shared>>)
      %dma_wait3A_1093 = arith.constant 1 : i32
      %dma_wait3A_1094 = arith.constant 3 : i32
      %dma_wait3A_1095 = arith.constant 0 : i32
      %dma_wait3A_1096 = arith.constant 1536 : i32
      %dma_wait3A_1097 = arith.constant 0 : i32
      %dma_wait3A_1098 = tpu.memref_slice %arg12[%dma_wait3A_1096, %dma_wait3A_1097] : memref<2048x8xf32, #tpu.memory_space<vmem>> -> memref<128x8xf32, #tpu.memory_space<vmem>>
      %dma_wait3A_1099 = arith.constant 0 : i32
      %dma_wait3A_1100 = tpu.memref_slice %arg10[%dma_wait3A_1093, %dma_wait3A_1094, %dma_wait3A_1095, %dma_wait3A_1099] : memref<2x4x4x128xi32, #tpu.memory_space<vmem>> -> memref<1x1x1x128xi32, #tpu.memory_space<vmem>>
      %dma_wait3A_1101 = tpu.memref_squeeze %dma_wait3A_1100 : memref<1x1x1x128xi32, #tpu.memory_space<vmem>> -> memref<128xi32, #tpu.memory_space<vmem>>
      %dma_wait3A_1102 = arith.constant 0 : i32
      %dma_wait3A_1103 = arith.constant 0 : i32
      %dma_wait3A_1104 = tpu.memref_slice %arg7[%dma_wait3A_1102, %dma_wait3A_1103] : memref<133120x8xf32, #tpu.memory_space<vmem_shared>> -> memref<133120x8xf32, #tpu.memory_space<vmem_shared>>
      tpu.wait_indirect_dma semaphore(%arg16 : memref<!tpu.dma_semaphore, #tpu.memory_space<semaphore_mem>>) src(%dma_wait3A_1098 : memref<128x8xf32, #tpu.memory_space<vmem>>) dst(%dma_wait3A_1104 : memref<133120x8xf32, #tpu.memory_space<vmem_shared>>)
      %dma_wait3A_1105 = arith.constant 1 : i32
      %dma_wait3A_1106 = arith.constant 3 : i32
      %dma_wait3A_1107 = arith.constant 1 : i32
      %dma_wait3A_1108 = arith.constant 1664 : i32
      %dma_wait3A_1109 = arith.constant 0 : i32
      %dma_wait3A_1110 = tpu.memref_slice %arg12[%dma_wait3A_1108, %dma_wait3A_1109] : memref<2048x8xf32, #tpu.memory_space<vmem>> -> memref<128x8xf32, #tpu.memory_space<vmem>>
      %dma_wait3A_1111 = arith.constant 0 : i32
      %dma_wait3A_1112 = tpu.memref_slice %arg10[%dma_wait3A_1105, %dma_wait3A_1106, %dma_wait3A_1107, %dma_wait3A_1111] : memref<2x4x4x128xi32, #tpu.memory_space<vmem>> -> memref<1x1x1x128xi32, #tpu.memory_space<vmem>>
      %dma_wait3A_1113 = tpu.memref_squeeze %dma_wait3A_1112 : memref<1x1x1x128xi32, #tpu.memory_space<vmem>> -> memref<128xi32, #tpu.memory_space<vmem>>
      %dma_wait3A_1114 = arith.constant 0 : i32
      %dma_wait3A_1115 = arith.constant 0 : i32
      %dma_wait3A_1116 = tpu.memref_slice %arg7[%dma_wait3A_1114, %dma_wait3A_1115] : memref<133120x8xf32, #tpu.memory_space<vmem_shared>> -> memref<133120x8xf32, #tpu.memory_space<vmem_shared>>
      tpu.wait_indirect_dma semaphore(%arg16 : memref<!tpu.dma_semaphore, #tpu.memory_space<semaphore_mem>>) src(%dma_wait3A_1110 : memref<128x8xf32, #tpu.memory_space<vmem>>) dst(%dma_wait3A_1116 : memref<133120x8xf32, #tpu.memory_space<vmem_shared>>)
      %dma_wait3A_1117 = arith.constant 1 : i32
      %dma_wait3A_1118 = arith.constant 3 : i32
      %dma_wait3A_1119 = arith.constant 2 : i32
      %dma_wait3A_1120 = arith.constant 1792 : i32
      %dma_wait3A_1121 = arith.constant 0 : i32
      %dma_wait3A_1122 = tpu.memref_slice %arg12[%dma_wait3A_1120, %dma_wait3A_1121] : memref<2048x8xf32, #tpu.memory_space<vmem>> -> memref<128x8xf32, #tpu.memory_space<vmem>>
      %dma_wait3A_1123 = arith.constant 0 : i32
      %dma_wait3A_1124 = tpu.memref_slice %arg10[%dma_wait3A_1117, %dma_wait3A_1118, %dma_wait3A_1119, %dma_wait3A_1123] : memref<2x4x4x128xi32, #tpu.memory_space<vmem>> -> memref<1x1x1x128xi32, #tpu.memory_space<vmem>>
      %dma_wait3A_1125 = tpu.memref_squeeze %dma_wait3A_1124 : memref<1x1x1x128xi32, #tpu.memory_space<vmem>> -> memref<128xi32, #tpu.memory_space<vmem>>
      %dma_wait3A_1126 = arith.constant 0 : i32
      %dma_wait3A_1127 = arith.constant 0 : i32
      %dma_wait3A_1128 = tpu.memref_slice %arg7[%dma_wait3A_1126, %dma_wait3A_1127] : memref<133120x8xf32, #tpu.memory_space<vmem_shared>> -> memref<133120x8xf32, #tpu.memory_space<vmem_shared>>
      tpu.wait_indirect_dma semaphore(%arg16 : memref<!tpu.dma_semaphore, #tpu.memory_space<semaphore_mem>>) src(%dma_wait3A_1122 : memref<128x8xf32, #tpu.memory_space<vmem>>) dst(%dma_wait3A_1128 : memref<133120x8xf32, #tpu.memory_space<vmem_shared>>)
      %dma_wait3A_1129 = arith.constant 1 : i32
      %dma_wait3A_1130 = arith.constant 3 : i32
      %dma_wait3A_1131 = arith.constant 3 : i32
      %dma_wait3A_1132 = arith.constant 1920 : i32
      %dma_wait3A_1133 = arith.constant 0 : i32
      %dma_wait3A_1134 = tpu.memref_slice %arg12[%dma_wait3A_1132, %dma_wait3A_1133] : memref<2048x8xf32, #tpu.memory_space<vmem>> -> memref<128x8xf32, #tpu.memory_space<vmem>>
      %dma_wait3A_1135 = arith.constant 0 : i32
      %dma_wait3A_1136 = tpu.memref_slice %arg10[%dma_wait3A_1129, %dma_wait3A_1130, %dma_wait3A_1131, %dma_wait3A_1135] : memref<2x4x4x128xi32, #tpu.memory_space<vmem>> -> memref<1x1x1x128xi32, #tpu.memory_space<vmem>>
      %dma_wait3A_1137 = tpu.memref_squeeze %dma_wait3A_1136 : memref<1x1x1x128xi32, #tpu.memory_space<vmem>> -> memref<128xi32, #tpu.memory_space<vmem>>
      %dma_wait3A_1138 = arith.constant 0 : i32
      %dma_wait3A_1139 = arith.constant 0 : i32
      %dma_wait3A_1140 = tpu.memref_slice %arg7[%dma_wait3A_1138, %dma_wait3A_1139] : memref<133120x8xf32, #tpu.memory_space<vmem_shared>> -> memref<133120x8xf32, #tpu.memory_space<vmem_shared>>
      tpu.wait_indirect_dma semaphore(%arg16 : memref<!tpu.dma_semaphore, #tpu.memory_space<semaphore_mem>>) src(%dma_wait3A_1134 : memref<128x8xf32, #tpu.memory_space<vmem>>) dst(%dma_wait3A_1140 : memref<133120x8xf32, #tpu.memory_space<vmem_shared>>)
      %barrier3A_1141 = arith.constant 0 : index
      tpu.barrier barrier_id(%barrier3A_1141)
      %mul3A_1142 = arith.constant 131072 : i32
      %mul3A_1143 = arith.muli %arg0, %mul3A_1142 : i32
      %mul3A_1144 = arith.constant 8192 : i32
      %mul3A_1145 = arith.muli %arg1, %mul3A_1144 : i32
      %add3A_1146 = arith.addi %mul3A_1143, %mul3A_1145 : i32
      %multiple_of3A_1147 = tpu.assume_multiple %add3A_1146, 8192 : i32
      "tpu.region"() ({
        %run_scoped3A = tpu.sem_alloc : memref<!tpu.dma_semaphore, #tpu.memory_space<semaphore_mem>>
        %dma_start3A_1149 = arith.constant 0 : i32
        %dma_start3A_1150 = tpu.memref_slice %arg6[%add3A_23, %multiple_of3A_1147, %dma_start3A_1149] : memref<4x262144x8xf32, #tpu.memory_space<hbm>> -> memref<1x8192x8xf32, #tpu.memory_space<hbm>>
        %dma_start3A_1151 = tpu.memref_squeeze %dma_start3A_1150 : memref<1x8192x8xf32, #tpu.memory_space<hbm>> -> memref<8192x8xf32, #tpu.memory_space<hbm>>
        %dma_start3A_1152 = arith.constant 0 : i32
        %dma_start3A_1153 = tpu.memref_slice %arg7[%multiple_of3A, %dma_start3A_1152] : memref<133120x8xf32, #tpu.memory_space<vmem_shared>> -> memref<8192x8xf32, #tpu.memory_space<vmem_shared>>
        tpu.enqueue_dma source(%dma_start3A_1153 : memref<8192x8xf32, #tpu.memory_space<vmem_shared>>) target(%dma_start3A_1151 : memref<8192x8xf32, #tpu.memory_space<hbm>>) target_semaphore(%run_scoped3A : memref<!tpu.dma_semaphore, #tpu.memory_space<semaphore_mem>>)
        %dma_wait3A_1154 = arith.constant 0 : i32
        %dma_wait3A_1155 = tpu.memref_slice %arg6[%add3A_23, %multiple_of3A_1147, %dma_wait3A_1154] : memref<4x262144x8xf32, #tpu.memory_space<hbm>> -> memref<1x8192x8xf32, #tpu.memory_space<hbm>>
        %dma_wait3A_1156 = tpu.memref_squeeze %dma_wait3A_1155 : memref<1x8192x8xf32, #tpu.memory_space<hbm>> -> memref<8192x8xf32, #tpu.memory_space<hbm>>
        %dma_wait3A_1157 = arith.constant 0 : i32
        %dma_wait3A_1158 = tpu.memref_slice %arg7[%multiple_of3A, %dma_wait3A_1157] : memref<133120x8xf32, #tpu.memory_space<vmem_shared>> -> memref<8192x8xf32, #tpu.memory_space<vmem_shared>>
        tpu.wait_dma2 semaphore(%run_scoped3A : memref<!tpu.dma_semaphore, #tpu.memory_space<semaphore_mem>>) src(%dma_wait3A_1158 : memref<8192x8xf32, #tpu.memory_space<vmem_shared>>) dst(%dma_wait3A_1156 : memref<8192x8xf32, #tpu.memory_space<hbm>>)
        tpu.yield
      }) : () -> ()
      %barrier3A_1148 = arith.constant 0 : index
      tpu.barrier barrier_id(%barrier3A_1148)
    }
    %scan3A_19 = arith.constant 4 : i32
    return
  }
}

module attributes {stable_mosaic.version = 14 : i64} {
  func.func @_prep_kernel(%arg0: i32, %arg1: i32, %arg2: memref<1x8x64x512xf32, #tpu.memory_space<vmem>>, %arg3: memref<1x512x128xf32, #tpu.memory_space<vmem>>, %arg4: memref<2x1x4x256x128xi32, #tpu.memory_space<vmem>>, %arg5: memref<1x4x256x128xf32, #tpu.memory_space<vmem>>, %arg6: memref<1x8x256x128xf32, #tpu.memory_space<vmem>>) attributes {dimension_semantics = [#tpu.dimension_semantics<arbitrary>, #tpu.dimension_semantics<arbitrary>], iteration_bounds = array<i64: 4, 8>, scalar_prefetch = 0 : i64, scratch_operands = 0 : i64, tpu.core_type = #tpu.core_type<tc>, window_params = [{transform_indices = @transform_0, window_bounds = array<i64: 1, 8, 64, 512>}, {transform_indices = @transform_1, window_bounds = array<i64: 1, 512, 128>}, {transform_indices = @transform_2, window_bounds = array<i64: 2, 1, 4, 256, 128>}, {transform_indices = @transform_3, window_bounds = array<i64: 1, 4, 256, 128>}, {transform_indices = @transform_4, window_bounds = array<i64: 1, 8, 256, 128>}]} {
    %get3A = arith.constant 0 : index
    %get3A_0 = arith.constant 0 : index
    %get3A_1 = arith.constant 0 : index
    %get3A_2 = vector.load %arg3[%get3A, %get3A_0, %get3A_1] : memref<1x512x128xf32, #tpu.memory_space<vmem>>, vector<1x512x128xf32>
    %get3A_3 = vector.shape_cast %get3A_2 : vector<1x512x128xf32> to vector<512x128xf32>
    %reshape3A = vector.shape_cast %get3A_3 : vector<512x128xf32> to vector<256x2x128xf32>
    %slice3A = vector.extract_strided_slice %reshape3A {offsets = [0, 0, 0], sizes = [256, 1, 128], strides = [1, 1, 1]} : vector<256x2x128xf32> to vector<256x1x128xf32>
    %squeeze3A = vector.shape_cast %slice3A : vector<256x1x128xf32> to vector<256x128xf32>
    %slice3A_4 = vector.extract_strided_slice %reshape3A {offsets = [0, 1, 0], sizes = [256, 1, 128], strides = [1, 1, 1]} : vector<256x2x128xf32> to vector<256x1x128xf32>
    %squeeze3A_5 = vector.shape_cast %slice3A_4 : vector<256x1x128xf32> to vector<256x128xf32>
    %iota3A = tpu.iota {dimensions = array<i32: 0>} : vector<256x128xi32>
    %iota3A_6 = tpu.iota {dimensions = array<i32: 1>} : vector<256x128xi32>
    %rem3A = arith.constant 4 : i32
    %rem3A_7 = vector.broadcast %rem3A : i32 to vector<256x128xi32>
    %rem3A_8 = arith.remsi %iota3A, %rem3A_7 : vector<256x128xi32>
    %mul3A = arith.constant 128 : i32
    %mul3A_9 = vector.broadcast %mul3A : i32 to vector<256x128xi32>
    %mul3A_10 = arith.muli %rem3A_8, %mul3A_9 : vector<256x128xi32>
    %add3A = arith.addi %mul3A_10, %iota3A_6 : vector<256x128xi32>
    %jit3A = arith.constant 4 : i32
    %div3A = vector.broadcast %jit3A : i32 to vector<256x128xi32>
    %div3A_11 = arith.divsi %iota3A, %div3A : vector<256x128xi32>
    %sign3A = arith.constant 0 : i32
    %sign3A_12 = vector.broadcast %sign3A : i32 to vector<256x128xi32>
    %sign3A_13 = arith.cmpi sgt, %iota3A, %sign3A_12 : vector<256x128xi32>
    %sign3A_14 = arith.extui %sign3A_13 : vector<256x128xi1> to vector<256x128xi32>
    %sign3A_15 = arith.constant 0 : i32
    %sign3A_16 = vector.broadcast %sign3A_15 : i32 to vector<256x128xi32>
    %sign3A_17 = arith.cmpi slt, %iota3A, %sign3A_16 : vector<256x128xi32>
    %sign3A_18 = arith.extui %sign3A_17 : vector<256x128xi1> to vector<256x128xi32>
    %sign3A_19 = arith.subi %sign3A_14, %sign3A_18 : vector<256x128xi32>
    %sign3A_20 = arith.constant 0 : i32
    %sign3A_21 = arith.cmpi sgt, %jit3A, %sign3A_20 : i32
    %sign3A_22 = arith.extui %sign3A_21 : i1 to i32
    %sign3A_23 = arith.constant 0 : i32
    %sign3A_24 = arith.cmpi slt, %jit3A, %sign3A_23 : i32
    %sign3A_25 = arith.extui %sign3A_24 : i1 to i32
    %sign3A_26 = arith.subi %sign3A_22, %sign3A_25 : i32
    %ne3A = vector.broadcast %sign3A_26 : i32 to vector<256x128xi32>
    %ne3A_27 = arith.cmpi ne, %sign3A_19, %ne3A : vector<256x128xi32>
    %rem3A_28 = vector.broadcast %jit3A : i32 to vector<256x128xi32>
    %rem3A_29 = arith.remsi %iota3A, %rem3A_28 : vector<256x128xi32>
    %ne3A_30 = arith.constant 0 : i32
    %ne3A_31 = vector.broadcast %ne3A_30 : i32 to vector<256x128xi32>
    %ne3A_32 = arith.cmpi ne, %rem3A_29, %ne3A_31 : vector<256x128xi32>
    %and3A = arith.andi %ne3A_27, %ne3A_32 : vector<256x128xi1>
    %sub3A = arith.constant 1 : i32
    %sub3A_33 = vector.broadcast %sub3A : i32 to vector<256x128xi32>
    %sub3A_34 = arith.subi %div3A_11, %sub3A_33 : vector<256x128xi32>
    %select_n3A = arith.select %and3A, %sub3A_34, %div3A_11 : vector<256x128xi1>, vector<256x128xi32>
    %mul3A_35 = arith.constant 64 : i32
    %mul3A_36 = arith.muli %arg1, %mul3A_35 : i32
    %add3A_37 = vector.broadcast %mul3A_36 : i32 to vector<256x128xi32>
    %add3A_38 = arith.addi %select_n3A, %add3A_37 : vector<256x128xi32>
    %convert_element_type3A = arith.sitofp %add3A : vector<256x128xi32> to vector<256x128xf32>
    %add3A_39 = arith.addf %convert_element_type3A, %squeeze3A : vector<256x128xf32>
    %convert_element_type3A_40 = arith.sitofp %add3A_38 : vector<256x128xi32> to vector<256x128xf32>
    %add3A_41 = arith.addf %convert_element_type3A_40, %squeeze3A_5 : vector<256x128xf32>
    %floor3A = math.floor %add3A_39 : vector<256x128xf32>
    %floor3A_42 = math.floor %add3A_41 : vector<256x128xf32>
    %sub3A_43 = arith.subf %add3A_39, %floor3A : vector<256x128xf32>
    %sub3A_44 = arith.subf %add3A_41, %floor3A_42 : vector<256x128xf32>
    %mul3A_45 = arith.constant 512 : i32
    %mul3A_46 = vector.broadcast %mul3A_45 : i32 to vector<256x128xi32>
    %mul3A_47 = arith.muli %add3A_38, %mul3A_46 : vector<256x128xi32>
    %add3A_48 = arith.addi %mul3A_47, %add3A : vector<256x128xi32>
    %and3A_49 = arith.constant 2047 : i32
    %and3A_50 = vector.broadcast %and3A_49 : i32 to vector<256x128xi32>
    %and3A_51 = arith.andi %add3A_48, %and3A_50 : vector<256x128xi32>
    %add3A_52 = arith.constant 131072 : i32
    %add3A_53 = vector.broadcast %add3A_52 : i32 to vector<256x128xi32>
    %add3A_54 = arith.addi %add3A_53, %and3A_51 : vector<256x128xi32>
    %get3A_55 = arith.constant 0 : index
    %get3A_56 = arith.constant 0 : index
    %get3A_57 = arith.constant 0 : index
    %get3A_58 = arith.constant 0 : index
    %get3A_59 = vector.load %arg2[%get3A_55, %get3A_56, %get3A_57, %get3A_58] : memref<1x8x64x512xf32, #tpu.memory_space<vmem>>, vector<1x1x64x512xf32>
    %get3A_60 = vector.shape_cast %get3A_59 : vector<1x1x64x512xf32> to vector<64x512xf32>
    %reshape3A_61 = vector.shape_cast %get3A_60 : vector<64x512xf32> to vector<256x128xf32>
    %swap3A = arith.constant 0 : index
    %swap3A_62 = arith.constant 0 : index
    %swap3A_63 = arith.constant 0 : index
    %swap3A_64 = arith.constant 0 : index
    %swap3A_65 = vector.load %arg6[%swap3A, %swap3A_62, %swap3A_63, %swap3A_64] : memref<1x8x256x128xf32, #tpu.memory_space<vmem>>, vector<1x1x256x128xf32>
    %swap3A_66 = vector.shape_cast %swap3A_65 : vector<1x1x256x128xf32> to vector<256x128xf32>
    %swap3A_67 = vector.shape_cast %reshape3A_61 : vector<256x128xf32> to vector<1x1x256x128xf32>
    tpu.vector_store %arg6[%swap3A, %swap3A_62, %swap3A_63, %swap3A_64], %swap3A_67 {strides = array<i32>} : memref<1x8x256x128xf32, #tpu.memory_space<vmem>>, vector<1x1x256x128xf32>,
    %get3A_68 = arith.constant 0 : index
    %get3A_69 = arith.constant 1 : index
    %get3A_70 = arith.constant 0 : index
    %get3A_71 = arith.constant 0 : index
    %get3A_72 = vector.load %arg2[%get3A_68, %get3A_69, %get3A_70, %get3A_71] : memref<1x8x64x512xf32, #tpu.memory_space<vmem>>, vector<1x1x64x512xf32>
    %get3A_73 = vector.shape_cast %get3A_72 : vector<1x1x64x512xf32> to vector<64x512xf32>
    %reshape3A_74 = vector.shape_cast %get3A_73 : vector<64x512xf32> to vector<256x128xf32>
    %swap3A_75 = arith.constant 0 : index
    %swap3A_76 = arith.constant 1 : index
    %swap3A_77 = arith.constant 0 : index
    %swap3A_78 = arith.constant 0 : index
    %swap3A_79 = vector.load %arg6[%swap3A_75, %swap3A_76, %swap3A_77, %swap3A_78] : memref<1x8x256x128xf32, #tpu.memory_space<vmem>>, vector<1x1x256x128xf32>
    %swap3A_80 = vector.shape_cast %swap3A_79 : vector<1x1x256x128xf32> to vector<256x128xf32>
    %swap3A_81 = vector.shape_cast %reshape3A_74 : vector<256x128xf32> to vector<1x1x256x128xf32>
    tpu.vector_store %arg6[%swap3A_75, %swap3A_76, %swap3A_77, %swap3A_78], %swap3A_81 {strides = array<i32>} : memref<1x8x256x128xf32, #tpu.memory_space<vmem>>, vector<1x1x256x128xf32>,
    %get3A_82 = arith.constant 0 : index
    %get3A_83 = arith.constant 2 : index
    %get3A_84 = arith.constant 0 : index
    %get3A_85 = arith.constant 0 : index
    %get3A_86 = vector.load %arg2[%get3A_82, %get3A_83, %get3A_84, %get3A_85] : memref<1x8x64x512xf32, #tpu.memory_space<vmem>>, vector<1x1x64x512xf32>
    %get3A_87 = vector.shape_cast %get3A_86 : vector<1x1x64x512xf32> to vector<64x512xf32>
    %reshape3A_88 = vector.shape_cast %get3A_87 : vector<64x512xf32> to vector<256x128xf32>
    %swap3A_89 = arith.constant 0 : index
    %swap3A_90 = arith.constant 2 : index
    %swap3A_91 = arith.constant 0 : index
    %swap3A_92 = arith.constant 0 : index
    %swap3A_93 = vector.load %arg6[%swap3A_89, %swap3A_90, %swap3A_91, %swap3A_92] : memref<1x8x256x128xf32, #tpu.memory_space<vmem>>, vector<1x1x256x128xf32>
    %swap3A_94 = vector.shape_cast %swap3A_93 : vector<1x1x256x128xf32> to vector<256x128xf32>
    %swap3A_95 = vector.shape_cast %reshape3A_88 : vector<256x128xf32> to vector<1x1x256x128xf32>
    tpu.vector_store %arg6[%swap3A_89, %swap3A_90, %swap3A_91, %swap3A_92], %swap3A_95 {strides = array<i32>} : memref<1x8x256x128xf32, #tpu.memory_space<vmem>>, vector<1x1x256x128xf32>,
    %get3A_96 = arith.constant 0 : index
    %get3A_97 = arith.constant 3 : index
    %get3A_98 = arith.constant 0 : index
    %get3A_99 = arith.constant 0 : index
    %get3A_100 = vector.load %arg2[%get3A_96, %get3A_97, %get3A_98, %get3A_99] : memref<1x8x64x512xf32, #tpu.memory_space<vmem>>, vector<1x1x64x512xf32>
    %get3A_101 = vector.shape_cast %get3A_100 : vector<1x1x64x512xf32> to vector<64x512xf32>
    %reshape3A_102 = vector.shape_cast %get3A_101 : vector<64x512xf32> to vector<256x128xf32>
    %swap3A_103 = arith.constant 0 : index
    %swap3A_104 = arith.constant 3 : index
    %swap3A_105 = arith.constant 0 : index
    %swap3A_106 = arith.constant 0 : index
    %swap3A_107 = vector.load %arg6[%swap3A_103, %swap3A_104, %swap3A_105, %swap3A_106] : memref<1x8x256x128xf32, #tpu.memory_space<vmem>>, vector<1x1x256x128xf32>
    %swap3A_108 = vector.shape_cast %swap3A_107 : vector<1x1x256x128xf32> to vector<256x128xf32>
    %swap3A_109 = vector.shape_cast %reshape3A_102 : vector<256x128xf32> to vector<1x1x256x128xf32>
    tpu.vector_store %arg6[%swap3A_103, %swap3A_104, %swap3A_105, %swap3A_106], %swap3A_109 {strides = array<i32>} : memref<1x8x256x128xf32, #tpu.memory_space<vmem>>, vector<1x1x256x128xf32>,
    %get3A_110 = arith.constant 0 : index
    %get3A_111 = arith.constant 4 : index
    %get3A_112 = arith.constant 0 : index
    %get3A_113 = arith.constant 0 : index
    %get3A_114 = vector.load %arg2[%get3A_110, %get3A_111, %get3A_112, %get3A_113] : memref<1x8x64x512xf32, #tpu.memory_space<vmem>>, vector<1x1x64x512xf32>
    %get3A_115 = vector.shape_cast %get3A_114 : vector<1x1x64x512xf32> to vector<64x512xf32>
    %reshape3A_116 = vector.shape_cast %get3A_115 : vector<64x512xf32> to vector<256x128xf32>
    %swap3A_117 = arith.constant 0 : index
    %swap3A_118 = arith.constant 4 : index
    %swap3A_119 = arith.constant 0 : index
    %swap3A_120 = arith.constant 0 : index
    %swap3A_121 = vector.load %arg6[%swap3A_117, %swap3A_118, %swap3A_119, %swap3A_120] : memref<1x8x256x128xf32, #tpu.memory_space<vmem>>, vector<1x1x256x128xf32>
    %swap3A_122 = vector.shape_cast %swap3A_121 : vector<1x1x256x128xf32> to vector<256x128xf32>
    %swap3A_123 = vector.shape_cast %reshape3A_116 : vector<256x128xf32> to vector<1x1x256x128xf32>
    tpu.vector_store %arg6[%swap3A_117, %swap3A_118, %swap3A_119, %swap3A_120], %swap3A_123 {strides = array<i32>} : memref<1x8x256x128xf32, #tpu.memory_space<vmem>>, vector<1x1x256x128xf32>,
    %get3A_124 = arith.constant 0 : index
    %get3A_125 = arith.constant 5 : index
    %get3A_126 = arith.constant 0 : index
    %get3A_127 = arith.constant 0 : index
    %get3A_128 = vector.load %arg2[%get3A_124, %get3A_125, %get3A_126, %get3A_127] : memref<1x8x64x512xf32, #tpu.memory_space<vmem>>, vector<1x1x64x512xf32>
    %get3A_129 = vector.shape_cast %get3A_128 : vector<1x1x64x512xf32> to vector<64x512xf32>
    %reshape3A_130 = vector.shape_cast %get3A_129 : vector<64x512xf32> to vector<256x128xf32>
    %swap3A_131 = arith.constant 0 : index
    %swap3A_132 = arith.constant 5 : index
    %swap3A_133 = arith.constant 0 : index
    %swap3A_134 = arith.constant 0 : index
    %swap3A_135 = vector.load %arg6[%swap3A_131, %swap3A_132, %swap3A_133, %swap3A_134] : memref<1x8x256x128xf32, #tpu.memory_space<vmem>>, vector<1x1x256x128xf32>
    %swap3A_136 = vector.shape_cast %swap3A_135 : vector<1x1x256x128xf32> to vector<256x128xf32>
    %swap3A_137 = vector.shape_cast %reshape3A_130 : vector<256x128xf32> to vector<1x1x256x128xf32>
    tpu.vector_store %arg6[%swap3A_131, %swap3A_132, %swap3A_133, %swap3A_134], %swap3A_137 {strides = array<i32>} : memref<1x8x256x128xf32, #tpu.memory_space<vmem>>, vector<1x1x256x128xf32>,
    %get3A_138 = arith.constant 0 : index
    %get3A_139 = arith.constant 6 : index
    %get3A_140 = arith.constant 0 : index
    %get3A_141 = arith.constant 0 : index
    %get3A_142 = vector.load %arg2[%get3A_138, %get3A_139, %get3A_140, %get3A_141] : memref<1x8x64x512xf32, #tpu.memory_space<vmem>>, vector<1x1x64x512xf32>
    %get3A_143 = vector.shape_cast %get3A_142 : vector<1x1x64x512xf32> to vector<64x512xf32>
    %reshape3A_144 = vector.shape_cast %get3A_143 : vector<64x512xf32> to vector<256x128xf32>
    %swap3A_145 = arith.constant 0 : index
    %swap3A_146 = arith.constant 6 : index
    %swap3A_147 = arith.constant 0 : index
    %swap3A_148 = arith.constant 0 : index
    %swap3A_149 = vector.load %arg6[%swap3A_145, %swap3A_146, %swap3A_147, %swap3A_148] : memref<1x8x256x128xf32, #tpu.memory_space<vmem>>, vector<1x1x256x128xf32>
    %swap3A_150 = vector.shape_cast %swap3A_149 : vector<1x1x256x128xf32> to vector<256x128xf32>
    %swap3A_151 = vector.shape_cast %reshape3A_144 : vector<256x128xf32> to vector<1x1x256x128xf32>
    tpu.vector_store %arg6[%swap3A_145, %swap3A_146, %swap3A_147, %swap3A_148], %swap3A_151 {strides = array<i32>} : memref<1x8x256x128xf32, #tpu.memory_space<vmem>>, vector<1x1x256x128xf32>,
    %get3A_152 = arith.constant 0 : index
    %get3A_153 = arith.constant 7 : index
    %get3A_154 = arith.constant 0 : index
    %get3A_155 = arith.constant 0 : index
    %get3A_156 = vector.load %arg2[%get3A_152, %get3A_153, %get3A_154, %get3A_155] : memref<1x8x64x512xf32, #tpu.memory_space<vmem>>, vector<1x1x64x512xf32>
    %get3A_157 = vector.shape_cast %get3A_156 : vector<1x1x64x512xf32> to vector<64x512xf32>
    %reshape3A_158 = vector.shape_cast %get3A_157 : vector<64x512xf32> to vector<256x128xf32>
    %swap3A_159 = arith.constant 0 : index
    %swap3A_160 = arith.constant 7 : index
    %swap3A_161 = arith.constant 0 : index
    %swap3A_162 = arith.constant 0 : index
    %swap3A_163 = vector.load %arg6[%swap3A_159, %swap3A_160, %swap3A_161, %swap3A_162] : memref<1x8x256x128xf32, #tpu.memory_space<vmem>>, vector<1x1x256x128xf32>
    %swap3A_164 = vector.shape_cast %swap3A_163 : vector<1x1x256x128xf32> to vector<256x128xf32>
    %swap3A_165 = vector.shape_cast %reshape3A_158 : vector<256x128xf32> to vector<1x1x256x128xf32>
    tpu.vector_store %arg6[%swap3A_159, %swap3A_160, %swap3A_161, %swap3A_162], %swap3A_165 {strides = array<i32>} : memref<1x8x256x128xf32, #tpu.memory_space<vmem>>, vector<1x1x256x128xf32>,
    %add3A_166 = arith.constant 0.000000e+00 : f32
    %add3A_167 = vector.broadcast %add3A_166 : f32 to vector<256x128xf32>
    %add3A_168 = arith.addf %floor3A_42, %add3A_167 : vector<256x128xf32>
    %sub3A_169 = arith.constant 1.000000e+00 : f32
    %sub3A_170 = vector.broadcast %sub3A_169 : f32 to vector<256x128xf32>
    %sub3A_171 = arith.subf %sub3A_170, %sub3A_44 : vector<256x128xf32>
    %convert_element_type3A_172 = arith.fptosi %add3A_168 : vector<256x128xf32> to vector<256x128xi32>
    %jit3A_173 = arith.constant 0 : i32
    %jit3A_174 = arith.constant 511 : i32
    %max3A = vector.broadcast %jit3A_173 : i32 to vector<256x128xi32>
    %max3A_175 = arith.maxsi %max3A, %convert_element_type3A_172 : vector<256x128xi32>
    %min3A = vector.broadcast %jit3A_174 : i32 to vector<256x128xi32>
    %min3A_176 = arith.minsi %min3A, %max3A_175 : vector<256x128xi32>
    %ge3A = arith.constant 0.000000e+00 : f32
    %ge3A_177 = vector.broadcast %ge3A : f32 to vector<256x128xf32>
    %ge3A_178 = arith.cmpf oge, %add3A_168, %ge3A_177 : vector<256x128xf32>
    %lt3A = arith.constant 5.120000e+02 : f32
    %lt3A_179 = vector.broadcast %lt3A : f32 to vector<256x128xf32>
    %lt3A_180 = arith.cmpf olt, %add3A_168, %lt3A_179 : vector<256x128xf32>
    %and3A_181 = arith.andi %ge3A_178, %lt3A_180 : vector<256x128xi1>
    %add3A_182 = arith.constant 0.000000e+00 : f32
    %add3A_183 = vector.broadcast %add3A_182 : f32 to vector<256x128xf32>
    %add3A_184 = arith.addf %floor3A, %add3A_183 : vector<256x128xf32>
    %sub3A_185 = arith.constant 1.000000e+00 : f32
    %sub3A_186 = vector.broadcast %sub3A_185 : f32 to vector<256x128xf32>
    %sub3A_187 = arith.subf %sub3A_186, %sub3A_43 : vector<256x128xf32>
    %convert_element_type3A_188 = arith.fptosi %add3A_184 : vector<256x128xf32> to vector<256x128xi32>
    %jit3A_189 = arith.constant 0 : i32
    %jit3A_190 = arith.constant 511 : i32
    %max3A_191 = vector.broadcast %jit3A_189 : i32 to vector<256x128xi32>
    %max3A_192 = arith.maxsi %max3A_191, %convert_element_type3A_188 : vector<256x128xi32>
    %min3A_193 = vector.broadcast %jit3A_190 : i32 to vector<256x128xi32>
    %min3A_194 = arith.minsi %min3A_193, %max3A_192 : vector<256x128xi32>
    %ge3A_195 = arith.constant 0.000000e+00 : f32
    %ge3A_196 = vector.broadcast %ge3A_195 : f32 to vector<256x128xf32>
    %ge3A_197 = arith.cmpf oge, %add3A_184, %ge3A_196 : vector<256x128xf32>
    %and3A_198 = arith.andi %and3A_181, %ge3A_197 : vector<256x128xi1>
    %lt3A_199 = arith.constant 5.120000e+02 : f32
    %lt3A_200 = vector.broadcast %lt3A_199 : f32 to vector<256x128xf32>
    %lt3A_201 = arith.cmpf olt, %add3A_184, %lt3A_200 : vector<256x128xf32>
    %and3A_202 = arith.andi %and3A_198, %lt3A_201 : vector<256x128xi1>
    %mul3A_203 = arith.mulf %sub3A_187, %sub3A_171 : vector<256x128xf32>
    %jit3A_204 = arith.constant 0.000000e+00 : f32
    %broadcast_in_dim3A = vector.broadcast %jit3A_204 : f32 to vector<256x128xf32>
    %select_n3A_205 = arith.select %and3A_202, %mul3A_203, %broadcast_in_dim3A : vector<256x128xi1>, vector<256x128xf32>
    %swap3A_206 = arith.constant 0 : index
    %swap3A_207 = arith.constant 0 : index
    %swap3A_208 = arith.constant 0 : index
    %swap3A_209 = arith.constant 0 : index
    %swap3A_210 = vector.load %arg5[%swap3A_206, %swap3A_207, %swap3A_208, %swap3A_209] : memref<1x4x256x128xf32, #tpu.memory_space<vmem>>, vector<1x1x256x128xf32>
    %swap3A_211 = vector.shape_cast %swap3A_210 : vector<1x1x256x128xf32> to vector<256x128xf32>
    %swap3A_212 = vector.shape_cast %select_n3A_205 : vector<256x128xf32> to vector<1x1x256x128xf32>
    tpu.vector_store %arg5[%swap3A_206, %swap3A_207, %swap3A_208, %swap3A_209], %swap3A_212 {strides = array<i32>} : memref<1x4x256x128xf32, #tpu.memory_space<vmem>>, vector<1x1x256x128xf32>,
    %mul3A_213 = arith.constant 512 : i32
    %mul3A_214 = vector.broadcast %mul3A_213 : i32 to vector<256x128xi32>
    %mul3A_215 = arith.muli %min3A_176, %mul3A_214 : vector<256x128xi32>
    %add3A_216 = arith.addi %mul3A_215, %min3A_194 : vector<256x128xi32>
    %lt3A_217 = arith.constant 131072 : i32
    %lt3A_218 = vector.broadcast %lt3A_217 : i32 to vector<256x128xi32>
    %lt3A_219 = arith.cmpi slt, %add3A_216, %lt3A_218 : vector<256x128xi32>
    %select_n3A_220 = arith.select %lt3A_219, %add3A_216, %add3A_54 : vector<256x128xi1>, vector<256x128xi32>
    %swap3A_221 = arith.constant 0 : index
    %swap3A_222 = arith.constant 0 : index
    %swap3A_223 = arith.constant 0 : index
    %swap3A_224 = arith.constant 0 : index
    %swap3A_225 = arith.constant 0 : index
    %swap3A_226 = vector.load %arg4[%swap3A_221, %swap3A_222, %swap3A_223, %swap3A_224, %swap3A_225] : memref<2x1x4x256x128xi32, #tpu.memory_space<vmem>>, vector<1x1x1x256x128xi32>
    %swap3A_227 = vector.shape_cast %swap3A_226 : vector<1x1x1x256x128xi32> to vector<256x128xi32>
    %swap3A_228 = vector.shape_cast %select_n3A_220 : vector<256x128xi32> to vector<1x1x1x256x128xi32>
    tpu.vector_store %arg4[%swap3A_221, %swap3A_222, %swap3A_223, %swap3A_224, %swap3A_225], %swap3A_228 {strides = array<i32>} : memref<2x1x4x256x128xi32, #tpu.memory_space<vmem>>, vector<1x1x1x256x128xi32>,
    %ge3A_229 = arith.constant 131072 : i32
    %ge3A_230 = vector.broadcast %ge3A_229 : i32 to vector<256x128xi32>
    %ge3A_231 = arith.cmpi sge, %add3A_216, %ge3A_230 : vector<256x128xi32>
    %sub3A_232 = arith.constant 131072 : i32
    %sub3A_233 = vector.broadcast %sub3A_232 : i32 to vector<256x128xi32>
    %sub3A_234 = arith.subi %add3A_216, %sub3A_233 : vector<256x128xi32>
    %select_n3A_235 = arith.select %ge3A_231, %sub3A_234, %add3A_54 : vector<256x128xi1>, vector<256x128xi32>
    %swap3A_236 = arith.constant 1 : index
    %swap3A_237 = arith.constant 0 : index
    %swap3A_238 = arith.constant 0 : index
    %swap3A_239 = arith.constant 0 : index
    %swap3A_240 = arith.constant 0 : index
    %swap3A_241 = vector.load %arg4[%swap3A_236, %swap3A_237, %swap3A_238, %swap3A_239, %swap3A_240] : memref<2x1x4x256x128xi32, #tpu.memory_space<vmem>>, vector<1x1x1x256x128xi32>
    %swap3A_242 = vector.shape_cast %swap3A_241 : vector<1x1x1x256x128xi32> to vector<256x128xi32>
    %swap3A_243 = vector.shape_cast %select_n3A_235 : vector<256x128xi32> to vector<1x1x1x256x128xi32>
    tpu.vector_store %arg4[%swap3A_236, %swap3A_237, %swap3A_238, %swap3A_239, %swap3A_240], %swap3A_243 {strides = array<i32>} : memref<2x1x4x256x128xi32, #tpu.memory_space<vmem>>, vector<1x1x1x256x128xi32>,
    %add3A_244 = arith.constant 1.000000e+00 : f32
    %add3A_245 = vector.broadcast %add3A_244 : f32 to vector<256x128xf32>
    %add3A_246 = arith.addf %floor3A, %add3A_245 : vector<256x128xf32>
    %convert_element_type3A_247 = arith.fptosi %add3A_246 : vector<256x128xf32> to vector<256x128xi32>
    %jit3A_248 = arith.constant 0 : i32
    %jit3A_249 = arith.constant 511 : i32
    %max3A_250 = vector.broadcast %jit3A_248 : i32 to vector<256x128xi32>
    %max3A_251 = arith.maxsi %max3A_250, %convert_element_type3A_247 : vector<256x128xi32>
    %min3A_252 = vector.broadcast %jit3A_249 : i32 to vector<256x128xi32>
    %min3A_253 = arith.minsi %min3A_252, %max3A_251 : vector<256x128xi32>
    %ge3A_254 = arith.constant 0.000000e+00 : f32
    %ge3A_255 = vector.broadcast %ge3A_254 : f32 to vector<256x128xf32>
    %ge3A_256 = arith.cmpf oge, %add3A_246, %ge3A_255 : vector<256x128xf32>
    %and3A_257 = arith.andi %and3A_181, %ge3A_256 : vector<256x128xi1>
    %lt3A_258 = arith.constant 5.120000e+02 : f32
    %lt3A_259 = vector.broadcast %lt3A_258 : f32 to vector<256x128xf32>
    %lt3A_260 = arith.cmpf olt, %add3A_246, %lt3A_259 : vector<256x128xf32>
    %and3A_261 = arith.andi %and3A_257, %lt3A_260 : vector<256x128xi1>
    %mul3A_262 = arith.mulf %sub3A_43, %sub3A_171 : vector<256x128xf32>
    %jit3A_263 = arith.constant 0.000000e+00 : f32
    %broadcast_in_dim3A_264 = vector.broadcast %jit3A_263 : f32 to vector<256x128xf32>
    %select_n3A_265 = arith.select %and3A_261, %mul3A_262, %broadcast_in_dim3A_264 : vector<256x128xi1>, vector<256x128xf32>
    %swap3A_266 = arith.constant 0 : index
    %swap3A_267 = arith.constant 1 : index
    %swap3A_268 = arith.constant 0 : index
    %swap3A_269 = arith.constant 0 : index
    %swap3A_270 = vector.load %arg5[%swap3A_266, %swap3A_267, %swap3A_268, %swap3A_269] : memref<1x4x256x128xf32, #tpu.memory_space<vmem>>, vector<1x1x256x128xf32>
    %swap3A_271 = vector.shape_cast %swap3A_270 : vector<1x1x256x128xf32> to vector<256x128xf32>
    %swap3A_272 = vector.shape_cast %select_n3A_265 : vector<256x128xf32> to vector<1x1x256x128xf32>
    tpu.vector_store %arg5[%swap3A_266, %swap3A_267, %swap3A_268, %swap3A_269], %swap3A_272 {strides = array<i32>} : memref<1x4x256x128xf32, #tpu.memory_space<vmem>>, vector<1x1x256x128xf32>,
    %mul3A_273 = arith.constant 512 : i32
    %mul3A_274 = vector.broadcast %mul3A_273 : i32 to vector<256x128xi32>
    %mul3A_275 = arith.muli %min3A_176, %mul3A_274 : vector<256x128xi32>
    %add3A_276 = arith.addi %mul3A_275, %min3A_253 : vector<256x128xi32>
    %lt3A_277 = arith.constant 131072 : i32
    %lt3A_278 = vector.broadcast %lt3A_277 : i32 to vector<256x128xi32>
    %lt3A_279 = arith.cmpi slt, %add3A_276, %lt3A_278 : vector<256x128xi32>
    %select_n3A_280 = arith.select %lt3A_279, %add3A_276, %add3A_54 : vector<256x128xi1>, vector<256x128xi32>
    %swap3A_281 = arith.constant 0 : index
    %swap3A_282 = arith.constant 0 : index
    %swap3A_283 = arith.constant 1 : index
    %swap3A_284 = arith.constant 0 : index
    %swap3A_285 = arith.constant 0 : index
    %swap3A_286 = vector.load %arg4[%swap3A_281, %swap3A_282, %swap3A_283, %swap3A_284, %swap3A_285] : memref<2x1x4x256x128xi32, #tpu.memory_space<vmem>>, vector<1x1x1x256x128xi32>
    %swap3A_287 = vector.shape_cast %swap3A_286 : vector<1x1x1x256x128xi32> to vector<256x128xi32>
    %swap3A_288 = vector.shape_cast %select_n3A_280 : vector<256x128xi32> to vector<1x1x1x256x128xi32>
    tpu.vector_store %arg4[%swap3A_281, %swap3A_282, %swap3A_283, %swap3A_284, %swap3A_285], %swap3A_288 {strides = array<i32>} : memref<2x1x4x256x128xi32, #tpu.memory_space<vmem>>, vector<1x1x1x256x128xi32>,
    %ge3A_289 = arith.constant 131072 : i32
    %ge3A_290 = vector.broadcast %ge3A_289 : i32 to vector<256x128xi32>
    %ge3A_291 = arith.cmpi sge, %add3A_276, %ge3A_290 : vector<256x128xi32>
    %sub3A_292 = arith.constant 131072 : i32
    %sub3A_293 = vector.broadcast %sub3A_292 : i32 to vector<256x128xi32>
    %sub3A_294 = arith.subi %add3A_276, %sub3A_293 : vector<256x128xi32>
    %select_n3A_295 = arith.select %ge3A_291, %sub3A_294, %add3A_54 : vector<256x128xi1>, vector<256x128xi32>
    %swap3A_296 = arith.constant 1 : index
    %swap3A_297 = arith.constant 0 : index
    %swap3A_298 = arith.constant 1 : index
    %swap3A_299 = arith.constant 0 : index
    %swap3A_300 = arith.constant 0 : index
    %swap3A_301 = vector.load %arg4[%swap3A_296, %swap3A_297, %swap3A_298, %swap3A_299, %swap3A_300] : memref<2x1x4x256x128xi32, #tpu.memory_space<vmem>>, vector<1x1x1x256x128xi32>
    %swap3A_302 = vector.shape_cast %swap3A_301 : vector<1x1x1x256x128xi32> to vector<256x128xi32>
    %swap3A_303 = vector.shape_cast %select_n3A_295 : vector<256x128xi32> to vector<1x1x1x256x128xi32>
    tpu.vector_store %arg4[%swap3A_296, %swap3A_297, %swap3A_298, %swap3A_299, %swap3A_300], %swap3A_303 {strides = array<i32>} : memref<2x1x4x256x128xi32, #tpu.memory_space<vmem>>, vector<1x1x1x256x128xi32>,
    %add3A_304 = arith.constant 1.000000e+00 : f32
    %add3A_305 = vector.broadcast %add3A_304 : f32 to vector<256x128xf32>
    %add3A_306 = arith.addf %floor3A_42, %add3A_305 : vector<256x128xf32>
    %convert_element_type3A_307 = arith.fptosi %add3A_306 : vector<256x128xf32> to vector<256x128xi32>
    %jit3A_308 = arith.constant 0 : i32
    %jit3A_309 = arith.constant 511 : i32
    %max3A_310 = vector.broadcast %jit3A_308 : i32 to vector<256x128xi32>
    %max3A_311 = arith.maxsi %max3A_310, %convert_element_type3A_307 : vector<256x128xi32>
    %min3A_312 = vector.broadcast %jit3A_309 : i32 to vector<256x128xi32>
    %min3A_313 = arith.minsi %min3A_312, %max3A_311 : vector<256x128xi32>
    %ge3A_314 = arith.constant 0.000000e+00 : f32
    %ge3A_315 = vector.broadcast %ge3A_314 : f32 to vector<256x128xf32>
    %ge3A_316 = arith.cmpf oge, %add3A_306, %ge3A_315 : vector<256x128xf32>
    %lt3A_317 = arith.constant 5.120000e+02 : f32
    %lt3A_318 = vector.broadcast %lt3A_317 : f32 to vector<256x128xf32>
    %lt3A_319 = arith.cmpf olt, %add3A_306, %lt3A_318 : vector<256x128xf32>
    %and3A_320 = arith.andi %ge3A_316, %lt3A_319 : vector<256x128xi1>
    %add3A_321 = arith.constant 0.000000e+00 : f32
    %add3A_322 = vector.broadcast %add3A_321 : f32 to vector<256x128xf32>
    %add3A_323 = arith.addf %floor3A, %add3A_322 : vector<256x128xf32>
    %sub3A_324 = arith.constant 1.000000e+00 : f32
    %sub3A_325 = vector.broadcast %sub3A_324 : f32 to vector<256x128xf32>
    %sub3A_326 = arith.subf %sub3A_325, %sub3A_43 : vector<256x128xf32>
    %convert_element_type3A_327 = arith.fptosi %add3A_323 : vector<256x128xf32> to vector<256x128xi32>
    %jit3A_328 = arith.constant 0 : i32
    %jit3A_329 = arith.constant 511 : i32
    %max3A_330 = vector.broadcast %jit3A_328 : i32 to vector<256x128xi32>
    %max3A_331 = arith.maxsi %max3A_330, %convert_element_type3A_327 : vector<256x128xi32>
    %min3A_332 = vector.broadcast %jit3A_329 : i32 to vector<256x128xi32>
    %min3A_333 = arith.minsi %min3A_332, %max3A_331 : vector<256x128xi32>
    %ge3A_334 = arith.constant 0.000000e+00 : f32
    %ge3A_335 = vector.broadcast %ge3A_334 : f32 to vector<256x128xf32>
    %ge3A_336 = arith.cmpf oge, %add3A_323, %ge3A_335 : vector<256x128xf32>
    %and3A_337 = arith.andi %and3A_320, %ge3A_336 : vector<256x128xi1>
    %lt3A_338 = arith.constant 5.120000e+02 : f32
    %lt3A_339 = vector.broadcast %lt3A_338 : f32 to vector<256x128xf32>
    %lt3A_340 = arith.cmpf olt, %add3A_323, %lt3A_339 : vector<256x128xf32>
    %and3A_341 = arith.andi %and3A_337, %lt3A_340 : vector<256x128xi1>
    %mul3A_342 = arith.mulf %sub3A_326, %sub3A_44 : vector<256x128xf32>
    %jit3A_343 = arith.constant 0.000000e+00 : f32
    %broadcast_in_dim3A_344 = vector.broadcast %jit3A_343 : f32 to vector<256x128xf32>
    %select_n3A_345 = arith.select %and3A_341, %mul3A_342, %broadcast_in_dim3A_344 : vector<256x128xi1>, vector<256x128xf32>
    %swap3A_346 = arith.constant 0 : index
    %swap3A_347 = arith.constant 2 : index
    %swap3A_348 = arith.constant 0 : index
    %swap3A_349 = arith.constant 0 : index
    %swap3A_350 = vector.load %arg5[%swap3A_346, %swap3A_347, %swap3A_348, %swap3A_349] : memref<1x4x256x128xf32, #tpu.memory_space<vmem>>, vector<1x1x256x128xf32>
    %swap3A_351 = vector.shape_cast %swap3A_350 : vector<1x1x256x128xf32> to vector<256x128xf32>
    %swap3A_352 = vector.shape_cast %select_n3A_345 : vector<256x128xf32> to vector<1x1x256x128xf32>
    tpu.vector_store %arg5[%swap3A_346, %swap3A_347, %swap3A_348, %swap3A_349], %swap3A_352 {strides = array<i32>} : memref<1x4x256x128xf32, #tpu.memory_space<vmem>>, vector<1x1x256x128xf32>,
    %mul3A_353 = arith.constant 512 : i32
    %mul3A_354 = vector.broadcast %mul3A_353 : i32 to vector<256x128xi32>
    %mul3A_355 = arith.muli %min3A_313, %mul3A_354 : vector<256x128xi32>
    %add3A_356 = arith.addi %mul3A_355, %min3A_333 : vector<256x128xi32>
    %lt3A_357 = arith.constant 131072 : i32
    %lt3A_358 = vector.broadcast %lt3A_357 : i32 to vector<256x128xi32>
    %lt3A_359 = arith.cmpi slt, %add3A_356, %lt3A_358 : vector<256x128xi32>
    %select_n3A_360 = arith.select %lt3A_359, %add3A_356, %add3A_54 : vector<256x128xi1>, vector<256x128xi32>
    %swap3A_361 = arith.constant 0 : index
    %swap3A_362 = arith.constant 0 : index
    %swap3A_363 = arith.constant 2 : index
    %swap3A_364 = arith.constant 0 : index
    %swap3A_365 = arith.constant 0 : index
    %swap3A_366 = vector.load %arg4[%swap3A_361, %swap3A_362, %swap3A_363, %swap3A_364, %swap3A_365] : memref<2x1x4x256x128xi32, #tpu.memory_space<vmem>>, vector<1x1x1x256x128xi32>
    %swap3A_367 = vector.shape_cast %swap3A_366 : vector<1x1x1x256x128xi32> to vector<256x128xi32>
    %swap3A_368 = vector.shape_cast %select_n3A_360 : vector<256x128xi32> to vector<1x1x1x256x128xi32>
    tpu.vector_store %arg4[%swap3A_361, %swap3A_362, %swap3A_363, %swap3A_364, %swap3A_365], %swap3A_368 {strides = array<i32>} : memref<2x1x4x256x128xi32, #tpu.memory_space<vmem>>, vector<1x1x1x256x128xi32>,
    %ge3A_369 = arith.constant 131072 : i32
    %ge3A_370 = vector.broadcast %ge3A_369 : i32 to vector<256x128xi32>
    %ge3A_371 = arith.cmpi sge, %add3A_356, %ge3A_370 : vector<256x128xi32>
    %sub3A_372 = arith.constant 131072 : i32
    %sub3A_373 = vector.broadcast %sub3A_372 : i32 to vector<256x128xi32>
    %sub3A_374 = arith.subi %add3A_356, %sub3A_373 : vector<256x128xi32>
    %select_n3A_375 = arith.select %ge3A_371, %sub3A_374, %add3A_54 : vector<256x128xi1>, vector<256x128xi32>
    %swap3A_376 = arith.constant 1 : index
    %swap3A_377 = arith.constant 0 : index
    %swap3A_378 = arith.constant 2 : index
    %swap3A_379 = arith.constant 0 : index
    %swap3A_380 = arith.constant 0 : index
    %swap3A_381 = vector.load %arg4[%swap3A_376, %swap3A_377, %swap3A_378, %swap3A_379, %swap3A_380] : memref<2x1x4x256x128xi32, #tpu.memory_space<vmem>>, vector<1x1x1x256x128xi32>
    %swap3A_382 = vector.shape_cast %swap3A_381 : vector<1x1x1x256x128xi32> to vector<256x128xi32>
    %swap3A_383 = vector.shape_cast %select_n3A_375 : vector<256x128xi32> to vector<1x1x1x256x128xi32>
    tpu.vector_store %arg4[%swap3A_376, %swap3A_377, %swap3A_378, %swap3A_379, %swap3A_380], %swap3A_383 {strides = array<i32>} : memref<2x1x4x256x128xi32, #tpu.memory_space<vmem>>, vector<1x1x1x256x128xi32>,
    %add3A_384 = arith.constant 1.000000e+00 : f32
    %add3A_385 = vector.broadcast %add3A_384 : f32 to vector<256x128xf32>
    %add3A_386 = arith.addf %floor3A, %add3A_385 : vector<256x128xf32>
    %convert_element_type3A_387 = arith.fptosi %add3A_386 : vector<256x128xf32> to vector<256x128xi32>
    %jit3A_388 = arith.constant 0 : i32
    %jit3A_389 = arith.constant 511 : i32
    %max3A_390 = vector.broadcast %jit3A_388 : i32 to vector<256x128xi32>
    %max3A_391 = arith.maxsi %max3A_390, %convert_element_type3A_387 : vector<256x128xi32>
    %min3A_392 = vector.broadcast %jit3A_389 : i32 to vector<256x128xi32>
    %min3A_393 = arith.minsi %min3A_392, %max3A_391 : vector<256x128xi32>
    %ge3A_394 = arith.constant 0.000000e+00 : f32
    %ge3A_395 = vector.broadcast %ge3A_394 : f32 to vector<256x128xf32>
    %ge3A_396 = arith.cmpf oge, %add3A_386, %ge3A_395 : vector<256x128xf32>
    %and3A_397 = arith.andi %and3A_320, %ge3A_396 : vector<256x128xi1>
    %lt3A_398 = arith.constant 5.120000e+02 : f32
    %lt3A_399 = vector.broadcast %lt3A_398 : f32 to vector<256x128xf32>
    %lt3A_400 = arith.cmpf olt, %add3A_386, %lt3A_399 : vector<256x128xf32>
    %and3A_401 = arith.andi %and3A_397, %lt3A_400 : vector<256x128xi1>
    %mul3A_402 = arith.mulf %sub3A_43, %sub3A_44 : vector<256x128xf32>
    %jit3A_403 = arith.constant 0.000000e+00 : f32
    %broadcast_in_dim3A_404 = vector.broadcast %jit3A_403 : f32 to vector<256x128xf32>
    %select_n3A_405 = arith.select %and3A_401, %mul3A_402, %broadcast_in_dim3A_404 : vector<256x128xi1>, vector<256x128xf32>
    %swap3A_406 = arith.constant 0 : index
    %swap3A_407 = arith.constant 3 : index
    %swap3A_408 = arith.constant 0 : index
    %swap3A_409 = arith.constant 0 : index
    %swap3A_410 = vector.load %arg5[%swap3A_406, %swap3A_407, %swap3A_408, %swap3A_409] : memref<1x4x256x128xf32, #tpu.memory_space<vmem>>, vector<1x1x256x128xf32>
    %swap3A_411 = vector.shape_cast %swap3A_410 : vector<1x1x256x128xf32> to vector<256x128xf32>
    %swap3A_412 = vector.shape_cast %select_n3A_405 : vector<256x128xf32> to vector<1x1x256x128xf32>
    tpu.vector_store %arg5[%swap3A_406, %swap3A_407, %swap3A_408, %swap3A_409], %swap3A_412 {strides = array<i32>} : memref<1x4x256x128xf32, #tpu.memory_space<vmem>>, vector<1x1x256x128xf32>,
    %mul3A_413 = arith.constant 512 : i32
    %mul3A_414 = vector.broadcast %mul3A_413 : i32 to vector<256x128xi32>
    %mul3A_415 = arith.muli %min3A_313, %mul3A_414 : vector<256x128xi32>
    %add3A_416 = arith.addi %mul3A_415, %min3A_393 : vector<256x128xi32>
    %lt3A_417 = arith.constant 131072 : i32
    %lt3A_418 = vector.broadcast %lt3A_417 : i32 to vector<256x128xi32>
    %lt3A_419 = arith.cmpi slt, %add3A_416, %lt3A_418 : vector<256x128xi32>
    %select_n3A_420 = arith.select %lt3A_419, %add3A_416, %add3A_54 : vector<256x128xi1>, vector<256x128xi32>
    %swap3A_421 = arith.constant 0 : index
    %swap3A_422 = arith.constant 0 : index
    %swap3A_423 = arith.constant 3 : index
    %swap3A_424 = arith.constant 0 : index
    %swap3A_425 = arith.constant 0 : index
    %swap3A_426 = vector.load %arg4[%swap3A_421, %swap3A_422, %swap3A_423, %swap3A_424, %swap3A_425] : memref<2x1x4x256x128xi32, #tpu.memory_space<vmem>>, vector<1x1x1x256x128xi32>
    %swap3A_427 = vector.shape_cast %swap3A_426 : vector<1x1x1x256x128xi32> to vector<256x128xi32>
    %swap3A_428 = vector.shape_cast %select_n3A_420 : vector<256x128xi32> to vector<1x1x1x256x128xi32>
    tpu.vector_store %arg4[%swap3A_421, %swap3A_422, %swap3A_423, %swap3A_424, %swap3A_425], %swap3A_428 {strides = array<i32>} : memref<2x1x4x256x128xi32, #tpu.memory_space<vmem>>, vector<1x1x1x256x128xi32>,
    %ge3A_429 = arith.constant 131072 : i32
    %ge3A_430 = vector.broadcast %ge3A_429 : i32 to vector<256x128xi32>
    %ge3A_431 = arith.cmpi sge, %add3A_416, %ge3A_430 : vector<256x128xi32>
    %sub3A_432 = arith.constant 131072 : i32
    %sub3A_433 = vector.broadcast %sub3A_432 : i32 to vector<256x128xi32>
    %sub3A_434 = arith.subi %add3A_416, %sub3A_433 : vector<256x128xi32>
    %select_n3A_435 = arith.select %ge3A_431, %sub3A_434, %add3A_54 : vector<256x128xi1>, vector<256x128xi32>
    %swap3A_436 = arith.constant 1 : index
    %swap3A_437 = arith.constant 0 : index
    %swap3A_438 = arith.constant 3 : index
    %swap3A_439 = arith.constant 0 : index
    %swap3A_440 = arith.constant 0 : index
    %swap3A_441 = vector.load %arg4[%swap3A_436, %swap3A_437, %swap3A_438, %swap3A_439, %swap3A_440] : memref<2x1x4x256x128xi32, #tpu.memory_space<vmem>>, vector<1x1x1x256x128xi32>
    %swap3A_442 = vector.shape_cast %swap3A_441 : vector<1x1x1x256x128xi32> to vector<256x128xi32>
    %swap3A_443 = vector.shape_cast %select_n3A_435 : vector<256x128xi32> to vector<1x1x1x256x128xi32>
    tpu.vector_store %arg4[%swap3A_436, %swap3A_437, %swap3A_438, %swap3A_439, %swap3A_440], %swap3A_443 {strides = array<i32>} : memref<2x1x4x256x128xi32, #tpu.memory_space<vmem>>, vector<1x1x1x256x128xi32>,
    return
  }
  func.func @transform_0(%arg0: i32, %arg1: i32) -> (i32, i32, i32, i32) {
    %c0_i32 = arith.constant 0 : i32
    %c0_i32_0 = arith.constant 0 : i32
    %c0_i32_1 = arith.constant 0 : i32
    return %arg0, %c0_i32, %arg1, %c0_i32_0 : i32, i32, i32, i32
  }
  func.func @transform_1(%arg0: i32, %arg1: i32) -> (i32, i32, i32) {
    %c0_i32 = arith.constant 0 : i32
    %c0_i32_0 = arith.constant 0 : i32
    return %arg0, %arg1, %c0_i32 : i32, i32, i32
  }
  func.func @transform_2(%arg0: i32, %arg1: i32) -> (i32, i32, i32, i32, i32) {
    %c0_i32 = arith.constant 0 : i32
    %c0_i32_0 = arith.constant 0 : i32
    %c0_i32_1 = arith.constant 0 : i32
    %c0_i32_2 = arith.constant 0 : i32
    return %c0_i32, %arg0, %c0_i32_0, %arg1, %c0_i32_1 : i32, i32, i32, i32, i32
  }
  func.func @transform_3(%arg0: i32, %arg1: i32) -> (i32, i32, i32, i32) {
    %c0_i32 = arith.constant 0 : i32
    %c0_i32_0 = arith.constant 0 : i32
    %c0_i32_1 = arith.constant 0 : i32
    return %arg0, %c0_i32, %arg1, %c0_i32_0 : i32, i32, i32, i32
  }
  func.func @transform_4(%arg0: i32, %arg1: i32) -> (i32, i32, i32, i32) {
    %c0_i32 = arith.constant 0 : i32
    %c0_i32_0 = arith.constant 0 : i32
    %c0_i32_1 = arith.constant 0 : i32
    return %arg0, %c0_i32, %arg1, %c0_i32_0 : i32, i32, i32, i32
  }
}

module attributes {stable_mosaic.version = 14 : i64} {
  func.func @_post_kernel(%arg0: i32, %arg1: i32, %arg2: memref<1x2048x128xf32, #tpu.memory_space<vmem>>, %arg3: memref<1x8x64x512xf32, #tpu.memory_space<vmem>>) attributes {dimension_semantics = [#tpu.dimension_semantics<arbitrary>, #tpu.dimension_semantics<arbitrary>], iteration_bounds = array<i64: 4, 8>, scalar_prefetch = 0 : i64, scratch_operands = 0 : i64, tpu.core_type = #tpu.core_type<tc>, window_params = [{transform_indices = @transform_0, window_bounds = array<i64: 1, 2048, 128>}, {transform_indices = @transform_1, window_bounds = array<i64: 1, 8, 64, 512>}]} {
    %get3A = arith.constant 0 : index
    %get3A_0 = arith.constant 0 : index
    %get3A_1 = arith.constant 0 : index
    %get3A_2 = vector.load %arg2[%get3A, %get3A_0, %get3A_1] : memref<1x2048x128xf32, #tpu.memory_space<vmem>>, vector<1x2048x128xf32>
    %get3A_3 = vector.shape_cast %get3A_2 : vector<1x2048x128xf32> to vector<2048x128xf32>
    %reshape3A = vector.shape_cast %get3A_3 : vector<2048x128xf32> to vector<2048x16x8xf32>
    %transpose3A = tpu.transpose %reshape3A, [2, 0, 1] : vector<2048x16x8xf32> -> vector<8x2048x16xf32>
    %reshape3A_4 = vector.shape_cast %transpose3A : vector<8x2048x16xf32> to vector<8x32768xf32>
    %slice3A = vector.extract_strided_slice %reshape3A_4 {offsets = [0, 0], sizes = [1, 32768], strides = [1, 1]} : vector<8x32768xf32> to vector<1x32768xf32>
    %squeeze3A = vector.shape_cast %slice3A : vector<1x32768xf32> to vector<32768xf32>
    %reshape3A_5 = vector.shape_cast %squeeze3A : vector<32768xf32> to vector<64x512xf32>
    %swap3A = arith.constant 0 : index
    %swap3A_6 = arith.constant 0 : index
    %swap3A_7 = arith.constant 0 : index
    %swap3A_8 = arith.constant 0 : index
    %swap3A_9 = vector.load %arg3[%swap3A, %swap3A_6, %swap3A_7, %swap3A_8] : memref<1x8x64x512xf32, #tpu.memory_space<vmem>>, vector<1x1x64x512xf32>
    %swap3A_10 = vector.shape_cast %swap3A_9 : vector<1x1x64x512xf32> to vector<64x512xf32>
    %swap3A_11 = vector.shape_cast %reshape3A_5 : vector<64x512xf32> to vector<1x1x64x512xf32>
    tpu.vector_store %arg3[%swap3A, %swap3A_6, %swap3A_7, %swap3A_8], %swap3A_11 {strides = array<i32>} : memref<1x8x64x512xf32, #tpu.memory_space<vmem>>, vector<1x1x64x512xf32>,
    %slice3A_12 = vector.extract_strided_slice %reshape3A_4 {offsets = [1, 0], sizes = [1, 32768], strides = [1, 1]} : vector<8x32768xf32> to vector<1x32768xf32>
    %squeeze3A_13 = vector.shape_cast %slice3A_12 : vector<1x32768xf32> to vector<32768xf32>
    %reshape3A_14 = vector.shape_cast %squeeze3A_13 : vector<32768xf32> to vector<64x512xf32>
    %swap3A_15 = arith.constant 0 : index
    %swap3A_16 = arith.constant 1 : index
    %swap3A_17 = arith.constant 0 : index
    %swap3A_18 = arith.constant 0 : index
    %swap3A_19 = vector.load %arg3[%swap3A_15, %swap3A_16, %swap3A_17, %swap3A_18] : memref<1x8x64x512xf32, #tpu.memory_space<vmem>>, vector<1x1x64x512xf32>
    %swap3A_20 = vector.shape_cast %swap3A_19 : vector<1x1x64x512xf32> to vector<64x512xf32>
    %swap3A_21 = vector.shape_cast %reshape3A_14 : vector<64x512xf32> to vector<1x1x64x512xf32>
    tpu.vector_store %arg3[%swap3A_15, %swap3A_16, %swap3A_17, %swap3A_18], %swap3A_21 {strides = array<i32>} : memref<1x8x64x512xf32, #tpu.memory_space<vmem>>, vector<1x1x64x512xf32>,
    %slice3A_22 = vector.extract_strided_slice %reshape3A_4 {offsets = [2, 0], sizes = [1, 32768], strides = [1, 1]} : vector<8x32768xf32> to vector<1x32768xf32>
    %squeeze3A_23 = vector.shape_cast %slice3A_22 : vector<1x32768xf32> to vector<32768xf32>
    %reshape3A_24 = vector.shape_cast %squeeze3A_23 : vector<32768xf32> to vector<64x512xf32>
    %swap3A_25 = arith.constant 0 : index
    %swap3A_26 = arith.constant 2 : index
    %swap3A_27 = arith.constant 0 : index
    %swap3A_28 = arith.constant 0 : index
    %swap3A_29 = vector.load %arg3[%swap3A_25, %swap3A_26, %swap3A_27, %swap3A_28] : memref<1x8x64x512xf32, #tpu.memory_space<vmem>>, vector<1x1x64x512xf32>
    %swap3A_30 = vector.shape_cast %swap3A_29 : vector<1x1x64x512xf32> to vector<64x512xf32>
    %swap3A_31 = vector.shape_cast %reshape3A_24 : vector<64x512xf32> to vector<1x1x64x512xf32>
    tpu.vector_store %arg3[%swap3A_25, %swap3A_26, %swap3A_27, %swap3A_28], %swap3A_31 {strides = array<i32>} : memref<1x8x64x512xf32, #tpu.memory_space<vmem>>, vector<1x1x64x512xf32>,
    %slice3A_32 = vector.extract_strided_slice %reshape3A_4 {offsets = [3, 0], sizes = [1, 32768], strides = [1, 1]} : vector<8x32768xf32> to vector<1x32768xf32>
    %squeeze3A_33 = vector.shape_cast %slice3A_32 : vector<1x32768xf32> to vector<32768xf32>
    %reshape3A_34 = vector.shape_cast %squeeze3A_33 : vector<32768xf32> to vector<64x512xf32>
    %swap3A_35 = arith.constant 0 : index
    %swap3A_36 = arith.constant 3 : index
    %swap3A_37 = arith.constant 0 : index
    %swap3A_38 = arith.constant 0 : index
    %swap3A_39 = vector.load %arg3[%swap3A_35, %swap3A_36, %swap3A_37, %swap3A_38] : memref<1x8x64x512xf32, #tpu.memory_space<vmem>>, vector<1x1x64x512xf32>
    %swap3A_40 = vector.shape_cast %swap3A_39 : vector<1x1x64x512xf32> to vector<64x512xf32>
    %swap3A_41 = vector.shape_cast %reshape3A_34 : vector<64x512xf32> to vector<1x1x64x512xf32>
    tpu.vector_store %arg3[%swap3A_35, %swap3A_36, %swap3A_37, %swap3A_38], %swap3A_41 {strides = array<i32>} : memref<1x8x64x512xf32, #tpu.memory_space<vmem>>, vector<1x1x64x512xf32>,
    %slice3A_42 = vector.extract_strided_slice %reshape3A_4 {offsets = [4, 0], sizes = [1, 32768], strides = [1, 1]} : vector<8x32768xf32> to vector<1x32768xf32>
    %squeeze3A_43 = vector.shape_cast %slice3A_42 : vector<1x32768xf32> to vector<32768xf32>
    %reshape3A_44 = vector.shape_cast %squeeze3A_43 : vector<32768xf32> to vector<64x512xf32>
    %swap3A_45 = arith.constant 0 : index
    %swap3A_46 = arith.constant 4 : index
    %swap3A_47 = arith.constant 0 : index
    %swap3A_48 = arith.constant 0 : index
    %swap3A_49 = vector.load %arg3[%swap3A_45, %swap3A_46, %swap3A_47, %swap3A_48] : memref<1x8x64x512xf32, #tpu.memory_space<vmem>>, vector<1x1x64x512xf32>
    %swap3A_50 = vector.shape_cast %swap3A_49 : vector<1x1x64x512xf32> to vector<64x512xf32>
    %swap3A_51 = vector.shape_cast %reshape3A_44 : vector<64x512xf32> to vector<1x1x64x512xf32>
    tpu.vector_store %arg3[%swap3A_45, %swap3A_46, %swap3A_47, %swap3A_48], %swap3A_51 {strides = array<i32>} : memref<1x8x64x512xf32, #tpu.memory_space<vmem>>, vector<1x1x64x512xf32>,
    %slice3A_52 = vector.extract_strided_slice %reshape3A_4 {offsets = [5, 0], sizes = [1, 32768], strides = [1, 1]} : vector<8x32768xf32> to vector<1x32768xf32>
    %squeeze3A_53 = vector.shape_cast %slice3A_52 : vector<1x32768xf32> to vector<32768xf32>
    %reshape3A_54 = vector.shape_cast %squeeze3A_53 : vector<32768xf32> to vector<64x512xf32>
    %swap3A_55 = arith.constant 0 : index
    %swap3A_56 = arith.constant 5 : index
    %swap3A_57 = arith.constant 0 : index
    %swap3A_58 = arith.constant 0 : index
    %swap3A_59 = vector.load %arg3[%swap3A_55, %swap3A_56, %swap3A_57, %swap3A_58] : memref<1x8x64x512xf32, #tpu.memory_space<vmem>>, vector<1x1x64x512xf32>
    %swap3A_60 = vector.shape_cast %swap3A_59 : vector<1x1x64x512xf32> to vector<64x512xf32>
    %swap3A_61 = vector.shape_cast %reshape3A_54 : vector<64x512xf32> to vector<1x1x64x512xf32>
    tpu.vector_store %arg3[%swap3A_55, %swap3A_56, %swap3A_57, %swap3A_58], %swap3A_61 {strides = array<i32>} : memref<1x8x64x512xf32, #tpu.memory_space<vmem>>, vector<1x1x64x512xf32>,
    %slice3A_62 = vector.extract_strided_slice %reshape3A_4 {offsets = [6, 0], sizes = [1, 32768], strides = [1, 1]} : vector<8x32768xf32> to vector<1x32768xf32>
    %squeeze3A_63 = vector.shape_cast %slice3A_62 : vector<1x32768xf32> to vector<32768xf32>
    %reshape3A_64 = vector.shape_cast %squeeze3A_63 : vector<32768xf32> to vector<64x512xf32>
    %swap3A_65 = arith.constant 0 : index
    %swap3A_66 = arith.constant 6 : index
    %swap3A_67 = arith.constant 0 : index
    %swap3A_68 = arith.constant 0 : index
    %swap3A_69 = vector.load %arg3[%swap3A_65, %swap3A_66, %swap3A_67, %swap3A_68] : memref<1x8x64x512xf32, #tpu.memory_space<vmem>>, vector<1x1x64x512xf32>
    %swap3A_70 = vector.shape_cast %swap3A_69 : vector<1x1x64x512xf32> to vector<64x512xf32>
    %swap3A_71 = vector.shape_cast %reshape3A_64 : vector<64x512xf32> to vector<1x1x64x512xf32>
    tpu.vector_store %arg3[%swap3A_65, %swap3A_66, %swap3A_67, %swap3A_68], %swap3A_71 {strides = array<i32>} : memref<1x8x64x512xf32, #tpu.memory_space<vmem>>, vector<1x1x64x512xf32>,
    %slice3A_72 = vector.extract_strided_slice %reshape3A_4 {offsets = [7, 0], sizes = [1, 32768], strides = [1, 1]} : vector<8x32768xf32> to vector<1x32768xf32>
    %squeeze3A_73 = vector.shape_cast %slice3A_72 : vector<1x32768xf32> to vector<32768xf32>
    %reshape3A_74 = vector.shape_cast %squeeze3A_73 : vector<32768xf32> to vector<64x512xf32>
    %swap3A_75 = arith.constant 0 : index
    %swap3A_76 = arith.constant 7 : index
    %swap3A_77 = arith.constant 0 : index
    %swap3A_78 = arith.constant 0 : index
    %swap3A_79 = vector.load %arg3[%swap3A_75, %swap3A_76, %swap3A_77, %swap3A_78] : memref<1x8x64x512xf32, #tpu.memory_space<vmem>>, vector<1x1x64x512xf32>
    %swap3A_80 = vector.shape_cast %swap3A_79 : vector<1x1x64x512xf32> to vector<64x512xf32>
    %swap3A_81 = vector.shape_cast %reshape3A_74 : vector<64x512xf32> to vector<1x1x64x512xf32>
    tpu.vector_store %arg3[%swap3A_75, %swap3A_76, %swap3A_77, %swap3A_78], %swap3A_81 {strides = array<i32>} : memref<1x8x64x512xf32, #tpu.memory_space<vmem>>, vector<1x1x64x512xf32>,
    return
  }
  func.func @transform_0(%arg0: i32, %arg1: i32) -> (i32, i32, i32) {
    %c0_i32 = arith.constant 0 : i32
    %c0_i32_0 = arith.constant 0 : i32
    return %arg0, %arg1, %c0_i32 : i32, i32, i32
  }
  func.func @transform_1(%arg0: i32, %arg1: i32) -> (i32, i32, i32, i32) {
    %c0_i32 = arith.constant 0 : i32
    %c0_i32_0 = arith.constant 0 : i32
    %c0_i32_1 = arith.constant 0 : i32
    return %arg0, %c0_i32, %arg1, %c0_i32_0 : i32, i32, i32, i32
  }
}

</mosaic_0001>

<sc_bundles>
// kernel: kernel.5.cloned.1.call-start
scs
__scs_entry_jumppad:
0x0: {  	(pc) =	sbr.rel $0x88, $3  }
0x1: {  	(tag) =	ssettag $0x0;
	lr =	simm.s32 $0x1  }
0x2: {  	[smem:$0x3F9F] =	sst lr;
	_ =	strace $0xD0000000  }
0x3: {  	_ = 	snop  }
0x4: {  	_ = 	snop  }
0x5: {  	_ = 	snop  }
0x6: {  	_ = 	snop  }
0x7: {  	_ = 	snop  }
__scs_overlays_trampoline_lowered:
0x8: {  	[smem:$0x3FAE] =	sst s0  }
0x9: {  	[smem:$0x3FAF] =	sst s1  }
0xa: {  	[smem:$0x3FB0] =	sst s2  }
0xb: {  	[smem:$0x3FB1] =	sst s3  }
0xc: {  	[smem:$0x3FB2] =	sst s4  }
0xd: {  	[smem:$0x3FB3] =	sst s5  }
0xe: {  	[smem:$0x3FB4] =	sst s6  }
0xf: {  	[smem:$0x3FB5] =	sst s7  }
0x10: {  	[smem:$0x3FB6] =	sst s8  }
0x11: {  	[smem:$0x3FB7] =	sst s9;
	s0 =	simm.s32 @!p0 $0x0  }
0x12: {  	s1 =	sld [smem:$0x3F9D];
	s0 =	simm.s32 @p0 $0x1  }
0x13: {  	[smem:$0x3FB8] =	sst s0;
	s0 =	simm.s32 @!p1 $0x0  }
0x14: {  	s2 =	sld [smem:$0x3F9C];
	s0 =	simm.s32 @p1 $0x1  }
0x15: {  	[smem:$0x3FB9] =	sst s0;
	s0 =	simm.s32 @!p2 $0x0  }
0x16: {  	s3 =	sld [smem:$0x3FDB];
	s0 =	simm.s32 @p2 $0x1  }
0x17: {  	s4 =	simm.s32 $0x1BF5;
	[smem:$0x3FBB] =	sst s0  }
0x18: {  	s0 =	sld [smem:$0x3F9E];
	_ =	swait.ge [sflag:s4], $0x0  }
0x19: {  	s7 =	sld [smem:$0x3F9F]  }
0x1a: {  	s8 =	sadd.s32 $0xFFFFE003, lr  }
0x1b: {  	s9 =	sadd.s32 $0xFFFFFEF7, lr;
	s5 =	simm.s32 $0xFFFFFFFF;
	p2 =	slt.u32 s8, $0xFFFFF086  }
0x1c: {  	p1 =	slt.u32 s9, $0xF7A;
	s5 =	simm.s32 @!p2 $0x0  }
0x1d: {  	s5 =	simm.s32 @p1 $0x1;
	p0 =	seq.s32 s7, s2  }
0x1e: {  	s7 =	smul.u32 @!p0 $0xF7A, s2;
	p2 =	seq.s32 @!p0 s5, $0x0  }
0x1f: {  	s9 =	smul.u32 $0xF7A, s1;
	s8 =	simm.s32 @!p0 $0x1BF5;
	p2 =	por !p2, p0  }
0x20: {  	[sflag:s8] =	ssyncset.s32 @!p0 $0xFFFFF086;
	s6 =	sadd.s32 @!p0 s3, s7;
	s7 =	simm.s32 @!p0 $0x108  }
0x21: {  	s3 =	sadd.s32 s3, s9;
	s6 =	sadd.s32 @!p0 $0x88, s6;
	s7 =	simm.s32 @p2 $0x1082  }
0x22: {  	[simem:s7], [sflag:s8] =	dma.local @!p0 [hbm:s6], $0xF7A  }
0x23: {  	s9 =	sor.u32 $0xD0000000, s2;
	s6 =	simm.s32 $0x108;
	_ =	swait.ge @!p0 [sflag:s8], $0x0  }
0x24: {  	s3 =	sadd.s32 $0x88, s3;
	s6 =	simm.s32 @!p1 $0x1082;
	[sflag:s4] =	ssyncset.s32 $0xFFFFF086  }
0x25: {  	[simem:s6], [sflag:s4] =	dma.local [hbm:s3], $0xF7A  }
0x26: {  	[smem:$0x3F9F] =	sst s1;
	(tag) =	ssettag s2;
	_ =	strace s9  }
0x27: {  	s1 =	sld [smem:$0x3FAF]  }
0x28: {  	s2 =	sld [smem:$0x3FB0]  }
0x29: {  	s4 =	sld [smem:$0x3FB2]  }
0x2a: {  	p0 =	seq.s32 s5, $0x0;
	s5 =	sld [smem:$0x3FB3]  }
0x2b: {  	s6 =	sld [smem:$0x3FB4]  }
0x2c: {  	s7 =	sld [smem:$0x3FB5]  }
0x2d: {  	s3 =	simm.s32 $0x108;
	s8 =	sld [smem:$0x3FB6]  }
0x2e: {  	s3 =	simm.s32 @!p0 $0x1082;
	s9 =	sld [smem:$0x3FB7]  }
0x2f: {  	lr =	sadd.s32 s0, s3;
	s0 =	sld [smem:$0x3FAE]  }
0x30: {  	s3 =	sld [smem:$0x3FB1]  }
0x31: {  	[smem:$0x3FBA] =	sst s10  }
0x32: {  	s10 =	sld [smem:$0x3FB8];
	_ =	sdelay $0x3  }
0x33: {  	p0 =	seq.s32 s10, $0x1;
	s10 =	sld [smem:$0x3FBA];
	_ =	sdelay $0x3  }
0x34: {  	[smem:$0x3FBA] =	sst s10  }
0x35: {  	s10 =	sld [smem:$0x3FB9];
	_ =	sdelay $0x3  }
0x36: {  	p1 =	seq.s32 s10, $0x1;
	s10 =	sld [smem:$0x3FBA];
	_ =	sdelay $0x3  }
0x37: {  	[smem:$0x3FBA] =	sst s10  }
0x38: {  	s10 =	sld [smem:$0x3FBB]  }
0x39: {  	_ = 	snop;
	(pc) =	sbr.ind lr, $3  }
0x3a: {  	_ = 	snop  }
0x3b: {  	_ = 	snop  }
0x3c: {  	p2 =	seq.s32 s10, $0x1;
	s10 =	sld [smem:$0x3FBA]  }
0x3d: {  	_ =	shalt  }
0x3e: {  	_ =	shalt  }
0x3f: {  	_ =	shalt  }
0x40: {  	_ =	shalt  }
0x41: {  	_ =	shalt  }
0x42: {  	_ =	shalt  }
0x43: {  	_ =	shalt  }
0x44: {  	_ =	shalt  }
0x45: {  	_ =	shalt  }
0x46: {  	_ =	shalt  }
0x47: {  	_ =	shalt  }
0x48: {  	_ =	shalt  }
0x49: {  	_ =	shalt  }
0x4a: {  	_ =	shalt  }
0x4b: {  	_ =	shalt  }
0x4c: {  	_ =	shalt  }
0x4d: {  	_ =	shalt  }
0x4e: {  	_ =	shalt  }
0x4f: {  	_ =	shalt  }
0x50: {  	_ =	shalt  }
0x51: {  	_ =	shalt  }
0x52: {  	_ =	shalt  }
0x53: {  	_ =	shalt  }
0x54: {  	_ =	shalt  }
0x55: {  	_ =	shalt  }
0x56: {  	_ =	shalt  }
0x57: {  	_ =	shalt  }
0x58: {  	_ =	shalt  }
0x59: {  	_ =	shalt  }
0x5a: {  	_ =	shalt  }
0x5b: {  	_ =	shalt  }
0x5c: {  	_ =	shalt  }
0x5d: {  	_ =	shalt  }
0x5e: {  	_ =	shalt  }
0x5f: {  	_ =	shalt  }
0x60: {  	_ =	shalt  }
0x61: {  	_ =	shalt  }
0x62: {  	_ =	shalt  }
0x63: {  	_ =	shalt  }
0x64: {  	_ =	shalt  }
0x65: {  	_ =	shalt  }
0x66: {  	_ =	shalt  }
0x67: {  	_ =	shalt  }
0x68: {  	_ =	shalt  }
0x69: {  	_ =	shalt  }
0x6a: {  	_ =	shalt  }
0x6b: {  	_ =	shalt  }
0x6c: {  	_ =	shalt  }
0x6d: {  	_ =	shalt  }
0x6e: {  	_ =	shalt  }
0x6f: {  	_ =	shalt  }
0x70: {  	_ =	shalt  }
0x71: {  	_ =	shalt  }
0x72: {  	_ =	shalt  }
0x73: {  	_ =	shalt  }
0x74: {  	_ =	shalt  }
0x75: {  	_ =	shalt  }
0x76: {  	_ =	shalt  }
0x77: {  	_ =	shalt  }
0x78: {  	_ =	shalt  }
0x79: {  	_ =	shalt  }
0x7a: {  	_ =	shalt  }
0x7b: {  	_ =	shalt  }
0x7c: {  	_ =	shalt  }
0x7d: {  	_ =	shalt  }
0x7e: {  	_ =	shalt  }
0x7f: {  	_ =	shalt  }
0x80: {  	_ =	shalt  }
0x81: {  	_ =	shalt  }
0x82: {  	_ =	shalt  }
0x83: {  	_ =	shalt  }
0x84: {  	_ =	shalt  }
0x85: {  	_ =	shalt  }
0x86: {  	_ =	shalt  }
0x87: {  	_ =	shalt  }
.Lfunc_end0:
.L_simem_size_0:
called_computation_lowered:
.L_overlay_start_0:
0x88: {  	s2 =	sld [smem:$0x3FD9]  }
0x89: {  	s3 =	sld [smem:$0x3FFE];
	_ =	sdelay $0x1  }
0x8a: {  	s1 =	srdreg.scid  }
0x8b: {  	s0 =	sand.u32 $0x1, s1  }
0x8c: {  	s17 =	sshll.u32 s0, $0xA;
	s2 =	sadd.s32 s3, s2  }
0x8d: {  	s2 =	sadd.s32 s2, s17  }
0x8e: {  	[smem:$0x3FC6] =	sst s2  }
0x8f: {  	_ = 	snop  }
0x90: {  	s2 =	sld [smem:$0x3FD0];
	(tm) =	ssettm $0x1  }
0x91: {  	s18 =	sld [smem:$0x3FFB];
	_ =	sdelay $0x3  }
0x92: {  	_ =	strace s18  }
0x93: {  	s3 =	sld [smem:$0x3FFC];
	_ =	sdelay $0x3  }
0x94: {  	_ =	strace s3  }
0x95: {  	s3 =	sld [smem:$0x3FFD];
	_ =	sdelay $0x3  }
0x96: {  	_ =	strace s3  }
0x97: {  	_ =	strace $0x8FFFFFFF  }
0x98: {  	s19 =	sld [smem:$0x3FDB];
	_ =	sdelay $0x1  }
0x99: {  	s4 =	simm.s32 $_scs_section_size  }
0x9a: {  	s5 =	simm.s32 $_size__tile_overlayer_lowered;
	s6 =	simm.s32 $_tile_overlayer_lowered  }
0x9b: {  	s22 =	simm.s32 $0x1BFF;
	s21 =	sshll.u32 s6, $0x1;
	s3 =	sadd.s32 s4, s19  }
0x9c: {  	s7 =	simm.s32 $0x0;
	s20 =	sshll.u32 s5, $0x1;
	s5 =	sadd.s32 s21, s3  }
0x9d: {  	[timem:s7], [sflag:s22] =	dma.local [hbm:s5], s20  }
0x9e: {  	_ =	swait.ge [sflag:s22], s20  }
0x9f: {  	s4 =	ssub.s32 $0x0, s20;
	[sflag:s22] =	ssyncset.done $0x0  }
0xa0: {  	[sflag:s22] =	ssyncadd.s32 s4;
	_ =	sdelay $0x1  }
0xa1: {  	s23 =	simm.s32 $0x1B8B  }
0xa2: {  	_ =	swait.ge [sflag:s23], $0x1  }
0xa3: {  	[sflag:s23] =	ssyncset.done $0x0  }
0xa4: {  	s25 =	simm.s32 $0x1B8E;
	s24 =	sld [smem:$0x3FFE];
	[sflag:s23] =	ssyncadd.s32 $0xFFFFFFFF  }
0xa5: {  	s26 =	simm.s32 $execute0_lowered;
	[smem:$0x3FD2] =	sst s25  }
0xa6: {  	s5 =	sshll.u32 s26, $0x1;
	_ =	strace $0x80000046;
	[dreg:$0x1] =	wrdreg $0xFFFFFFFF  }
0xa7: {  	s28 =	simm.s32 $_size_execute0_lowered;
	s3 =	sadd.s32 s3, s5;
	[dreg:$0x0] =	wrdreg $0x0  }
0xa8: {  	s5 =	sshll.u32 s28, $0x1;
	[dreg:$0x2] =	wrdreg s3  }
0xa9: {  	[dreg:$0x3] =	wrdreg s5  }
0xaa: {  	[dreg:$0x4] =	wrdreg $0xC0  }
0xab: {  	_ =	task [dreg:s7], $0x5FFFF  }
0xac: {  	[dreg:$0x1] =	wrdreg $0xFFFFFFFF  }
0xad: {  	[dreg:$0x0] =	wrdreg $0x60  }
0xae: {  	[dreg:$0x2] =	wrdreg s24  }
0xaf: {  	[dreg:$0x3] =	wrdreg s2  }
0xb0: {  	[dreg:$0x4] =	wrdreg $0x0  }
0xb1: {  	[dreg:$0x5] =	wrdreg $0x9  }
0xb2: {  	_ =	task.clear_ibuf [dreg:s7], $0x6FFFF;
	_ =	strace $0x90000046  }
0xb3: {  	s29 =	simm.s32 $0x9;
	_ =	strace $0x80000048  }
0xb4: {  	_ =	swait.ge [sflag:s29], $0x1  }
0xb5: {  	[sflag:s29] =	ssyncadd.s32 $0xFFFFFFFF  }
0xb6: {  	_ =	strace $0x90000048  }
0xb7: {  	_ =	sfence  }
0xb8: {  	s30 =	sld [smem:$0x0];
	_ =	sdelay $0x2  }
0xb9: {  	s31 =	sshll.u32 s1, $0xD;
	s1 =	sshrl.u32 s1, $0x2  }
0xba: {  	s3 =	sand.u32 $0x4000, s31;
	s1 =	sadd.s32 s1, s30  }
0xbb: {  	s0 =	sor.u32 s3, s0;
	s1 =	sshll.u32 s1, $0x11  }
0xbc: {  	s0 =	sor.u32 s1, s0  }
0xbd: {  	s0 =	sadd.s32 $0x8F2B, s0  }
0xbe: {  	[sflag:s0] =	ssyncadd.remote.s32 $0x1  }
0xbf: {  	_ =	sfence.sel $0xFFFF  }
0xc0: {  	[dreg:$0x0] =	wrdreg $0xFFFFFFFF;
	(pc) =	sbr.abs _section_cstart, $3  }
0xc1: {  	[dreg:$0x1] =	wrdreg $0xFFFFFFFF  }
0xc2: {  	_ =	task.clear_ibuf [dreg:s7], $0x2FFFF;
	_ =	strace $0x9FFFFFFF  }
0xc3: {  	(tm) =	ssettm $0x7FFFFFFF  }
tec
execute0_lowered:
.L_overlay_start_1:
0x0: {  	(tag) =	ssettag $0x1  }
0x1: {  	s0 =	rddreg [dreg:$0x0]  }
0x2: {  	s1 =	rddreg [dreg:$0x1]  }
0x3: {  	s2 =	rddreg [dreg:$0x2];
	s11 =	simm.s32 $0x0;
	s3 =	srdreg.scid  }
0x4: {  	s9 =	stileid.u32;
	s19 =	simm.s32 $0x200;
	s20 =	simm.s32 $0x40000  }
0x5: {  	s23 =	simm.s32 $0x13400;
	s24 =	simm.s32 $0x1;
	s29 =	simm.s32 $0x13C00  }
0x6: {  	s30 =	simm.s32 $0x80;
	s12 =	simm.s32 $0x2;
	s18 =	simm.s32 $0x18400  }
0x7: {  	s21 =	simm.s32 $0x3;
	s17 =	simm.s32 $0x14380;
	s22 =	simm.s32 $0x4  }
0x8: {  	[smem:$0x7FF] =	sst s11;
	s4 =	sadd.s32 $0x80800, s0;
	s3 =	sand.u32 $0x1, s3  }
0x9: {  	s6 =	sadd.s32 $0x800, s0;
	s5 =	sadd.s32 $0x180800, s0;
	s0 =	sadd.s32 $0x182800, s0  }
0xa: {  	s28 =	sshll.u32 s9, $0x10;
	s7 =	sshll.u32 s9, $0x6;
	s9 =	sshll.u32 s9, $0xE  }
0xb: {  	_ =	strace $0x80000047;
	[dreg:$0x5] =	wrdreg s5;
	s25 =	ssub.s32 $0x2, s3  }
0xc: {  	[dreg:$0x6] =	wrdreg s0;
	s8 =	sadd.s32 s28, s2;
	s7 =	sor.u32 $0x1C05, s7  }
0xd: {  	s10 =	sshll.u32 s3, $0x16;
	s31 =	sor.u32 $0x200, s9;
	[dreg:$0x8] =	wrdreg s9  }
0xe: {  	s3 =	sshll.u32 s3, $0x14;
	s13 =	sor.u32 $0x400, s9;
	[dreg:$0x9] =	wrdreg s10  }
0xf: {  	s14 =	sor.u32 $0x600, s9;
	s5 =	simm.s32 $0x5;
	[dreg:$0xa] =	wrdreg s31  }
0x10: {  	s26 =	sshrl.u32 s25, $0x1;
	s3 =	sor.u32 s28, s3;
	[dreg:$0x7] =	wrdreg s7  }
0x11: {  	s0 =	ssub.s32 s25, s26;
	[dreg:$0xb] =	wrdreg s3;
	s3 =	sshrl.u32 s8, $0x3  }
0x12: {  	v0 =	vlaneseq.u32;
	s9 =	simm.s32 $0x1BC00;
	s0 =	smax.u32 s0, $0x1;
	[dreg:$0xd] =	wrdreg s3  }
0x13: {  	v0 =	vmul.u32 $0x8, v0;
	s10 =	simm.s32 $0x1C000;
	s25 =	simm.s32 $0x14400;
	[dreg:$0xc] =	wrdreg s0  }
.LBB2_1:
0x14: {  	[dreg:$0x4] =	wrdreg s11;
	s8 =	simm.s32 $0x0  }
.LBB2_2:
0x15: {  	s0 =	rddreg [dreg:$0x5]  }
0x16: {  	[spmem:s3], [sflag:s7] =	dma.local [hbm:s0], $0x2000  }
0x17: {  	_ =	swait.ge [sflag:s5], $0x2000  }
0x18: {  	s26 =	sshll.u32 s8, $0x15;
	s3 =	rddreg [dreg:$0x8]  }
0x19: {  	s11 =	simm.s32 $0x10400;
	[sflag:s5] =	ssyncset.done $0x0;
	s7 =	sor.u32 s3, s26  }
0x1a: {  	s28 =	sshll.u32 s8, $0x14;
	[sflag:s5] =	ssyncadd.s32 $0xFFFFE000;
	s0 =	sshrl.u32 s7, $0x3  }
0x1b: {  	s15 =	sor.u32 s3, s28;
	[bflag:$0x0] =	sbarrier.arrive $0xFFFF;
	s0 =	sadd.s32 s4, s0  }
0x1c: {  	[tilespmem:s11], [sflag:$0x1] =	stream.strided.gather [hbm4b:s0+s19], $0x1000, s20, s19, $0x38;
	[tilespmem:$0x1C400] =	vst v63  }
0x1d: {  	s7 =	rddreg [dreg:$0x9];
	s0 =	sshrl.u32 s15, $0x3  }
0x1e: {  	s16 =	simm.s32 $0x12400;
	s31 =	sadd.s32 s7, s28;
	s0 =	sadd.s32 s6, s0  }
0x1f: {  	[tilespmem:s16], [sflag:$0x1] =	stream.strided.gather [hbm4b:s0+s19], $0x800, s20, s19, $0x38;
	[tilespmem:$0x1C400] =	vst v63  }
0x20: {  	s0 =	sor.u32 s3, s31  }
0x21: {  	s0 =	sshrl.u32 s0, $0x3  }
0x22: {  	[dreg:$0xe] =	wrdreg s8;
	s0 =	sadd.s32 s1, s0  }
0x23: {  	[tilespmem:s23], [sflag:$0x1] =	stream.strided.gather [hbm4b:s0+s19], $0x800, s20, s19, $0x38;
	[tilespmem:$0x1C400] =	vst v63  }
0x24: {  	_ =	swait.ge [sflag:s24], $0x1000  }
0x25: {  	[sflag:s24] =	ssyncset.done $0x0  }
0x26: {  	[sflag:s24] =	ssyncadd.s32 $0xFFFFF000  }
0x27: {  	_ =	swait.ge [sflag:s24], $0x800  }
0x28: {  	[sflag:s24] =	ssyncset.done $0x0  }
0x29: {  	[sflag:s24] =	ssyncadd.s32 $0xFFFFF800  }
0x2a: {  	_ =	swait.ge [sflag:s24], $0x800  }
0x2b: {  	[sflag:s24] =	ssyncset.done $0x0  }
0x2c: {  	s0 =	simm.s32 $0x10800;
	[sflag:s24] =	ssyncadd.s32 $0xFFFFF800  }
0x2d: {  	s8 =	simm.s32 $0x0;
	s3 =	simm.s32 $0x12800;
	v1 =	vld [tilespmem:s0+$0xFFFFFC00]  }
0x2e: {  	v3 =	vmov s8;
	v2 =	vld [tilespmem:s3+$0xFFFFFC00]  }
0x2f: {  	v3 =	vshll.u32 v3, $0x3;
	v4 =	vld [tilespmem:s0+$0xFFFFFE00]  }
0x30: {  	v3 =	vor.u32 v0, v3;
	v5 =	vld [tilespmem:s0+$0x0]  }
0x31: {  	s5 =	sand.u32 $0x1F0, s8;
	v7 =	vor.u32 $0x1, v3;
	v6 =	vld [tilespmem:s0+$0x200]  }
0x32: {  	v9 =	vor.u32 $0x2, v3;
	v10 =	vld [tilespmem:s5+$0x10C00]  }
0x33: {  	v12 =	vor.u32 $0x3, v3;
	v13 =	vld [tilespmem:s5+$0x10E00];
	v11 =	vmul.f32 v2, v1  }
0x34: {  	v15 =	vor.u32 $0x4, v3;
	v8 =	vld [tilespmem:s5+$0x11000];
	v14 =	vmul.f32 v2, v4  }
0x35: {  	v18 =	vor.u32 $0x5, v3;
	v16 =	vld [tilespmem:s5+$0x11200];
	v17 =	vmul.f32 v2, v5;
	[tilespmem:v3+s25+$0x0] =	vst.idx.msk $0xffff, v11  }
0x36: {  	v19 =	vor.u32 $0x6, v3;
	v35 =	vmul.f32 v2, v6;
	[tilespmem:v7+s25+$0x0] =	vst.idx.msk $0xffff, v14  }
0x37: {  	v3 =	vor.u32 $0x7, v3;
	v7 =	vmul.f32 v2, v10;
	[tilespmem:v9+s25+$0x0] =	vst.idx.msk $0xffff, v17  }
0x38: {  	v36 =	vmul.f32 v2, v13;
	[tilespmem:v12+s25+$0x0] =	vst.idx.msk $0xffff, v35  }
0x39: {  	v37 =	vmul.f32 v2, v8;
	[tilespmem:v15+s25+$0x0] =	vst.idx.msk $0xffff, v7  }
0x3a: {  	v2 =	vmul.f32 v2, v16;
	[tilespmem:v18+s25+$0x0] =	vst.idx.msk $0xffff, v36  }
0x3b: {  	[tilespmem:v19+s25+$0x0] =	vst.idx.msk $0xffff, v37  }
0x3c: {  	s11 =	simm.s32 $0x200;
	[tilespmem:v3+s25+$0x0] =	vst.idx.msk $0xffff, v2  }
0x3d: {  	v2 =	vmov s11;
	v3 =	vld [tilespmem:s3+$0xFFFFFE00]  }
0x3e: {  	v2 =	vshll.u32 v2, $0x3  }
0x3f: {  	v2 =	vor.u32 v0, v2  }
0x40: {  	v7 =	vor.u32 $0x1, v2  }
0x41: {  	v38 =	vor.u32 $0x2, v2  }
0x42: {  	v40 =	vor.u32 $0x3, v2;
	v39 =	vmul.f32 v3, v1  }
0x43: {  	v42 =	vor.u32 $0x4, v2;
	v41 =	vmul.f32 v3, v4  }
0x44: {  	v44 =	vor.u32 $0x5, v2;
	v43 =	vmul.f32 v3, v5;
	[tilespmem:v2+s25+$0x0] =	vst.idx.msk $0xffff, v39  }
0x45: {  	v45 =	vmul.f32 v3, v6;
	[tilespmem:v7+s25+$0x0] =	vst.idx.msk $0xffff, v41;
	v7 =	vor.u32 $0x6, v2  }
0x46: {  	v46 =	vmul.f32 v3, v10;
	v2 =	vor.u32 $0x7, v2;
	[tilespmem:v38+s25+$0x0] =	vst.idx.msk $0xffff, v43  }
0x47: {  	v47 =	vmul.f32 v3, v13;
	[tilespmem:v40+s25+$0x0] =	vst.idx.msk $0xffff, v45  }
0x48: {  	v48 =	vmul.f32 v3, v8;
	[tilespmem:v42+s25+$0x0] =	vst.idx.msk $0xffff, v46  }
0x49: {  	v3 =	vmul.f32 v3, v16;
	[tilespmem:v44+s25+$0x0] =	vst.idx.msk $0xffff, v47  }
0x4a: {  	[tilespmem:v7+s25+$0x0] =	vst.idx.msk $0xffff, v48  }
0x4b: {  	s15 =	simm.s32 $0x400;
	[tilespmem:v2+s25+$0x0] =	vst.idx.msk $0xffff, v3  }
0x4c: {  	v2 =	vmov s15;
	v3 =	vld [tilespmem:s3+$0x0]  }
0x4d: {  	v2 =	vshll.u32 v2, $0x3  }
0x4e: {  	v2 =	vor.u32 v0, v2  }
0x4f: {  	v7 =	vor.u32 $0x1, v2  }
0x50: {  	v49 =	vor.u32 $0x2, v2  }
0x51: {  	v51 =	vor.u32 $0x3, v2;
	v50 =	vmul.f32 v3, v1  }
0x52: {  	v53 =	vor.u32 $0x4, v2;
	v52 =	vmul.f32 v3, v4  }
0x53: {  	v55 =	vor.u32 $0x5, v2;
	v54 =	vmul.f32 v3, v5;
	[tilespmem:v2+s25+$0x0] =	vst.idx.msk $0xffff, v50  }
0x54: {  	v56 =	vmul.f32 v3, v6;
	[tilespmem:v7+s25+$0x0] =	vst.idx.msk $0xffff, v52;
	v7 =	vor.u32 $0x6, v2  }
0x55: {  	v57 =	vmul.f32 v3, v10;
	v2 =	vor.u32 $0x7, v2;
	[tilespmem:v49+s25+$0x0] =	vst.idx.msk $0xffff, v54  }
0x56: {  	v58 =	vmul.f32 v3, v13;
	[tilespmem:v51+s25+$0x0] =	vst.idx.msk $0xffff, v56  }
0x57: {  	v59 =	vmul.f32 v3, v8;
	[tilespmem:v53+s25+$0x0] =	vst.idx.msk $0xffff, v57  }
0x58: {  	v3 =	vmul.f32 v3, v16;
	[tilespmem:v55+s25+$0x0] =	vst.idx.msk $0xffff, v58  }
0x59: {  	[tilespmem:v7+s25+$0x0] =	vst.idx.msk $0xffff, v59  }
0x5a: {  	s16 =	simm.s32 $0x600;
	[tilespmem:v2+s25+$0x0] =	vst.idx.msk $0xffff, v3  }
0x5b: {  	v2 =	vmov s16;
	v7 =	vld [tilespmem:s3+$0x200]  }
0x5c: {  	v2 =	vshll.u32 v2, $0x3  }
0x5d: {  	v60 =	vor.u32 v0, v2  }
0x5e: {  	v2 =	vor.u32 $0x1, v60  }
0x5f: {  	v3 =	vor.u32 $0x2, v60  }
0x60: {  	v1 =	vmul.f32 v7, v1  }
0x61: {  	v61 =	vor.u32 $0x3, v60;
	v4 =	vmul.f32 v7, v4  }
0x62: {  	v62 =	vor.u32 $0x4, v60;
	v5 =	vmul.f32 v7, v5;
	[tilespmem:v60+s25+$0x0] =	vst.idx.msk $0xffff, v1  }
0x63: {  	v63 =	vor.u32 $0x5, v60;
	[tilespmem:v2+s25+$0x0] =	vst.idx.msk $0xffff, v4  }
0x64: {  	v1 =	vmul.f32 v7, v6;
	[tilespmem:v3+s25+$0x0] =	vst.idx.msk $0xffff, v5;
	v3 =	vor.u32 $0x6, v60  }
0x65: {  	v2 =	vmul.f32 v7, v10;
	v4 =	vor.u32 $0x7, v60  }
0x66: {  	v5 =	vmul.f32 v7, v13;
	[tilespmem:v61+s25+$0x0] =	vst.idx.msk $0xffff, v1  }
0x67: {  	v1 =	vmul.f32 v7, v8;
	[tilespmem:v62+s25+$0x0] =	vst.idx.msk $0xffff, v2  }
0x68: {  	s5 =	simm.s32 $0x10;
	v2 =	vmul.f32 v7, v16;
	[tilespmem:v63+s25+$0x0] =	vst.idx.msk $0xffff, v5  }
.LBB2_3:
0x69: {  	p0 =	sne.s32 s5, $0x1F0;
	[tilespmem:v3+s25+$0x0] =	vst.idx.msk $0xffff, v1;
	s0 =	sadd.s32 $0x10, s0;
	s3 =	sadd.s32 $0x10, s3  }
0x6a: {  	s7 =	smov.u32 s5;
	s5 =	sadd.s32 $0x10, s5;
	[tilespmem:v4+s25+$0x0] =	vst.idx.msk $0xffff, v2  }
0x6b: {  	v1 =	vld [tilespmem:s0+$0xFFFFFC00]  }
0x6c: {  	v2 =	vmov s7;
	v9 =	vld [tilespmem:s3+$0xFFFFFC00]  }
0x6d: {  	v2 =	vshll.u32 v2, $0x3;
	v3 =	vld [tilespmem:s0+$0xFFFFFE00]  }
0x6e: {  	v10 =	vor.u32 v0, v2;
	v4 =	vld [tilespmem:s0+$0x0]  }
0x6f: {  	s8 =	sand.u32 $0x1F0, s7;
	v11 =	vor.u32 $0x1, v10;
	v12 =	vor.u32 $0x2, v10;
	v5 =	vld [tilespmem:s0+$0x200]  }
0x70: {  	v2 =	vld [tilespmem:s8+$0x11000]  }
0x71: {  	v14 =	vor.u32 $0x3, v10;
	v6 =	vld [tilespmem:s8+$0x10C00];
	v13 =	vmul.f32 v9, v1  }
0x72: {  	v16 =	vor.u32 $0x4, v10;
	v8 =	vld [tilespmem:s8+$0x10E00];
	v15 =	vmul.f32 v9, v3  }
0x73: {  	v18 =	vor.u32 $0x5, v10;
	v7 =	vld [tilespmem:s8+$0x11200];
	v17 =	vmul.f32 v9, v4  }
0x74: {  	v19 =	vor.u32 $0x6, v10;
	[tilespmem:v10+s25+$0x0] =	vst.idx.msk $0xffff, v13;
	v13 =	vmul.f32 v9, v5  }
0x75: {  	v10 =	vor.u32 $0x7, v10;
	[tilespmem:v11+s25+$0x0] =	vst.idx.msk $0xffff, v15  }
0x76: {  	[tilespmem:v12+s25+$0x0] =	vst.idx.msk $0xffff, v17;
	v11 =	vmul.f32 v9, v6  }
0x77: {  	[tilespmem:v14+s25+$0x0] =	vst.idx.msk $0xffff, v13;
	v12 =	vmul.f32 v9, v8;
	v13 =	vmul.f32 v9, v2  }
0x78: {  	[tilespmem:v16+s25+$0x0] =	vst.idx.msk $0xffff, v11;
	v9 =	vmul.f32 v9, v7  }
0x79: {  	[tilespmem:v18+s25+$0x0] =	vst.idx.msk $0xffff, v12  }
0x7a: {  	[tilespmem:v19+s25+$0x0] =	vst.idx.msk $0xffff, v13  }
0x7b: {  	s8 =	sadd.s32 $0x200, s7;
	[tilespmem:v10+s25+$0x0] =	vst.idx.msk $0xffff, v9  }
0x7c: {  	v9 =	vmov s8;
	v10 =	vld [tilespmem:s3+$0xFFFFFE00]  }
0x7d: {  	v9 =	vshll.u32 v9, $0x3  }
0x7e: {  	v9 =	vor.u32 v0, v9  }
0x7f: {  	v11 =	vor.u32 $0x1, v9  }
0x80: {  	v12 =	vor.u32 $0x2, v9  }
0x81: {  	v15 =	vor.u32 $0x3, v9;
	v13 =	vmul.f32 v10, v1;
	v14 =	vmul.f32 v10, v3  }
0x82: {  	v18 =	vor.u32 $0x4, v9;
	v16 =	vmul.f32 v10, v4;
	v17 =	vmul.f32 v10, v5  }
0x83: {  	v20 =	vor.u32 $0x5, v9;
	v19 =	vmul.f32 v10, v8;
	[tilespmem:v9+s25+$0x0] =	vst.idx.msk $0xffff, v13;
	v13 =	vmul.f32 v10, v6  }
0x84: {  	[tilespmem:v11+s25+$0x0] =	vst.idx.msk $0xffff, v14;
	v11 =	vmul.f32 v10, v2;
	v14 =	vor.u32 $0x6, v9;
	v10 =	vmul.f32 v10, v7  }
0x85: {  	v9 =	vor.u32 $0x7, v9;
	[tilespmem:v12+s25+$0x0] =	vst.idx.msk $0xffff, v16  }
0x86: {  	[tilespmem:v15+s25+$0x0] =	vst.idx.msk $0xffff, v17  }
0x87: {  	[tilespmem:v18+s25+$0x0] =	vst.idx.msk $0xffff, v13  }
0x88: {  	[tilespmem:v20+s25+$0x0] =	vst.idx.msk $0xffff, v19  }
0x89: {  	[tilespmem:v14+s25+$0x0] =	vst.idx.msk $0xffff, v11  }
0x8a: {  	s8 =	sadd.s32 $0x400, s7;
	[tilespmem:v9+s25+$0x0] =	vst.idx.msk $0xffff, v10  }
0x8b: {  	v9 =	vmov s8;
	v10 =	vld [tilespmem:s3+$0x0]  }
0x8c: {  	v9 =	vshll.u32 v9, $0x3  }
0x8d: {  	v9 =	vor.u32 v0, v9  }
0x8e: {  	v11 =	vor.u32 $0x1, v9  }
0x8f: {  	v12 =	vor.u32 $0x2, v9  }
0x90: {  	v15 =	vor.u32 $0x3, v9;
	v13 =	vmul.f32 v10, v1;
	v14 =	vmul.f32 v10, v3  }
0x91: {  	v18 =	vor.u32 $0x4, v9;
	v16 =	vmul.f32 v10, v4;
	v17 =	vmul.f32 v10, v5  }
0x92: {  	v20 =	vor.u32 $0x5, v9;
	v19 =	vmul.f32 v10, v8;
	[tilespmem:v9+s25+$0x0] =	vst.idx.msk $0xffff, v13;
	v13 =	vmul.f32 v10, v6  }
0x93: {  	[tilespmem:v11+s25+$0x0] =	vst.idx.msk $0xffff, v14;
	v11 =	vmul.f32 v10, v2;
	v14 =	vor.u32 $0x6, v9;
	v10 =	vmul.f32 v10, v7  }
0x94: {  	v9 =	vor.u32 $0x7, v9;
	[tilespmem:v12+s25+$0x0] =	vst.idx.msk $0xffff, v16  }
0x95: {  	[tilespmem:v15+s25+$0x0] =	vst.idx.msk $0xffff, v17  }
0x96: {  	[tilespmem:v18+s25+$0x0] =	vst.idx.msk $0xffff, v13  }
0x97: {  	[tilespmem:v20+s25+$0x0] =	vst.idx.msk $0xffff, v19  }
0x98: {  	[tilespmem:v14+s25+$0x0] =	vst.idx.msk $0xffff, v11  }
0x99: {  	s7 =	sadd.s32 $0x600, s7;
	[tilespmem:v9+s25+$0x0] =	vst.idx.msk $0xffff, v10  }
0x9a: {  	v9 =	vmov s7;
	v10 =	vld [tilespmem:s3+$0x200]  }
0x9b: {  	v9 =	vshll.u32 v9, $0x3  }
0x9c: {  	v9 =	vor.u32 v0, v9  }
0x9d: {  	v11 =	vor.u32 $0x1, v9  }
0x9e: {  	v12 =	vor.u32 $0x2, v9  }
0x9f: {  	v13 =	vor.u32 $0x3, v9;
	v1 =	vmul.f32 v10, v1;
	v3 =	vmul.f32 v10, v3  }
0xa0: {  	v14 =	vor.u32 $0x4, v9;
	v4 =	vmul.f32 v10, v4;
	v5 =	vmul.f32 v10, v5  }
0xa1: {  	v15 =	vor.u32 $0x5, v9;
	v6 =	vmul.f32 v10, v6;
	v8 =	vmul.f32 v10, v8;
	[tilespmem:v9+s25+$0x0] =	vst.idx.msk $0xffff, v1  }
.Ltmp0:
0xa2: {  	v1 =	vmul.f32 v10, v2;
	v2 =	vmul.f32 v10, v7;
	[tilespmem:v11+s25+$0x0] =	vst.idx.msk $0xffff, v3;
	v3 =	vor.u32 $0x6, v9;
	(pc) =	sbr.rel @p0 .LBB2_3-.Ltmp0, $4  }
0xa3: {  	[tilespmem:v12+s25+$0x0] =	vst.idx.msk $0xffff, v4;
	v4 =	vor.u32 $0x7, v9  }
0xa4: {  	[tilespmem:v13+s25+$0x0] =	vst.idx.msk $0xffff, v5  }
0xa5: {  	[tilespmem:v14+s25+$0x0] =	vst.idx.msk $0xffff, v6  }
0xa6: {  	[tilespmem:v15+s25+$0x0] =	vst.idx.msk $0xffff, v8  }
0xa7: {  	_ =	sdelay $0x1  }
0xa8: {  	s3 =	rddreg [dreg:$0xa]  }
0xa9: {  	s0 =	sor.u32 s3, s26  }
0xaa: {  	[tilespmem:v3+s25+$0x0] =	vst.idx.msk $0xffff, v1;
	s0 =	sshrl.u32 s0, $0x3  }
0xab: {  	s5 =	simm.s32 $0x11400;
	[tilespmem:v4+s25+$0x0] =	vst.idx.msk $0xffff, v2;
	s15 =	sor.u32 s3, s28;
	s0 =	sadd.s32 s4, s0  }
0xac: {  	[tilespmem:s5], [sflag:$0x2] =	stream.strided.gather [hbm4b:s0+s19], $0x1000, s20, s19, $0x38;
	[tilespmem:$0x1C400] =	vst v63  }
0xad: {  	s0 =	sshrl.u32 s15, $0x3  }
0xae: {  	s16 =	simm.s32 $0x12C00;
	s3 =	sor.u32 s3, s31;
	s0 =	sadd.s32 s6, s0  }
0xaf: {  	[tilespmem:s16], [sflag:$0x2] =	stream.strided.gather [hbm4b:s0+s19], $0x800, s20, s19, $0x38;
	[tilespmem:$0x1C400] =	vst v63  }
0xb0: {  	s0 =	sshrl.u32 s3, $0x3  }
0xb1: {  	s0 =	sadd.s32 s1, s0  }
0xb2: {  	[tilespmem:s29], [sflag:$0x2] =	stream.strided.gather [hbm4b:s0+s19], $0x800, s20, s19, $0x38;
	[tilespmem:$0x1C400] =	vst v63  }
0xb3: {  	_ = 	snop  }
0xb4: {  	[spmem:s2] =	stream.indirect.scatter.add.f32 [tilespmem:s25], [sflag:$0x3], $0x8, s23, s30, $0xb8;
	[tilespmem:$0x1C400] =	vst v63  }
0xb5: {  	s7 =	simm.s32 $0x14800;
	s5 =	simm.s32 $0x13480  }
0xb6: {  	[spmem:s2] =	stream.indirect.scatter.add.f32 [tilespmem:s7], [sflag:$0x3], $0x8, s5, s30, $0xb8;
	[tilespmem:$0x1C400] =	vst v63  }
0xb7: {  	s8 =	simm.s32 $0x13500;
	s11 =	simm.s32 $0x14C00  }
0xb8: {  	[spmem:s2] =	stream.indirect.scatter.add.f32 [tilespmem:s11], [sflag:$0x3], $0x8, s8, s30, $0xb8;
	[tilespmem:$0x1C400] =	vst v63  }
0xb9: {  	s15 =	simm.s32 $0x13580;
	s16 =	simm.s32 $0x15000  }
0xba: {  	[spmem:s2] =	stream.indirect.scatter.add.f32 [tilespmem:s16], [sflag:$0x3], $0x8, s15, s30, $0xb8;
	[tilespmem:$0x1C400] =	vst v63  }
0xbb: {  	s5 =	simm.s32 $0x13600;
	s7 =	simm.s32 $0x15400  }
0xbc: {  	[spmem:s2] =	stream.indirect.scatter.add.f32 [tilespmem:s7], [sflag:$0x3], $0x8, s5, s30, $0xb8;
	[tilespmem:$0x1C400] =	vst v63  }
0xbd: {  	s8 =	simm.s32 $0x13680;
	s11 =	simm.s32 $0x15800  }
0xbe: {  	[spmem:s2] =	stream.indirect.scatter.add.f32 [tilespmem:s11], [sflag:$0x3], $0x8, s8, s30, $0xb8;
	[tilespmem:$0x1C400] =	vst v63  }
0xbf: {  	s15 =	simm.s32 $0x13700;
	s16 =	simm.s32 $0x15C00  }
0xc0: {  	[spmem:s2] =	stream.indirect.scatter.add.f32 [tilespmem:s16], [sflag:$0x3], $0x8, s15, s30, $0xb8;
	[tilespmem:$0x1C400] =	vst v63  }
0xc1: {  	s5 =	simm.s32 $0x13780;
	s7 =	simm.s32 $0x16000  }
0xc2: {  	[spmem:s2] =	stream.indirect.scatter.add.f32 [tilespmem:s7], [sflag:$0x3], $0x8, s5, s30, $0xb8;
	[tilespmem:$0x1C400] =	vst v63  }
0xc3: {  	s8 =	simm.s32 $0x13800;
	s11 =	simm.s32 $0x16400  }
0xc4: {  	[spmem:s2] =	stream.indirect.scatter.add.f32 [tilespmem:s11], [sflag:$0x3], $0x8, s8, s30, $0xb8;
	[tilespmem:$0x1C400] =	vst v63  }
0xc5: {  	s15 =	simm.s32 $0x13880;
	s16 =	simm.s32 $0x16800  }
0xc6: {  	[spmem:s2] =	stream.indirect.scatter.add.f32 [tilespmem:s16], [sflag:$0x3], $0x8, s15, s30, $0xb8;
	[tilespmem:$0x1C400] =	vst v63  }
0xc7: {  	s5 =	simm.s32 $0x13900;
	s7 =	simm.s32 $0x16C00  }
0xc8: {  	[spmem:s2] =	stream.indirect.scatter.add.f32 [tilespmem:s7], [sflag:$0x3], $0x8, s5, s30, $0xb8;
	[tilespmem:$0x1C400] =	vst v63  }
0xc9: {  	s8 =	simm.s32 $0x13980;
	s11 =	simm.s32 $0x17000  }
0xca: {  	[spmem:s2] =	stream.indirect.scatter.add.f32 [tilespmem:s11], [sflag:$0x3], $0x8, s8, s30, $0xb8;
	[tilespmem:$0x1C400] =	vst v63  }
0xcb: {  	s15 =	simm.s32 $0x13A00;
	s16 =	simm.s32 $0x17400  }
0xcc: {  	[spmem:s2] =	stream.indirect.scatter.add.f32 [tilespmem:s16], [sflag:$0x3], $0x8, s15, s30, $0xb8;
	[tilespmem:$0x1C400] =	vst v63  }
0xcd: {  	s5 =	simm.s32 $0x13A80;
	s7 =	simm.s32 $0x17800  }
0xce: {  	[spmem:s2] =	stream.indirect.scatter.add.f32 [tilespmem:s7], [sflag:$0x3], $0x8, s5, s30, $0xb8;
	[tilespmem:$0x1C400] =	vst v63  }
0xcf: {  	s0 =	simm.s32 $0x0;
	s8 =	simm.s32 $0x13B00;
	s11 =	simm.s32 $0x17C00  }
0xd0: {  	[spmem:s2] =	stream.indirect.scatter.add.f32 [tilespmem:s11], [sflag:$0x3], $0x8, s8, s30, $0xb8;
	[tilespmem:$0x1C400] =	vst v63  }
0xd1: {  	s15 =	simm.s32 $0x13B80;
	s16 =	simm.s32 $0x18000;
	s5 =	simm.s32 $0x0  }
0xd2: {  	[spmem:s2] =	stream.indirect.scatter.add.f32 [tilespmem:s16], [sflag:$0x3], $0x8, s15, s30, $0xb8;
	[tilespmem:$0x1C400] =	vst v63  }
.LBB2_5:
0xd3: {  	_ =	swait.ge [sflag:s12], $0x1000  }
0xd4: {  	[sflag:s12] =	ssyncset.done $0x0  }
0xd5: {  	[sflag:s12] =	ssyncadd.s32 $0xFFFFF000  }
0xd6: {  	_ =	swait.ge [sflag:s12], $0x800  }
0xd7: {  	[sflag:s12] =	ssyncset.done $0x0  }
0xd8: {  	[sflag:s12] =	ssyncadd.s32 $0xFFFFF800  }
0xd9: {  	_ =	swait.ge [sflag:s12], $0x800  }
0xda: {  	[sflag:s12] =	ssyncset.done $0x0  }
0xdb: {  	s3 =	sand.u32 $0x1F0, s0;
	[sflag:s12] =	ssyncadd.s32 $0xFFFFF800  }
0xdc: {  	v2 =	vld [tilespmem:s3+$0x11400]  }
0xdd: {  	v3 =	vmov s0;
	v4 =	vld [tilespmem:s3+$0x12C00]  }
0xde: {  	v3 =	vshll.u32 v3, $0x3;
	v5 =	vld [tilespmem:s3+$0x11600]  }
0xdf: {  	v3 =	vor.u32 v0, v3;
	v1 =	vld [tilespmem:s3+$0x11800]  }
0xe0: {  	v7 =	vor.u32 $0x1, v3;
	v6 =	vld [tilespmem:s3+$0x11A00]  }
0xe1: {  	v9 =	vor.u32 $0x2, v3;
	v8 =	vld [tilespmem:s3+$0x11C00]  }
0xe2: {  	v11 =	vor.u32 $0x3, v3;
	v10 =	vld [tilespmem:s3+$0x11E00];
	v13 =	vmul.f32 v4, v2  }
0xe3: {  	v14 =	vor.u32 $0x4, v3;
	v12 =	vld [tilespmem:s3+$0x12000];
	v15 =	vmul.f32 v4, v5  }
0xe4: {  	v17 =	vor.u32 $0x5, v3;
	v16 =	vld [tilespmem:s3+$0x12200];
	v18 =	vmul.f32 v4, v1;
	[tilespmem:v3+s18+$0x0] =	vst.idx.msk $0xffff, v13  }
0xe5: {  	v19 =	vor.u32 $0x6, v3;
	v46 =	vmul.f32 v4, v6;
	[tilespmem:v7+s18+$0x0] =	vst.idx.msk $0xffff, v15  }
0xe6: {  	v3 =	vor.u32 $0x7, v3;
	v7 =	vmul.f32 v4, v8;
	[tilespmem:v9+s18+$0x0] =	vst.idx.msk $0xffff, v18  }
0xe7: {  	v9 =	vmul.f32 v4, v10;
	[tilespmem:v11+s18+$0x0] =	vst.idx.msk $0xffff, v46  }
0xe8: {  	v11 =	vmul.f32 v4, v12;
	[tilespmem:v14+s18+$0x0] =	vst.idx.msk $0xffff, v7  }
0xe9: {  	v4 =	vmul.f32 v4, v16;
	[tilespmem:v17+s18+$0x0] =	vst.idx.msk $0xffff, v9  }
0xea: {  	[tilespmem:v19+s18+$0x0] =	vst.idx.msk $0xffff, v11  }
0xeb: {  	s7 =	simm.s32 $0x200;
	[tilespmem:v3+s18+$0x0] =	vst.idx.msk $0xffff, v4  }
0xec: {  	v3 =	vmov s7;
	v4 =	vld [tilespmem:s3+$0x12E00]  }
0xed: {  	v3 =	vshll.u32 v3, $0x3  }
0xee: {  	v3 =	vor.u32 v0, v3  }
0xef: {  	v7 =	vor.u32 $0x1, v3  }
0xf0: {  	v9 =	vor.u32 $0x2, v3  }
0xf1: {  	v11 =	vor.u32 $0x3, v3;
	v47 =	vmul.f32 v4, v2  }
0xf2: {  	v49 =	vor.u32 $0x4, v3;
	v48 =	vmul.f32 v4, v5  }
0xf3: {  	v51 =	vor.u32 $0x5, v3;
	v50 =	vmul.f32 v4, v1;
	[tilespmem:v3+s18+$0x0] =	vst.idx.msk $0xffff, v47  }
0xf4: {  	v53 =	vor.u32 $0x6, v3;
	v52 =	vmul.f32 v4, v6;
	[tilespmem:v7+s18+$0x0] =	vst.idx.msk $0xffff, v48  }
0xf5: {  	v3 =	vor.u32 $0x7, v3;
	v7 =	vmul.f32 v4, v8;
	[tilespmem:v9+s18+$0x0] =	vst.idx.msk $0xffff, v50  }
0xf6: {  	v9 =	vmul.f32 v4, v10;
	[tilespmem:v11+s18+$0x0] =	vst.idx.msk $0xffff, v52  }
0xf7: {  	v11 =	vmul.f32 v4, v12;
	[tilespmem:v49+s18+$0x0] =	vst.idx.msk $0xffff, v7  }
0xf8: {  	v4 =	vmul.f32 v4, v16;
	[tilespmem:v51+s18+$0x0] =	vst.idx.msk $0xffff, v9  }
0xf9: {  	[tilespmem:v53+s18+$0x0] =	vst.idx.msk $0xffff, v11  }
0xfa: {  	s15 =	simm.s32 $0x400;
	[tilespmem:v3+s18+$0x0] =	vst.idx.msk $0xffff, v4  }
0xfb: {  	v3 =	vmov s15;
	v4 =	vld [tilespmem:s3+$0x13000]  }
0xfc: {  	v3 =	vshll.u32 v3, $0x3  }
0xfd: {  	v3 =	vor.u32 v0, v3  }
0xfe: {  	v7 =	vor.u32 $0x1, v3  }
0xff: {  	v9 =	vor.u32 $0x2, v3  }
0x100: {  	v11 =	vor.u32 $0x3, v3;
	v54 =	vmul.f32 v4, v2  }
0x101: {  	v56 =	vor.u32 $0x4, v3;
	v55 =	vmul.f32 v4, v5  }
0x102: {  	v58 =	vor.u32 $0x5, v3;
	v57 =	vmul.f32 v4, v1;
	[tilespmem:v3+s18+$0x0] =	vst.idx.msk $0xffff, v54  }
0x103: {  	v60 =	vor.u32 $0x6, v3;
	v59 =	vmul.f32 v4, v6;
	[tilespmem:v7+s18+$0x0] =	vst.idx.msk $0xffff, v55  }
0x104: {  	v3 =	vor.u32 $0x7, v3;
	v7 =	vmul.f32 v4, v8;
	[tilespmem:v9+s18+$0x0] =	vst.idx.msk $0xffff, v57  }
0x105: {  	v9 =	vmul.f32 v4, v10;
	[tilespmem:v11+s18+$0x0] =	vst.idx.msk $0xffff, v59  }
0x106: {  	v11 =	vmul.f32 v4, v12;
	[tilespmem:v56+s18+$0x0] =	vst.idx.msk $0xffff, v7  }
0x107: {  	v4 =	vmul.f32 v4, v16;
	[tilespmem:v58+s18+$0x0] =	vst.idx.msk $0xffff, v9  }
0x108: {  	[tilespmem:v60+s18+$0x0] =	vst.idx.msk $0xffff, v11  }
0x109: {  	s16 =	simm.s32 $0x600;
	[tilespmem:v3+s18+$0x0] =	vst.idx.msk $0xffff, v4  }
0x10a: {  	v3 =	vmov s16;
	v9 =	vld [tilespmem:s3+$0x13200]  }
0x10b: {  	v3 =	vshll.u32 v3, $0x3  }
0x10c: {  	v11 =	vor.u32 v0, v3;
	_ =	sdelay $0x1  }
0x10d: {  	v3 =	vor.u32 $0x1, v11  }
0x10e: {  	v7 =	vor.u32 $0x2, v11;
	v2 =	vmul.f32 v9, v2  }
0x10f: {  	v61 =	vor.u32 $0x3, v11  }
0x110: {  	v4 =	vmul.f32 v9, v5;
	[tilespmem:v11+s18+$0x0] =	vst.idx.msk $0xffff, v2;
	v2 =	vor.u32 $0x4, v11  }
0x111: {  	v62 =	vmul.f32 v9, v1;
	v1 =	vor.u32 $0x5, v11  }
0x112: {  	v63 =	vmul.f32 v9, v6;
	[tilespmem:v3+s18+$0x0] =	vst.idx.msk $0xffff, v4;
	v3 =	vor.u32 $0x6, v11  }
0x113: {  	v5 =	vmul.f32 v9, v8;
	v6 =	vmul.f32 v9, v16;
	v8 =	vor.u32 $0x7, v11;
	[tilespmem:v7+s18+$0x0] =	vst.idx.msk $0xffff, v62  }
0x114: {  	s3 =	simm.s32 $0x10;
	v4 =	vmul.f32 v9, v10;
	v7 =	vmul.f32 v9, v12;
	[tilespmem:v61+s18+$0x0] =	vst.idx.msk $0xffff, v63  }
.LBB2_6:
0x115: {  	p0 =	sne.s32 s3, $0x1F0;
	[tilespmem:v2+s18+$0x0] =	vst.idx.msk $0xffff, v5;
	s7 =	smov.u32 s3;
	s3 =	sadd.s32 $0x10, s3  }
0x116: {  	[tilespmem:v1+s18+$0x0] =	vst.idx.msk $0xffff, v4  }
0x117: {  	[tilespmem:v3+s18+$0x0] =	vst.idx.msk $0xffff, v7  }
0x118: {  	s8 =	sand.u32 $0x1F0, s7;
	[tilespmem:v8+s18+$0x0] =	vst.idx.msk $0xffff, v6  }
0x119: {  	v1 =	vld [tilespmem:s8+$0x11800]  }
0x11a: {  	v4 =	vmov s7;
	v2 =	vld [tilespmem:s8+$0x11600]  }
0x11b: {  	v4 =	vshll.u32 v4, $0x3;
	v3 =	vld [tilespmem:s8+$0x11400]  }
0x11c: {  	v10 =	vor.u32 v0, v4;
	v9 =	vld [tilespmem:s8+$0x12C00]  }
0x11d: {  	v11 =	vor.u32 $0x1, v10;
	v5 =	vld [tilespmem:s8+$0x11A00]  }
0x11e: {  	v12 =	vor.u32 $0x2, v10;
	v4 =	vld [tilespmem:s8+$0x11C00]  }
0x11f: {  	v13 =	vor.u32 $0x3, v10;
	v7 =	vld [tilespmem:s8+$0x11E00]  }
0x120: {  	v14 =	vor.u32 $0x4, v10;
	v6 =	vld [tilespmem:s8+$0x12000]  }
0x121: {  	v17 =	vor.u32 $0x5, v10;
	v15 =	vmul.f32 v9, v3;
	v16 =	vmul.f32 v9, v2  }
0x122: {  	v20 =	vor.u32 $0x6, v10;
	v18 =	vmul.f32 v9, v1;
	v8 =	vld [tilespmem:s8+$0x12200];
	v19 =	vmul.f32 v9, v5  }
0x123: {  	[tilespmem:v10+s18+$0x0] =	vst.idx.msk $0xffff, v15;
	v15 =	vmul.f32 v9, v4;
	v10 =	vor.u32 $0x7, v10  }
0x124: {  	[tilespmem:v11+s18+$0x0] =	vst.idx.msk $0xffff, v16;
	v11 =	vmul.f32 v9, v7  }
0x125: {  	[tilespmem:v12+s18+$0x0] =	vst.idx.msk $0xffff, v18;
	v12 =	vmul.f32 v9, v6  }
0x126: {  	[tilespmem:v13+s18+$0x0] =	vst.idx.msk $0xffff, v19  }
0x127: {  	[tilespmem:v14+s18+$0x0] =	vst.idx.msk $0xffff, v15;
	v9 =	vmul.f32 v9, v8  }
0x128: {  	[tilespmem:v17+s18+$0x0] =	vst.idx.msk $0xffff, v11  }
0x129: {  	s11 =	sadd.s32 $0x200, s7;
	[tilespmem:v20+s18+$0x0] =	vst.idx.msk $0xffff, v12  }
0x12a: {  	[tilespmem:v10+s18+$0x0] =	vst.idx.msk $0xffff, v9;
	v9 =	vmov s11  }
0x12b: {  	v9 =	vshll.u32 v9, $0x3;
	v10 =	vld [tilespmem:s8+$0x12E00]  }
0x12c: {  	v9 =	vor.u32 v0, v9  }
0x12d: {  	v11 =	vor.u32 $0x1, v9  }
0x12e: {  	v12 =	vor.u32 $0x2, v9  }
0x12f: {  	v13 =	vor.u32 $0x3, v9  }
0x130: {  	v16 =	vor.u32 $0x4, v9;
	v14 =	vmul.f32 v10, v3;
	v15 =	vmul.f32 v10, v2  }
0x131: {  	v19 =	vor.u32 $0x5, v9;
	v17 =	vmul.f32 v10, v1;
	v18 =	vmul.f32 v10, v5  }
0x132: {  	v21 =	vor.u32 $0x6, v9;
	v20 =	vmul.f32 v10, v7;
	[tilespmem:v9+s18+$0x0] =	vst.idx.msk $0xffff, v14;
	v14 =	vmul.f32 v10, v4  }
0x133: {  	v9 =	vor.u32 $0x7, v9;
	[tilespmem:v11+s18+$0x0] =	vst.idx.msk $0xffff, v15;
	v11 =	vmul.f32 v10, v6  }
0x134: {  	[tilespmem:v12+s18+$0x0] =	vst.idx.msk $0xffff, v17  }
0x135: {  	[tilespmem:v13+s18+$0x0] =	vst.idx.msk $0xffff, v18  }
0x136: {  	v10 =	vmul.f32 v10, v8;
	[tilespmem:v16+s18+$0x0] =	vst.idx.msk $0xffff, v14  }
0x137: {  	[tilespmem:v19+s18+$0x0] =	vst.idx.msk $0xffff, v20  }
0x138: {  	s11 =	sadd.s32 $0x400, s7;
	[tilespmem:v21+s18+$0x0] =	vst.idx.msk $0xffff, v11  }
0x139: {  	[tilespmem:v9+s18+$0x0] =	vst.idx.msk $0xffff, v10;
	v9 =	vmov s11  }
0x13a: {  	v9 =	vshll.u32 v9, $0x3;
	v10 =	vld [tilespmem:s8+$0x13000]  }
0x13b: {  	v9 =	vor.u32 v0, v9  }
0x13c: {  	v11 =	vor.u32 $0x1, v9  }
0x13d: {  	v12 =	vor.u32 $0x2, v9  }
0x13e: {  	v13 =	vor.u32 $0x3, v9  }
0x13f: {  	v16 =	vor.u32 $0x4, v9;
	v14 =	vmul.f32 v10, v3;
	v15 =	vmul.f32 v10, v2  }
0x140: {  	v19 =	vor.u32 $0x5, v9;
	v17 =	vmul.f32 v10, v1;
	v18 =	vmul.f32 v10, v5  }
0x141: {  	v21 =	vor.u32 $0x6, v9;
	v20 =	vmul.f32 v10, v7;
	[tilespmem:v9+s18+$0x0] =	vst.idx.msk $0xffff, v14;
	v14 =	vmul.f32 v10, v4  }
0x142: {  	v9 =	vor.u32 $0x7, v9;
	[tilespmem:v11+s18+$0x0] =	vst.idx.msk $0xffff, v15;
	v11 =	vmul.f32 v10, v6  }
0x143: {  	[tilespmem:v12+s18+$0x0] =	vst.idx.msk $0xffff, v17  }
0x144: {  	[tilespmem:v13+s18+$0x0] =	vst.idx.msk $0xffff, v18  }
0x145: {  	v10 =	vmul.f32 v10, v8;
	[tilespmem:v16+s18+$0x0] =	vst.idx.msk $0xffff, v14  }
0x146: {  	[tilespmem:v19+s18+$0x0] =	vst.idx.msk $0xffff, v20  }
0x147: {  	s7 =	sadd.s32 $0x600, s7;
	[tilespmem:v21+s18+$0x0] =	vst.idx.msk $0xffff, v11  }
0x148: {  	[tilespmem:v9+s18+$0x0] =	vst.idx.msk $0xffff, v10;
	v9 =	vmov s7  }
0x149: {  	v9 =	vshll.u32 v9, $0x3;
	v10 =	vld [tilespmem:s8+$0x13200]  }
0x14a: {  	v9 =	vor.u32 v0, v9  }
0x14b: {  	v11 =	vor.u32 $0x1, v9  }
0x14c: {  	v12 =	vor.u32 $0x2, v9  }
0x14d: {  	v13 =	vor.u32 $0x3, v9  }
0x14e: {  	v3 =	vmul.f32 v10, v3;
	v14 =	vmul.f32 v10, v2;
	v2 =	vor.u32 $0x4, v9  }
.Ltmp1:
0x14f: {  	v15 =	vmul.f32 v10, v1;
	v16 =	vmul.f32 v10, v5;
	v1 =	vor.u32 $0x5, v9;
	(pc) =	sbr.rel @p0 .LBB2_6-.Ltmp1, $4  }
0x150: {  	v5 =	vmul.f32 v10, v4;
	v4 =	vmul.f32 v10, v7;
	[tilespmem:v9+s18+$0x0] =	vst.idx.msk $0xffff, v3;
	v3 =	vor.u32 $0x6, v9  }
0x151: {  	v7 =	vmul.f32 v10, v6;
	v6 =	vmul.f32 v10, v8;
	v8 =	vor.u32 $0x7, v9;
	[tilespmem:v11+s18+$0x0] =	vst.idx.msk $0xffff, v14  }
0x152: {  	[tilespmem:v12+s18+$0x0] =	vst.idx.msk $0xffff, v15  }
0x153: {  	[tilespmem:v13+s18+$0x0] =	vst.idx.msk $0xffff, v16  }
0x154: {  	_ =	sdelay $0x3  }
0x155: {  	[tilespmem:v2+s18+$0x0] =	vst.idx.msk $0xffff, v5  }
0x156: {  	[tilespmem:v1+s18+$0x0] =	vst.idx.msk $0xffff, v4  }
0x157: {  	[tilespmem:v3+s18+$0x0] =	vst.idx.msk $0xffff, v7  }
0x158: {  	[tilespmem:v8+s18+$0x0] =	vst.idx.msk $0xffff, v6  }
0x159: {  	_ =	swait.ge [sflag:s21], $0x400  }
0x15a: {  	[sflag:s21] =	ssyncset.done $0x0  }
0x15b: {  	[sflag:s21] =	ssyncadd.s32 $0xFFFFFC00  }
0x15c: {  	_ =	swait.ge [sflag:s21], $0x400  }
0x15d: {  	[sflag:s21] =	ssyncset.done $0x0  }
0x15e: {  	[sflag:s21] =	ssyncadd.s32 $0xFFFFFC00  }
0x15f: {  	_ =	swait.ge [sflag:s21], $0x400  }
0x160: {  	[sflag:s21] =	ssyncset.done $0x0  }
0x161: {  	[sflag:s21] =	ssyncadd.s32 $0xFFFFFC00  }
0x162: {  	_ =	swait.ge [sflag:s21], $0x400  }
0x163: {  	[sflag:s21] =	ssyncset.done $0x0  }
0x164: {  	[sflag:s21] =	ssyncadd.s32 $0xFFFFFC00  }
0x165: {  	_ =	swait.ge [sflag:s21], $0x400  }
0x166: {  	[sflag:s21] =	ssyncset.done $0x0  }
0x167: {  	[sflag:s21] =	ssyncadd.s32 $0xFFFFFC00  }
0x168: {  	_ =	swait.ge [sflag:s21], $0x400  }
0x169: {  	[sflag:s21] =	ssyncset.done $0x0  }
0x16a: {  	[sflag:s21] =	ssyncadd.s32 $0xFFFFFC00  }
0x16b: {  	_ =	swait.ge [sflag:s21], $0x400  }
0x16c: {  	[sflag:s21] =	ssyncset.done $0x0  }
0x16d: {  	[sflag:s21] =	ssyncadd.s32 $0xFFFFFC00  }
0x16e: {  	_ =	swait.ge [sflag:s21], $0x400  }
0x16f: {  	[sflag:s21] =	ssyncset.done $0x0  }
0x170: {  	[sflag:s21] =	ssyncadd.s32 $0xFFFFFC00  }
0x171: {  	_ =	swait.ge [sflag:s21], $0x400  }
0x172: {  	[sflag:s21] =	ssyncset.done $0x0  }
0x173: {  	[sflag:s21] =	ssyncadd.s32 $0xFFFFFC00  }
0x174: {  	_ =	swait.ge [sflag:s21], $0x400  }
0x175: {  	[sflag:s21] =	ssyncset.done $0x0  }
0x176: {  	[sflag:s21] =	ssyncadd.s32 $0xFFFFFC00  }
0x177: {  	_ =	swait.ge [sflag:s21], $0x400  }
0x178: {  	[sflag:s21] =	ssyncset.done $0x0  }
0x179: {  	[sflag:s21] =	ssyncadd.s32 $0xFFFFFC00  }
0x17a: {  	_ =	swait.ge [sflag:s21], $0x400  }
0x17b: {  	[sflag:s21] =	ssyncset.done $0x0  }
0x17c: {  	[sflag:s21] =	ssyncadd.s32 $0xFFFFFC00  }
0x17d: {  	_ =	swait.ge [sflag:s21], $0x400  }
0x17e: {  	[sflag:s21] =	ssyncset.done $0x0  }
0x17f: {  	[sflag:s21] =	ssyncadd.s32 $0xFFFFFC00  }
0x180: {  	_ =	swait.ge [sflag:s21], $0x400  }
0x181: {  	[sflag:s21] =	ssyncset.done $0x0  }
0x182: {  	[sflag:s21] =	ssyncadd.s32 $0xFFFFFC00  }
0x183: {  	_ =	swait.ge [sflag:s21], $0x400  }
0x184: {  	s16 =	sshll.u32 s5, $0xA;
	[sflag:s21] =	ssyncset.done $0x0  }
0x185: {  	s3 =	sadd.s32 s16, s13;
	[sflag:s21] =	ssyncadd.s32 $0xFFFFFC00  }
0x186: {  	s7 =	sor.u32 s26, s3;
	_ =	swait.ge [sflag:s21], $0x400  }
0x187: {  	s8 =	simm.s32 $0x10400;
	s7 =	sshrl.u32 s7, $0x3;
	[sflag:s21] =	ssyncset.done $0x0  }
0x188: {  	s11 =	sor.u32 s28, s3;
	s7 =	sadd.s32 s4, s7;
	[sflag:s21] =	ssyncadd.s32 $0xFFFFFC00  }
0x189: {  	[tilespmem:s8], [sflag:$0x1] =	stream.strided.gather [hbm4b:s7+s19], $0x1000, s20, s19, $0x38;
	[tilespmem:$0x1C400] =	vst v63  }
0x18a: {  	s3 =	sor.u32 s31, s3;
	s7 =	sshrl.u32 s11, $0x3  }
0x18b: {  	s15 =	simm.s32 $0x12400;
	s3 =	sshrl.u32 s3, $0x3;
	s7 =	sadd.s32 s6, s7  }
0x18c: {  	[tilespmem:s15], [sflag:$0x1] =	stream.strided.gather [hbm4b:s7+s19], $0x800, s20, s19, $0x38;
	[tilespmem:$0x1C400] =	vst v63  }
0x18d: {  	s3 =	sadd.s32 s1, s3  }
0x18e: {  	[tilespmem:s23], [sflag:$0x1] =	stream.strided.gather [hbm4b:s3+s19], $0x800, s20, s19, $0x38;
	[tilespmem:$0x1C400] =	vst v63  }
0x18f: {  	_ = 	snop  }
0x190: {  	[spmem:s2] =	stream.indirect.scatter.add.f32 [tilespmem:s18], [sflag:$0x4], $0x8, s29, s30, $0xb8;
	[tilespmem:$0x1C400] =	vst v63  }
0x191: {  	s11 =	simm.s32 $0x13C80;
	s15 =	simm.s32 $0x18800  }
0x192: {  	[spmem:s2] =	stream.indirect.scatter.add.f32 [tilespmem:s15], [sflag:$0x4], $0x8, s11, s30, $0xb8;
	[tilespmem:$0x1C400] =	vst v63  }
0x193: {  	s8 =	simm.s32 $0x18C00;
	s7 =	simm.s32 $0x13D00  }
0x194: {  	[spmem:s2] =	stream.indirect.scatter.add.f32 [tilespmem:s8], [sflag:$0x4], $0x8, s7, s30, $0xb8;
	[tilespmem:$0x1C400] =	vst v63  }
0x195: {  	s11 =	simm.s32 $0x13D80;
	s15 =	simm.s32 $0x19000  }
0x196: {  	[spmem:s2] =	stream.indirect.scatter.add.f32 [tilespmem:s15], [sflag:$0x4], $0x8, s11, s30, $0xb8;
	[tilespmem:$0x1C400] =	vst v63  }
0x197: {  	s7 =	simm.s32 $0x13E00;
	s8 =	simm.s32 $0x19400  }
0x198: {  	[spmem:s2] =	stream.indirect.scatter.add.f32 [tilespmem:s8], [sflag:$0x4], $0x8, s7, s30, $0xb8;
	[tilespmem:$0x1C400] =	vst v63  }
0x199: {  	s11 =	simm.s32 $0x13E80;
	s15 =	simm.s32 $0x19800  }
0x19a: {  	[spmem:s2] =	stream.indirect.scatter.add.f32 [tilespmem:s15], [sflag:$0x4], $0x8, s11, s30, $0xb8;
	[tilespmem:$0x1C400] =	vst v63  }
0x19b: {  	s7 =	simm.s32 $0x13F00;
	s8 =	simm.s32 $0x19C00  }
0x19c: {  	[spmem:s2] =	stream.indirect.scatter.add.f32 [tilespmem:s8], [sflag:$0x4], $0x8, s7, s30, $0xb8;
	[tilespmem:$0x1C400] =	vst v63  }
0x19d: {  	s11 =	simm.s32 $0x13F80;
	s15 =	simm.s32 $0x1A000  }
0x19e: {  	[spmem:s2] =	stream.indirect.scatter.add.f32 [tilespmem:s15], [sflag:$0x4], $0x8, s11, s30, $0xb8;
	[tilespmem:$0x1C400] =	vst v63  }
0x19f: {  	s7 =	simm.s32 $0x14000;
	s8 =	simm.s32 $0x1A400  }
0x1a0: {  	[spmem:s2] =	stream.indirect.scatter.add.f32 [tilespmem:s8], [sflag:$0x4], $0x8, s7, s30, $0xb8;
	[tilespmem:$0x1C400] =	vst v63  }
0x1a1: {  	s11 =	simm.s32 $0x14080;
	s15 =	simm.s32 $0x1A800  }
0x1a2: {  	[spmem:s2] =	stream.indirect.scatter.add.f32 [tilespmem:s15], [sflag:$0x4], $0x8, s11, s30, $0xb8;
	[tilespmem:$0x1C400] =	vst v63  }
0x1a3: {  	s7 =	simm.s32 $0x14100;
	s8 =	simm.s32 $0x1AC00  }
0x1a4: {  	[spmem:s2] =	stream.indirect.scatter.add.f32 [tilespmem:s8], [sflag:$0x4], $0x8, s7, s30, $0xb8;
	[tilespmem:$0x1C400] =	vst v63  }
0x1a5: {  	s11 =	simm.s32 $0x14180;
	s15 =	simm.s32 $0x1B000  }
0x1a6: {  	[spmem:s2] =	stream.indirect.scatter.add.f32 [tilespmem:s15], [sflag:$0x4], $0x8, s11, s30, $0xb8;
	[tilespmem:$0x1C400] =	vst v63  }
0x1a7: {  	s7 =	simm.s32 $0x14200;
	s8 =	simm.s32 $0x1B400  }
0x1a8: {  	[spmem:s2] =	stream.indirect.scatter.add.f32 [tilespmem:s8], [sflag:$0x4], $0x8, s7, s30, $0xb8;
	[tilespmem:$0x1C400] =	vst v63  }
0x1a9: {  	s11 =	simm.s32 $0x14280;
	s15 =	simm.s32 $0x1B800  }
0x1aa: {  	[spmem:s2] =	stream.indirect.scatter.add.f32 [tilespmem:s15], [sflag:$0x4], $0x8, s11, s30, $0xb8;
	[tilespmem:$0x1C400] =	vst v63  }
0x1ab: {  	s8 =	simm.s32 $0x14300  }
0x1ac: {  	[spmem:s2] =	stream.indirect.scatter.add.f32 [tilespmem:s9], [sflag:$0x4], $0x8, s8, s30, $0xb8;
	[tilespmem:$0x1C400] =	vst v63  }
0x1ad: {  	_ = 	snop  }
0x1ae: {  	[spmem:s2] =	stream.indirect.scatter.add.f32 [tilespmem:s10], [sflag:$0x4], $0x8, s17, s30, $0xb8;
	[tilespmem:$0x1C400] =	vst v63  }
0x1af: {  	_ =	swait.ge [sflag:s24], $0x1000  }
0x1b0: {  	[sflag:s24] =	ssyncset.done $0x0  }
0x1b1: {  	[sflag:s24] =	ssyncadd.s32 $0xFFFFF000  }
0x1b2: {  	_ =	swait.ge [sflag:s24], $0x800  }
0x1b3: {  	[sflag:s24] =	ssyncset.done $0x0  }
0x1b4: {  	[sflag:s24] =	ssyncadd.s32 $0xFFFFF800  }
0x1b5: {  	_ =	swait.ge [sflag:s24], $0x800  }
0x1b6: {  	[sflag:s24] =	ssyncset.done $0x0  }
0x1b7: {  	s3 =	simm.s32 $0x10800;
	[sflag:s24] =	ssyncadd.s32 $0xFFFFF800  }
0x1b8: {  	s7 =	simm.s32 $0x12800;
	s11 =	simm.s32 $0x0;
	v1 =	vld [tilespmem:s3+$0xFFFFFC00]  }
0x1b9: {  	v3 =	vmov s11;
	v2 =	vld [tilespmem:s7+$0xFFFFFC00]  }
0x1ba: {  	v3 =	vshll.u32 v3, $0x3;
	v4 =	vld [tilespmem:s3+$0xFFFFFE00]  }
0x1bb: {  	v3 =	vor.u32 v0, v3;
	v5 =	vld [tilespmem:s3+$0x0]  }
0x1bc: {  	s8 =	sand.u32 $0x1F0, s11;
	v7 =	vor.u32 $0x1, v3;
	v6 =	vld [tilespmem:s3+$0x200]  }
0x1bd: {  	v9 =	vor.u32 $0x2, v3;
	v10 =	vld [tilespmem:s8+$0x10C00]  }
0x1be: {  	v12 =	vor.u32 $0x3, v3;
	v13 =	vld [tilespmem:s8+$0x10E00];
	v11 =	vmul.f32 v2, v1  }
0x1bf: {  	v15 =	vor.u32 $0x4, v3;
	v34 =	vld [tilespmem:s8+$0x11000];
	v14 =	vmul.f32 v2, v4  }
0x1c0: {  	v18 =	vor.u32 $0x5, v3;
	v16 =	vld [tilespmem:s8+$0x11200];
	v17 =	vmul.f32 v2, v5;
	[tilespmem:v3+s25+$0x0] =	vst.idx.msk $0xffff, v11  }
0x1c1: {  	v19 =	vor.u32 $0x6, v3;
	v35 =	vmul.f32 v2, v6;
	[tilespmem:v7+s25+$0x0] =	vst.idx.msk $0xffff, v14  }
0x1c2: {  	v3 =	vor.u32 $0x7, v3;
	v7 =	vmul.f32 v2, v10;
	[tilespmem:v9+s25+$0x0] =	vst.idx.msk $0xffff, v17  }
0x1c3: {  	v36 =	vmul.f32 v2, v13;
	[tilespmem:v12+s25+$0x0] =	vst.idx.msk $0xffff, v35  }
0x1c4: {  	v37 =	vmul.f32 v2, v34;
	[tilespmem:v15+s25+$0x0] =	vst.idx.msk $0xffff, v7  }
0x1c5: {  	v2 =	vmul.f32 v2, v16;
	[tilespmem:v18+s25+$0x0] =	vst.idx.msk $0xffff, v36  }
0x1c6: {  	[tilespmem:v19+s25+$0x0] =	vst.idx.msk $0xffff, v37  }
0x1c7: {  	s15 =	simm.s32 $0x200;
	[tilespmem:v3+s25+$0x0] =	vst.idx.msk $0xffff, v2  }
0x1c8: {  	v2 =	vmov s15;
	v3 =	vld [tilespmem:s7+$0xFFFFFE00]  }
0x1c9: {  	v2 =	vshll.u32 v2, $0x3  }
0x1ca: {  	v2 =	vor.u32 v0, v2  }
0x1cb: {  	v7 =	vor.u32 $0x1, v2  }
0x1cc: {  	v38 =	vor.u32 $0x2, v2  }
0x1cd: {  	v40 =	vor.u32 $0x3, v2;
	v39 =	vmul.f32 v3, v1  }
0x1ce: {  	v42 =	vor.u32 $0x4, v2;
	v41 =	vmul.f32 v3, v4  }
0x1cf: {  	v44 =	vor.u32 $0x5, v2;
	v43 =	vmul.f32 v3, v5;
	[tilespmem:v2+s25+$0x0] =	vst.idx.msk $0xffff, v39  }
0x1d0: {  	v45 =	vmul.f32 v3, v6;
	[tilespmem:v7+s25+$0x0] =	vst.idx.msk $0xffff, v41;
	v7 =	vor.u32 $0x6, v2  }
0x1d1: {  	v46 =	vmul.f32 v3, v10;
	v2 =	vor.u32 $0x7, v2;
	[tilespmem:v38+s25+$0x0] =	vst.idx.msk $0xffff, v43  }
0x1d2: {  	v47 =	vmul.f32 v3, v13;
	[tilespmem:v40+s25+$0x0] =	vst.idx.msk $0xffff, v45  }
0x1d3: {  	v48 =	vmul.f32 v3, v34;
	[tilespmem:v42+s25+$0x0] =	vst.idx.msk $0xffff, v46  }
0x1d4: {  	v3 =	vmul.f32 v3, v16;
	[tilespmem:v44+s25+$0x0] =	vst.idx.msk $0xffff, v47  }
0x1d5: {  	[tilespmem:v7+s25+$0x0] =	vst.idx.msk $0xffff, v48  }
0x1d6: {  	s11 =	simm.s32 $0x400;
	[tilespmem:v2+s25+$0x0] =	vst.idx.msk $0xffff, v3  }
0x1d7: {  	v2 =	vmov s11;
	v3 =	vld [tilespmem:s7+$0x0]  }
0x1d8: {  	v2 =	vshll.u32 v2, $0x3  }
0x1d9: {  	v2 =	vor.u32 v0, v2  }
0x1da: {  	v7 =	vor.u32 $0x1, v2  }
0x1db: {  	v49 =	vor.u32 $0x2, v2  }
0x1dc: {  	v51 =	vor.u32 $0x3, v2;
	v50 =	vmul.f32 v3, v1  }
0x1dd: {  	v53 =	vor.u32 $0x4, v2;
	v52 =	vmul.f32 v3, v4  }
0x1de: {  	v55 =	vor.u32 $0x5, v2;
	v54 =	vmul.f32 v3, v5;
	[tilespmem:v2+s25+$0x0] =	vst.idx.msk $0xffff, v50  }
0x1df: {  	v56 =	vmul.f32 v3, v6;
	[tilespmem:v7+s25+$0x0] =	vst.idx.msk $0xffff, v52;
	v7 =	vor.u32 $0x6, v2  }
0x1e0: {  	v57 =	vmul.f32 v3, v10;
	v2 =	vor.u32 $0x7, v2;
	[tilespmem:v49+s25+$0x0] =	vst.idx.msk $0xffff, v54  }
0x1e1: {  	v58 =	vmul.f32 v3, v13;
	[tilespmem:v51+s25+$0x0] =	vst.idx.msk $0xffff, v56  }
0x1e2: {  	v59 =	vmul.f32 v3, v34;
	[tilespmem:v53+s25+$0x0] =	vst.idx.msk $0xffff, v57  }
0x1e3: {  	v3 =	vmul.f32 v3, v16;
	[tilespmem:v55+s25+$0x0] =	vst.idx.msk $0xffff, v58  }
0x1e4: {  	[tilespmem:v7+s25+$0x0] =	vst.idx.msk $0xffff, v59  }
0x1e5: {  	s15 =	simm.s32 $0x600;
	[tilespmem:v2+s25+$0x0] =	vst.idx.msk $0xffff, v3  }
0x1e6: {  	v2 =	vmov s15;
	v7 =	vld [tilespmem:s7+$0x200]  }
0x1e7: {  	v2 =	vshll.u32 v2, $0x3  }
0x1e8: {  	v60 =	vor.u32 v0, v2  }
0x1e9: {  	v2 =	vor.u32 $0x1, v60  }
0x1ea: {  	v3 =	vor.u32 $0x2, v60  }
0x1eb: {  	v1 =	vmul.f32 v7, v1  }
0x1ec: {  	v61 =	vor.u32 $0x3, v60;
	v4 =	vmul.f32 v7, v4  }
0x1ed: {  	v62 =	vor.u32 $0x4, v60;
	v5 =	vmul.f32 v7, v5;
	[tilespmem:v60+s25+$0x0] =	vst.idx.msk $0xffff, v1  }
0x1ee: {  	v63 =	vor.u32 $0x5, v60;
	[tilespmem:v2+s25+$0x0] =	vst.idx.msk $0xffff, v4  }
0x1ef: {  	v1 =	vmul.f32 v7, v6;
	[tilespmem:v3+s25+$0x0] =	vst.idx.msk $0xffff, v5;
	v3 =	vor.u32 $0x6, v60  }
0x1f0: {  	v2 =	vmul.f32 v7, v10;
	v4 =	vor.u32 $0x7, v60  }
0x1f1: {  	v5 =	vmul.f32 v7, v13;
	[tilespmem:v61+s25+$0x0] =	vst.idx.msk $0xffff, v1  }
0x1f2: {  	v1 =	vmul.f32 v7, v34;
	[tilespmem:v62+s25+$0x0] =	vst.idx.msk $0xffff, v2  }
0x1f3: {  	s8 =	simm.s32 $0x10;
	v2 =	vmul.f32 v7, v16;
	[tilespmem:v63+s25+$0x0] =	vst.idx.msk $0xffff, v5  }
.LBB2_8:
0x1f4: {  	p0 =	sne.s32 s8, $0x1F0;
	[tilespmem:v3+s25+$0x0] =	vst.idx.msk $0xffff, v1;
	s3 =	sadd.s32 $0x10, s3;
	s7 =	sadd.s32 $0x10, s7  }
0x1f5: {  	s11 =	smov.u32 s8;
	s8 =	sadd.s32 $0x10, s8;
	[tilespmem:v4+s25+$0x0] =	vst.idx.msk $0xffff, v2  }
0x1f6: {  	v1 =	vld [tilespmem:s3+$0xFFFFFC00]  }
0x1f7: {  	v2 =	vmov s11;
	v9 =	vld [tilespmem:s7+$0xFFFFFC00]  }
0x1f8: {  	v2 =	vshll.u32 v2, $0x3;
	v3 =	vld [tilespmem:s3+$0xFFFFFE00]  }
0x1f9: {  	v10 =	vor.u32 v0, v2;
	v4 =	vld [tilespmem:s3+$0x0]  }
0x1fa: {  	s15 =	sand.u32 $0x1F0, s11;
	v11 =	vor.u32 $0x1, v10;
	v12 =	vor.u32 $0x2, v10;
	v5 =	vld [tilespmem:s3+$0x200]  }
0x1fb: {  	v2 =	vld [tilespmem:s15+$0x11000]  }
0x1fc: {  	v14 =	vor.u32 $0x3, v10;
	v6 =	vld [tilespmem:s15+$0x10C00];
	v13 =	vmul.f32 v9, v1  }
0x1fd: {  	v16 =	vor.u32 $0x4, v10;
	v8 =	vld [tilespmem:s15+$0x10E00];
	v15 =	vmul.f32 v9, v3  }
0x1fe: {  	v18 =	vor.u32 $0x5, v10;
	v7 =	vld [tilespmem:s15+$0x11200];
	v17 =	vmul.f32 v9, v4  }
0x1ff: {  	v19 =	vor.u32 $0x6, v10;
	[tilespmem:v10+s25+$0x0] =	vst.idx.msk $0xffff, v13;
	v13 =	vmul.f32 v9, v5  }
0x200: {  	v10 =	vor.u32 $0x7, v10;
	[tilespmem:v11+s25+$0x0] =	vst.idx.msk $0xffff, v15  }
0x201: {  	[tilespmem:v12+s25+$0x0] =	vst.idx.msk $0xffff, v17;
	v11 =	vmul.f32 v9, v6  }
0x202: {  	[tilespmem:v14+s25+$0x0] =	vst.idx.msk $0xffff, v13;
	v12 =	vmul.f32 v9, v8;
	v13 =	vmul.f32 v9, v2  }
0x203: {  	[tilespmem:v16+s25+$0x0] =	vst.idx.msk $0xffff, v11;
	v9 =	vmul.f32 v9, v7  }
0x204: {  	[tilespmem:v18+s25+$0x0] =	vst.idx.msk $0xffff, v12  }
0x205: {  	[tilespmem:v19+s25+$0x0] =	vst.idx.msk $0xffff, v13  }
0x206: {  	s15 =	sadd.s32 $0x200, s11;
	[tilespmem:v10+s25+$0x0] =	vst.idx.msk $0xffff, v9  }
0x207: {  	v9 =	vmov s15;
	v10 =	vld [tilespmem:s7+$0xFFFFFE00]  }
0x208: {  	v9 =	vshll.u32 v9, $0x3  }
0x209: {  	v9 =	vor.u32 v0, v9  }
0x20a: {  	v11 =	vor.u32 $0x1, v9  }
0x20b: {  	v12 =	vor.u32 $0x2, v9  }
0x20c: {  	v15 =	vor.u32 $0x3, v9;
	v13 =	vmul.f32 v10, v1;
	v14 =	vmul.f32 v10, v3  }
0x20d: {  	v18 =	vor.u32 $0x4, v9;
	v16 =	vmul.f32 v10, v4;
	v17 =	vmul.f32 v10, v5  }
0x20e: {  	v20 =	vor.u32 $0x5, v9;
	v19 =	vmul.f32 v10, v8;
	[tilespmem:v9+s25+$0x0] =	vst.idx.msk $0xffff, v13;
	v13 =	vmul.f32 v10, v6  }
0x20f: {  	[tilespmem:v11+s25+$0x0] =	vst.idx.msk $0xffff, v14;
	v11 =	vmul.f32 v10, v2;
	v14 =	vor.u32 $0x6, v9;
	v10 =	vmul.f32 v10, v7  }
0x210: {  	v9 =	vor.u32 $0x7, v9;
	[tilespmem:v12+s25+$0x0] =	vst.idx.msk $0xffff, v16  }
0x211: {  	[tilespmem:v15+s25+$0x0] =	vst.idx.msk $0xffff, v17  }
0x212: {  	[tilespmem:v18+s25+$0x0] =	vst.idx.msk $0xffff, v13  }
0x213: {  	[tilespmem:v20+s25+$0x0] =	vst.idx.msk $0xffff, v19  }
0x214: {  	[tilespmem:v14+s25+$0x0] =	vst.idx.msk $0xffff, v11  }
0x215: {  	s15 =	sadd.s32 $0x400, s11;
	[tilespmem:v9+s25+$0x0] =	vst.idx.msk $0xffff, v10  }
0x216: {  	v9 =	vmov s15;
	v10 =	vld [tilespmem:s7+$0x0]  }
0x217: {  	v9 =	vshll.u32 v9, $0x3  }
0x218: {  	v9 =	vor.u32 v0, v9  }
0x219: {  	v11 =	vor.u32 $0x1, v9  }
0x21a: {  	v12 =	vor.u32 $0x2, v9  }
0x21b: {  	v15 =	vor.u32 $0x3, v9;
	v13 =	vmul.f32 v10, v1;
	v14 =	vmul.f32 v10, v3  }
0x21c: {  	v18 =	vor.u32 $0x4, v9;
	v16 =	vmul.f32 v10, v4;
	v17 =	vmul.f32 v10, v5  }
0x21d: {  	v20 =	vor.u32 $0x5, v9;
	v19 =	vmul.f32 v10, v8;
	[tilespmem:v9+s25+$0x0] =	vst.idx.msk $0xffff, v13;
	v13 =	vmul.f32 v10, v6  }
0x21e: {  	[tilespmem:v11+s25+$0x0] =	vst.idx.msk $0xffff, v14;
	v11 =	vmul.f32 v10, v2;
	v14 =	vor.u32 $0x6, v9;
	v10 =	vmul.f32 v10, v7  }
0x21f: {  	v9 =	vor.u32 $0x7, v9;
	[tilespmem:v12+s25+$0x0] =	vst.idx.msk $0xffff, v16  }
0x220: {  	[tilespmem:v15+s25+$0x0] =	vst.idx.msk $0xffff, v17  }
0x221: {  	[tilespmem:v18+s25+$0x0] =	vst.idx.msk $0xffff, v13  }
0x222: {  	[tilespmem:v20+s25+$0x0] =	vst.idx.msk $0xffff, v19  }
0x223: {  	[tilespmem:v14+s25+$0x0] =	vst.idx.msk $0xffff, v11  }
0x224: {  	s11 =	sadd.s32 $0x600, s11;
	[tilespmem:v9+s25+$0x0] =	vst.idx.msk $0xffff, v10  }
0x225: {  	v9 =	vmov s11;
	v10 =	vld [tilespmem:s7+$0x200]  }
0x226: {  	v9 =	vshll.u32 v9, $0x3  }
0x227: {  	v9 =	vor.u32 v0, v9  }
0x228: {  	v11 =	vor.u32 $0x1, v9  }
0x229: {  	v12 =	vor.u32 $0x2, v9  }
0x22a: {  	v13 =	vor.u32 $0x3, v9;
	v1 =	vmul.f32 v10, v1;
	v3 =	vmul.f32 v10, v3  }
0x22b: {  	v14 =	vor.u32 $0x4, v9;
	v4 =	vmul.f32 v10, v4;
	v5 =	vmul.f32 v10, v5  }
0x22c: {  	v15 =	vor.u32 $0x5, v9;
	v6 =	vmul.f32 v10, v6;
	v8 =	vmul.f32 v10, v8;
	[tilespmem:v9+s25+$0x0] =	vst.idx.msk $0xffff, v1  }
.Ltmp2:
0x22d: {  	v1 =	vmul.f32 v10, v2;
	v2 =	vmul.f32 v10, v7;
	[tilespmem:v11+s25+$0x0] =	vst.idx.msk $0xffff, v3;
	v3 =	vor.u32 $0x6, v9;
	(pc) =	sbr.rel @p0 .LBB2_8-.Ltmp2, $4  }
0x22e: {  	[tilespmem:v12+s25+$0x0] =	vst.idx.msk $0xffff, v4;
	v4 =	vor.u32 $0x7, v9  }
0x22f: {  	[tilespmem:v13+s25+$0x0] =	vst.idx.msk $0xffff, v5  }
0x230: {  	[tilespmem:v14+s25+$0x0] =	vst.idx.msk $0xffff, v6  }
0x231: {  	[tilespmem:v15+s25+$0x0] =	vst.idx.msk $0xffff, v8  }
0x232: {  	_ =	sdelay $0x3  }
0x233: {  	[tilespmem:v3+s25+$0x0] =	vst.idx.msk $0xffff, v1  }
0x234: {  	[tilespmem:v4+s25+$0x0] =	vst.idx.msk $0xffff, v2  }
0x235: {  	_ =	swait.ge [sflag:s22], $0x400  }
0x236: {  	[sflag:s22] =	ssyncset.done $0x0  }
0x237: {  	[sflag:s22] =	ssyncadd.s32 $0xFFFFFC00  }
0x238: {  	_ =	swait.ge [sflag:s22], $0x400  }
0x239: {  	[sflag:s22] =	ssyncset.done $0x0  }
0x23a: {  	[sflag:s22] =	ssyncadd.s32 $0xFFFFFC00  }
0x23b: {  	_ =	swait.ge [sflag:s22], $0x400  }
0x23c: {  	[sflag:s22] =	ssyncset.done $0x0  }
0x23d: {  	[sflag:s22] =	ssyncadd.s32 $0xFFFFFC00  }
0x23e: {  	_ =	swait.ge [sflag:s22], $0x400  }
0x23f: {  	[sflag:s22] =	ssyncset.done $0x0  }
0x240: {  	[sflag:s22] =	ssyncadd.s32 $0xFFFFFC00  }
0x241: {  	_ =	swait.ge [sflag:s22], $0x400  }
0x242: {  	[sflag:s22] =	ssyncset.done $0x0  }
0x243: {  	[sflag:s22] =	ssyncadd.s32 $0xFFFFFC00  }
0x244: {  	_ =	swait.ge [sflag:s22], $0x400  }
0x245: {  	[sflag:s22] =	ssyncset.done $0x0  }
0x246: {  	[sflag:s22] =	ssyncadd.s32 $0xFFFFFC00  }
0x247: {  	_ =	swait.ge [sflag:s22], $0x400  }
0x248: {  	[sflag:s22] =	ssyncset.done $0x0  }
0x249: {  	[sflag:s22] =	ssyncadd.s32 $0xFFFFFC00  }
0x24a: {  	_ =	swait.ge [sflag:s22], $0x400  }
0x24b: {  	[sflag:s22] =	ssyncset.done $0x0  }
0x24c: {  	[sflag:s22] =	ssyncadd.s32 $0xFFFFFC00  }
0x24d: {  	_ =	swait.ge [sflag:s22], $0x400  }
0x24e: {  	[sflag:s22] =	ssyncset.done $0x0  }
0x24f: {  	[sflag:s22] =	ssyncadd.s32 $0xFFFFFC00  }
0x250: {  	_ =	swait.ge [sflag:s22], $0x400  }
0x251: {  	[sflag:s22] =	ssyncset.done $0x0  }
0x252: {  	[sflag:s22] =	ssyncadd.s32 $0xFFFFFC00  }
0x253: {  	_ =	swait.ge [sflag:s22], $0x400  }
0x254: {  	[sflag:s22] =	ssyncset.done $0x0  }
0x255: {  	[sflag:s22] =	ssyncadd.s32 $0xFFFFFC00  }
0x256: {  	_ =	swait.ge [sflag:s22], $0x400  }
0x257: {  	[sflag:s22] =	ssyncset.done $0x0  }
0x258: {  	[sflag:s22] =	ssyncadd.s32 $0xFFFFFC00  }
0x259: {  	_ =	swait.ge [sflag:s22], $0x400  }
0x25a: {  	[sflag:s22] =	ssyncset.done $0x0  }
0x25b: {  	[sflag:s22] =	ssyncadd.s32 $0xFFFFFC00  }
0x25c: {  	_ =	swait.ge [sflag:s22], $0x400  }
0x25d: {  	[sflag:s22] =	ssyncset.done $0x0  }
0x25e: {  	[sflag:s22] =	ssyncadd.s32 $0xFFFFFC00  }
0x25f: {  	_ =	swait.ge [sflag:s22], $0x400  }
0x260: {  	[sflag:s22] =	ssyncset.done $0x0  }
0x261: {  	s3 =	sadd.s32 s16, s14;
	[sflag:s22] =	ssyncadd.s32 $0xFFFFFC00  }
0x262: {  	s7 =	sor.u32 s26, s3;
	_ =	swait.ge [sflag:s22], $0x400  }
0x263: {  	s7 =	sshrl.u32 s7, $0x3;
	[sflag:s22] =	ssyncset.done $0x0  }
0x264: {  	s8 =	simm.s32 $0x11400;
	s7 =	sadd.s32 s4, s7;
	[sflag:s22] =	ssyncadd.s32 $0xFFFFFC00  }
0x265: {  	[tilespmem:s8], [sflag:$0x2] =	stream.strided.gather [hbm4b:s7+s19], $0x1000, s20, s19, $0x38;
	[tilespmem:$0x1C400] =	vst v63  }
0x266: {  	s8 =	sor.u32 s28, s3  }
0x267: {  	s3 =	sor.u32 s31, s3;
	s7 =	sshrl.u32 s8, $0x3  }
0x268: {  	s11 =	simm.s32 $0x12C00;
	s3 =	sshrl.u32 s3, $0x3;
	s7 =	sadd.s32 s6, s7  }
0x269: {  	[tilespmem:s11], [sflag:$0x2] =	stream.strided.gather [hbm4b:s7+s19], $0x800, s20, s19, $0x38;
	[tilespmem:$0x1C400] =	vst v63  }
0x26a: {  	s3 =	sadd.s32 s1, s3  }
0x26b: {  	[tilespmem:s29], [sflag:$0x2] =	stream.strided.gather [hbm4b:s3+s19], $0x800, s20, s19, $0x38;
	[tilespmem:$0x1C400] =	vst v63  }
0x26c: {  	_ = 	snop  }
0x26d: {  	[spmem:s2] =	stream.indirect.scatter.add.f32 [tilespmem:s25], [sflag:$0x3], $0x8, s23, s30, $0xb8;
	[tilespmem:$0x1C400] =	vst v63  }
0x26e: {  	s15 =	simm.s32 $0x13480;
	s16 =	simm.s32 $0x14800  }
0x26f: {  	[spmem:s2] =	stream.indirect.scatter.add.f32 [tilespmem:s16], [sflag:$0x3], $0x8, s15, s30, $0xb8;
	[tilespmem:$0x1C400] =	vst v63  }
0x270: {  	s8 =	simm.s32 $0x13500;
	s11 =	simm.s32 $0x14C00  }
0x271: {  	[spmem:s2] =	stream.indirect.scatter.add.f32 [tilespmem:s11], [sflag:$0x3], $0x8, s8, s30, $0xb8;
	[tilespmem:$0x1C400] =	vst v63  }
0x272: {  	s15 =	simm.s32 $0x13580;
	s16 =	simm.s32 $0x15000  }
0x273: {  	[spmem:s2] =	stream.indirect.scatter.add.f32 [tilespmem:s16], [sflag:$0x3], $0x8, s15, s30, $0xb8;
	[tilespmem:$0x1C400] =	vst v63  }
0x274: {  	s8 =	simm.s32 $0x13600;
	s11 =	simm.s32 $0x15400  }
0x275: {  	[spmem:s2] =	stream.indirect.scatter.add.f32 [tilespmem:s11], [sflag:$0x3], $0x8, s8, s30, $0xb8;
	[tilespmem:$0x1C400] =	vst v63  }
0x276: {  	s15 =	simm.s32 $0x13680;
	s16 =	simm.s32 $0x15800  }
0x277: {  	[spmem:s2] =	stream.indirect.scatter.add.f32 [tilespmem:s16], [sflag:$0x3], $0x8, s15, s30, $0xb8;
	[tilespmem:$0x1C400] =	vst v63  }
0x278: {  	s8 =	simm.s32 $0x13700;
	s11 =	simm.s32 $0x15C00  }
0x279: {  	[spmem:s2] =	stream.indirect.scatter.add.f32 [tilespmem:s11], [sflag:$0x3], $0x8, s8, s30, $0xb8;
	[tilespmem:$0x1C400] =	vst v63  }
0x27a: {  	s15 =	simm.s32 $0x13780;
	s16 =	simm.s32 $0x16000  }
0x27b: {  	[spmem:s2] =	stream.indirect.scatter.add.f32 [tilespmem:s16], [sflag:$0x3], $0x8, s15, s30, $0xb8;
	[tilespmem:$0x1C400] =	vst v63  }
0x27c: {  	s8 =	simm.s32 $0x13800;
	s11 =	simm.s32 $0x16400  }
0x27d: {  	[spmem:s2] =	stream.indirect.scatter.add.f32 [tilespmem:s11], [sflag:$0x3], $0x8, s8, s30, $0xb8;
	[tilespmem:$0x1C400] =	vst v63  }
0x27e: {  	s15 =	simm.s32 $0x13880;
	s16 =	simm.s32 $0x16800  }
0x27f: {  	[spmem:s2] =	stream.indirect.scatter.add.f32 [tilespmem:s16], [sflag:$0x3], $0x8, s15, s30, $0xb8;
	[tilespmem:$0x1C400] =	vst v63  }
0x280: {  	s8 =	simm.s32 $0x13900;
	s11 =	simm.s32 $0x16C00  }
0x281: {  	[spmem:s2] =	stream.indirect.scatter.add.f32 [tilespmem:s11], [sflag:$0x3], $0x8, s8, s30, $0xb8;
	[tilespmem:$0x1C400] =	vst v63  }
0x282: {  	s15 =	simm.s32 $0x13980;
	s16 =	simm.s32 $0x17000  }
0x283: {  	[spmem:s2] =	stream.indirect.scatter.add.f32 [tilespmem:s16], [sflag:$0x3], $0x8, s15, s30, $0xb8;
	[tilespmem:$0x1C400] =	vst v63  }
0x284: {  	s5 =	sadd.s32 $0x1, s5;
	s8 =	simm.s32 $0x13A00;
	s11 =	simm.s32 $0x17400  }
0x285: {  	[spmem:s2] =	stream.indirect.scatter.add.f32 [tilespmem:s11], [sflag:$0x3], $0x8, s8, s30, $0xb8;
	[tilespmem:$0x1C400] =	vst v63  }
0x286: {  	p0 =	sne.s32 s5, $0xF;
	s15 =	simm.s32 $0x13A80;
	s16 =	simm.s32 $0x17800  }
0x287: {  	[spmem:s2] =	stream.indirect.scatter.add.f32 [tilespmem:s16], [sflag:$0x3], $0x8, s15, s30, $0xb8;
	[tilespmem:$0x1C400] =	vst v63  }
.Ltmp3:
0x288: {  	_ = 	snop;
	(pc) =	sbr.rel @p0 .LBB2_5-.Ltmp3, $4  }
0x289: {  	s8 =	simm.s32 $0x13B00;
	s11 =	simm.s32 $0x17C00  }
0x28a: {  	[spmem:s2] =	stream.indirect.scatter.add.f32 [tilespmem:s11], [sflag:$0x3], $0x8, s8, s30, $0xb8;
	[tilespmem:$0x1C400] =	vst v63  }
0x28b: {  	s15 =	simm.s32 $0x13B80;
	s16 =	simm.s32 $0x18000  }
0x28c: {  	[spmem:s2] =	stream.indirect.scatter.add.f32 [tilespmem:s16], [sflag:$0x3], $0x8, s15, s30, $0xb8;
	[tilespmem:$0x1C400] =	vst v63  }
0x28d: {  	_ =	swait.ge [sflag:s12], $0x1000  }
0x28e: {  	[sflag:s12] =	ssyncset.done $0x0  }
0x28f: {  	[sflag:s12] =	ssyncadd.s32 $0xFFFFF000  }
0x290: {  	_ =	swait.ge [sflag:s12], $0x800  }
0x291: {  	[sflag:s12] =	ssyncset.done $0x0  }
0x292: {  	[sflag:s12] =	ssyncadd.s32 $0xFFFFF800  }
0x293: {  	_ =	swait.ge [sflag:s12], $0x800  }
0x294: {  	s3 =	simm.s32 $0x0;
	[sflag:s12] =	ssyncset.done $0x0  }
0x295: {  	s0 =	sand.u32 $0x1F0, s3;
	[sflag:s12] =	ssyncadd.s32 $0xFFFFF800  }
0x296: {  	v2 =	vld [tilespmem:s0+$0x11400]  }
0x297: {  	v3 =	vmov s3;
	v4 =	vld [tilespmem:s0+$0x12C00]  }
0x298: {  	v3 =	vshll.u32 v3, $0x3;
	v5 =	vld [tilespmem:s0+$0x11600]  }
0x299: {  	v3 =	vor.u32 v0, v3;
	v1 =	vld [tilespmem:s0+$0x11800]  }
0x29a: {  	v7 =	vor.u32 $0x1, v3;
	v6 =	vld [tilespmem:s0+$0x11A00]  }
0x29b: {  	v9 =	vor.u32 $0x2, v3;
	v8 =	vld [tilespmem:s0+$0x11C00]  }
0x29c: {  	v11 =	vor.u32 $0x3, v3;
	v10 =	vld [tilespmem:s0+$0x11E00];
	v13 =	vmul.f32 v4, v2  }
0x29d: {  	v14 =	vor.u32 $0x4, v3;
	v12 =	vld [tilespmem:s0+$0x12000];
	v15 =	vmul.f32 v4, v5  }
0x29e: {  	v17 =	vor.u32 $0x5, v3;
	v16 =	vld [tilespmem:s0+$0x12200];
	v18 =	vmul.f32 v4, v1;
	[tilespmem:v3+s18+$0x0] =	vst.idx.msk $0xffff, v13  }
0x29f: {  	v19 =	vor.u32 $0x6, v3;
	v46 =	vmul.f32 v4, v6;
	[tilespmem:v7+s18+$0x0] =	vst.idx.msk $0xffff, v15  }
0x2a0: {  	v3 =	vor.u32 $0x7, v3;
	v7 =	vmul.f32 v4, v8;
	[tilespmem:v9+s18+$0x0] =	vst.idx.msk $0xffff, v18  }
0x2a1: {  	v9 =	vmul.f32 v4, v10;
	[tilespmem:v11+s18+$0x0] =	vst.idx.msk $0xffff, v46  }
0x2a2: {  	v11 =	vmul.f32 v4, v12;
	[tilespmem:v14+s18+$0x0] =	vst.idx.msk $0xffff, v7  }
0x2a3: {  	v4 =	vmul.f32 v4, v16;
	[tilespmem:v17+s18+$0x0] =	vst.idx.msk $0xffff, v9  }
0x2a4: {  	[tilespmem:v19+s18+$0x0] =	vst.idx.msk $0xffff, v11  }
0x2a5: {  	s16 =	simm.s32 $0x200;
	[tilespmem:v3+s18+$0x0] =	vst.idx.msk $0xffff, v4  }
0x2a6: {  	v3 =	vmov s16;
	v4 =	vld [tilespmem:s0+$0x12E00]  }
0x2a7: {  	v3 =	vshll.u32 v3, $0x3  }
0x2a8: {  	v3 =	vor.u32 v0, v3  }
0x2a9: {  	v7 =	vor.u32 $0x1, v3  }
0x2aa: {  	v9 =	vor.u32 $0x2, v3  }
0x2ab: {  	v11 =	vor.u32 $0x3, v3;
	v47 =	vmul.f32 v4, v2  }
0x2ac: {  	v49 =	vor.u32 $0x4, v3;
	v48 =	vmul.f32 v4, v5  }
0x2ad: {  	v51 =	vor.u32 $0x5, v3;
	v50 =	vmul.f32 v4, v1;
	[tilespmem:v3+s18+$0x0] =	vst.idx.msk $0xffff, v47  }
0x2ae: {  	v53 =	vor.u32 $0x6, v3;
	v52 =	vmul.f32 v4, v6;
	[tilespmem:v7+s18+$0x0] =	vst.idx.msk $0xffff, v48  }
0x2af: {  	v3 =	vor.u32 $0x7, v3;
	v7 =	vmul.f32 v4, v8;
	[tilespmem:v9+s18+$0x0] =	vst.idx.msk $0xffff, v50  }
0x2b0: {  	v9 =	vmul.f32 v4, v10;
	[tilespmem:v11+s18+$0x0] =	vst.idx.msk $0xffff, v52  }
0x2b1: {  	v11 =	vmul.f32 v4, v12;
	[tilespmem:v49+s18+$0x0] =	vst.idx.msk $0xffff, v7  }
0x2b2: {  	v4 =	vmul.f32 v4, v16;
	[tilespmem:v51+s18+$0x0] =	vst.idx.msk $0xffff, v9  }
0x2b3: {  	[tilespmem:v53+s18+$0x0] =	vst.idx.msk $0xffff, v11  }
0x2b4: {  	s28 =	simm.s32 $0x400;
	[tilespmem:v3+s18+$0x0] =	vst.idx.msk $0xffff, v4  }
0x2b5: {  	v3 =	vmov s28;
	v4 =	vld [tilespmem:s0+$0x13000]  }
0x2b6: {  	v3 =	vshll.u32 v3, $0x3  }
0x2b7: {  	v3 =	vor.u32 v0, v3  }
0x2b8: {  	v7 =	vor.u32 $0x1, v3  }
0x2b9: {  	v9 =	vor.u32 $0x2, v3  }
0x2ba: {  	v11 =	vor.u32 $0x3, v3;
	v54 =	vmul.f32 v4, v2  }
0x2bb: {  	v56 =	vor.u32 $0x4, v3;
	v55 =	vmul.f32 v4, v5  }
0x2bc: {  	v58 =	vor.u32 $0x5, v3;
	v57 =	vmul.f32 v4, v1;
	[tilespmem:v3+s18+$0x0] =	vst.idx.msk $0xffff, v54  }
0x2bd: {  	v60 =	vor.u32 $0x6, v3;
	v59 =	vmul.f32 v4, v6;
	[tilespmem:v7+s18+$0x0] =	vst.idx.msk $0xffff, v55  }
0x2be: {  	v3 =	vor.u32 $0x7, v3;
	v7 =	vmul.f32 v4, v8;
	[tilespmem:v9+s18+$0x0] =	vst.idx.msk $0xffff, v57  }
0x2bf: {  	v9 =	vmul.f32 v4, v10;
	[tilespmem:v11+s18+$0x0] =	vst.idx.msk $0xffff, v59  }
0x2c0: {  	v11 =	vmul.f32 v4, v12;
	[tilespmem:v56+s18+$0x0] =	vst.idx.msk $0xffff, v7  }
0x2c1: {  	v4 =	vmul.f32 v4, v16;
	[tilespmem:v58+s18+$0x0] =	vst.idx.msk $0xffff, v9  }
0x2c2: {  	[tilespmem:v60+s18+$0x0] =	vst.idx.msk $0xffff, v11  }
0x2c3: {  	s31 =	simm.s32 $0x600;
	[tilespmem:v3+s18+$0x0] =	vst.idx.msk $0xffff, v4  }
0x2c4: {  	v3 =	vmov s31;
	v9 =	vld [tilespmem:s0+$0x13200]  }
0x2c5: {  	v3 =	vshll.u32 v3, $0x3  }
0x2c6: {  	v11 =	vor.u32 v0, v3;
	_ =	sdelay $0x1  }
0x2c7: {  	v3 =	vor.u32 $0x1, v11  }
0x2c8: {  	v7 =	vor.u32 $0x2, v11;
	v2 =	vmul.f32 v9, v2  }
0x2c9: {  	v61 =	vor.u32 $0x3, v11  }
0x2ca: {  	v4 =	vmul.f32 v9, v5;
	[tilespmem:v11+s18+$0x0] =	vst.idx.msk $0xffff, v2;
	v2 =	vor.u32 $0x4, v11  }
0x2cb: {  	v62 =	vmul.f32 v9, v1;
	v1 =	vor.u32 $0x5, v11  }
0x2cc: {  	v63 =	vmul.f32 v9, v6;
	[tilespmem:v3+s18+$0x0] =	vst.idx.msk $0xffff, v4;
	v3 =	vor.u32 $0x6, v11  }
0x2cd: {  	v5 =	vmul.f32 v9, v8;
	v6 =	vmul.f32 v9, v16;
	v8 =	vor.u32 $0x7, v11;
	[tilespmem:v7+s18+$0x0] =	vst.idx.msk $0xffff, v62  }
0x2ce: {  	s8 =	rddreg [dreg:$0xe];
	s0 =	simm.s32 $0x10;
	v4 =	vmul.f32 v9, v10;
	v7 =	vmul.f32 v9, v12;
	[tilespmem:v61+s18+$0x0] =	vst.idx.msk $0xffff, v63  }
.LBB2_11:
0x2cf: {  	p0 =	sne.s32 s0, $0x1F0;
	[tilespmem:v2+s18+$0x0] =	vst.idx.msk $0xffff, v5;
	s3 =	smov.u32 s0;
	s0 =	sadd.s32 $0x10, s0  }
0x2d0: {  	[tilespmem:v1+s18+$0x0] =	vst.idx.msk $0xffff, v4  }
0x2d1: {  	[tilespmem:v3+s18+$0x0] =	vst.idx.msk $0xffff, v7  }
0x2d2: {  	s5 =	sand.u32 $0x1F0, s3;
	[tilespmem:v8+s18+$0x0] =	vst.idx.msk $0xffff, v6  }
0x2d3: {  	v1 =	vld [tilespmem:s5+$0x11800]  }
0x2d4: {  	v4 =	vmov s3;
	v2 =	vld [tilespmem:s5+$0x11600]  }
0x2d5: {  	v4 =	vshll.u32 v4, $0x3;
	v3 =	vld [tilespmem:s5+$0x11400]  }
0x2d6: {  	v10 =	vor.u32 v0, v4;
	v9 =	vld [tilespmem:s5+$0x12C00]  }
0x2d7: {  	v11 =	vor.u32 $0x1, v10;
	v5 =	vld [tilespmem:s5+$0x11A00]  }
0x2d8: {  	v12 =	vor.u32 $0x2, v10;
	v4 =	vld [tilespmem:s5+$0x11C00]  }
0x2d9: {  	v13 =	vor.u32 $0x3, v10;
	v7 =	vld [tilespmem:s5+$0x11E00]  }
0x2da: {  	v14 =	vor.u32 $0x4, v10;
	v6 =	vld [tilespmem:s5+$0x12000]  }
0x2db: {  	v17 =	vor.u32 $0x5, v10;
	v15 =	vmul.f32 v9, v3;
	v16 =	vmul.f32 v9, v2  }
0x2dc: {  	v20 =	vor.u32 $0x6, v10;
	v18 =	vmul.f32 v9, v1;
	v8 =	vld [tilespmem:s5+$0x12200];
	v19 =	vmul.f32 v9, v5  }
0x2dd: {  	[tilespmem:v10+s18+$0x0] =	vst.idx.msk $0xffff, v15;
	v15 =	vmul.f32 v9, v4;
	v10 =	vor.u32 $0x7, v10  }
0x2de: {  	[tilespmem:v11+s18+$0x0] =	vst.idx.msk $0xffff, v16;
	v11 =	vmul.f32 v9, v7  }
0x2df: {  	[tilespmem:v12+s18+$0x0] =	vst.idx.msk $0xffff, v18;
	v12 =	vmul.f32 v9, v6  }
0x2e0: {  	[tilespmem:v13+s18+$0x0] =	vst.idx.msk $0xffff, v19  }
0x2e1: {  	[tilespmem:v14+s18+$0x0] =	vst.idx.msk $0xffff, v15;
	v9 =	vmul.f32 v9, v8  }
0x2e2: {  	[tilespmem:v17+s18+$0x0] =	vst.idx.msk $0xffff, v11  }
0x2e3: {  	s7 =	sadd.s32 $0x200, s3;
	[tilespmem:v20+s18+$0x0] =	vst.idx.msk $0xffff, v12  }
0x2e4: {  	[tilespmem:v10+s18+$0x0] =	vst.idx.msk $0xffff, v9;
	v9 =	vmov s7  }
0x2e5: {  	v9 =	vshll.u32 v9, $0x3;
	v10 =	vld [tilespmem:s5+$0x12E00]  }
0x2e6: {  	v9 =	vor.u32 v0, v9  }
0x2e7: {  	v11 =	vor.u32 $0x1, v9  }
0x2e8: {  	v12 =	vor.u32 $0x2, v9  }
0x2e9: {  	v13 =	vor.u32 $0x3, v9  }
0x2ea: {  	v16 =	vor.u32 $0x4, v9;
	v14 =	vmul.f32 v10, v3;
	v15 =	vmul.f32 v10, v2  }
0x2eb: {  	v19 =	vor.u32 $0x5, v9;
	v17 =	vmul.f32 v10, v1;
	v18 =	vmul.f32 v10, v5  }
0x2ec: {  	v21 =	vor.u32 $0x6, v9;
	v20 =	vmul.f32 v10, v7;
	[tilespmem:v9+s18+$0x0] =	vst.idx.msk $0xffff, v14;
	v14 =	vmul.f32 v10, v4  }
0x2ed: {  	v9 =	vor.u32 $0x7, v9;
	[tilespmem:v11+s18+$0x0] =	vst.idx.msk $0xffff, v15;
	v11 =	vmul.f32 v10, v6  }
0x2ee: {  	[tilespmem:v12+s18+$0x0] =	vst.idx.msk $0xffff, v17  }
0x2ef: {  	[tilespmem:v13+s18+$0x0] =	vst.idx.msk $0xffff, v18  }
0x2f0: {  	v10 =	vmul.f32 v10, v8;
	[tilespmem:v16+s18+$0x0] =	vst.idx.msk $0xffff, v14  }
0x2f1: {  	[tilespmem:v19+s18+$0x0] =	vst.idx.msk $0xffff, v20  }
0x2f2: {  	s7 =	sadd.s32 $0x400, s3;
	[tilespmem:v21+s18+$0x0] =	vst.idx.msk $0xffff, v11  }
0x2f3: {  	[tilespmem:v9+s18+$0x0] =	vst.idx.msk $0xffff, v10;
	v9 =	vmov s7  }
0x2f4: {  	v9 =	vshll.u32 v9, $0x3;
	v10 =	vld [tilespmem:s5+$0x13000]  }
0x2f5: {  	v9 =	vor.u32 v0, v9  }
0x2f6: {  	v11 =	vor.u32 $0x1, v9  }
0x2f7: {  	v12 =	vor.u32 $0x2, v9  }
0x2f8: {  	v13 =	vor.u32 $0x3, v9  }
0x2f9: {  	v16 =	vor.u32 $0x4, v9;
	v14 =	vmul.f32 v10, v3;
	v15 =	vmul.f32 v10, v2  }
0x2fa: {  	v19 =	vor.u32 $0x5, v9;
	v17 =	vmul.f32 v10, v1;
	v18 =	vmul.f32 v10, v5  }
0x2fb: {  	v21 =	vor.u32 $0x6, v9;
	v20 =	vmul.f32 v10, v7;
	[tilespmem:v9+s18+$0x0] =	vst.idx.msk $0xffff, v14;
	v14 =	vmul.f32 v10, v4  }
0x2fc: {  	v9 =	vor.u32 $0x7, v9;
	[tilespmem:v11+s18+$0x0] =	vst.idx.msk $0xffff, v15;
	v11 =	vmul.f32 v10, v6  }
0x2fd: {  	[tilespmem:v12+s18+$0x0] =	vst.idx.msk $0xffff, v17  }
0x2fe: {  	[tilespmem:v13+s18+$0x0] =	vst.idx.msk $0xffff, v18  }
0x2ff: {  	v10 =	vmul.f32 v10, v8;
	[tilespmem:v16+s18+$0x0] =	vst.idx.msk $0xffff, v14  }
0x300: {  	[tilespmem:v19+s18+$0x0] =	vst.idx.msk $0xffff, v20  }
0x301: {  	s3 =	sadd.s32 $0x600, s3;
	[tilespmem:v21+s18+$0x0] =	vst.idx.msk $0xffff, v11  }
0x302: {  	[tilespmem:v9+s18+$0x0] =	vst.idx.msk $0xffff, v10;
	v9 =	vmov s3  }
0x303: {  	v9 =	vshll.u32 v9, $0x3;
	v10 =	vld [tilespmem:s5+$0x13200]  }
0x304: {  	v9 =	vor.u32 v0, v9  }
0x305: {  	v11 =	vor.u32 $0x1, v9  }
0x306: {  	v12 =	vor.u32 $0x2, v9  }
0x307: {  	v13 =	vor.u32 $0x3, v9  }
0x308: {  	v3 =	vmul.f32 v10, v3;
	v14 =	vmul.f32 v10, v2;
	v2 =	vor.u32 $0x4, v9  }
.Ltmp4:
0x309: {  	v15 =	vmul.f32 v10, v1;
	v16 =	vmul.f32 v10, v5;
	v1 =	vor.u32 $0x5, v9;
	(pc) =	sbr.rel @p0 .LBB2_11-.Ltmp4, $4  }
0x30a: {  	v5 =	vmul.f32 v10, v4;
	v4 =	vmul.f32 v10, v7;
	[tilespmem:v9+s18+$0x0] =	vst.idx.msk $0xffff, v3;
	v3 =	vor.u32 $0x6, v9  }
0x30b: {  	v7 =	vmul.f32 v10, v6;
	v6 =	vmul.f32 v10, v8;
	v8 =	vor.u32 $0x7, v9;
	[tilespmem:v11+s18+$0x0] =	vst.idx.msk $0xffff, v14  }
0x30c: {  	[tilespmem:v12+s18+$0x0] =	vst.idx.msk $0xffff, v15  }
0x30d: {  	[tilespmem:v13+s18+$0x0] =	vst.idx.msk $0xffff, v16  }
0x30e: {  	_ =	sdelay $0x3  }
0x30f: {  	[tilespmem:v2+s18+$0x0] =	vst.idx.msk $0xffff, v5  }
0x310: {  	[tilespmem:v1+s18+$0x0] =	vst.idx.msk $0xffff, v4  }
0x311: {  	[tilespmem:v3+s18+$0x0] =	vst.idx.msk $0xffff, v7  }
0x312: {  	[tilespmem:v8+s18+$0x0] =	vst.idx.msk $0xffff, v6  }
0x313: {  	_ =	swait.ge [sflag:s21], $0x400  }
0x314: {  	[sflag:s21] =	ssyncset.done $0x0  }
0x315: {  	[sflag:s21] =	ssyncadd.s32 $0xFFFFFC00  }
0x316: {  	_ =	swait.ge [sflag:s21], $0x400  }
0x317: {  	[sflag:s21] =	ssyncset.done $0x0  }
0x318: {  	[sflag:s21] =	ssyncadd.s32 $0xFFFFFC00  }
0x319: {  	_ =	swait.ge [sflag:s21], $0x400  }
0x31a: {  	[sflag:s21] =	ssyncset.done $0x0  }
0x31b: {  	[sflag:s21] =	ssyncadd.s32 $0xFFFFFC00  }
0x31c: {  	_ =	swait.ge [sflag:s21], $0x400  }
0x31d: {  	[sflag:s21] =	ssyncset.done $0x0  }
0x31e: {  	[sflag:s21] =	ssyncadd.s32 $0xFFFFFC00  }
0x31f: {  	_ =	swait.ge [sflag:s21], $0x400  }
0x320: {  	[sflag:s21] =	ssyncset.done $0x0  }
0x321: {  	[sflag:s21] =	ssyncadd.s32 $0xFFFFFC00  }
0x322: {  	_ =	swait.ge [sflag:s21], $0x400  }
0x323: {  	[sflag:s21] =	ssyncset.done $0x0  }
0x324: {  	[sflag:s21] =	ssyncadd.s32 $0xFFFFFC00  }
0x325: {  	_ =	swait.ge [sflag:s21], $0x400  }
0x326: {  	[sflag:s21] =	ssyncset.done $0x0  }
0x327: {  	[sflag:s21] =	ssyncadd.s32 $0xFFFFFC00  }
0x328: {  	_ =	swait.ge [sflag:s21], $0x400  }
0x329: {  	[sflag:s21] =	ssyncset.done $0x0  }
0x32a: {  	[sflag:s21] =	ssyncadd.s32 $0xFFFFFC00  }
0x32b: {  	_ =	swait.ge [sflag:s21], $0x400  }
0x32c: {  	[sflag:s21] =	ssyncset.done $0x0  }
0x32d: {  	[sflag:s21] =	ssyncadd.s32 $0xFFFFFC00  }
0x32e: {  	_ =	swait.ge [sflag:s21], $0x400  }
0x32f: {  	[sflag:s21] =	ssyncset.done $0x0  }
0x330: {  	[sflag:s21] =	ssyncadd.s32 $0xFFFFFC00  }
0x331: {  	_ =	swait.ge [sflag:s21], $0x400  }
0x332: {  	[sflag:s21] =	ssyncset.done $0x0  }
0x333: {  	[sflag:s21] =	ssyncadd.s32 $0xFFFFFC00  }
0x334: {  	_ =	swait.ge [sflag:s21], $0x400  }
0x335: {  	[sflag:s21] =	ssyncset.done $0x0  }
0x336: {  	[sflag:s21] =	ssyncadd.s32 $0xFFFFFC00  }
0x337: {  	_ =	swait.ge [sflag:s21], $0x400  }
0x338: {  	[sflag:s21] =	ssyncset.done $0x0  }
0x339: {  	[sflag:s21] =	ssyncadd.s32 $0xFFFFFC00  }
0x33a: {  	_ =	swait.ge [sflag:s21], $0x400  }
0x33b: {  	[sflag:s21] =	ssyncset.done $0x0  }
0x33c: {  	[sflag:s21] =	ssyncadd.s32 $0xFFFFFC00  }
0x33d: {  	_ =	swait.ge [sflag:s21], $0x400  }
0x33e: {  	[sflag:s21] =	ssyncset.done $0x0  }
0x33f: {  	[sflag:s21] =	ssyncadd.s32 $0xFFFFFC00  }
0x340: {  	_ =	swait.ge [sflag:s21], $0x400  }
0x341: {  	[sflag:s21] =	ssyncset.done $0x0  }
0x342: {  	[sflag:s21] =	ssyncadd.s32 $0xFFFFFC00  }
0x343: {  	[spmem:s2] =	stream.indirect.scatter.add.f32 [tilespmem:s18], [sflag:$0x4], $0x8, s29, s30, $0xb8;
	[tilespmem:$0x1C400] =	vst v63  }
0x344: {  	s0 =	simm.s32 $0x13C80;
	s3 =	simm.s32 $0x18800  }
0x345: {  	[spmem:s2] =	stream.indirect.scatter.add.f32 [tilespmem:s3], [sflag:$0x4], $0x8, s0, s30, $0xb8;
	[tilespmem:$0x1C400] =	vst v63  }
0x346: {  	s15 =	simm.s32 $0x13D00;
	s16 =	simm.s32 $0x18C00  }
0x347: {  	[spmem:s2] =	stream.indirect.scatter.add.f32 [tilespmem:s16], [sflag:$0x4], $0x8, s15, s30, $0xb8;
	[tilespmem:$0x1C400] =	vst v63  }
0x348: {  	s28 =	simm.s32 $0x13D80;
	s31 =	simm.s32 $0x19000  }
0x349: {  	[spmem:s2] =	stream.indirect.scatter.add.f32 [tilespmem:s31], [sflag:$0x4], $0x8, s28, s30, $0xb8;
	[tilespmem:$0x1C400] =	vst v63  }
0x34a: {  	s5 =	simm.s32 $0x19400;
	s3 =	simm.s32 $0x13E00  }
0x34b: {  	[spmem:s2] =	stream.indirect.scatter.add.f32 [tilespmem:s5], [sflag:$0x4], $0x8, s3, s30, $0xb8;
	[tilespmem:$0x1C400] =	vst v63  }
0x34c: {  	s7 =	simm.s32 $0x13E80;
	s11 =	simm.s32 $0x19800  }
0x34d: {  	[spmem:s2] =	stream.indirect.scatter.add.f32 [tilespmem:s11], [sflag:$0x4], $0x8, s7, s30, $0xb8;
	[tilespmem:$0x1C400] =	vst v63  }
0x34e: {  	s15 =	simm.s32 $0x13F00;
	s16 =	simm.s32 $0x19C00  }
0x34f: {  	[spmem:s2] =	stream.indirect.scatter.add.f32 [tilespmem:s16], [sflag:$0x4], $0x8, s15, s30, $0xb8;
	[tilespmem:$0x1C400] =	vst v63  }
0x350: {  	s28 =	simm.s32 $0x13F80;
	s31 =	simm.s32 $0x1A000  }
0x351: {  	[spmem:s2] =	stream.indirect.scatter.add.f32 [tilespmem:s31], [sflag:$0x4], $0x8, s28, s30, $0xb8;
	[tilespmem:$0x1C400] =	vst v63  }
0x352: {  	s3 =	simm.s32 $0x14000;
	s5 =	simm.s32 $0x1A400  }
0x353: {  	[spmem:s2] =	stream.indirect.scatter.add.f32 [tilespmem:s5], [sflag:$0x4], $0x8, s3, s30, $0xb8;
	[tilespmem:$0x1C400] =	vst v63  }
0x354: {  	s7 =	simm.s32 $0x14080;
	s11 =	simm.s32 $0x1A800  }
0x355: {  	[spmem:s2] =	stream.indirect.scatter.add.f32 [tilespmem:s11], [sflag:$0x4], $0x8, s7, s30, $0xb8;
	[tilespmem:$0x1C400] =	vst v63  }
0x356: {  	s15 =	simm.s32 $0x14100;
	s16 =	simm.s32 $0x1AC00  }
0x357: {  	[spmem:s2] =	stream.indirect.scatter.add.f32 [tilespmem:s16], [sflag:$0x4], $0x8, s15, s30, $0xb8;
	[tilespmem:$0x1C400] =	vst v63  }
0x358: {  	s28 =	simm.s32 $0x14180;
	s31 =	simm.s32 $0x1B000  }
0x359: {  	[spmem:s2] =	stream.indirect.scatter.add.f32 [tilespmem:s31], [sflag:$0x4], $0x8, s28, s30, $0xb8;
	[tilespmem:$0x1C400] =	vst v63  }
0x35a: {  	s5 =	simm.s32 $0x14200;
	s7 =	simm.s32 $0x1B400  }
0x35b: {  	[spmem:s2] =	stream.indirect.scatter.add.f32 [tilespmem:s7], [sflag:$0x4], $0x8, s5, s30, $0xb8;
	[tilespmem:$0x1C400] =	vst v63  }
0x35c: {  	s11 =	simm.s32 $0x14280;
	s15 =	simm.s32 $0x1B800  }
0x35d: {  	[spmem:s2] =	stream.indirect.scatter.add.f32 [tilespmem:s15], [sflag:$0x4], $0x8, s11, s30, $0xb8;
	[tilespmem:$0x1C400] =	vst v63  }
0x35e: {  	s16 =	simm.s32 $0x14300  }
0x35f: {  	[spmem:s2] =	stream.indirect.scatter.add.f32 [tilespmem:s9], [sflag:$0x4], $0x8, s16, s30, $0xb8;
	[tilespmem:$0x1C400] =	vst v63  }
0x360: {  	_ = 	snop  }
0x361: {  	[spmem:s2] =	stream.indirect.scatter.add.f32 [tilespmem:s10], [sflag:$0x4], $0x8, s17, s30, $0xb8;
	[tilespmem:$0x1C400] =	vst v63  }
0x362: {  	_ =	swait.ge [sflag:s22], $0x400  }
0x363: {  	[sflag:s22] =	ssyncset.done $0x0  }
0x364: {  	[sflag:s22] =	ssyncadd.s32 $0xFFFFFC00  }
0x365: {  	_ =	swait.ge [sflag:s22], $0x400  }
0x366: {  	[sflag:s22] =	ssyncset.done $0x0  }
0x367: {  	[sflag:s22] =	ssyncadd.s32 $0xFFFFFC00  }
0x368: {  	_ =	swait.ge [sflag:s22], $0x400  }
0x369: {  	[sflag:s22] =	ssyncset.done $0x0  }
0x36a: {  	[sflag:s22] =	ssyncadd.s32 $0xFFFFFC00  }
0x36b: {  	_ =	swait.ge [sflag:s22], $0x400  }
0x36c: {  	[sflag:s22] =	ssyncset.done $0x0  }
0x36d: {  	[sflag:s22] =	ssyncadd.s32 $0xFFFFFC00  }
0x36e: {  	_ =	swait.ge [sflag:s22], $0x400  }
0x36f: {  	[sflag:s22] =	ssyncset.done $0x0  }
0x370: {  	[sflag:s22] =	ssyncadd.s32 $0xFFFFFC00  }
0x371: {  	_ =	swait.ge [sflag:s22], $0x400  }
0x372: {  	[sflag:s22] =	ssyncset.done $0x0  }
0x373: {  	[sflag:s22] =	ssyncadd.s32 $0xFFFFFC00  }
0x374: {  	_ =	swait.ge [sflag:s22], $0x400  }
0x375: {  	[sflag:s22] =	ssyncset.done $0x0  }
0x376: {  	[sflag:s22] =	ssyncadd.s32 $0xFFFFFC00  }
0x377: {  	_ =	swait.ge [sflag:s22], $0x400  }
0x378: {  	[sflag:s22] =	ssyncset.done $0x0  }
0x379: {  	[sflag:s22] =	ssyncadd.s32 $0xFFFFFC00  }
0x37a: {  	_ =	swait.ge [sflag:s22], $0x400  }
0x37b: {  	[sflag:s22] =	ssyncset.done $0x0  }
0x37c: {  	[sflag:s22] =	ssyncadd.s32 $0xFFFFFC00  }
0x37d: {  	_ =	swait.ge [sflag:s22], $0x400  }
0x37e: {  	[sflag:s22] =	ssyncset.done $0x0  }
0x37f: {  	[sflag:s22] =	ssyncadd.s32 $0xFFFFFC00  }
0x380: {  	_ =	swait.ge [sflag:s22], $0x400  }
0x381: {  	[sflag:s22] =	ssyncset.done $0x0  }
0x382: {  	[sflag:s22] =	ssyncadd.s32 $0xFFFFFC00  }
0x383: {  	_ =	swait.ge [sflag:s22], $0x400  }
0x384: {  	[sflag:s22] =	ssyncset.done $0x0  }
0x385: {  	[sflag:s22] =	ssyncadd.s32 $0xFFFFFC00  }
0x386: {  	_ =	swait.ge [sflag:s22], $0x400  }
0x387: {  	[sflag:s22] =	ssyncset.done $0x0  }
0x388: {  	[sflag:s22] =	ssyncadd.s32 $0xFFFFFC00  }
0x389: {  	_ =	swait.ge [sflag:s22], $0x400  }
0x38a: {  	[sflag:s22] =	ssyncset.done $0x0  }
0x38b: {  	[sflag:s22] =	ssyncadd.s32 $0xFFFFFC00  }
0x38c: {  	_ =	swait.ge [sflag:s22], $0x400  }
0x38d: {  	[sflag:s22] =	ssyncset.done $0x0  }
0x38e: {  	[sflag:s22] =	ssyncadd.s32 $0xFFFFFC00  }
0x38f: {  	_ =	swait.ge [sflag:s22], $0x400  }
0x390: {  	[sflag:s22] =	ssyncset.done $0x0  }
0x391: {  	[sflag:s22] =	ssyncadd.s32 $0xFFFFFC00  }
0x392: {  	s28 =	rddreg [dreg:$0xb];
	[bflag:$0x0] =	sbarrier.arrive $0xFFFF  }
0x393: {  	s8 =	sadd.s32 $0x1, s8;
	s0 =	sor.u32 s28, s26;
	s31 =	rddreg [dreg:$0x6]  }
0x394: {  	p0 =	sne.s32 s8, $0x4;
	s0 =	sshrl.u32 s0, $0x3;
	s7 =	rddreg [dreg:$0x7]  }
0x395: {  	s5 =	simm.s32 $0x5;
	s3 =	rddreg [dreg:$0xd];
	s0 =	sadd.s32 s31, s0  }
0x396: {  	[hbm:s0], [sflag:s7] =	dma.local [spmem:s3], $0x2000  }
.Ltmp5:
0x397: {  	_ =	swait.ge [sflag:s5], $0x2000;
	(pc) =	sbr.rel @p0 .LBB2_2-.Ltmp5, $3  }
0x398: {  	[sflag:s5] =	ssyncset.done $0x0  }
0x399: {  	[sflag:s5] =	ssyncadd.s32 $0xFFFFE000  }
0x39a: {  	[bflag:$0x0] =	sbarrier.arrive $0xFFFF;
	_ =	sdelay $0x1  }
0x39b: {  	s11 =	rddreg [dreg:$0x4]  }
0x39c: {  	s0 =	rddreg [dreg:$0xc];
	s11 =	sadd.s32 $0x1, s11  }
0x39d: {  	p0 =	sne.s32 s11, s0  }
.Ltmp6:
0x39e: {  	_ = 	snop;
	(pc) =	sbr.rel @p0 .LBB2_1-.Ltmp6, $1  }
0x39f: {  	_ =	sdelay $0x3  }
0x3a0: {  	_ =	sfence.sel $0x180000  }
0x3a1: {  	[bflag:$0x0] =	sbarrier.arrive $0xFFFF  }
0x3a2: {  	_ =	strace $0x90000047  }
0x3a3: {  	s0 =	stileid.u32;
	[bflag:$0x2] =	sbarrier.arrive $0xFFFF  }
0x3a4: {  	p0 =	sne.s32 s0, $0x0;
	s0 =	rddreg [dreg:$0x3]  }
0x3a5: {  	s0 =	sadd.s32 @!p0 $0x100000, s0  }
0x3a6: {  	[sflag:s0] =	ssyncadd.tile.s32 @!p0 $0x1;
	_ =	shalt  }
.Lfunc_end2:
_tile_overlayer_lowered:
.L_overlay_start_2:
0x3a7: {  	(tag) =	ssettag $0x2  }
0x3a8: {  	s0 =	rddreg [dreg:$0x0];
	s2 =	stileid.u32  }
0x3a9: {  	s1 =	rddreg [dreg:$0x1];
	p0 =	sne.s32 s2, $0x0  }
0x3aa: {  	s3 =	rddreg [dreg:$0x2];
	[bflag:$0x3] =	sbarrier.arrive $0xFFFF;
	s2 =	simm.s32 @!p0 $0x1C05  }
0x3ab: {  	[timem:s3], [sflag:s2] =	dma.local @!p0 [hbm:s0], s1  }
0x3ac: {  	s0 =	simm.s32 @!p0 $0x5  }
0x3ad: {  	_ =	swait.ge @!p0 [sflag:s0], s1  }
0x3ae: {  	s1 =	ssub.s32 @!p0 $0x0, s1;
	[sflag:s0] =	ssyncset.done @!p0 $0x0  }
0x3af: {  	[sflag:s0] =	ssyncadd.s32 @!p0 s1  }
0x3b0: {  	[bflag:$0x3] =	sbarrier.arrive $0xFFFF  }
0x3b1: {  	_ =	shalt  }

</sc_bundles>
